<compile_context>
chip_gen: v7x
topology: tpu7x:2x2x1
jax: 0.10.2.dev20260603
libtpu: 0.0.44.dev20260713+nightly
codegen_flags: <defaults>
</compile_context>

<pallas_src>
import functools

import jax
import jax.numpy as jnp
from jax import lax
from jax.experimental import pallas as pl
from jax.experimental.pallas import tpu as pltpu
from jax.experimental.pallas import tpu_sc as plsc

N = 10000
E = 320000
D_IN = 128
H = 32
OUT = 32
G = 64

NC, NS = 2, 16
NW = NC * NS
NPAD = 10240
EPAD = 327680
EPW = EPAD // NW
SLAB = 128
SLABS_PW = EPW // SLAB
CS = 8
NCHUNK = SLABS_PW // CS
CP = 5
NB = SLABS_PW // CP // 2
RPT = NPAD // NS
BM = 1024
GRID = NPAD // BM

_sc_mesh = plsc.VectorSubcoreMesh(
    core_axis_name="c", subcore_axis_name="s", num_cores=NC, num_subcores=NS)
_sc_params = pltpu.CompilerParams(use_tc_tiling_on_sc=False)


@functools.partial(
    pl.kernel,
    out_type=jax.ShapeDtypeStruct((NC, NPAD), jnp.float32),
    mesh=_sc_mesh,
    compiler_params=_sc_params,
    scratch_types=[
        pltpu.VMEM_SHARED((NPAD,), jnp.float32),
        pltpu.VMEM((CS, SLAB), jnp.int32),
        pltpu.VMEM((SLAB,), jnp.float32),
        pltpu.VMEM((RPT,), jnp.float32),
    ],
)
def _deg_sc(ei_hbm, out_hbm, acc, idx_v, ones_v, buf_v):
    c = lax.axis_index("c")
    s = lax.axis_index("s")
    wid = s * NC + c

    def _zero(i, _):
        buf_v[pl.ds(i * 16, 16)] = jnp.zeros((16,), jnp.float32)
        return 0
    lax.fori_loop(0, RPT // 16, _zero, 0)
    pltpu.sync_copy(buf_v, acc.at[pl.ds(s * RPT, RPT)])

    def _ones(i, _):
        ones_v[pl.ds(i * 16, 16)] = jnp.ones((16,), jnp.float32)
        return 0
    lax.fori_loop(0, SLAB // 16, _ones, 0)
    plsc.subcore_barrier()

    def _chunk(g, _):
        slab0 = wid * SLABS_PW + g * CS
        pltpu.sync_copy(ei_hbm.at[1, pl.ds(slab0, CS)], idx_v)
        for j in range(CS):
            pltpu.sync_copy(ones_v, acc.at[idx_v.at[j]], add=True)
        return 0
    lax.fori_loop(0, NCHUNK, _chunk, 0)

    plsc.subcore_barrier()
    pltpu.sync_copy(acc.at[pl.ds(s * RPT, RPT)], buf_v)
    pltpu.sync_copy(buf_v, out_hbm.at[c, pl.ds(s * RPT, RPT)])


@functools.partial(
    pl.kernel,
    out_type=jax.ShapeDtypeStruct((NC, NPAD, H), jnp.float32),
    mesh=_sc_mesh,
    compiler_params=_sc_params,
    scratch_types=[
        pltpu.VMEM_SHARED((NPAD, H), jnp.float32),
        pltpu.VMEM_SHARED((NPAD, H), jnp.float32),
        pltpu.VMEM((CP, SLAB), jnp.int32),
        pltpu.VMEM((CP, SLAB), jnp.int32),
        pltpu.VMEM((CP, SLAB), jnp.int32),
        pltpu.VMEM((CP, SLAB), jnp.int32),
        pltpu.VMEM((CP * SLAB, H), jnp.float32),
        pltpu.VMEM((CP * SLAB, H), jnp.float32),
        pltpu.SemaphoreType.DMA,
        pltpu.SemaphoreType.DMA,
    ],
)
def _prop_sc(y_hbm, ei_hbm, out_hbm, acc, y_s, iA_s, iA_d, iB_s,
             iB_d, rowsA, rowsB, sem_g, sem_s):
    c = lax.axis_index("c")
    s = lax.axis_index("s")
    wid = s * NC + c
    rbase = s * RPT

    pltpu.sync_copy(y_hbm.at[pl.ds(rbase, RPT)], rowsA)
    pltpu.sync_copy(rowsA, y_s.at[pl.ds(rbase, RPT)])

    @pl.when(c == 0)
    def _():
        pltpu.sync_copy(rowsA, acc.at[pl.ds(rbase, RPT)])

    @pl.when(c != 0)
    def _():
        def _zero(i, _):
            rowsA[i, pl.ds(0, 16)] = jnp.zeros((16,), jnp.float32)
            rowsA[i, pl.ds(16, 16)] = jnp.zeros((16,), jnp.float32)
            return 0
        lax.fori_loop(0, RPT, _zero, 0)
        pltpu.sync_copy(rowsA, acc.at[pl.ds(rbase, RPT)])

    plsc.subcore_barrier()

    CB = CP * SLAB * H * 4

    def _drainA():
        pltpu.make_async_copy(y_hbm.at[pl.ds(0, CP * SLAB)], rowsA, sem_s).wait()

    def _drainB():
        pltpu.make_async_copy(y_hbm.at[pl.ds(0, CP * SLAB)], rowsB, sem_s).wait()

    def _body(i, _):
        a0 = wid * SLABS_PW + 2 * i * CP
        b0 = a0 + CP

        @pl.when(i > 0)
        def _():
            _drainA()
        pltpu.sync_copy(ei_hbm.at[0, pl.ds(a0, CP)], iA_s)
        pltpu.sync_copy(ei_hbm.at[1, pl.ds(a0, CP)], iA_d)
        gA = [pltpu.async_copy(
                  y_s.at[iA_s.at[j]], rowsA.at[pl.ds(j * SLAB, SLAB)], sem_g)
              for j in range(CP)]
        for j in range(CP):
            gA[j].wait()
            pltpu.async_copy(
                rowsA.at[pl.ds(j * SLAB, SLAB)], acc.at[iA_d.at[j]], sem_s,
                add=True)

        @pl.when(i > 0)
        def _():
            _drainB()
        pltpu.sync_copy(ei_hbm.at[0, pl.ds(b0, CP)], iB_s)
        pltpu.sync_copy(ei_hbm.at[1, pl.ds(b0, CP)], iB_d)
        gB = [pltpu.async_copy(
                  y_s.at[iB_s.at[j]], rowsB.at[pl.ds(j * SLAB, SLAB)], sem_g)
              for j in range(CP)]
        for j in range(CP):
            gB[j].wait()
            pltpu.async_copy(
                rowsB.at[pl.ds(j * SLAB, SLAB)], acc.at[iB_d.at[j]], sem_s,
                add=True)
        return 0
    lax.fori_loop(0, NB, _body, 0)
    _drainA()
    _drainB()

    plsc.subcore_barrier()
    pltpu.sync_copy(acc.at[pl.ds(rbase, RPT)], rowsA)
    pltpu.sync_copy(rowsA, out_hbm.at[c, pl.ds(rbase, RPT)])


def _k1_body(x_ref, w_ref, degp_ref, y_ref, dinv_ref):
    i = pl.program_id(0)
    deg = degp_ref[0:1, :] + degp_ref[1:2, :] + 1.0
    cols = i * BM + lax.broadcasted_iota(jnp.int32, (1, BM), 1)
    dinv_l = jnp.where(cols < N, lax.rsqrt(jnp.maximum(deg, 1.0)), 0.0)
    dinv = dinv_l.reshape(BM, 1)
    xw = jnp.dot(x_ref[...], w_ref[...], preferred_element_type=jnp.float32)
    y_ref[...] = xw * dinv
    dinv_ref[...] = dinv


def _k1_call(xp, W1, degp):
    return pl.pallas_call(
        _k1_body,
        grid=(GRID,),
        in_specs=[
            pl.BlockSpec((BM, D_IN), lambda i: (i, 0)),
            pl.BlockSpec((D_IN, H), lambda i: (0, 0)),
            pl.BlockSpec((NC, BM), lambda i: (0, i)),
        ],
        out_specs=[
            pl.BlockSpec((BM, H), lambda i: (i, 0)),
            pl.BlockSpec((BM, 1), lambda i: (i, 0)),
        ],
        out_shape=[
            jax.ShapeDtypeStruct((NPAD, H), jnp.float32),
            jax.ShapeDtypeStruct((NPAD, 1), jnp.float32),
        ],
    )(xp, W1, degp)


def _bnrc_body(p_ref, dinv_ref, gb_ref, w_ref, y_ref, st_v):
    i = pl.program_id(0)
    dinv = dinv_ref[...]
    t = (p_ref[0] + p_ref[1]) * dinv

    @pl.when(i == 0)
    def _():
        st_v[...] = jnp.zeros_like(st_v)

    @pl.when(i < GRID)
    def _():
        st_v[...] += jnp.concatenate(
            [jnp.sum(t, axis=0, keepdims=True),
             jnp.sum(t * t, axis=0, keepdims=True)], axis=0)

    @pl.when(i >= GRID)
    def _():
        m = st_v[0:1, :] * (1.0 / N)
        v = st_v[1:2, :] * (1.0 / N) - m * m
        a = gb_ref[0:1, :] * lax.rsqrt(v + 1e-5)
        c2 = gb_ref[1:2, :] - m * a
        z = jnp.maximum(t * a + c2, 0.0)
        y_ref[...] = jnp.dot(
            z, w_ref[...], preferred_element_type=jnp.float32) * dinv


def _bnrc_call(p, dinv, gb, W):
    return pl.pallas_call(
        _bnrc_body,
        grid=(2 * GRID,),
        in_specs=[
            pl.BlockSpec((NC, BM, H), lambda i: (0, i % GRID, 0)),
            pl.BlockSpec((BM, 1), lambda i: (i % GRID, 0)),
            pl.BlockSpec((2, H), lambda i: (0, 0)),
            pl.BlockSpec((H, H), lambda i: (0, 0)),
        ],
        out_specs=pl.BlockSpec((BM, H), lambda i: (i % GRID, 0)),
        out_shape=jax.ShapeDtypeStruct((NPAD, H), jnp.float32),
        scratch_shapes=[pltpu.VMEM((2, H), jnp.float32)],
    )(p, dinv, gb, W)


def _pool_body(p_ref, dinv_ref, b3_ref, batch_ref, out_ref, sums_v, cnt_v):
    i = pl.program_id(0)

    @pl.when(i == 0)
    def _():
        sums_v[...] = jnp.zeros_like(sums_v)
        cnt_v[...] = jnp.zeros_like(cnt_v)

    t = (p_ref[0] + p_ref[1]) * dinv_ref[...]
    h = t + b3_ref[...]
    b = batch_ref[0]
    oh = (lax.broadcasted_iota(jnp.int32, (G, BM), 0) == b
          ).astype(jnp.float32)
    sums_v[...] += jnp.dot(oh, h, preferred_element_type=jnp.float32)
    cnt_v[...] += jnp.sum(oh, axis=1, keepdims=True)
    out_ref[...] = sums_v[...] / jnp.maximum(cnt_v[...], 1.0)


def _pool_call(p, dinv, b3, batchp):
    return pl.pallas_call(
        _pool_body,
        grid=(GRID,),
        in_specs=[
            pl.BlockSpec((NC, BM, H), lambda i: (0, i, 0)),
            pl.BlockSpec((BM, 1), lambda i: (i, 0)),
            pl.BlockSpec((1, H), lambda i: (0, 0)),
            pl.BlockSpec((1, 1, BM), lambda i: (i, 0, 0)),
        ],
        out_specs=pl.BlockSpec((G, OUT), lambda i: (0, 0)),
        out_shape=jax.ShapeDtypeStruct((G, OUT), jnp.float32),
        scratch_shapes=[
            pltpu.VMEM((G, OUT), jnp.float32),
            pltpu.VMEM((G, 1), jnp.float32),
        ],
    )(p, dinv, b3, batchp)


def kernel(x, edge_index, batch, W1, b1, W2, b2, W3, b3,
           gamma1, beta1, gamma2, beta2):
    x = x.astype(jnp.float32)
    eip = jnp.concatenate(
        [edge_index.astype(jnp.int32),
         jnp.stack([jnp.full((EPAD - E,), N, jnp.int32),
                    jnp.full((EPAD - E,), NPAD - 1, jnp.int32)])],
        axis=1).reshape(2, EPAD // SLAB, SLAB)
    xp = jnp.pad(x, ((0, NPAD - N), (0, 0)))
    batchp = jnp.concatenate(
        [batch.astype(jnp.int32), jnp.full((NPAD - N,), G, jnp.int32)]
    ).reshape(GRID, 1, BM)

    degp = _deg_sc(eip)
    y1, dinv = _k1_call(xp, W1, degp)

    p1 = _prop_sc(y1, eip)
    y2 = _bnrc_call(p1, dinv, jnp.stack([gamma1, beta1]), W2)

    p2 = _prop_sc(y2, eip)
    y3 = _bnrc_call(p2, dinv, jnp.stack([gamma2, beta2]), W3)

    p3 = _prop_sc(y3, eip)
    return _pool_call(p3, dinv, b3.reshape(1, OUT), batchp)

# --- scband reference (transcript-rebuilt; emitter-appended) ---
"""Pipeline reference for scband-expert-d-30769145709060 (READ-ONLY COPY).

The authoritative reference and input builder live on the scoring server;
editing this copy changes nothing except your own understanding.
"""

import jax, jax.numpy as jnp
import numpy as np

N = 10000
E = 320000
D_IN = 128
H = 32
OUT = 32
G = 64


def setup_inputs(seed: int = 0) -> dict:
    key = jax.random.key(seed)
    ks = jax.random.split(key, 12)
    x = jax.random.normal(ks[0], (N, D_IN), dtype=jnp.float32)
    edge_index = jax.random.randint(ks[1], (2, E), 0, N)
    batch = jnp.sort(jax.random.randint(ks[2], (N,), 0, G))
    W1 = jax.random.normal(ks[3], (D_IN, H), dtype=jnp.float32) / np.sqrt(D_IN)
    b1 = jnp.zeros((H,), dtype=jnp.float32)
    W2 = jax.random.normal(ks[4], (H, H), dtype=jnp.float32) / np.sqrt(H)
    b2 = jnp.zeros((H,), dtype=jnp.float32)
    W3 = jax.random.normal(ks[5], (H, OUT), dtype=jnp.float32) / np.sqrt(H)
    b3 = jnp.zeros((OUT,), dtype=jnp.float32)
    gamma1 = jnp.ones((H,), dtype=jnp.float32)
    beta1 = jnp.zeros((H,), dtype=jnp.float32)
    gamma2 = jnp.ones((H,), dtype=jnp.float32)
    beta2 = jnp.zeros((H,), dtype=jnp.float32)
    return {"x": x, "edge_index": edge_index, "batch": batch,
            "W1": W1, "b1": b1, "W2": W2, "b2": b2, "W3": W3, "b3": b3,
            "gamma1": gamma1, "beta1": beta1, "gamma2": gamma2, "beta2": beta2}


def _gcn_conv(x, edge_index, W, b):
    src = edge_index[0]
    dst = edge_index[1]
    loop = jnp.arange(N, dtype=src.dtype)
    src = jnp.concatenate([src, loop])
    dst = jnp.concatenate([dst, loop])
    deg = jnp.zeros((N,), dtype=x.dtype).at[dst].add(1.0)
    dinv = 1.0 / jnp.sqrt(jnp.maximum(deg, 1.0))
    norm = dinv[src] * dinv[dst]
    xw = x @ W
    msg = jnp.take(xw, src, axis=0) * norm[:, None]
    out = jnp.zeros((N, W.shape[1]), dtype=x.dtype).at[dst].add(msg)
    return out + b


def _bn(x, gamma, beta, eps=1e-5):
    mu = jnp.mean(x, axis=0)
    var = jnp.var(x, axis=0)
    return gamma * (x - mu) / jnp.sqrt(var + eps) + beta


def reference(x, edge_index, batch, W1, b1, W2, b2, W3, b3, gamma1, beta1, gamma2, beta2):
    h = _gcn_conv(x, edge_index, W1, b1)
    h = jax.nn.relu(_bn(h, gamma1, beta1))
    h = _gcn_conv(h, edge_index, W2, b2)
    h = jax.nn.relu(_bn(h, gamma2, beta2))
    h = _gcn_conv(h, edge_index, W3, b3)
    sums = jax.ops.segment_sum(h, batch, num_segments=G)
    counts = jnp.zeros((G,), dtype=h.dtype).at[batch].add(1.0)
    return sums / jnp.maximum(counts, 1.0)[:, None]

if __name__ == "__main__":
    import jax
    _d = setup_inputs()
    print(jax.jit(kernel)(*tuple(_d.values())))

</pallas_src>

<mosaic_0001>
#map = affine_map<(d0, d1) -> (0, 0)>
#map1 = affine_map<(d0, d1) -> (0, 0, 0)>
module attributes {stable_mosaic.version = 14 : i64} {
  func.func @_prop_sc(%arg0: i32, %arg1: i32, %arg2: memref<10240x32xf32, #tpu.memory_space<hbm>>, %arg3: memref<2x2560x128xi32, #tpu.memory_space<hbm>>, %arg4: memref<2x10240x32xf32, #tpu.memory_space<hbm>>, %arg5: memref<10240x32xf32, #tpu.memory_space<vmem_shared>>, %arg6: memref<10240x32xf32, #tpu.memory_space<vmem_shared>>, %arg7: memref<5x128xi32, #tpu.memory_space<vmem>>, %arg8: memref<5x128xi32, #tpu.memory_space<vmem>>, %arg9: memref<5x128xi32, #tpu.memory_space<vmem>>, %arg10: memref<5x128xi32, #tpu.memory_space<vmem>>, %arg11: memref<640x32xf32, #tpu.memory_space<vmem>>, %arg12: memref<640x32xf32, #tpu.memory_space<vmem>>, %arg13: memref<!tpu.dma_semaphore, #tpu.memory_space<semaphore_mem>>, %arg14: memref<!tpu.dma_semaphore, #tpu.memory_space<semaphore_mem>>) attributes {dimension_semantics = [#tpu.dimension_semantics<core_parallel>, #tpu.dimension_semantics<subcore_parallel>], iteration_bounds = array<i64: 2, 16>, scalar_prefetch = 0 : i64, scratch_operands = 10 : i64, tpu.core_type = #tpu.core_type<sc_vector_subcore>, window_params = [{transform_indices = #map}, {transform_indices = #map1}, {transform_indices = #map1}]} {
    %mul3A = arith.constant 2 : i32
    %mul3A_0 = arith.muli %arg1, %mul3A : i32
    %add3A = arith.addi %mul3A_0, %arg0 : i32
    %mul3A_1 = arith.constant 640 : i32
    %mul3A_2 = arith.muli %arg1, %mul3A_1 : i32
    "tpu.region"() ({
      %run_scoped3A = tpu.sem_alloc : memref<!tpu.dma_semaphore, #tpu.memory_space<semaphore_mem>>
      %dma_start3A = arith.constant 0 : i32
      %dma_start3A_27 = tpu.memref_slice %arg2[%mul3A_2, %dma_start3A] : memref<10240x32xf32, #tpu.memory_space<hbm>> -> memref<640x32xf32, #tpu.memory_space<hbm>>
      %dma_start3A_28 = arith.constant 0 : i32
      %dma_start3A_29 = tpu.memref_slice %arg2[%mul3A_2, %dma_start3A_28] : memref<10240x32xf32, #tpu.memory_space<hbm>> -> memref<640x32xf32, #tpu.memory_space<hbm>>
      tpu.enqueue_dma source(%dma_start3A_29 : memref<640x32xf32, #tpu.memory_space<hbm>>) target(%arg11 : memref<640x32xf32, #tpu.memory_space<vmem>>) target_semaphore(%run_scoped3A : memref<!tpu.dma_semaphore, #tpu.memory_space<semaphore_mem>>)
      %dma_wait3A_30 = arith.constant 0 : i32
      %dma_wait3A_31 = tpu.memref_slice %arg2[%mul3A_2, %dma_wait3A_30] : memref<10240x32xf32, #tpu.memory_space<hbm>> -> memref<640x32xf32, #tpu.memory_space<hbm>>
      %dma_wait3A_32 = arith.constant 0 : i32
      %dma_wait3A_33 = tpu.memref_slice %arg2[%mul3A_2, %dma_wait3A_32] : memref<10240x32xf32, #tpu.memory_space<hbm>> -> memref<640x32xf32, #tpu.memory_space<hbm>>
      tpu.wait_dma2 semaphore(%run_scoped3A : memref<!tpu.dma_semaphore, #tpu.memory_space<semaphore_mem>>) src(%dma_wait3A_33 : memref<640x32xf32, #tpu.memory_space<hbm>>) dst(%arg11 : memref<640x32xf32, #tpu.memory_space<vmem>>)
      tpu.yield
    }) : () -> ()
    "tpu.region"() ({
      %run_scoped3A = tpu.sem_alloc : memref<!tpu.dma_semaphore, #tpu.memory_space<semaphore_mem>>
      %dma_start3A = arith.constant 0 : i32
      %dma_start3A_27 = tpu.memref_slice %arg6[%mul3A_2, %dma_start3A] : memref<10240x32xf32, #tpu.memory_space<vmem_shared>> -> memref<640x32xf32, #tpu.memory_space<vmem_shared>>
      %dma_start3A_28 = arith.constant 0 : i32
      %dma_start3A_29 = tpu.memref_slice %arg6[%mul3A_2, %dma_start3A_28] : memref<10240x32xf32, #tpu.memory_space<vmem_shared>> -> memref<640x32xf32, #tpu.memory_space<vmem_shared>>
      tpu.enqueue_dma source(%arg11 : memref<640x32xf32, #tpu.memory_space<vmem>>) target(%dma_start3A_29 : memref<640x32xf32, #tpu.memory_space<vmem_shared>>) target_semaphore(%run_scoped3A : memref<!tpu.dma_semaphore, #tpu.memory_space<semaphore_mem>>)
      %dma_wait3A_30 = arith.constant 0 : i32
      %dma_wait3A_31 = tpu.memref_slice %arg6[%mul3A_2, %dma_wait3A_30] : memref<10240x32xf32, #tpu.memory_space<vmem_shared>> -> memref<640x32xf32, #tpu.memory_space<vmem_shared>>
      %dma_wait3A_32 = arith.constant 0 : i32
      %dma_wait3A_33 = tpu.memref_slice %arg6[%mul3A_2, %dma_wait3A_32] : memref<10240x32xf32, #tpu.memory_space<vmem_shared>> -> memref<640x32xf32, #tpu.memory_space<vmem_shared>>
      tpu.wait_dma2 semaphore(%run_scoped3A : memref<!tpu.dma_semaphore, #tpu.memory_space<semaphore_mem>>) src(%arg11 : memref<640x32xf32, #tpu.memory_space<vmem>>) dst(%dma_wait3A_33 : memref<640x32xf32, #tpu.memory_space<vmem_shared>>)
      tpu.yield
    }) : () -> ()
    %eq3A = arith.constant 0 : i32
    %eq3A_3 = arith.cmpi eq, %arg0, %eq3A : i32
    %convert_element_type3A = arith.extui %eq3A_3 : i1 to i32
    %cond3A = arith.constant 0 : i32
    %cond3A_4 = arith.cmpi ne, %convert_element_type3A, %cond3A : i32
    scf.if %cond3A_4 {
      "tpu.region"() ({
        %run_scoped3A = tpu.sem_alloc : memref<!tpu.dma_semaphore, #tpu.memory_space<semaphore_mem>>
        %dma_start3A = arith.constant 0 : i32
        %dma_start3A_27 = tpu.memref_slice %arg5[%mul3A_2, %dma_start3A] : memref<10240x32xf32, #tpu.memory_space<vmem_shared>> -> memref<640x32xf32, #tpu.memory_space<vmem_shared>>
        %dma_start3A_28 = arith.constant 0 : i32
        %dma_start3A_29 = tpu.memref_slice %arg5[%mul3A_2, %dma_start3A_28] : memref<10240x32xf32, #tpu.memory_space<vmem_shared>> -> memref<640x32xf32, #tpu.memory_space<vmem_shared>>
        tpu.enqueue_dma source(%arg11 : memref<640x32xf32, #tpu.memory_space<vmem>>) target(%dma_start3A_29 : memref<640x32xf32, #tpu.memory_space<vmem_shared>>) target_semaphore(%run_scoped3A : memref<!tpu.dma_semaphore, #tpu.memory_space<semaphore_mem>>)
        %dma_wait3A_30 = arith.constant 0 : i32
        %dma_wait3A_31 = tpu.memref_slice %arg5[%mul3A_2, %dma_wait3A_30] : memref<10240x32xf32, #tpu.memory_space<vmem_shared>> -> memref<640x32xf32, #tpu.memory_space<vmem_shared>>
        %dma_wait3A_32 = arith.constant 0 : i32
        %dma_wait3A_33 = tpu.memref_slice %arg5[%mul3A_2, %dma_wait3A_32] : memref<10240x32xf32, #tpu.memory_space<vmem_shared>> -> memref<640x32xf32, #tpu.memory_space<vmem_shared>>
        tpu.wait_dma2 semaphore(%run_scoped3A : memref<!tpu.dma_semaphore, #tpu.memory_space<semaphore_mem>>) src(%arg11 : memref<640x32xf32, #tpu.memory_space<vmem>>) dst(%dma_wait3A_33 : memref<640x32xf32, #tpu.memory_space<vmem_shared>>)
        tpu.yield
      }) : () -> ()
    } else {
    }
    %ne3A = arith.constant 0 : i32
    %ne3A_5 = arith.cmpi ne, %arg0, %ne3A : i32
    %convert_element_type3A_6 = arith.extui %ne3A_5 : i1 to i32
    %cond3A_7 = arith.constant 0 : i32
    %cond3A_8 = arith.cmpi ne, %convert_element_type3A_6, %cond3A_7 : i32
    scf.if %cond3A_8 {
      %scan3A_27 = arith.constant 0 : i32
      %scan3A_28 = arith.constant 0 : i32
      %scan3A_29 = arith.constant 640 : i32
      %scan3A_30 = arith.addi %scan3A_28, %scan3A_29 : i32
      %scan3A_31 = arith.constant 1 : i32
      %scan3A_32 = scf.for %scan3A_34 = %scan3A_28 to %scan3A_30 step %scan3A_31 iter_args(%scan3A_35 = %scan3A_27) -> (i32)  : i32 {
        %broadcast_in_dim3A = arith.constant 0.000000e+00 : f32
        %broadcast_in_dim3A_36 = vector.broadcast %broadcast_in_dim3A : f32 to vector<16xf32>
        %swap3A = arith.index_cast %scan3A_34 : i32 to index
        %swap3A_37 = arith.constant 0 : index
        %swap3A_38 = tpu.vector_load %arg11[%swap3A, %swap3A_37] {strides = array<i32>} : memref<640x32xf32, #tpu.memory_space<vmem>>, vector<1x16xf32>,
        %swap3A_39 = vector.shape_cast %swap3A_38 : vector<1x16xf32> to vector<16xf32>
        %swap3A_40 = vector.shape_cast %broadcast_in_dim3A_36 : vector<16xf32> to vector<1x16xf32>
        tpu.vector_store %arg11[%swap3A, %swap3A_37], %swap3A_40 {strides = array<i32>} : memref<640x32xf32, #tpu.memory_space<vmem>>, vector<1x16xf32>,
        %broadcast_in_dim3A_41 = arith.constant 0.000000e+00 : f32
        %broadcast_in_dim3A_42 = vector.broadcast %broadcast_in_dim3A_41 : f32 to vector<16xf32>
        %swap3A_43 = arith.index_cast %scan3A_34 : i32 to index
        %swap3A_44 = arith.constant 16 : index
        %swap3A_45 = tpu.vector_load %arg11[%swap3A_43, %swap3A_44] {strides = array<i32>} : memref<640x32xf32, #tpu.memory_space<vmem>>, vector<1x16xf32>,
        %swap3A_46 = vector.shape_cast %swap3A_45 : vector<1x16xf32> to vector<16xf32>
        %swap3A_47 = vector.shape_cast %broadcast_in_dim3A_42 : vector<16xf32> to vector<1x16xf32>
        tpu.vector_store %arg11[%swap3A_43, %swap3A_44], %swap3A_47 {strides = array<i32>} : memref<640x32xf32, #tpu.memory_space<vmem>>, vector<1x16xf32>,
        %scan3A_48 = arith.constant 0 : i32
        scf.yield %scan3A_48 : i32
      }
      %scan3A_33 = arith.constant 640 : i32
      "tpu.region"() ({
        %run_scoped3A = tpu.sem_alloc : memref<!tpu.dma_semaphore, #tpu.memory_space<semaphore_mem>>
        %dma_start3A = arith.constant 0 : i32
        %dma_start3A_34 = tpu.memref_slice %arg5[%mul3A_2, %dma_start3A] : memref<10240x32xf32, #tpu.memory_space<vmem_shared>> -> memref<640x32xf32, #tpu.memory_space<vmem_shared>>
        %dma_start3A_35 = arith.constant 0 : i32
        %dma_start3A_36 = tpu.memref_slice %arg5[%mul3A_2, %dma_start3A_35] : memref<10240x32xf32, #tpu.memory_space<vmem_shared>> -> memref<640x32xf32, #tpu.memory_space<vmem_shared>>
        tpu.enqueue_dma source(%arg11 : memref<640x32xf32, #tpu.memory_space<vmem>>) target(%dma_start3A_36 : memref<640x32xf32, #tpu.memory_space<vmem_shared>>) target_semaphore(%run_scoped3A : memref<!tpu.dma_semaphore, #tpu.memory_space<semaphore_mem>>)
        %dma_wait3A_37 = arith.constant 0 : i32
        %dma_wait3A_38 = tpu.memref_slice %arg5[%mul3A_2, %dma_wait3A_37] : memref<10240x32xf32, #tpu.memory_space<vmem_shared>> -> memref<640x32xf32, #tpu.memory_space<vmem_shared>>
        %dma_wait3A_39 = arith.constant 0 : i32
        %dma_wait3A_40 = tpu.memref_slice %arg5[%mul3A_2, %dma_wait3A_39] : memref<10240x32xf32, #tpu.memory_space<vmem_shared>> -> memref<640x32xf32, #tpu.memory_space<vmem_shared>>
        tpu.wait_dma2 semaphore(%run_scoped3A : memref<!tpu.dma_semaphore, #tpu.memory_space<semaphore_mem>>) src(%arg11 : memref<640x32xf32, #tpu.memory_space<vmem>>) dst(%dma_wait3A_40 : memref<640x32xf32, #tpu.memory_space<vmem_shared>>)
        tpu.yield
      }) : () -> ()
    } else {
    }
    %barrier3A = arith.constant 0 : index
    tpu.barrier barrier_id(%barrier3A)
    %scan3A = arith.constant 0 : i32
    %scan3A_9 = arith.constant 0 : i32
    %scan3A_10 = arith.constant 8 : i32
    %scan3A_11 = arith.addi %scan3A_9, %scan3A_10 : i32
    %scan3A_12 = arith.constant 1 : i32
    %scan3A_13 = scf.for %scan3A_27 = %scan3A_9 to %scan3A_11 step %scan3A_12 iter_args(%scan3A_28 = %scan3A) -> (i32)  : i32 {
      %mul3A_29 = arith.constant 80 : i32
      %mul3A_30 = arith.muli %add3A, %mul3A_29 : i32
      %mul3A_31 = arith.constant 2 : i32
      %mul3A_32 = arith.muli %mul3A_31, %scan3A_27 : i32
      %mul3A_33 = arith.constant 5 : i32
      %mul3A_34 = arith.muli %mul3A_32, %mul3A_33 : i32
      %add3A_35 = arith.addi %mul3A_30, %mul3A_34 : i32
      %add3A_36 = arith.constant 5 : i32
      %add3A_37 = arith.addi %add3A_35, %add3A_36 : i32
      %gt3A = arith.constant 0 : i32
      %gt3A_38 = arith.cmpi sgt, %scan3A_27, %gt3A : i32
      %convert_element_type3A_39 = arith.extui %gt3A_38 : i1 to i32
      %cond3A_40 = arith.constant 0 : i32
      %cond3A_41 = arith.cmpi ne, %convert_element_type3A_39, %cond3A_40 : i32
      scf.if %cond3A_41 {
        %dma_wait3A_350 = arith.constant 0 : i32
        %dma_wait3A_351 = arith.constant 0 : i32
        %dma_wait3A_352 = tpu.memref_slice %arg2[%dma_wait3A_350, %dma_wait3A_351] : memref<10240x32xf32, #tpu.memory_space<hbm>> -> memref<640x32xf32, #tpu.memory_space<hbm>>
        %dma_wait3A_353 = arith.constant 0 : i32
        %dma_wait3A_354 = arith.constant 0 : i32
        %dma_wait3A_355 = tpu.memref_slice %arg2[%dma_wait3A_353, %dma_wait3A_354] : memref<10240x32xf32, #tpu.memory_space<hbm>> -> memref<640x32xf32, #tpu.memory_space<hbm>>
        tpu.wait_dma2 semaphore(%arg14 : memref<!tpu.dma_semaphore, #tpu.memory_space<semaphore_mem>>) src(%dma_wait3A_355 : memref<640x32xf32, #tpu.memory_space<hbm>>) dst(%arg11 : memref<640x32xf32, #tpu.memory_space<vmem>>)
      } else {
      }
      %run_scoped3A = arith.constant 0 : i32
      "tpu.region"() ({
        %run_scoped3A_350 = tpu.sem_alloc : memref<!tpu.dma_semaphore, #tpu.memory_space<semaphore_mem>>
        %dma_start3A_351 = arith.constant 0 : i32
        %dma_start3A_352 = tpu.memref_slice %arg3[%run_scoped3A, %add3A_35, %dma_start3A_351] : memref<2x2560x128xi32, #tpu.memory_space<hbm>> -> memref<1x5x128xi32, #tpu.memory_space<hbm>>
        %dma_start3A_353 = tpu.memref_squeeze %dma_start3A_352 : memref<1x5x128xi32, #tpu.memory_space<hbm>> -> memref<5x128xi32, #tpu.memory_space<hbm>>
        %dma_start3A_354 = arith.constant 0 : i32
        %dma_start3A_355 = tpu.memref_slice %arg3[%run_scoped3A, %add3A_35, %dma_start3A_354] : memref<2x2560x128xi32, #tpu.memory_space<hbm>> -> memref<1x5x128xi32, #tpu.memory_space<hbm>>
        %dma_start3A_356 = tpu.memref_squeeze %dma_start3A_355 : memref<1x5x128xi32, #tpu.memory_space<hbm>> -> memref<5x128xi32, #tpu.memory_space<hbm>>
        tpu.enqueue_dma source(%dma_start3A_356 : memref<5x128xi32, #tpu.memory_space<hbm>>) target(%arg7 : memref<5x128xi32, #tpu.memory_space<vmem>>) target_semaphore(%run_scoped3A_350 : memref<!tpu.dma_semaphore, #tpu.memory_space<semaphore_mem>>)
        %dma_wait3A_357 = arith.constant 0 : i32
        %dma_wait3A_358 = tpu.memref_slice %arg3[%run_scoped3A, %add3A_35, %dma_wait3A_357] : memref<2x2560x128xi32, #tpu.memory_space<hbm>> -> memref<1x5x128xi32, #tpu.memory_space<hbm>>
        %dma_wait3A_359 = tpu.memref_squeeze %dma_wait3A_358 : memref<1x5x128xi32, #tpu.memory_space<hbm>> -> memref<5x128xi32, #tpu.memory_space<hbm>>
        %dma_wait3A_360 = arith.constant 0 : i32
        %dma_wait3A_361 = tpu.memref_slice %arg3[%run_scoped3A, %add3A_35, %dma_wait3A_360] : memref<2x2560x128xi32, #tpu.memory_space<hbm>> -> memref<1x5x128xi32, #tpu.memory_space<hbm>>
        %dma_wait3A_362 = tpu.memref_squeeze %dma_wait3A_361 : memref<1x5x128xi32, #tpu.memory_space<hbm>> -> memref<5x128xi32, #tpu.memory_space<hbm>>
        tpu.wait_dma2 semaphore(%run_scoped3A_350 : memref<!tpu.dma_semaphore, #tpu.memory_space<semaphore_mem>>) src(%dma_wait3A_362 : memref<5x128xi32, #tpu.memory_space<hbm>>) dst(%arg7 : memref<5x128xi32, #tpu.memory_space<vmem>>)
        tpu.yield
      }) : () -> ()
      %run_scoped3A_42 = arith.constant 1 : i32
      "tpu.region"() ({
        %run_scoped3A_350 = tpu.sem_alloc : memref<!tpu.dma_semaphore, #tpu.memory_space<semaphore_mem>>
        %dma_start3A_351 = arith.constant 0 : i32
        %dma_start3A_352 = tpu.memref_slice %arg3[%run_scoped3A_42, %add3A_35, %dma_start3A_351] : memref<2x2560x128xi32, #tpu.memory_space<hbm>> -> memref<1x5x128xi32, #tpu.memory_space<hbm>>
        %dma_start3A_353 = tpu.memref_squeeze %dma_start3A_352 : memref<1x5x128xi32, #tpu.memory_space<hbm>> -> memref<5x128xi32, #tpu.memory_space<hbm>>
        %dma_start3A_354 = arith.constant 0 : i32
        %dma_start3A_355 = tpu.memref_slice %arg3[%run_scoped3A_42, %add3A_35, %dma_start3A_354] : memref<2x2560x128xi32, #tpu.memory_space<hbm>> -> memref<1x5x128xi32, #tpu.memory_space<hbm>>
        %dma_start3A_356 = tpu.memref_squeeze %dma_start3A_355 : memref<1x5x128xi32, #tpu.memory_space<hbm>> -> memref<5x128xi32, #tpu.memory_space<hbm>>
        tpu.enqueue_dma source(%dma_start3A_356 : memref<5x128xi32, #tpu.memory_space<hbm>>) target(%arg8 : memref<5x128xi32, #tpu.memory_space<vmem>>) target_semaphore(%run_scoped3A_350 : memref<!tpu.dma_semaphore, #tpu.memory_space<semaphore_mem>>)
        %dma_wait3A_357 = arith.constant 0 : i32
        %dma_wait3A_358 = tpu.memref_slice %arg3[%run_scoped3A_42, %add3A_35, %dma_wait3A_357] : memref<2x2560x128xi32, #tpu.memory_space<hbm>> -> memref<1x5x128xi32, #tpu.memory_space<hbm>>
        %dma_wait3A_359 = tpu.memref_squeeze %dma_wait3A_358 : memref<1x5x128xi32, #tpu.memory_space<hbm>> -> memref<5x128xi32, #tpu.memory_space<hbm>>
        %dma_wait3A_360 = arith.constant 0 : i32
        %dma_wait3A_361 = tpu.memref_slice %arg3[%run_scoped3A_42, %add3A_35, %dma_wait3A_360] : memref<2x2560x128xi32, #tpu.memory_space<hbm>> -> memref<1x5x128xi32, #tpu.memory_space<hbm>>
        %dma_wait3A_362 = tpu.memref_squeeze %dma_wait3A_361 : memref<1x5x128xi32, #tpu.memory_space<hbm>> -> memref<5x128xi32, #tpu.memory_space<hbm>>
        tpu.wait_dma2 semaphore(%run_scoped3A_350 : memref<!tpu.dma_semaphore, #tpu.memory_space<semaphore_mem>>) src(%dma_wait3A_362 : memref<5x128xi32, #tpu.memory_space<hbm>>) dst(%arg8 : memref<5x128xi32, #tpu.memory_space<vmem>>)
        tpu.yield
      }) : () -> ()
      %dma_start3A = arith.constant 0 : i32
      %dma_start3A_43 = arith.constant 0 : i32
      %dma_start3A_44 = arith.constant 0 : i32
      %dma_start3A_45 = tpu.memref_slice %arg11[%dma_start3A_43, %dma_start3A_44] : memref<640x32xf32, #tpu.memory_space<vmem>> -> memref<128x32xf32, #tpu.memory_space<vmem>>
      %dma_start3A_46 = arith.constant 0 : i32
      %dma_start3A_47 = tpu.memref_slice %arg7[%dma_start3A, %dma_start3A_46] : memref<5x128xi32, #tpu.memory_space<vmem>> -> memref<1x128xi32, #tpu.memory_space<vmem>>
      %dma_start3A_48 = tpu.memref_squeeze %dma_start3A_47 : memref<1x128xi32, #tpu.memory_space<vmem>> -> memref<128xi32, #tpu.memory_space<vmem>>
      %dma_start3A_49 = arith.constant 0 : i32
      %dma_start3A_50 = arith.constant 0 : i32
      %dma_start3A_51 = tpu.memref_slice %arg6[%dma_start3A_49, %dma_start3A_50] : memref<10240x32xf32, #tpu.memory_space<vmem_shared>> -> memref<10240x32xf32, #tpu.memory_space<vmem_shared>>
      tpu.enqueue_indirect_dma source(%dma_start3A_51 : memref<10240x32xf32, #tpu.memory_space<vmem_shared>>) target(%dma_start3A_45 : memref<128x32xf32, #tpu.memory_space<vmem>>) offsets(%dma_start3A_48 : memref<128xi32, #tpu.memory_space<vmem>>) semaphore(%arg13 : memref<!tpu.dma_semaphore, #tpu.memory_space<semaphore_mem>>)
      %dma_start3A_52 = arith.constant 1 : i32
      %dma_start3A_53 = arith.constant 128 : i32
      %dma_start3A_54 = arith.constant 0 : i32
      %dma_start3A_55 = tpu.memref_slice %arg11[%dma_start3A_53, %dma_start3A_54] : memref<640x32xf32, #tpu.memory_space<vmem>> -> memref<128x32xf32, #tpu.memory_space<vmem>>
      %dma_start3A_56 = arith.constant 0 : i32
      %dma_start3A_57 = tpu.memref_slice %arg7[%dma_start3A_52, %dma_start3A_56] : memref<5x128xi32, #tpu.memory_space<vmem>> -> memref<1x128xi32, #tpu.memory_space<vmem>>
      %dma_start3A_58 = tpu.memref_squeeze %dma_start3A_57 : memref<1x128xi32, #tpu.memory_space<vmem>> -> memref<128xi32, #tpu.memory_space<vmem>>
      %dma_start3A_59 = arith.constant 0 : i32
      %dma_start3A_60 = arith.constant 0 : i32
      %dma_start3A_61 = tpu.memref_slice %arg6[%dma_start3A_59, %dma_start3A_60] : memref<10240x32xf32, #tpu.memory_space<vmem_shared>> -> memref<10240x32xf32, #tpu.memory_space<vmem_shared>>
      tpu.enqueue_indirect_dma source(%dma_start3A_61 : memref<10240x32xf32, #tpu.memory_space<vmem_shared>>) target(%dma_start3A_55 : memref<128x32xf32, #tpu.memory_space<vmem>>) offsets(%dma_start3A_58 : memref<128xi32, #tpu.memory_space<vmem>>) semaphore(%arg13 : memref<!tpu.dma_semaphore, #tpu.memory_space<semaphore_mem>>)
      %dma_start3A_62 = arith.constant 2 : i32
      %dma_start3A_63 = arith.constant 256 : i32
      %dma_start3A_64 = arith.constant 0 : i32
      %dma_start3A_65 = tpu.memref_slice %arg11[%dma_start3A_63, %dma_start3A_64] : memref<640x32xf32, #tpu.memory_space<vmem>> -> memref<128x32xf32, #tpu.memory_space<vmem>>
      %dma_start3A_66 = arith.constant 0 : i32
      %dma_start3A_67 = tpu.memref_slice %arg7[%dma_start3A_62, %dma_start3A_66] : memref<5x128xi32, #tpu.memory_space<vmem>> -> memref<1x128xi32, #tpu.memory_space<vmem>>
      %dma_start3A_68 = tpu.memref_squeeze %dma_start3A_67 : memref<1x128xi32, #tpu.memory_space<vmem>> -> memref<128xi32, #tpu.memory_space<vmem>>
      %dma_start3A_69 = arith.constant 0 : i32
      %dma_start3A_70 = arith.constant 0 : i32
      %dma_start3A_71 = tpu.memref_slice %arg6[%dma_start3A_69, %dma_start3A_70] : memref<10240x32xf32, #tpu.memory_space<vmem_shared>> -> memref<10240x32xf32, #tpu.memory_space<vmem_shared>>
      tpu.enqueue_indirect_dma source(%dma_start3A_71 : memref<10240x32xf32, #tpu.memory_space<vmem_shared>>) target(%dma_start3A_65 : memref<128x32xf32, #tpu.memory_space<vmem>>) offsets(%dma_start3A_68 : memref<128xi32, #tpu.memory_space<vmem>>) semaphore(%arg13 : memref<!tpu.dma_semaphore, #tpu.memory_space<semaphore_mem>>)
      %dma_start3A_72 = arith.constant 3 : i32
      %dma_start3A_73 = arith.constant 384 : i32
      %dma_start3A_74 = arith.constant 0 : i32
      %dma_start3A_75 = tpu.memref_slice %arg11[%dma_start3A_73, %dma_start3A_74] : memref<640x32xf32, #tpu.memory_space<vmem>> -> memref<128x32xf32, #tpu.memory_space<vmem>>
      %dma_start3A_76 = arith.constant 0 : i32
      %dma_start3A_77 = tpu.memref_slice %arg7[%dma_start3A_72, %dma_start3A_76] : memref<5x128xi32, #tpu.memory_space<vmem>> -> memref<1x128xi32, #tpu.memory_space<vmem>>
      %dma_start3A_78 = tpu.memref_squeeze %dma_start3A_77 : memref<1x128xi32, #tpu.memory_space<vmem>> -> memref<128xi32, #tpu.memory_space<vmem>>
      %dma_start3A_79 = arith.constant 0 : i32
      %dma_start3A_80 = arith.constant 0 : i32
      %dma_start3A_81 = tpu.memref_slice %arg6[%dma_start3A_79, %dma_start3A_80] : memref<10240x32xf32, #tpu.memory_space<vmem_shared>> -> memref<10240x32xf32, #tpu.memory_space<vmem_shared>>
      tpu.enqueue_indirect_dma source(%dma_start3A_81 : memref<10240x32xf32, #tpu.memory_space<vmem_shared>>) target(%dma_start3A_75 : memref<128x32xf32, #tpu.memory_space<vmem>>) offsets(%dma_start3A_78 : memref<128xi32, #tpu.memory_space<vmem>>) semaphore(%arg13 : memref<!tpu.dma_semaphore, #tpu.memory_space<semaphore_mem>>)
      %dma_start3A_82 = arith.constant 4 : i32
      %dma_start3A_83 = arith.constant 512 : i32
      %dma_start3A_84 = arith.constant 0 : i32
      %dma_start3A_85 = tpu.memref_slice %arg11[%dma_start3A_83, %dma_start3A_84] : memref<640x32xf32, #tpu.memory_space<vmem>> -> memref<128x32xf32, #tpu.memory_space<vmem>>
      %dma_start3A_86 = arith.constant 0 : i32
      %dma_start3A_87 = tpu.memref_slice %arg7[%dma_start3A_82, %dma_start3A_86] : memref<5x128xi32, #tpu.memory_space<vmem>> -> memref<1x128xi32, #tpu.memory_space<vmem>>
      %dma_start3A_88 = tpu.memref_squeeze %dma_start3A_87 : memref<1x128xi32, #tpu.memory_space<vmem>> -> memref<128xi32, #tpu.memory_space<vmem>>
      %dma_start3A_89 = arith.constant 0 : i32
      %dma_start3A_90 = arith.constant 0 : i32
      %dma_start3A_91 = tpu.memref_slice %arg6[%dma_start3A_89, %dma_start3A_90] : memref<10240x32xf32, #tpu.memory_space<vmem_shared>> -> memref<10240x32xf32, #tpu.memory_space<vmem_shared>>
      tpu.enqueue_indirect_dma source(%dma_start3A_91 : memref<10240x32xf32, #tpu.memory_space<vmem_shared>>) target(%dma_start3A_85 : memref<128x32xf32, #tpu.memory_space<vmem>>) offsets(%dma_start3A_88 : memref<128xi32, #tpu.memory_space<vmem>>) semaphore(%arg13 : memref<!tpu.dma_semaphore, #tpu.memory_space<semaphore_mem>>)
      %dma_wait3A_92 = arith.constant 0 : i32
      %dma_wait3A_93 = arith.constant 0 : i32
      %dma_wait3A_94 = arith.constant 0 : i32
      %dma_wait3A_95 = tpu.memref_slice %arg11[%dma_wait3A_93, %dma_wait3A_94] : memref<640x32xf32, #tpu.memory_space<vmem>> -> memref<128x32xf32, #tpu.memory_space<vmem>>
      %dma_wait3A_96 = arith.constant 0 : i32
      %dma_wait3A_97 = tpu.memref_slice %arg7[%dma_wait3A_92, %dma_wait3A_96] : memref<5x128xi32, #tpu.memory_space<vmem>> -> memref<1x128xi32, #tpu.memory_space<vmem>>
      %dma_wait3A_98 = tpu.memref_squeeze %dma_wait3A_97 : memref<1x128xi32, #tpu.memory_space<vmem>> -> memref<128xi32, #tpu.memory_space<vmem>>
      %dma_wait3A_99 = arith.constant 0 : i32
      %dma_wait3A_100 = arith.constant 0 : i32
      %dma_wait3A_101 = tpu.memref_slice %arg6[%dma_wait3A_99, %dma_wait3A_100] : memref<10240x32xf32, #tpu.memory_space<vmem_shared>> -> memref<10240x32xf32, #tpu.memory_space<vmem_shared>>
      tpu.wait_indirect_dma semaphore(%arg13 : memref<!tpu.dma_semaphore, #tpu.memory_space<semaphore_mem>>) src(%dma_wait3A_101 : memref<10240x32xf32, #tpu.memory_space<vmem_shared>>) dst(%dma_wait3A_95 : memref<128x32xf32, #tpu.memory_space<vmem>>)
      %dma_start3A_102 = arith.constant 0 : i32
      %dma_start3A_103 = arith.constant 0 : i32
      %dma_start3A_104 = arith.constant 0 : i32
      %dma_start3A_105 = tpu.memref_slice %arg11[%dma_start3A_103, %dma_start3A_104] : memref<640x32xf32, #tpu.memory_space<vmem>> -> memref<128x32xf32, #tpu.memory_space<vmem>>
      %dma_start3A_106 = arith.constant 0 : i32
      %dma_start3A_107 = tpu.memref_slice %arg8[%dma_start3A_102, %dma_start3A_106] : memref<5x128xi32, #tpu.memory_space<vmem>> -> memref<1x128xi32, #tpu.memory_space<vmem>>
      %dma_start3A_108 = tpu.memref_squeeze %dma_start3A_107 : memref<1x128xi32, #tpu.memory_space<vmem>> -> memref<128xi32, #tpu.memory_space<vmem>>
      %dma_start3A_109 = arith.constant 0 : i32
      %dma_start3A_110 = arith.constant 0 : i32
      %dma_start3A_111 = tpu.memref_slice %arg5[%dma_start3A_109, %dma_start3A_110] : memref<10240x32xf32, #tpu.memory_space<vmem_shared>> -> memref<10240x32xf32, #tpu.memory_space<vmem_shared>>
      tpu.enqueue_indirect_dma source(%dma_start3A_105 : memref<128x32xf32, #tpu.memory_space<vmem>>) target(%dma_start3A_111 : memref<10240x32xf32, #tpu.memory_space<vmem_shared>>) offsets(%dma_start3A_108 : memref<128xi32, #tpu.memory_space<vmem>>) semaphore(%arg14 : memref<!tpu.dma_semaphore, #tpu.memory_space<semaphore_mem>>) {add = true}
      %dma_wait3A_112 = arith.constant 1 : i32
      %dma_wait3A_113 = arith.constant 128 : i32
      %dma_wait3A_114 = arith.constant 0 : i32
      %dma_wait3A_115 = tpu.memref_slice %arg11[%dma_wait3A_113, %dma_wait3A_114] : memref<640x32xf32, #tpu.memory_space<vmem>> -> memref<128x32xf32, #tpu.memory_space<vmem>>
      %dma_wait3A_116 = arith.constant 0 : i32
      %dma_wait3A_117 = tpu.memref_slice %arg7[%dma_wait3A_112, %dma_wait3A_116] : memref<5x128xi32, #tpu.memory_space<vmem>> -> memref<1x128xi32, #tpu.memory_space<vmem>>
      %dma_wait3A_118 = tpu.memref_squeeze %dma_wait3A_117 : memref<1x128xi32, #tpu.memory_space<vmem>> -> memref<128xi32, #tpu.memory_space<vmem>>
      %dma_wait3A_119 = arith.constant 0 : i32
      %dma_wait3A_120 = arith.constant 0 : i32
      %dma_wait3A_121 = tpu.memref_slice %arg6[%dma_wait3A_119, %dma_wait3A_120] : memref<10240x32xf32, #tpu.memory_space<vmem_shared>> -> memref<10240x32xf32, #tpu.memory_space<vmem_shared>>
      tpu.wait_indirect_dma semaphore(%arg13 : memref<!tpu.dma_semaphore, #tpu.memory_space<semaphore_mem>>) src(%dma_wait3A_121 : memref<10240x32xf32, #tpu.memory_space<vmem_shared>>) dst(%dma_wait3A_115 : memref<128x32xf32, #tpu.memory_space<vmem>>)
      %dma_start3A_122 = arith.constant 1 : i32
      %dma_start3A_123 = arith.constant 128 : i32
      %dma_start3A_124 = arith.constant 0 : i32
      %dma_start3A_125 = tpu.memref_slice %arg11[%dma_start3A_123, %dma_start3A_124] : memref<640x32xf32, #tpu.memory_space<vmem>> -> memref<128x32xf32, #tpu.memory_space<vmem>>
      %dma_start3A_126 = arith.constant 0 : i32
      %dma_start3A_127 = tpu.memref_slice %arg8[%dma_start3A_122, %dma_start3A_126] : memref<5x128xi32, #tpu.memory_space<vmem>> -> memref<1x128xi32, #tpu.memory_space<vmem>>
      %dma_start3A_128 = tpu.memref_squeeze %dma_start3A_127 : memref<1x128xi32, #tpu.memory_space<vmem>> -> memref<128xi32, #tpu.memory_space<vmem>>
      %dma_start3A_129 = arith.constant 0 : i32
      %dma_start3A_130 = arith.constant 0 : i32
      %dma_start3A_131 = tpu.memref_slice %arg5[%dma_start3A_129, %dma_start3A_130] : memref<10240x32xf32, #tpu.memory_space<vmem_shared>> -> memref<10240x32xf32, #tpu.memory_space<vmem_shared>>
      tpu.enqueue_indirect_dma source(%dma_start3A_125 : memref<128x32xf32, #tpu.memory_space<vmem>>) target(%dma_start3A_131 : memref<10240x32xf32, #tpu.memory_space<vmem_shared>>) offsets(%dma_start3A_128 : memref<128xi32, #tpu.memory_space<vmem>>) semaphore(%arg14 : memref<!tpu.dma_semaphore, #tpu.memory_space<semaphore_mem>>) {add = true}
      %dma_wait3A_132 = arith.constant 2 : i32
      %dma_wait3A_133 = arith.constant 256 : i32
      %dma_wait3A_134 = arith.constant 0 : i32
      %dma_wait3A_135 = tpu.memref_slice %arg11[%dma_wait3A_133, %dma_wait3A_134] : memref<640x32xf32, #tpu.memory_space<vmem>> -> memref<128x32xf32, #tpu.memory_space<vmem>>
      %dma_wait3A_136 = arith.constant 0 : i32
      %dma_wait3A_137 = tpu.memref_slice %arg7[%dma_wait3A_132, %dma_wait3A_136] : memref<5x128xi32, #tpu.memory_space<vmem>> -> memref<1x128xi32, #tpu.memory_space<vmem>>
      %dma_wait3A_138 = tpu.memref_squeeze %dma_wait3A_137 : memref<1x128xi32, #tpu.memory_space<vmem>> -> memref<128xi32, #tpu.memory_space<vmem>>
      %dma_wait3A_139 = arith.constant 0 : i32
      %dma_wait3A_140 = arith.constant 0 : i32
      %dma_wait3A_141 = tpu.memref_slice %arg6[%dma_wait3A_139, %dma_wait3A_140] : memref<10240x32xf32, #tpu.memory_space<vmem_shared>> -> memref<10240x32xf32, #tpu.memory_space<vmem_shared>>
      tpu.wait_indirect_dma semaphore(%arg13 : memref<!tpu.dma_semaphore, #tpu.memory_space<semaphore_mem>>) src(%dma_wait3A_141 : memref<10240x32xf32, #tpu.memory_space<vmem_shared>>) dst(%dma_wait3A_135 : memref<128x32xf32, #tpu.memory_space<vmem>>)
      %dma_start3A_142 = arith.constant 2 : i32
      %dma_start3A_143 = arith.constant 256 : i32
      %dma_start3A_144 = arith.constant 0 : i32
      %dma_start3A_145 = tpu.memref_slice %arg11[%dma_start3A_143, %dma_start3A_144] : memref<640x32xf32, #tpu.memory_space<vmem>> -> memref<128x32xf32, #tpu.memory_space<vmem>>
      %dma_start3A_146 = arith.constant 0 : i32
      %dma_start3A_147 = tpu.memref_slice %arg8[%dma_start3A_142, %dma_start3A_146] : memref<5x128xi32, #tpu.memory_space<vmem>> -> memref<1x128xi32, #tpu.memory_space<vmem>>
      %dma_start3A_148 = tpu.memref_squeeze %dma_start3A_147 : memref<1x128xi32, #tpu.memory_space<vmem>> -> memref<128xi32, #tpu.memory_space<vmem>>
      %dma_start3A_149 = arith.constant 0 : i32
      %dma_start3A_150 = arith.constant 0 : i32
      %dma_start3A_151 = tpu.memref_slice %arg5[%dma_start3A_149, %dma_start3A_150] : memref<10240x32xf32, #tpu.memory_space<vmem_shared>> -> memref<10240x32xf32, #tpu.memory_space<vmem_shared>>
      tpu.enqueue_indirect_dma source(%dma_start3A_145 : memref<128x32xf32, #tpu.memory_space<vmem>>) target(%dma_start3A_151 : memref<10240x32xf32, #tpu.memory_space<vmem_shared>>) offsets(%dma_start3A_148 : memref<128xi32, #tpu.memory_space<vmem>>) semaphore(%arg14 : memref<!tpu.dma_semaphore, #tpu.memory_space<semaphore_mem>>) {add = true}
      %dma_wait3A_152 = arith.constant 3 : i32
      %dma_wait3A_153 = arith.constant 384 : i32
      %dma_wait3A_154 = arith.constant 0 : i32
      %dma_wait3A_155 = tpu.memref_slice %arg11[%dma_wait3A_153, %dma_wait3A_154] : memref<640x32xf32, #tpu.memory_space<vmem>> -> memref<128x32xf32, #tpu.memory_space<vmem>>
      %dma_wait3A_156 = arith.constant 0 : i32
      %dma_wait3A_157 = tpu.memref_slice %arg7[%dma_wait3A_152, %dma_wait3A_156] : memref<5x128xi32, #tpu.memory_space<vmem>> -> memref<1x128xi32, #tpu.memory_space<vmem>>
      %dma_wait3A_158 = tpu.memref_squeeze %dma_wait3A_157 : memref<1x128xi32, #tpu.memory_space<vmem>> -> memref<128xi32, #tpu.memory_space<vmem>>
      %dma_wait3A_159 = arith.constant 0 : i32
      %dma_wait3A_160 = arith.constant 0 : i32
      %dma_wait3A_161 = tpu.memref_slice %arg6[%dma_wait3A_159, %dma_wait3A_160] : memref<10240x32xf32, #tpu.memory_space<vmem_shared>> -> memref<10240x32xf32, #tpu.memory_space<vmem_shared>>
      tpu.wait_indirect_dma semaphore(%arg13 : memref<!tpu.dma_semaphore, #tpu.memory_space<semaphore_mem>>) src(%dma_wait3A_161 : memref<10240x32xf32, #tpu.memory_space<vmem_shared>>) dst(%dma_wait3A_155 : memref<128x32xf32, #tpu.memory_space<vmem>>)
      %dma_start3A_162 = arith.constant 3 : i32
      %dma_start3A_163 = arith.constant 384 : i32
      %dma_start3A_164 = arith.constant 0 : i32
      %dma_start3A_165 = tpu.memref_slice %arg11[%dma_start3A_163, %dma_start3A_164] : memref<640x32xf32, #tpu.memory_space<vmem>> -> memref<128x32xf32, #tpu.memory_space<vmem>>
      %dma_start3A_166 = arith.constant 0 : i32
      %dma_start3A_167 = tpu.memref_slice %arg8[%dma_start3A_162, %dma_start3A_166] : memref<5x128xi32, #tpu.memory_space<vmem>> -> memref<1x128xi32, #tpu.memory_space<vmem>>
      %dma_start3A_168 = tpu.memref_squeeze %dma_start3A_167 : memref<1x128xi32, #tpu.memory_space<vmem>> -> memref<128xi32, #tpu.memory_space<vmem>>
      %dma_start3A_169 = arith.constant 0 : i32
      %dma_start3A_170 = arith.constant 0 : i32
      %dma_start3A_171 = tpu.memref_slice %arg5[%dma_start3A_169, %dma_start3A_170] : memref<10240x32xf32, #tpu.memory_space<vmem_shared>> -> memref<10240x32xf32, #tpu.memory_space<vmem_shared>>
      tpu.enqueue_indirect_dma source(%dma_start3A_165 : memref<128x32xf32, #tpu.memory_space<vmem>>) target(%dma_start3A_171 : memref<10240x32xf32, #tpu.memory_space<vmem_shared>>) offsets(%dma_start3A_168 : memref<128xi32, #tpu.memory_space<vmem>>) semaphore(%arg14 : memref<!tpu.dma_semaphore, #tpu.memory_space<semaphore_mem>>) {add = true}
      %dma_wait3A_172 = arith.constant 4 : i32
      %dma_wait3A_173 = arith.constant 512 : i32
      %dma_wait3A_174 = arith.constant 0 : i32
      %dma_wait3A_175 = tpu.memref_slice %arg11[%dma_wait3A_173, %dma_wait3A_174] : memref<640x32xf32, #tpu.memory_space<vmem>> -> memref<128x32xf32, #tpu.memory_space<vmem>>
      %dma_wait3A_176 = arith.constant 0 : i32
      %dma_wait3A_177 = tpu.memref_slice %arg7[%dma_wait3A_172, %dma_wait3A_176] : memref<5x128xi32, #tpu.memory_space<vmem>> -> memref<1x128xi32, #tpu.memory_space<vmem>>
      %dma_wait3A_178 = tpu.memref_squeeze %dma_wait3A_177 : memref<1x128xi32, #tpu.memory_space<vmem>> -> memref<128xi32, #tpu.memory_space<vmem>>
      %dma_wait3A_179 = arith.constant 0 : i32
      %dma_wait3A_180 = arith.constant 0 : i32
      %dma_wait3A_181 = tpu.memref_slice %arg6[%dma_wait3A_179, %dma_wait3A_180] : memref<10240x32xf32, #tpu.memory_space<vmem_shared>> -> memref<10240x32xf32, #tpu.memory_space<vmem_shared>>
      tpu.wait_indirect_dma semaphore(%arg13 : memref<!tpu.dma_semaphore, #tpu.memory_space<semaphore_mem>>) src(%dma_wait3A_181 : memref<10240x32xf32, #tpu.memory_space<vmem_shared>>) dst(%dma_wait3A_175 : memref<128x32xf32, #tpu.memory_space<vmem>>)
      %dma_start3A_182 = arith.constant 4 : i32
      %dma_start3A_183 = arith.constant 512 : i32
      %dma_start3A_184 = arith.constant 0 : i32
      %dma_start3A_185 = tpu.memref_slice %arg11[%dma_start3A_183, %dma_start3A_184] : memref<640x32xf32, #tpu.memory_space<vmem>> -> memref<128x32xf32, #tpu.memory_space<vmem>>
      %dma_start3A_186 = arith.constant 0 : i32
      %dma_start3A_187 = tpu.memref_slice %arg8[%dma_start3A_182, %dma_start3A_186] : memref<5x128xi32, #tpu.memory_space<vmem>> -> memref<1x128xi32, #tpu.memory_space<vmem>>
      %dma_start3A_188 = tpu.memref_squeeze %dma_start3A_187 : memref<1x128xi32, #tpu.memory_space<vmem>> -> memref<128xi32, #tpu.memory_space<vmem>>
      %dma_start3A_189 = arith.constant 0 : i32
      %dma_start3A_190 = arith.constant 0 : i32
      %dma_start3A_191 = tpu.memref_slice %arg5[%dma_start3A_189, %dma_start3A_190] : memref<10240x32xf32, #tpu.memory_space<vmem_shared>> -> memref<10240x32xf32, #tpu.memory_space<vmem_shared>>
      tpu.enqueue_indirect_dma source(%dma_start3A_185 : memref<128x32xf32, #tpu.memory_space<vmem>>) target(%dma_start3A_191 : memref<10240x32xf32, #tpu.memory_space<vmem_shared>>) offsets(%dma_start3A_188 : memref<128xi32, #tpu.memory_space<vmem>>) semaphore(%arg14 : memref<!tpu.dma_semaphore, #tpu.memory_space<semaphore_mem>>) {add = true}
      %gt3A_192 = arith.constant 0 : i32
      %gt3A_193 = arith.cmpi sgt, %scan3A_27, %gt3A_192 : i32
      %convert_element_type3A_194 = arith.extui %gt3A_193 : i1 to i32
      %cond3A_195 = arith.constant 0 : i32
      %cond3A_196 = arith.cmpi ne, %convert_element_type3A_194, %cond3A_195 : i32
      scf.if %cond3A_196 {
        %dma_wait3A_350 = arith.constant 0 : i32
        %dma_wait3A_351 = arith.constant 0 : i32
        %dma_wait3A_352 = tpu.memref_slice %arg2[%dma_wait3A_350, %dma_wait3A_351] : memref<10240x32xf32, #tpu.memory_space<hbm>> -> memref<640x32xf32, #tpu.memory_space<hbm>>
        %dma_wait3A_353 = arith.constant 0 : i32
        %dma_wait3A_354 = arith.constant 0 : i32
        %dma_wait3A_355 = tpu.memref_slice %arg2[%dma_wait3A_353, %dma_wait3A_354] : memref<10240x32xf32, #tpu.memory_space<hbm>> -> memref<640x32xf32, #tpu.memory_space<hbm>>
        tpu.wait_dma2 semaphore(%arg14 : memref<!tpu.dma_semaphore, #tpu.memory_space<semaphore_mem>>) src(%dma_wait3A_355 : memref<640x32xf32, #tpu.memory_space<hbm>>) dst(%arg12 : memref<640x32xf32, #tpu.memory_space<vmem>>)
      } else {
      }
      %run_scoped3A_197 = arith.constant 0 : i32
      "tpu.region"() ({
        %run_scoped3A_350 = tpu.sem_alloc : memref<!tpu.dma_semaphore, #tpu.memory_space<semaphore_mem>>
        %dma_start3A_351 = arith.constant 0 : i32
        %dma_start3A_352 = tpu.memref_slice %arg3[%run_scoped3A_197, %add3A_37, %dma_start3A_351] : memref<2x2560x128xi32, #tpu.memory_space<hbm>> -> memref<1x5x128xi32, #tpu.memory_space<hbm>>
        %dma_start3A_353 = tpu.memref_squeeze %dma_start3A_352 : memref<1x5x128xi32, #tpu.memory_space<hbm>> -> memref<5x128xi32, #tpu.memory_space<hbm>>
        %dma_start3A_354 = arith.constant 0 : i32
        %dma_start3A_355 = tpu.memref_slice %arg3[%run_scoped3A_197, %add3A_37, %dma_start3A_354] : memref<2x2560x128xi32, #tpu.memory_space<hbm>> -> memref<1x5x128xi32, #tpu.memory_space<hbm>>
        %dma_start3A_356 = tpu.memref_squeeze %dma_start3A_355 : memref<1x5x128xi32, #tpu.memory_space<hbm>> -> memref<5x128xi32, #tpu.memory_space<hbm>>
        tpu.enqueue_dma source(%dma_start3A_356 : memref<5x128xi32, #tpu.memory_space<hbm>>) target(%arg9 : memref<5x128xi32, #tpu.memory_space<vmem>>) target_semaphore(%run_scoped3A_350 : memref<!tpu.dma_semaphore, #tpu.memory_space<semaphore_mem>>)
        %dma_wait3A_357 = arith.constant 0 : i32
        %dma_wait3A_358 = tpu.memref_slice %arg3[%run_scoped3A_197, %add3A_37, %dma_wait3A_357] : memref<2x2560x128xi32, #tpu.memory_space<hbm>> -> memref<1x5x128xi32, #tpu.memory_space<hbm>>
        %dma_wait3A_359 = tpu.memref_squeeze %dma_wait3A_358 : memref<1x5x128xi32, #tpu.memory_space<hbm>> -> memref<5x128xi32, #tpu.memory_space<hbm>>
        %dma_wait3A_360 = arith.constant 0 : i32
        %dma_wait3A_361 = tpu.memref_slice %arg3[%run_scoped3A_197, %add3A_37, %dma_wait3A_360] : memref<2x2560x128xi32, #tpu.memory_space<hbm>> -> memref<1x5x128xi32, #tpu.memory_space<hbm>>
        %dma_wait3A_362 = tpu.memref_squeeze %dma_wait3A_361 : memref<1x5x128xi32, #tpu.memory_space<hbm>> -> memref<5x128xi32, #tpu.memory_space<hbm>>
        tpu.wait_dma2 semaphore(%run_scoped3A_350 : memref<!tpu.dma_semaphore, #tpu.memory_space<semaphore_mem>>) src(%dma_wait3A_362 : memref<5x128xi32, #tpu.memory_space<hbm>>) dst(%arg9 : memref<5x128xi32, #tpu.memory_space<vmem>>)
        tpu.yield
      }) : () -> ()
      %run_scoped3A_198 = arith.constant 1 : i32
      "tpu.region"() ({
        %run_scoped3A_350 = tpu.sem_alloc : memref<!tpu.dma_semaphore, #tpu.memory_space<semaphore_mem>>
        %dma_start3A_351 = arith.constant 0 : i32
        %dma_start3A_352 = tpu.memref_slice %arg3[%run_scoped3A_198, %add3A_37, %dma_start3A_351] : memref<2x2560x128xi32, #tpu.memory_space<hbm>> -> memref<1x5x128xi32, #tpu.memory_space<hbm>>
        %dma_start3A_353 = tpu.memref_squeeze %dma_start3A_352 : memref<1x5x128xi32, #tpu.memory_space<hbm>> -> memref<5x128xi32, #tpu.memory_space<hbm>>
        %dma_start3A_354 = arith.constant 0 : i32
        %dma_start3A_355 = tpu.memref_slice %arg3[%run_scoped3A_198, %add3A_37, %dma_start3A_354] : memref<2x2560x128xi32, #tpu.memory_space<hbm>> -> memref<1x5x128xi32, #tpu.memory_space<hbm>>
        %dma_start3A_356 = tpu.memref_squeeze %dma_start3A_355 : memref<1x5x128xi32, #tpu.memory_space<hbm>> -> memref<5x128xi32, #tpu.memory_space<hbm>>
        tpu.enqueue_dma source(%dma_start3A_356 : memref<5x128xi32, #tpu.memory_space<hbm>>) target(%arg10 : memref<5x128xi32, #tpu.memory_space<vmem>>) target_semaphore(%run_scoped3A_350 : memref<!tpu.dma_semaphore, #tpu.memory_space<semaphore_mem>>)
        %dma_wait3A_357 = arith.constant 0 : i32
        %dma_wait3A_358 = tpu.memref_slice %arg3[%run_scoped3A_198, %add3A_37, %dma_wait3A_357] : memref<2x2560x128xi32, #tpu.memory_space<hbm>> -> memref<1x5x128xi32, #tpu.memory_space<hbm>>
        %dma_wait3A_359 = tpu.memref_squeeze %dma_wait3A_358 : memref<1x5x128xi32, #tpu.memory_space<hbm>> -> memref<5x128xi32, #tpu.memory_space<hbm>>
        %dma_wait3A_360 = arith.constant 0 : i32
        %dma_wait3A_361 = tpu.memref_slice %arg3[%run_scoped3A_198, %add3A_37, %dma_wait3A_360] : memref<2x2560x128xi32, #tpu.memory_space<hbm>> -> memref<1x5x128xi32, #tpu.memory_space<hbm>>
        %dma_wait3A_362 = tpu.memref_squeeze %dma_wait3A_361 : memref<1x5x128xi32, #tpu.memory_space<hbm>> -> memref<5x128xi32, #tpu.memory_space<hbm>>
        tpu.wait_dma2 semaphore(%run_scoped3A_350 : memref<!tpu.dma_semaphore, #tpu.memory_space<semaphore_mem>>) src(%dma_wait3A_362 : memref<5x128xi32, #tpu.memory_space<hbm>>) dst(%arg10 : memref<5x128xi32, #tpu.memory_space<vmem>>)
        tpu.yield
      }) : () -> ()
      %dma_start3A_199 = arith.constant 0 : i32
      %dma_start3A_200 = arith.constant 0 : i32
      %dma_start3A_201 = arith.constant 0 : i32
      %dma_start3A_202 = tpu.memref_slice %arg12[%dma_start3A_200, %dma_start3A_201] : memref<640x32xf32, #tpu.memory_space<vmem>> -> memref<128x32xf32, #tpu.memory_space<vmem>>
      %dma_start3A_203 = arith.constant 0 : i32
      %dma_start3A_204 = tpu.memref_slice %arg9[%dma_start3A_199, %dma_start3A_203] : memref<5x128xi32, #tpu.memory_space<vmem>> -> memref<1x128xi32, #tpu.memory_space<vmem>>
      %dma_start3A_205 = tpu.memref_squeeze %dma_start3A_204 : memref<1x128xi32, #tpu.memory_space<vmem>> -> memref<128xi32, #tpu.memory_space<vmem>>
      %dma_start3A_206 = arith.constant 0 : i32
      %dma_start3A_207 = arith.constant 0 : i32
      %dma_start3A_208 = tpu.memref_slice %arg6[%dma_start3A_206, %dma_start3A_207] : memref<10240x32xf32, #tpu.memory_space<vmem_shared>> -> memref<10240x32xf32, #tpu.memory_space<vmem_shared>>
      tpu.enqueue_indirect_dma source(%dma_start3A_208 : memref<10240x32xf32, #tpu.memory_space<vmem_shared>>) target(%dma_start3A_202 : memref<128x32xf32, #tpu.memory_space<vmem>>) offsets(%dma_start3A_205 : memref<128xi32, #tpu.memory_space<vmem>>) semaphore(%arg13 : memref<!tpu.dma_semaphore, #tpu.memory_space<semaphore_mem>>)
      %dma_start3A_209 = arith.constant 1 : i32
      %dma_start3A_210 = arith.constant 128 : i32
      %dma_start3A_211 = arith.constant 0 : i32
      %dma_start3A_212 = tpu.memref_slice %arg12[%dma_start3A_210, %dma_start3A_211] : memref<640x32xf32, #tpu.memory_space<vmem>> -> memref<128x32xf32, #tpu.memory_space<vmem>>
      %dma_start3A_213 = arith.constant 0 : i32
      %dma_start3A_214 = tpu.memref_slice %arg9[%dma_start3A_209, %dma_start3A_213] : memref<5x128xi32, #tpu.memory_space<vmem>> -> memref<1x128xi32, #tpu.memory_space<vmem>>
      %dma_start3A_215 = tpu.memref_squeeze %dma_start3A_214 : memref<1x128xi32, #tpu.memory_space<vmem>> -> memref<128xi32, #tpu.memory_space<vmem>>
      %dma_start3A_216 = arith.constant 0 : i32
      %dma_start3A_217 = arith.constant 0 : i32
      %dma_start3A_218 = tpu.memref_slice %arg6[%dma_start3A_216, %dma_start3A_217] : memref<10240x32xf32, #tpu.memory_space<vmem_shared>> -> memref<10240x32xf32, #tpu.memory_space<vmem_shared>>
      tpu.enqueue_indirect_dma source(%dma_start3A_218 : memref<10240x32xf32, #tpu.memory_space<vmem_shared>>) target(%dma_start3A_212 : memref<128x32xf32, #tpu.memory_space<vmem>>) offsets(%dma_start3A_215 : memref<128xi32, #tpu.memory_space<vmem>>) semaphore(%arg13 : memref<!tpu.dma_semaphore, #tpu.memory_space<semaphore_mem>>)
      %dma_start3A_219 = arith.constant 2 : i32
      %dma_start3A_220 = arith.constant 256 : i32
      %dma_start3A_221 = arith.constant 0 : i32
      %dma_start3A_222 = tpu.memref_slice %arg12[%dma_start3A_220, %dma_start3A_221] : memref<640x32xf32, #tpu.memory_space<vmem>> -> memref<128x32xf32, #tpu.memory_space<vmem>>
      %dma_start3A_223 = arith.constant 0 : i32
      %dma_start3A_224 = tpu.memref_slice %arg9[%dma_start3A_219, %dma_start3A_223] : memref<5x128xi32, #tpu.memory_space<vmem>> -> memref<1x128xi32, #tpu.memory_space<vmem>>
      %dma_start3A_225 = tpu.memref_squeeze %dma_start3A_224 : memref<1x128xi32, #tpu.memory_space<vmem>> -> memref<128xi32, #tpu.memory_space<vmem>>
      %dma_start3A_226 = arith.constant 0 : i32
      %dma_start3A_227 = arith.constant 0 : i32
      %dma_start3A_228 = tpu.memref_slice %arg6[%dma_start3A_226, %dma_start3A_227] : memref<10240x32xf32, #tpu.memory_space<vmem_shared>> -> memref<10240x32xf32, #tpu.memory_space<vmem_shared>>
      tpu.enqueue_indirect_dma source(%dma_start3A_228 : memref<10240x32xf32, #tpu.memory_space<vmem_shared>>) target(%dma_start3A_222 : memref<128x32xf32, #tpu.memory_space<vmem>>) offsets(%dma_start3A_225 : memref<128xi32, #tpu.memory_space<vmem>>) semaphore(%arg13 : memref<!tpu.dma_semaphore, #tpu.memory_space<semaphore_mem>>)
      %dma_start3A_229 = arith.constant 3 : i32
      %dma_start3A_230 = arith.constant 384 : i32
      %dma_start3A_231 = arith.constant 0 : i32
      %dma_start3A_232 = tpu.memref_slice %arg12[%dma_start3A_230, %dma_start3A_231] : memref<640x32xf32, #tpu.memory_space<vmem>> -> memref<128x32xf32, #tpu.memory_space<vmem>>
      %dma_start3A_233 = arith.constant 0 : i32
      %dma_start3A_234 = tpu.memref_slice %arg9[%dma_start3A_229, %dma_start3A_233] : memref<5x128xi32, #tpu.memory_space<vmem>> -> memref<1x128xi32, #tpu.memory_space<vmem>>
      %dma_start3A_235 = tpu.memref_squeeze %dma_start3A_234 : memref<1x128xi32, #tpu.memory_space<vmem>> -> memref<128xi32, #tpu.memory_space<vmem>>
      %dma_start3A_236 = arith.constant 0 : i32
      %dma_start3A_237 = arith.constant 0 : i32
      %dma_start3A_238 = tpu.memref_slice %arg6[%dma_start3A_236, %dma_start3A_237] : memref<10240x32xf32, #tpu.memory_space<vmem_shared>> -> memref<10240x32xf32, #tpu.memory_space<vmem_shared>>
      tpu.enqueue_indirect_dma source(%dma_start3A_238 : memref<10240x32xf32, #tpu.memory_space<vmem_shared>>) target(%dma_start3A_232 : memref<128x32xf32, #tpu.memory_space<vmem>>) offsets(%dma_start3A_235 : memref<128xi32, #tpu.memory_space<vmem>>) semaphore(%arg13 : memref<!tpu.dma_semaphore, #tpu.memory_space<semaphore_mem>>)
      %dma_start3A_239 = arith.constant 4 : i32
      %dma_start3A_240 = arith.constant 512 : i32
      %dma_start3A_241 = arith.constant 0 : i32
      %dma_start3A_242 = tpu.memref_slice %arg12[%dma_start3A_240, %dma_start3A_241] : memref<640x32xf32, #tpu.memory_space<vmem>> -> memref<128x32xf32, #tpu.memory_space<vmem>>
      %dma_start3A_243 = arith.constant 0 : i32
      %dma_start3A_244 = tpu.memref_slice %arg9[%dma_start3A_239, %dma_start3A_243] : memref<5x128xi32, #tpu.memory_space<vmem>> -> memref<1x128xi32, #tpu.memory_space<vmem>>
      %dma_start3A_245 = tpu.memref_squeeze %dma_start3A_244 : memref<1x128xi32, #tpu.memory_space<vmem>> -> memref<128xi32, #tpu.memory_space<vmem>>
      %dma_start3A_246 = arith.constant 0 : i32
      %dma_start3A_247 = arith.constant 0 : i32
      %dma_start3A_248 = tpu.memref_slice %arg6[%dma_start3A_246, %dma_start3A_247] : memref<10240x32xf32, #tpu.memory_space<vmem_shared>> -> memref<10240x32xf32, #tpu.memory_space<vmem_shared>>
      tpu.enqueue_indirect_dma source(%dma_start3A_248 : memref<10240x32xf32, #tpu.memory_space<vmem_shared>>) target(%dma_start3A_242 : memref<128x32xf32, #tpu.memory_space<vmem>>) offsets(%dma_start3A_245 : memref<128xi32, #tpu.memory_space<vmem>>) semaphore(%arg13 : memref<!tpu.dma_semaphore, #tpu.memory_space<semaphore_mem>>)
      %dma_wait3A_249 = arith.constant 0 : i32
      %dma_wait3A_250 = arith.constant 0 : i32
      %dma_wait3A_251 = arith.constant 0 : i32
      %dma_wait3A_252 = tpu.memref_slice %arg12[%dma_wait3A_250, %dma_wait3A_251] : memref<640x32xf32, #tpu.memory_space<vmem>> -> memref<128x32xf32, #tpu.memory_space<vmem>>
      %dma_wait3A_253 = arith.constant 0 : i32
      %dma_wait3A_254 = tpu.memref_slice %arg9[%dma_wait3A_249, %dma_wait3A_253] : memref<5x128xi32, #tpu.memory_space<vmem>> -> memref<1x128xi32, #tpu.memory_space<vmem>>
      %dma_wait3A_255 = tpu.memref_squeeze %dma_wait3A_254 : memref<1x128xi32, #tpu.memory_space<vmem>> -> memref<128xi32, #tpu.memory_space<vmem>>
      %dma_wait3A_256 = arith.constant 0 : i32
      %dma_wait3A_257 = arith.constant 0 : i32
      %dma_wait3A_258 = tpu.memref_slice %arg6[%dma_wait3A_256, %dma_wait3A_257] : memref<10240x32xf32, #tpu.memory_space<vmem_shared>> -> memref<10240x32xf32, #tpu.memory_space<vmem_shared>>
      tpu.wait_indirect_dma semaphore(%arg13 : memref<!tpu.dma_semaphore, #tpu.memory_space<semaphore_mem>>) src(%dma_wait3A_258 : memref<10240x32xf32, #tpu.memory_space<vmem_shared>>) dst(%dma_wait3A_252 : memref<128x32xf32, #tpu.memory_space<vmem>>)
      %dma_start3A_259 = arith.constant 0 : i32
      %dma_start3A_260 = arith.constant 0 : i32
      %dma_start3A_261 = arith.constant 0 : i32
      %dma_start3A_262 = tpu.memref_slice %arg12[%dma_start3A_260, %dma_start3A_261] : memref<640x32xf32, #tpu.memory_space<vmem>> -> memref<128x32xf32, #tpu.memory_space<vmem>>
      %dma_start3A_263 = arith.constant 0 : i32
      %dma_start3A_264 = tpu.memref_slice %arg10[%dma_start3A_259, %dma_start3A_263] : memref<5x128xi32, #tpu.memory_space<vmem>> -> memref<1x128xi32, #tpu.memory_space<vmem>>
      %dma_start3A_265 = tpu.memref_squeeze %dma_start3A_264 : memref<1x128xi32, #tpu.memory_space<vmem>> -> memref<128xi32, #tpu.memory_space<vmem>>
      %dma_start3A_266 = arith.constant 0 : i32
      %dma_start3A_267 = arith.constant 0 : i32
      %dma_start3A_268 = tpu.memref_slice %arg5[%dma_start3A_266, %dma_start3A_267] : memref<10240x32xf32, #tpu.memory_space<vmem_shared>> -> memref<10240x32xf32, #tpu.memory_space<vmem_shared>>
      tpu.enqueue_indirect_dma source(%dma_start3A_262 : memref<128x32xf32, #tpu.memory_space<vmem>>) target(%dma_start3A_268 : memref<10240x32xf32, #tpu.memory_space<vmem_shared>>) offsets(%dma_start3A_265 : memref<128xi32, #tpu.memory_space<vmem>>) semaphore(%arg14 : memref<!tpu.dma_semaphore, #tpu.memory_space<semaphore_mem>>) {add = true}
      %dma_wait3A_269 = arith.constant 1 : i32
      %dma_wait3A_270 = arith.constant 128 : i32
      %dma_wait3A_271 = arith.constant 0 : i32
      %dma_wait3A_272 = tpu.memref_slice %arg12[%dma_wait3A_270, %dma_wait3A_271] : memref<640x32xf32, #tpu.memory_space<vmem>> -> memref<128x32xf32, #tpu.memory_space<vmem>>
      %dma_wait3A_273 = arith.constant 0 : i32
      %dma_wait3A_274 = tpu.memref_slice %arg9[%dma_wait3A_269, %dma_wait3A_273] : memref<5x128xi32, #tpu.memory_space<vmem>> -> memref<1x128xi32, #tpu.memory_space<vmem>>
      %dma_wait3A_275 = tpu.memref_squeeze %dma_wait3A_274 : memref<1x128xi32, #tpu.memory_space<vmem>> -> memref<128xi32, #tpu.memory_space<vmem>>
      %dma_wait3A_276 = arith.constant 0 : i32
      %dma_wait3A_277 = arith.constant 0 : i32
      %dma_wait3A_278 = tpu.memref_slice %arg6[%dma_wait3A_276, %dma_wait3A_277] : memref<10240x32xf32, #tpu.memory_space<vmem_shared>> -> memref<10240x32xf32, #tpu.memory_space<vmem_shared>>
      tpu.wait_indirect_dma semaphore(%arg13 : memref<!tpu.dma_semaphore, #tpu.memory_space<semaphore_mem>>) src(%dma_wait3A_278 : memref<10240x32xf32, #tpu.memory_space<vmem_shared>>) dst(%dma_wait3A_272 : memref<128x32xf32, #tpu.memory_space<vmem>>)
      %dma_start3A_279 = arith.constant 1 : i32
      %dma_start3A_280 = arith.constant 128 : i32
      %dma_start3A_281 = arith.constant 0 : i32
      %dma_start3A_282 = tpu.memref_slice %arg12[%dma_start3A_280, %dma_start3A_281] : memref<640x32xf32, #tpu.memory_space<vmem>> -> memref<128x32xf32, #tpu.memory_space<vmem>>
      %dma_start3A_283 = arith.constant 0 : i32
      %dma_start3A_284 = tpu.memref_slice %arg10[%dma_start3A_279, %dma_start3A_283] : memref<5x128xi32, #tpu.memory_space<vmem>> -> memref<1x128xi32, #tpu.memory_space<vmem>>
      %dma_start3A_285 = tpu.memref_squeeze %dma_start3A_284 : memref<1x128xi32, #tpu.memory_space<vmem>> -> memref<128xi32, #tpu.memory_space<vmem>>
      %dma_start3A_286 = arith.constant 0 : i32
      %dma_start3A_287 = arith.constant 0 : i32
      %dma_start3A_288 = tpu.memref_slice %arg5[%dma_start3A_286, %dma_start3A_287] : memref<10240x32xf32, #tpu.memory_space<vmem_shared>> -> memref<10240x32xf32, #tpu.memory_space<vmem_shared>>
      tpu.enqueue_indirect_dma source(%dma_start3A_282 : memref<128x32xf32, #tpu.memory_space<vmem>>) target(%dma_start3A_288 : memref<10240x32xf32, #tpu.memory_space<vmem_shared>>) offsets(%dma_start3A_285 : memref<128xi32, #tpu.memory_space<vmem>>) semaphore(%arg14 : memref<!tpu.dma_semaphore, #tpu.memory_space<semaphore_mem>>) {add = true}
      %dma_wait3A_289 = arith.constant 2 : i32
      %dma_wait3A_290 = arith.constant 256 : i32
      %dma_wait3A_291 = arith.constant 0 : i32
      %dma_wait3A_292 = tpu.memref_slice %arg12[%dma_wait3A_290, %dma_wait3A_291] : memref<640x32xf32, #tpu.memory_space<vmem>> -> memref<128x32xf32, #tpu.memory_space<vmem>>
      %dma_wait3A_293 = arith.constant 0 : i32
      %dma_wait3A_294 = tpu.memref_slice %arg9[%dma_wait3A_289, %dma_wait3A_293] : memref<5x128xi32, #tpu.memory_space<vmem>> -> memref<1x128xi32, #tpu.memory_space<vmem>>
      %dma_wait3A_295 = tpu.memref_squeeze %dma_wait3A_294 : memref<1x128xi32, #tpu.memory_space<vmem>> -> memref<128xi32, #tpu.memory_space<vmem>>
      %dma_wait3A_296 = arith.constant 0 : i32
      %dma_wait3A_297 = arith.constant 0 : i32
      %dma_wait3A_298 = tpu.memref_slice %arg6[%dma_wait3A_296, %dma_wait3A_297] : memref<10240x32xf32, #tpu.memory_space<vmem_shared>> -> memref<10240x32xf32, #tpu.memory_space<vmem_shared>>
      tpu.wait_indirect_dma semaphore(%arg13 : memref<!tpu.dma_semaphore, #tpu.memory_space<semaphore_mem>>) src(%dma_wait3A_298 : memref<10240x32xf32, #tpu.memory_space<vmem_shared>>) dst(%dma_wait3A_292 : memref<128x32xf32, #tpu.memory_space<vmem>>)
      %dma_start3A_299 = arith.constant 2 : i32
      %dma_start3A_300 = arith.constant 256 : i32
      %dma_start3A_301 = arith.constant 0 : i32
      %dma_start3A_302 = tpu.memref_slice %arg12[%dma_start3A_300, %dma_start3A_301] : memref<640x32xf32, #tpu.memory_space<vmem>> -> memref<128x32xf32, #tpu.memory_space<vmem>>
      %dma_start3A_303 = arith.constant 0 : i32
      %dma_start3A_304 = tpu.memref_slice %arg10[%dma_start3A_299, %dma_start3A_303] : memref<5x128xi32, #tpu.memory_space<vmem>> -> memref<1x128xi32, #tpu.memory_space<vmem>>
      %dma_start3A_305 = tpu.memref_squeeze %dma_start3A_304 : memref<1x128xi32, #tpu.memory_space<vmem>> -> memref<128xi32, #tpu.memory_space<vmem>>
      %dma_start3A_306 = arith.constant 0 : i32
      %dma_start3A_307 = arith.constant 0 : i32
      %dma_start3A_308 = tpu.memref_slice %arg5[%dma_start3A_306, %dma_start3A_307] : memref<10240x32xf32, #tpu.memory_space<vmem_shared>> -> memref<10240x32xf32, #tpu.memory_space<vmem_shared>>
      tpu.enqueue_indirect_dma source(%dma_start3A_302 : memref<128x32xf32, #tpu.memory_space<vmem>>) target(%dma_start3A_308 : memref<10240x32xf32, #tpu.memory_space<vmem_shared>>) offsets(%dma_start3A_305 : memref<128xi32, #tpu.memory_space<vmem>>) semaphore(%arg14 : memref<!tpu.dma_semaphore, #tpu.memory_space<semaphore_mem>>) {add = true}
      %dma_wait3A_309 = arith.constant 3 : i32
      %dma_wait3A_310 = arith.constant 384 : i32
      %dma_wait3A_311 = arith.constant 0 : i32
      %dma_wait3A_312 = tpu.memref_slice %arg12[%dma_wait3A_310, %dma_wait3A_311] : memref<640x32xf32, #tpu.memory_space<vmem>> -> memref<128x32xf32, #tpu.memory_space<vmem>>
      %dma_wait3A_313 = arith.constant 0 : i32
      %dma_wait3A_314 = tpu.memref_slice %arg9[%dma_wait3A_309, %dma_wait3A_313] : memref<5x128xi32, #tpu.memory_space<vmem>> -> memref<1x128xi32, #tpu.memory_space<vmem>>
      %dma_wait3A_315 = tpu.memref_squeeze %dma_wait3A_314 : memref<1x128xi32, #tpu.memory_space<vmem>> -> memref<128xi32, #tpu.memory_space<vmem>>
      %dma_wait3A_316 = arith.constant 0 : i32
      %dma_wait3A_317 = arith.constant 0 : i32
      %dma_wait3A_318 = tpu.memref_slice %arg6[%dma_wait3A_316, %dma_wait3A_317] : memref<10240x32xf32, #tpu.memory_space<vmem_shared>> -> memref<10240x32xf32, #tpu.memory_space<vmem_shared>>
      tpu.wait_indirect_dma semaphore(%arg13 : memref<!tpu.dma_semaphore, #tpu.memory_space<semaphore_mem>>) src(%dma_wait3A_318 : memref<10240x32xf32, #tpu.memory_space<vmem_shared>>) dst(%dma_wait3A_312 : memref<128x32xf32, #tpu.memory_space<vmem>>)
      %dma_start3A_319 = arith.constant 3 : i32
      %dma_start3A_320 = arith.constant 384 : i32
      %dma_start3A_321 = arith.constant 0 : i32
      %dma_start3A_322 = tpu.memref_slice %arg12[%dma_start3A_320, %dma_start3A_321] : memref<640x32xf32, #tpu.memory_space<vmem>> -> memref<128x32xf32, #tpu.memory_space<vmem>>
      %dma_start3A_323 = arith.constant 0 : i32
      %dma_start3A_324 = tpu.memref_slice %arg10[%dma_start3A_319, %dma_start3A_323] : memref<5x128xi32, #tpu.memory_space<vmem>> -> memref<1x128xi32, #tpu.memory_space<vmem>>
      %dma_start3A_325 = tpu.memref_squeeze %dma_start3A_324 : memref<1x128xi32, #tpu.memory_space<vmem>> -> memref<128xi32, #tpu.memory_space<vmem>>
      %dma_start3A_326 = arith.constant 0 : i32
      %dma_start3A_327 = arith.constant 0 : i32
      %dma_start3A_328 = tpu.memref_slice %arg5[%dma_start3A_326, %dma_start3A_327] : memref<10240x32xf32, #tpu.memory_space<vmem_shared>> -> memref<10240x32xf32, #tpu.memory_space<vmem_shared>>
      tpu.enqueue_indirect_dma source(%dma_start3A_322 : memref<128x32xf32, #tpu.memory_space<vmem>>) target(%dma_start3A_328 : memref<10240x32xf32, #tpu.memory_space<vmem_shared>>) offsets(%dma_start3A_325 : memref<128xi32, #tpu.memory_space<vmem>>) semaphore(%arg14 : memref<!tpu.dma_semaphore, #tpu.memory_space<semaphore_mem>>) {add = true}
      %dma_wait3A_329 = arith.constant 4 : i32
      %dma_wait3A_330 = arith.constant 512 : i32
      %dma_wait3A_331 = arith.constant 0 : i32
      %dma_wait3A_332 = tpu.memref_slice %arg12[%dma_wait3A_330, %dma_wait3A_331] : memref<640x32xf32, #tpu.memory_space<vmem>> -> memref<128x32xf32, #tpu.memory_space<vmem>>
      %dma_wait3A_333 = arith.constant 0 : i32
      %dma_wait3A_334 = tpu.memref_slice %arg9[%dma_wait3A_329, %dma_wait3A_333] : memref<5x128xi32, #tpu.memory_space<vmem>> -> memref<1x128xi32, #tpu.memory_space<vmem>>
      %dma_wait3A_335 = tpu.memref_squeeze %dma_wait3A_334 : memref<1x128xi32, #tpu.memory_space<vmem>> -> memref<128xi32, #tpu.memory_space<vmem>>
      %dma_wait3A_336 = arith.constant 0 : i32
      %dma_wait3A_337 = arith.constant 0 : i32
      %dma_wait3A_338 = tpu.memref_slice %arg6[%dma_wait3A_336, %dma_wait3A_337] : memref<10240x32xf32, #tpu.memory_space<vmem_shared>> -> memref<10240x32xf32, #tpu.memory_space<vmem_shared>>
      tpu.wait_indirect_dma semaphore(%arg13 : memref<!tpu.dma_semaphore, #tpu.memory_space<semaphore_mem>>) src(%dma_wait3A_338 : memref<10240x32xf32, #tpu.memory_space<vmem_shared>>) dst(%dma_wait3A_332 : memref<128x32xf32, #tpu.memory_space<vmem>>)
      %dma_start3A_339 = arith.constant 4 : i32
      %dma_start3A_340 = arith.constant 512 : i32
      %dma_start3A_341 = arith.constant 0 : i32
      %dma_start3A_342 = tpu.memref_slice %arg12[%dma_start3A_340, %dma_start3A_341] : memref<640x32xf32, #tpu.memory_space<vmem>> -> memref<128x32xf32, #tpu.memory_space<vmem>>
      %dma_start3A_343 = arith.constant 0 : i32
      %dma_start3A_344 = tpu.memref_slice %arg10[%dma_start3A_339, %dma_start3A_343] : memref<5x128xi32, #tpu.memory_space<vmem>> -> memref<1x128xi32, #tpu.memory_space<vmem>>
      %dma_start3A_345 = tpu.memref_squeeze %dma_start3A_344 : memref<1x128xi32, #tpu.memory_space<vmem>> -> memref<128xi32, #tpu.memory_space<vmem>>
      %dma_start3A_346 = arith.constant 0 : i32
      %dma_start3A_347 = arith.constant 0 : i32
      %dma_start3A_348 = tpu.memref_slice %arg5[%dma_start3A_346, %dma_start3A_347] : memref<10240x32xf32, #tpu.memory_space<vmem_shared>> -> memref<10240x32xf32, #tpu.memory_space<vmem_shared>>
      tpu.enqueue_indirect_dma source(%dma_start3A_342 : memref<128x32xf32, #tpu.memory_space<vmem>>) target(%dma_start3A_348 : memref<10240x32xf32, #tpu.memory_space<vmem_shared>>) offsets(%dma_start3A_345 : memref<128xi32, #tpu.memory_space<vmem>>) semaphore(%arg14 : memref<!tpu.dma_semaphore, #tpu.memory_space<semaphore_mem>>) {add = true}
      %scan3A_349 = arith.constant 0 : i32
      scf.yield %scan3A_349 : i32
    }
    %scan3A_14 = arith.constant 8 : i32
    %dma_wait3A = arith.constant 0 : i32
    %dma_wait3A_15 = arith.constant 0 : i32
    %dma_wait3A_16 = tpu.memref_slice %arg2[%dma_wait3A, %dma_wait3A_15] : memref<10240x32xf32, #tpu.memory_space<hbm>> -> memref<640x32xf32, #tpu.memory_space<hbm>>
    %dma_wait3A_17 = arith.constant 0 : i32
    %dma_wait3A_18 = arith.constant 0 : i32
    %dma_wait3A_19 = tpu.memref_slice %arg2[%dma_wait3A_17, %dma_wait3A_18] : memref<10240x32xf32, #tpu.memory_space<hbm>> -> memref<640x32xf32, #tpu.memory_space<hbm>>
    tpu.wait_dma2 semaphore(%arg14 : memref<!tpu.dma_semaphore, #tpu.memory_space<semaphore_mem>>) src(%dma_wait3A_19 : memref<640x32xf32, #tpu.memory_space<hbm>>) dst(%arg11 : memref<640x32xf32, #tpu.memory_space<vmem>>)
    %dma_wait3A_20 = arith.constant 0 : i32
    %dma_wait3A_21 = arith.constant 0 : i32
    %dma_wait3A_22 = tpu.memref_slice %arg2[%dma_wait3A_20, %dma_wait3A_21] : memref<10240x32xf32, #tpu.memory_space<hbm>> -> memref<640x32xf32, #tpu.memory_space<hbm>>
    %dma_wait3A_23 = arith.constant 0 : i32
    %dma_wait3A_24 = arith.constant 0 : i32
    %dma_wait3A_25 = tpu.memref_slice %arg2[%dma_wait3A_23, %dma_wait3A_24] : memref<10240x32xf32, #tpu.memory_space<hbm>> -> memref<640x32xf32, #tpu.memory_space<hbm>>
    tpu.wait_dma2 semaphore(%arg14 : memref<!tpu.dma_semaphore, #tpu.memory_space<semaphore_mem>>) src(%dma_wait3A_25 : memref<640x32xf32, #tpu.memory_space<hbm>>) dst(%arg12 : memref<640x32xf32, #tpu.memory_space<vmem>>)
    %barrier3A_26 = arith.constant 0 : index
    tpu.barrier barrier_id(%barrier3A_26)
    "tpu.region"() ({
      %run_scoped3A = tpu.sem_alloc : memref<!tpu.dma_semaphore, #tpu.memory_space<semaphore_mem>>
      %dma_start3A = arith.constant 0 : i32
      %dma_start3A_27 = tpu.memref_slice %arg5[%mul3A_2, %dma_start3A] : memref<10240x32xf32, #tpu.memory_space<vmem_shared>> -> memref<640x32xf32, #tpu.memory_space<vmem_shared>>
      %dma_start3A_28 = arith.constant 0 : i32
      %dma_start3A_29 = tpu.memref_slice %arg5[%mul3A_2, %dma_start3A_28] : memref<10240x32xf32, #tpu.memory_space<vmem_shared>> -> memref<640x32xf32, #tpu.memory_space<vmem_shared>>
      tpu.enqueue_dma source(%dma_start3A_29 : memref<640x32xf32, #tpu.memory_space<vmem_shared>>) target(%arg11 : memref<640x32xf32, #tpu.memory_space<vmem>>) target_semaphore(%run_scoped3A : memref<!tpu.dma_semaphore, #tpu.memory_space<semaphore_mem>>)
      %dma_wait3A_30 = arith.constant 0 : i32
      %dma_wait3A_31 = tpu.memref_slice %arg5[%mul3A_2, %dma_wait3A_30] : memref<10240x32xf32, #tpu.memory_space<vmem_shared>> -> memref<640x32xf32, #tpu.memory_space<vmem_shared>>
      %dma_wait3A_32 = arith.constant 0 : i32
      %dma_wait3A_33 = tpu.memref_slice %arg5[%mul3A_2, %dma_wait3A_32] : memref<10240x32xf32, #tpu.memory_space<vmem_shared>> -> memref<640x32xf32, #tpu.memory_space<vmem_shared>>
      tpu.wait_dma2 semaphore(%run_scoped3A : memref<!tpu.dma_semaphore, #tpu.memory_space<semaphore_mem>>) src(%dma_wait3A_33 : memref<640x32xf32, #tpu.memory_space<vmem_shared>>) dst(%arg11 : memref<640x32xf32, #tpu.memory_space<vmem>>)
      tpu.yield
    }) : () -> ()
    "tpu.region"() ({
      %run_scoped3A = tpu.sem_alloc : memref<!tpu.dma_semaphore, #tpu.memory_space<semaphore_mem>>
      %dma_start3A = arith.constant 0 : i32
      %dma_start3A_27 = tpu.memref_slice %arg4[%arg0, %mul3A_2, %dma_start3A] : memref<2x10240x32xf32, #tpu.memory_space<hbm>> -> memref<1x640x32xf32, #tpu.memory_space<hbm>>
      %dma_start3A_28 = tpu.memref_squeeze %dma_start3A_27 : memref<1x640x32xf32, #tpu.memory_space<hbm>> -> memref<640x32xf32, #tpu.memory_space<hbm>>
      %dma_start3A_29 = arith.constant 0 : i32
      %dma_start3A_30 = tpu.memref_slice %arg4[%arg0, %mul3A_2, %dma_start3A_29] : memref<2x10240x32xf32, #tpu.memory_space<hbm>> -> memref<1x640x32xf32, #tpu.memory_space<hbm>>
      %dma_start3A_31 = tpu.memref_squeeze %dma_start3A_30 : memref<1x640x32xf32, #tpu.memory_space<hbm>> -> memref<640x32xf32, #tpu.memory_space<hbm>>
      tpu.enqueue_dma source(%arg11 : memref<640x32xf32, #tpu.memory_space<vmem>>) target(%dma_start3A_31 : memref<640x32xf32, #tpu.memory_space<hbm>>) target_semaphore(%run_scoped3A : memref<!tpu.dma_semaphore, #tpu.memory_space<semaphore_mem>>)
      %dma_wait3A_32 = arith.constant 0 : i32
      %dma_wait3A_33 = tpu.memref_slice %arg4[%arg0, %mul3A_2, %dma_wait3A_32] : memref<2x10240x32xf32, #tpu.memory_space<hbm>> -> memref<1x640x32xf32, #tpu.memory_space<hbm>>
      %dma_wait3A_34 = tpu.memref_squeeze %dma_wait3A_33 : memref<1x640x32xf32, #tpu.memory_space<hbm>> -> memref<640x32xf32, #tpu.memory_space<hbm>>
      %dma_wait3A_35 = arith.constant 0 : i32
      %dma_wait3A_36 = tpu.memref_slice %arg4[%arg0, %mul3A_2, %dma_wait3A_35] : memref<2x10240x32xf32, #tpu.memory_space<hbm>> -> memref<1x640x32xf32, #tpu.memory_space<hbm>>
      %dma_wait3A_37 = tpu.memref_squeeze %dma_wait3A_36 : memref<1x640x32xf32, #tpu.memory_space<hbm>> -> memref<640x32xf32, #tpu.memory_space<hbm>>
      tpu.wait_dma2 semaphore(%run_scoped3A : memref<!tpu.dma_semaphore, #tpu.memory_space<semaphore_mem>>) src(%arg11 : memref<640x32xf32, #tpu.memory_space<vmem>>) dst(%dma_wait3A_37 : memref<640x32xf32, #tpu.memory_space<hbm>>)
      tpu.yield
    }) : () -> ()
    return
  }
}

#map = affine_map<(d0, d1) -> (0, 0)>
#map1 = affine_map<(d0, d1) -> (0, 0, 0)>
module attributes {stable_mosaic.version = 14 : i64} {
  func.func @_prop_sc(%arg0: i32, %arg1: i32, %arg2: memref<10240x32xf32, #tpu.memory_space<hbm>>, %arg3: memref<2x2560x128xi32, #tpu.memory_space<hbm>>, %arg4: memref<2x10240x32xf32, #tpu.memory_space<hbm>>, %arg5: memref<10240x32xf32, #tpu.memory_space<vmem_shared>>, %arg6: memref<10240x32xf32, #tpu.memory_space<vmem_shared>>, %arg7: memref<5x128xi32, #tpu.memory_space<vmem>>, %arg8: memref<5x128xi32, #tpu.memory_space<vmem>>, %arg9: memref<5x128xi32, #tpu.memory_space<vmem>>, %arg10: memref<5x128xi32, #tpu.memory_space<vmem>>, %arg11: memref<640x32xf32, #tpu.memory_space<vmem>>, %arg12: memref<640x32xf32, #tpu.memory_space<vmem>>, %arg13: memref<!tpu.dma_semaphore, #tpu.memory_space<semaphore_mem>>, %arg14: memref<!tpu.dma_semaphore, #tpu.memory_space<semaphore_mem>>) attributes {dimension_semantics = [#tpu.dimension_semantics<core_parallel>, #tpu.dimension_semantics<subcore_parallel>], iteration_bounds = array<i64: 2, 16>, scalar_prefetch = 0 : i64, scratch_operands = 10 : i64, tpu.core_type = #tpu.core_type<sc_vector_subcore>, window_params = [{transform_indices = #map}, {transform_indices = #map1}, {transform_indices = #map1}]} {
    %mul3A = arith.constant 2 : i32
    %mul3A_0 = arith.muli %arg1, %mul3A : i32
    %add3A = arith.addi %mul3A_0, %arg0 : i32
    %mul3A_1 = arith.constant 640 : i32
    %mul3A_2 = arith.muli %arg1, %mul3A_1 : i32
    "tpu.region"() ({
      %run_scoped3A = tpu.sem_alloc : memref<!tpu.dma_semaphore, #tpu.memory_space<semaphore_mem>>
      %dma_start3A = arith.constant 0 : i32
      %dma_start3A_27 = tpu.memref_slice %arg2[%mul3A_2, %dma_start3A] : memref<10240x32xf32, #tpu.memory_space<hbm>> -> memref<640x32xf32, #tpu.memory_space<hbm>>
      %dma_start3A_28 = arith.constant 0 : i32
      %dma_start3A_29 = tpu.memref_slice %arg2[%mul3A_2, %dma_start3A_28] : memref<10240x32xf32, #tpu.memory_space<hbm>> -> memref<640x32xf32, #tpu.memory_space<hbm>>
      tpu.enqueue_dma source(%dma_start3A_29 : memref<640x32xf32, #tpu.memory_space<hbm>>) target(%arg11 : memref<640x32xf32, #tpu.memory_space<vmem>>) target_semaphore(%run_scoped3A : memref<!tpu.dma_semaphore, #tpu.memory_space<semaphore_mem>>)
      %dma_wait3A_30 = arith.constant 0 : i32
      %dma_wait3A_31 = tpu.memref_slice %arg2[%mul3A_2, %dma_wait3A_30] : memref<10240x32xf32, #tpu.memory_space<hbm>> -> memref<640x32xf32, #tpu.memory_space<hbm>>
      %dma_wait3A_32 = arith.constant 0 : i32
      %dma_wait3A_33 = tpu.memref_slice %arg2[%mul3A_2, %dma_wait3A_32] : memref<10240x32xf32, #tpu.memory_space<hbm>> -> memref<640x32xf32, #tpu.memory_space<hbm>>
      tpu.wait_dma2 semaphore(%run_scoped3A : memref<!tpu.dma_semaphore, #tpu.memory_space<semaphore_mem>>) src(%dma_wait3A_33 : memref<640x32xf32, #tpu.memory_space<hbm>>) dst(%arg11 : memref<640x32xf32, #tpu.memory_space<vmem>>)
      tpu.yield
    }) : () -> ()
    "tpu.region"() ({
      %run_scoped3A = tpu.sem_alloc : memref<!tpu.dma_semaphore, #tpu.memory_space<semaphore_mem>>
      %dma_start3A = arith.constant 0 : i32
      %dma_start3A_27 = tpu.memref_slice %arg6[%mul3A_2, %dma_start3A] : memref<10240x32xf32, #tpu.memory_space<vmem_shared>> -> memref<640x32xf32, #tpu.memory_space<vmem_shared>>
      %dma_start3A_28 = arith.constant 0 : i32
      %dma_start3A_29 = tpu.memref_slice %arg6[%mul3A_2, %dma_start3A_28] : memref<10240x32xf32, #tpu.memory_space<vmem_shared>> -> memref<640x32xf32, #tpu.memory_space<vmem_shared>>
      tpu.enqueue_dma source(%arg11 : memref<640x32xf32, #tpu.memory_space<vmem>>) target(%dma_start3A_29 : memref<640x32xf32, #tpu.memory_space<vmem_shared>>) target_semaphore(%run_scoped3A : memref<!tpu.dma_semaphore, #tpu.memory_space<semaphore_mem>>)
      %dma_wait3A_30 = arith.constant 0 : i32
      %dma_wait3A_31 = tpu.memref_slice %arg6[%mul3A_2, %dma_wait3A_30] : memref<10240x32xf32, #tpu.memory_space<vmem_shared>> -> memref<640x32xf32, #tpu.memory_space<vmem_shared>>
      %dma_wait3A_32 = arith.constant 0 : i32
      %dma_wait3A_33 = tpu.memref_slice %arg6[%mul3A_2, %dma_wait3A_32] : memref<10240x32xf32, #tpu.memory_space<vmem_shared>> -> memref<640x32xf32, #tpu.memory_space<vmem_shared>>
      tpu.wait_dma2 semaphore(%run_scoped3A : memref<!tpu.dma_semaphore, #tpu.memory_space<semaphore_mem>>) src(%arg11 : memref<640x32xf32, #tpu.memory_space<vmem>>) dst(%dma_wait3A_33 : memref<640x32xf32, #tpu.memory_space<vmem_shared>>)
      tpu.yield
    }) : () -> ()
    %eq3A = arith.constant 0 : i32
    %eq3A_3 = arith.cmpi eq, %arg0, %eq3A : i32
    %convert_element_type3A = arith.extui %eq3A_3 : i1 to i32
    %cond3A = arith.constant 0 : i32
    %cond3A_4 = arith.cmpi ne, %convert_element_type3A, %cond3A : i32
    scf.if %cond3A_4 {
      "tpu.region"() ({
        %run_scoped3A = tpu.sem_alloc : memref<!tpu.dma_semaphore, #tpu.memory_space<semaphore_mem>>
        %dma_start3A = arith.constant 0 : i32
        %dma_start3A_27 = tpu.memref_slice %arg5[%mul3A_2, %dma_start3A] : memref<10240x32xf32, #tpu.memory_space<vmem_shared>> -> memref<640x32xf32, #tpu.memory_space<vmem_shared>>
        %dma_start3A_28 = arith.constant 0 : i32
        %dma_start3A_29 = tpu.memref_slice %arg5[%mul3A_2, %dma_start3A_28] : memref<10240x32xf32, #tpu.memory_space<vmem_shared>> -> memref<640x32xf32, #tpu.memory_space<vmem_shared>>
        tpu.enqueue_dma source(%arg11 : memref<640x32xf32, #tpu.memory_space<vmem>>) target(%dma_start3A_29 : memref<640x32xf32, #tpu.memory_space<vmem_shared>>) target_semaphore(%run_scoped3A : memref<!tpu.dma_semaphore, #tpu.memory_space<semaphore_mem>>)
        %dma_wait3A_30 = arith.constant 0 : i32
        %dma_wait3A_31 = tpu.memref_slice %arg5[%mul3A_2, %dma_wait3A_30] : memref<10240x32xf32, #tpu.memory_space<vmem_shared>> -> memref<640x32xf32, #tpu.memory_space<vmem_shared>>
        %dma_wait3A_32 = arith.constant 0 : i32
        %dma_wait3A_33 = tpu.memref_slice %arg5[%mul3A_2, %dma_wait3A_32] : memref<10240x32xf32, #tpu.memory_space<vmem_shared>> -> memref<640x32xf32, #tpu.memory_space<vmem_shared>>
        tpu.wait_dma2 semaphore(%run_scoped3A : memref<!tpu.dma_semaphore, #tpu.memory_space<semaphore_mem>>) src(%arg11 : memref<640x32xf32, #tpu.memory_space<vmem>>) dst(%dma_wait3A_33 : memref<640x32xf32, #tpu.memory_space<vmem_shared>>)
        tpu.yield
      }) : () -> ()
    } else {
    }
    %ne3A = arith.constant 0 : i32
    %ne3A_5 = arith.cmpi ne, %arg0, %ne3A : i32
    %convert_element_type3A_6 = arith.extui %ne3A_5 : i1 to i32
    %cond3A_7 = arith.constant 0 : i32
    %cond3A_8 = arith.cmpi ne, %convert_element_type3A_6, %cond3A_7 : i32
    scf.if %cond3A_8 {
      %scan3A_27 = arith.constant 0 : i32
      %scan3A_28 = arith.constant 0 : i32
      %scan3A_29 = arith.constant 640 : i32
      %scan3A_30 = arith.addi %scan3A_28, %scan3A_29 : i32
      %scan3A_31 = arith.constant 1 : i32
      %scan3A_32 = scf.for %scan3A_34 = %scan3A_28 to %scan3A_30 step %scan3A_31 iter_args(%scan3A_35 = %scan3A_27) -> (i32)  : i32 {
        %broadcast_in_dim3A = arith.constant 0.000000e+00 : f32
        %broadcast_in_dim3A_36 = vector.broadcast %broadcast_in_dim3A : f32 to vector<16xf32>
        %swap3A = arith.index_cast %scan3A_34 : i32 to index
        %swap3A_37 = arith.constant 0 : index
        %swap3A_38 = tpu.vector_load %arg11[%swap3A, %swap3A_37] {strides = array<i32>} : memref<640x32xf32, #tpu.memory_space<vmem>>, vector<1x16xf32>,
        %swap3A_39 = vector.shape_cast %swap3A_38 : vector<1x16xf32> to vector<16xf32>
        %swap3A_40 = vector.shape_cast %broadcast_in_dim3A_36 : vector<16xf32> to vector<1x16xf32>
        tpu.vector_store %arg11[%swap3A, %swap3A_37], %swap3A_40 {strides = array<i32>} : memref<640x32xf32, #tpu.memory_space<vmem>>, vector<1x16xf32>,
        %broadcast_in_dim3A_41 = arith.constant 0.000000e+00 : f32
        %broadcast_in_dim3A_42 = vector.broadcast %broadcast_in_dim3A_41 : f32 to vector<16xf32>
        %swap3A_43 = arith.index_cast %scan3A_34 : i32 to index
        %swap3A_44 = arith.constant 16 : index
        %swap3A_45 = tpu.vector_load %arg11[%swap3A_43, %swap3A_44] {strides = array<i32>} : memref<640x32xf32, #tpu.memory_space<vmem>>, vector<1x16xf32>,
        %swap3A_46 = vector.shape_cast %swap3A_45 : vector<1x16xf32> to vector<16xf32>
        %swap3A_47 = vector.shape_cast %broadcast_in_dim3A_42 : vector<16xf32> to vector<1x16xf32>
        tpu.vector_store %arg11[%swap3A_43, %swap3A_44], %swap3A_47 {strides = array<i32>} : memref<640x32xf32, #tpu.memory_space<vmem>>, vector<1x16xf32>,
        %scan3A_48 = arith.constant 0 : i32
        scf.yield %scan3A_48 : i32
      }
      %scan3A_33 = arith.constant 640 : i32
      "tpu.region"() ({
        %run_scoped3A = tpu.sem_alloc : memref<!tpu.dma_semaphore, #tpu.memory_space<semaphore_mem>>
        %dma_start3A = arith.constant 0 : i32
        %dma_start3A_34 = tpu.memref_slice %arg5[%mul3A_2, %dma_start3A] : memref<10240x32xf32, #tpu.memory_space<vmem_shared>> -> memref<640x32xf32, #tpu.memory_space<vmem_shared>>
        %dma_start3A_35 = arith.constant 0 : i32
        %dma_start3A_36 = tpu.memref_slice %arg5[%mul3A_2, %dma_start3A_35] : memref<10240x32xf32, #tpu.memory_space<vmem_shared>> -> memref<640x32xf32, #tpu.memory_space<vmem_shared>>
        tpu.enqueue_dma source(%arg11 : memref<640x32xf32, #tpu.memory_space<vmem>>) target(%dma_start3A_36 : memref<640x32xf32, #tpu.memory_space<vmem_shared>>) target_semaphore(%run_scoped3A : memref<!tpu.dma_semaphore, #tpu.memory_space<semaphore_mem>>)
        %dma_wait3A_37 = arith.constant 0 : i32
        %dma_wait3A_38 = tpu.memref_slice %arg5[%mul3A_2, %dma_wait3A_37] : memref<10240x32xf32, #tpu.memory_space<vmem_shared>> -> memref<640x32xf32, #tpu.memory_space<vmem_shared>>
        %dma_wait3A_39 = arith.constant 0 : i32
        %dma_wait3A_40 = tpu.memref_slice %arg5[%mul3A_2, %dma_wait3A_39] : memref<10240x32xf32, #tpu.memory_space<vmem_shared>> -> memref<640x32xf32, #tpu.memory_space<vmem_shared>>
        tpu.wait_dma2 semaphore(%run_scoped3A : memref<!tpu.dma_semaphore, #tpu.memory_space<semaphore_mem>>) src(%arg11 : memref<640x32xf32, #tpu.memory_space<vmem>>) dst(%dma_wait3A_40 : memref<640x32xf32, #tpu.memory_space<vmem_shared>>)
        tpu.yield
      }) : () -> ()
    } else {
    }
    %barrier3A = arith.constant 0 : index
    tpu.barrier barrier_id(%barrier3A)
    %scan3A = arith.constant 0 : i32
    %scan3A_9 = arith.constant 0 : i32
    %scan3A_10 = arith.constant 8 : i32
    %scan3A_11 = arith.addi %scan3A_9, %scan3A_10 : i32
    %scan3A_12 = arith.constant 1 : i32
    %scan3A_13 = scf.for %scan3A_27 = %scan3A_9 to %scan3A_11 step %scan3A_12 iter_args(%scan3A_28 = %scan3A) -> (i32)  : i32 {
      %mul3A_29 = arith.constant 80 : i32
      %mul3A_30 = arith.muli %add3A, %mul3A_29 : i32
      %mul3A_31 = arith.constant 2 : i32
      %mul3A_32 = arith.muli %mul3A_31, %scan3A_27 : i32
      %mul3A_33 = arith.constant 5 : i32
      %mul3A_34 = arith.muli %mul3A_32, %mul3A_33 : i32
      %add3A_35 = arith.addi %mul3A_30, %mul3A_34 : i32
      %add3A_36 = arith.constant 5 : i32
      %add3A_37 = arith.addi %add3A_35, %add3A_36 : i32
      %gt3A = arith.constant 0 : i32
      %gt3A_38 = arith.cmpi sgt, %scan3A_27, %gt3A : i32
      %convert_element_type3A_39 = arith.extui %gt3A_38 : i1 to i32
      %cond3A_40 = arith.constant 0 : i32
      %cond3A_41 = arith.cmpi ne, %convert_element_type3A_39, %cond3A_40 : i32
      scf.if %cond3A_41 {
        %dma_wait3A_350 = arith.constant 0 : i32
        %dma_wait3A_351 = arith.constant 0 : i32
        %dma_wait3A_352 = tpu.memref_slice %arg2[%dma_wait3A_350, %dma_wait3A_351] : memref<10240x32xf32, #tpu.memory_space<hbm>> -> memref<640x32xf32, #tpu.memory_space<hbm>>
        %dma_wait3A_353 = arith.constant 0 : i32
        %dma_wait3A_354 = arith.constant 0 : i32
        %dma_wait3A_355 = tpu.memref_slice %arg2[%dma_wait3A_353, %dma_wait3A_354] : memref<10240x32xf32, #tpu.memory_space<hbm>> -> memref<640x32xf32, #tpu.memory_space<hbm>>
        tpu.wait_dma2 semaphore(%arg14 : memref<!tpu.dma_semaphore, #tpu.memory_space<semaphore_mem>>) src(%dma_wait3A_355 : memref<640x32xf32, #tpu.memory_space<hbm>>) dst(%arg11 : memref<640x32xf32, #tpu.memory_space<vmem>>)
      } else {
      }
      %run_scoped3A = arith.constant 0 : i32
      "tpu.region"() ({
        %run_scoped3A_350 = tpu.sem_alloc : memref<!tpu.dma_semaphore, #tpu.memory_space<semaphore_mem>>
        %dma_start3A_351 = arith.constant 0 : i32
        %dma_start3A_352 = tpu.memref_slice %arg3[%run_scoped3A, %add3A_35, %dma_start3A_351] : memref<2x2560x128xi32, #tpu.memory_space<hbm>> -> memref<1x5x128xi32, #tpu.memory_space<hbm>>
        %dma_start3A_353 = tpu.memref_squeeze %dma_start3A_352 : memref<1x5x128xi32, #tpu.memory_space<hbm>> -> memref<5x128xi32, #tpu.memory_space<hbm>>
        %dma_start3A_354 = arith.constant 0 : i32
        %dma_start3A_355 = tpu.memref_slice %arg3[%run_scoped3A, %add3A_35, %dma_start3A_354] : memref<2x2560x128xi32, #tpu.memory_space<hbm>> -> memref<1x5x128xi32, #tpu.memory_space<hbm>>
        %dma_start3A_356 = tpu.memref_squeeze %dma_start3A_355 : memref<1x5x128xi32, #tpu.memory_space<hbm>> -> memref<5x128xi32, #tpu.memory_space<hbm>>
        tpu.enqueue_dma source(%dma_start3A_356 : memref<5x128xi32, #tpu.memory_space<hbm>>) target(%arg7 : memref<5x128xi32, #tpu.memory_space<vmem>>) target_semaphore(%run_scoped3A_350 : memref<!tpu.dma_semaphore, #tpu.memory_space<semaphore_mem>>)
        %dma_wait3A_357 = arith.constant 0 : i32
        %dma_wait3A_358 = tpu.memref_slice %arg3[%run_scoped3A, %add3A_35, %dma_wait3A_357] : memref<2x2560x128xi32, #tpu.memory_space<hbm>> -> memref<1x5x128xi32, #tpu.memory_space<hbm>>
        %dma_wait3A_359 = tpu.memref_squeeze %dma_wait3A_358 : memref<1x5x128xi32, #tpu.memory_space<hbm>> -> memref<5x128xi32, #tpu.memory_space<hbm>>
        %dma_wait3A_360 = arith.constant 0 : i32
        %dma_wait3A_361 = tpu.memref_slice %arg3[%run_scoped3A, %add3A_35, %dma_wait3A_360] : memref<2x2560x128xi32, #tpu.memory_space<hbm>> -> memref<1x5x128xi32, #tpu.memory_space<hbm>>
        %dma_wait3A_362 = tpu.memref_squeeze %dma_wait3A_361 : memref<1x5x128xi32, #tpu.memory_space<hbm>> -> memref<5x128xi32, #tpu.memory_space<hbm>>
        tpu.wait_dma2 semaphore(%run_scoped3A_350 : memref<!tpu.dma_semaphore, #tpu.memory_space<semaphore_mem>>) src(%dma_wait3A_362 : memref<5x128xi32, #tpu.memory_space<hbm>>) dst(%arg7 : memref<5x128xi32, #tpu.memory_space<vmem>>)
        tpu.yield
      }) : () -> ()
      %run_scoped3A_42 = arith.constant 1 : i32
      "tpu.region"() ({
        %run_scoped3A_350 = tpu.sem_alloc : memref<!tpu.dma_semaphore, #tpu.memory_space<semaphore_mem>>
        %dma_start3A_351 = arith.constant 0 : i32
        %dma_start3A_352 = tpu.memref_slice %arg3[%run_scoped3A_42, %add3A_35, %dma_start3A_351] : memref<2x2560x128xi32, #tpu.memory_space<hbm>> -> memref<1x5x128xi32, #tpu.memory_space<hbm>>
        %dma_start3A_353 = tpu.memref_squeeze %dma_start3A_352 : memref<1x5x128xi32, #tpu.memory_space<hbm>> -> memref<5x128xi32, #tpu.memory_space<hbm>>
        %dma_start3A_354 = arith.constant 0 : i32
        %dma_start3A_355 = tpu.memref_slice %arg3[%run_scoped3A_42, %add3A_35, %dma_start3A_354] : memref<2x2560x128xi32, #tpu.memory_space<hbm>> -> memref<1x5x128xi32, #tpu.memory_space<hbm>>
        %dma_start3A_356 = tpu.memref_squeeze %dma_start3A_355 : memref<1x5x128xi32, #tpu.memory_space<hbm>> -> memref<5x128xi32, #tpu.memory_space<hbm>>
        tpu.enqueue_dma source(%dma_start3A_356 : memref<5x128xi32, #tpu.memory_space<hbm>>) target(%arg8 : memref<5x128xi32, #tpu.memory_space<vmem>>) target_semaphore(%run_scoped3A_350 : memref<!tpu.dma_semaphore, #tpu.memory_space<semaphore_mem>>)
        %dma_wait3A_357 = arith.constant 0 : i32
        %dma_wait3A_358 = tpu.memref_slice %arg3[%run_scoped3A_42, %add3A_35, %dma_wait3A_357] : memref<2x2560x128xi32, #tpu.memory_space<hbm>> -> memref<1x5x128xi32, #tpu.memory_space<hbm>>
        %dma_wait3A_359 = tpu.memref_squeeze %dma_wait3A_358 : memref<1x5x128xi32, #tpu.memory_space<hbm>> -> memref<5x128xi32, #tpu.memory_space<hbm>>
        %dma_wait3A_360 = arith.constant 0 : i32
        %dma_wait3A_361 = tpu.memref_slice %arg3[%run_scoped3A_42, %add3A_35, %dma_wait3A_360] : memref<2x2560x128xi32, #tpu.memory_space<hbm>> -> memref<1x5x128xi32, #tpu.memory_space<hbm>>
        %dma_wait3A_362 = tpu.memref_squeeze %dma_wait3A_361 : memref<1x5x128xi32, #tpu.memory_space<hbm>> -> memref<5x128xi32, #tpu.memory_space<hbm>>
        tpu.wait_dma2 semaphore(%run_scoped3A_350 : memref<!tpu.dma_semaphore, #tpu.memory_space<semaphore_mem>>) src(%dma_wait3A_362 : memref<5x128xi32, #tpu.memory_space<hbm>>) dst(%arg8 : memref<5x128xi32, #tpu.memory_space<vmem>>)
        tpu.yield
      }) : () -> ()
      %dma_start3A = arith.constant 0 : i32
      %dma_start3A_43 = arith.constant 0 : i32
      %dma_start3A_44 = arith.constant 0 : i32
      %dma_start3A_45 = tpu.memref_slice %arg11[%dma_start3A_43, %dma_start3A_44] : memref<640x32xf32, #tpu.memory_space<vmem>> -> memref<128x32xf32, #tpu.memory_space<vmem>>
      %dma_start3A_46 = arith.constant 0 : i32
      %dma_start3A_47 = tpu.memref_slice %arg7[%dma_start3A, %dma_start3A_46] : memref<5x128xi32, #tpu.memory_space<vmem>> -> memref<1x128xi32, #tpu.memory_space<vmem>>
      %dma_start3A_48 = tpu.memref_squeeze %dma_start3A_47 : memref<1x128xi32, #tpu.memory_space<vmem>> -> memref<128xi32, #tpu.memory_space<vmem>>
      %dma_start3A_49 = arith.constant 0 : i32
      %dma_start3A_50 = arith.constant 0 : i32
      %dma_start3A_51 = tpu.memref_slice %arg6[%dma_start3A_49, %dma_start3A_50] : memref<10240x32xf32, #tpu.memory_space<vmem_shared>> -> memref<10240x32xf32, #tpu.memory_space<vmem_shared>>
      tpu.enqueue_indirect_dma source(%dma_start3A_51 : memref<10240x32xf32, #tpu.memory_space<vmem_shared>>) target(%dma_start3A_45 : memref<128x32xf32, #tpu.memory_space<vmem>>) offsets(%dma_start3A_48 : memref<128xi32, #tpu.memory_space<vmem>>) semaphore(%arg13 : memref<!tpu.dma_semaphore, #tpu.memory_space<semaphore_mem>>)
      %dma_start3A_52 = arith.constant 1 : i32
      %dma_start3A_53 = arith.constant 128 : i32
      %dma_start3A_54 = arith.constant 0 : i32
      %dma_start3A_55 = tpu.memref_slice %arg11[%dma_start3A_53, %dma_start3A_54] : memref<640x32xf32, #tpu.memory_space<vmem>> -> memref<128x32xf32, #tpu.memory_space<vmem>>
      %dma_start3A_56 = arith.constant 0 : i32
      %dma_start3A_57 = tpu.memref_slice %arg7[%dma_start3A_52, %dma_start3A_56] : memref<5x128xi32, #tpu.memory_space<vmem>> -> memref<1x128xi32, #tpu.memory_space<vmem>>
      %dma_start3A_58 = tpu.memref_squeeze %dma_start3A_57 : memref<1x128xi32, #tpu.memory_space<vmem>> -> memref<128xi32, #tpu.memory_space<vmem>>
      %dma_start3A_59 = arith.constant 0 : i32
      %dma_start3A_60 = arith.constant 0 : i32
      %dma_start3A_61 = tpu.memref_slice %arg6[%dma_start3A_59, %dma_start3A_60] : memref<10240x32xf32, #tpu.memory_space<vmem_shared>> -> memref<10240x32xf32, #tpu.memory_space<vmem_shared>>
      tpu.enqueue_indirect_dma source(%dma_start3A_61 : memref<10240x32xf32, #tpu.memory_space<vmem_shared>>) target(%dma_start3A_55 : memref<128x32xf32, #tpu.memory_space<vmem>>) offsets(%dma_start3A_58 : memref<128xi32, #tpu.memory_space<vmem>>) semaphore(%arg13 : memref<!tpu.dma_semaphore, #tpu.memory_space<semaphore_mem>>)
      %dma_start3A_62 = arith.constant 2 : i32
      %dma_start3A_63 = arith.constant 256 : i32
      %dma_start3A_64 = arith.constant 0 : i32
      %dma_start3A_65 = tpu.memref_slice %arg11[%dma_start3A_63, %dma_start3A_64] : memref<640x32xf32, #tpu.memory_space<vmem>> -> memref<128x32xf32, #tpu.memory_space<vmem>>
      %dma_start3A_66 = arith.constant 0 : i32
      %dma_start3A_67 = tpu.memref_slice %arg7[%dma_start3A_62, %dma_start3A_66] : memref<5x128xi32, #tpu.memory_space<vmem>> -> memref<1x128xi32, #tpu.memory_space<vmem>>
      %dma_start3A_68 = tpu.memref_squeeze %dma_start3A_67 : memref<1x128xi32, #tpu.memory_space<vmem>> -> memref<128xi32, #tpu.memory_space<vmem>>
      %dma_start3A_69 = arith.constant 0 : i32
      %dma_start3A_70 = arith.constant 0 : i32
      %dma_start3A_71 = tpu.memref_slice %arg6[%dma_start3A_69, %dma_start3A_70] : memref<10240x32xf32, #tpu.memory_space<vmem_shared>> -> memref<10240x32xf32, #tpu.memory_space<vmem_shared>>
      tpu.enqueue_indirect_dma source(%dma_start3A_71 : memref<10240x32xf32, #tpu.memory_space<vmem_shared>>) target(%dma_start3A_65 : memref<128x32xf32, #tpu.memory_space<vmem>>) offsets(%dma_start3A_68 : memref<128xi32, #tpu.memory_space<vmem>>) semaphore(%arg13 : memref<!tpu.dma_semaphore, #tpu.memory_space<semaphore_mem>>)
      %dma_start3A_72 = arith.constant 3 : i32
      %dma_start3A_73 = arith.constant 384 : i32
      %dma_start3A_74 = arith.constant 0 : i32
      %dma_start3A_75 = tpu.memref_slice %arg11[%dma_start3A_73, %dma_start3A_74] : memref<640x32xf32, #tpu.memory_space<vmem>> -> memref<128x32xf32, #tpu.memory_space<vmem>>
      %dma_start3A_76 = arith.constant 0 : i32
      %dma_start3A_77 = tpu.memref_slice %arg7[%dma_start3A_72, %dma_start3A_76] : memref<5x128xi32, #tpu.memory_space<vmem>> -> memref<1x128xi32, #tpu.memory_space<vmem>>
      %dma_start3A_78 = tpu.memref_squeeze %dma_start3A_77 : memref<1x128xi32, #tpu.memory_space<vmem>> -> memref<128xi32, #tpu.memory_space<vmem>>
      %dma_start3A_79 = arith.constant 0 : i32
      %dma_start3A_80 = arith.constant 0 : i32
      %dma_start3A_81 = tpu.memref_slice %arg6[%dma_start3A_79, %dma_start3A_80] : memref<10240x32xf32, #tpu.memory_space<vmem_shared>> -> memref<10240x32xf32, #tpu.memory_space<vmem_shared>>
      tpu.enqueue_indirect_dma source(%dma_start3A_81 : memref<10240x32xf32, #tpu.memory_space<vmem_shared>>) target(%dma_start3A_75 : memref<128x32xf32, #tpu.memory_space<vmem>>) offsets(%dma_start3A_78 : memref<128xi32, #tpu.memory_space<vmem>>) semaphore(%arg13 : memref<!tpu.dma_semaphore, #tpu.memory_space<semaphore_mem>>)
      %dma_start3A_82 = arith.constant 4 : i32
      %dma_start3A_83 = arith.constant 512 : i32
      %dma_start3A_84 = arith.constant 0 : i32
      %dma_start3A_85 = tpu.memref_slice %arg11[%dma_start3A_83, %dma_start3A_84] : memref<640x32xf32, #tpu.memory_space<vmem>> -> memref<128x32xf32, #tpu.memory_space<vmem>>
      %dma_start3A_86 = arith.constant 0 : i32
      %dma_start3A_87 = tpu.memref_slice %arg7[%dma_start3A_82, %dma_start3A_86] : memref<5x128xi32, #tpu.memory_space<vmem>> -> memref<1x128xi32, #tpu.memory_space<vmem>>
      %dma_start3A_88 = tpu.memref_squeeze %dma_start3A_87 : memref<1x128xi32, #tpu.memory_space<vmem>> -> memref<128xi32, #tpu.memory_space<vmem>>
      %dma_start3A_89 = arith.constant 0 : i32
      %dma_start3A_90 = arith.constant 0 : i32
      %dma_start3A_91 = tpu.memref_slice %arg6[%dma_start3A_89, %dma_start3A_90] : memref<10240x32xf32, #tpu.memory_space<vmem_shared>> -> memref<10240x32xf32, #tpu.memory_space<vmem_shared>>
      tpu.enqueue_indirect_dma source(%dma_start3A_91 : memref<10240x32xf32, #tpu.memory_space<vmem_shared>>) target(%dma_start3A_85 : memref<128x32xf32, #tpu.memory_space<vmem>>) offsets(%dma_start3A_88 : memref<128xi32, #tpu.memory_space<vmem>>) semaphore(%arg13 : memref<!tpu.dma_semaphore, #tpu.memory_space<semaphore_mem>>)
      %dma_wait3A_92 = arith.constant 0 : i32
      %dma_wait3A_93 = arith.constant 0 : i32
      %dma_wait3A_94 = arith.constant 0 : i32
      %dma_wait3A_95 = tpu.memref_slice %arg11[%dma_wait3A_93, %dma_wait3A_94] : memref<640x32xf32, #tpu.memory_space<vmem>> -> memref<128x32xf32, #tpu.memory_space<vmem>>
      %dma_wait3A_96 = arith.constant 0 : i32
      %dma_wait3A_97 = tpu.memref_slice %arg7[%dma_wait3A_92, %dma_wait3A_96] : memref<5x128xi32, #tpu.memory_space<vmem>> -> memref<1x128xi32, #tpu.memory_space<vmem>>
      %dma_wait3A_98 = tpu.memref_squeeze %dma_wait3A_97 : memref<1x128xi32, #tpu.memory_space<vmem>> -> memref<128xi32, #tpu.memory_space<vmem>>
      %dma_wait3A_99 = arith.constant 0 : i32
      %dma_wait3A_100 = arith.constant 0 : i32
      %dma_wait3A_101 = tpu.memref_slice %arg6[%dma_wait3A_99, %dma_wait3A_100] : memref<10240x32xf32, #tpu.memory_space<vmem_shared>> -> memref<10240x32xf32, #tpu.memory_space<vmem_shared>>
      tpu.wait_indirect_dma semaphore(%arg13 : memref<!tpu.dma_semaphore, #tpu.memory_space<semaphore_mem>>) src(%dma_wait3A_101 : memref<10240x32xf32, #tpu.memory_space<vmem_shared>>) dst(%dma_wait3A_95 : memref<128x32xf32, #tpu.memory_space<vmem>>)
      %dma_start3A_102 = arith.constant 0 : i32
      %dma_start3A_103 = arith.constant 0 : i32
      %dma_start3A_104 = arith.constant 0 : i32
      %dma_start3A_105 = tpu.memref_slice %arg11[%dma_start3A_103, %dma_start3A_104] : memref<640x32xf32, #tpu.memory_space<vmem>> -> memref<128x32xf32, #tpu.memory_space<vmem>>
      %dma_start3A_106 = arith.constant 0 : i32
      %dma_start3A_107 = tpu.memref_slice %arg8[%dma_start3A_102, %dma_start3A_106] : memref<5x128xi32, #tpu.memory_space<vmem>> -> memref<1x128xi32, #tpu.memory_space<vmem>>
      %dma_start3A_108 = tpu.memref_squeeze %dma_start3A_107 : memref<1x128xi32, #tpu.memory_space<vmem>> -> memref<128xi32, #tpu.memory_space<vmem>>
      %dma_start3A_109 = arith.constant 0 : i32
      %dma_start3A_110 = arith.constant 0 : i32
      %dma_start3A_111 = tpu.memref_slice %arg5[%dma_start3A_109, %dma_start3A_110] : memref<10240x32xf32, #tpu.memory_space<vmem_shared>> -> memref<10240x32xf32, #tpu.memory_space<vmem_shared>>
      tpu.enqueue_indirect_dma source(%dma_start3A_105 : memref<128x32xf32, #tpu.memory_space<vmem>>) target(%dma_start3A_111 : memref<10240x32xf32, #tpu.memory_space<vmem_shared>>) offsets(%dma_start3A_108 : memref<128xi32, #tpu.memory_space<vmem>>) semaphore(%arg14 : memref<!tpu.dma_semaphore, #tpu.memory_space<semaphore_mem>>) {add = true}
      %dma_wait3A_112 = arith.constant 1 : i32
      %dma_wait3A_113 = arith.constant 128 : i32
      %dma_wait3A_114 = arith.constant 0 : i32
      %dma_wait3A_115 = tpu.memref_slice %arg11[%dma_wait3A_113, %dma_wait3A_114] : memref<640x32xf32, #tpu.memory_space<vmem>> -> memref<128x32xf32, #tpu.memory_space<vmem>>
      %dma_wait3A_116 = arith.constant 0 : i32
      %dma_wait3A_117 = tpu.memref_slice %arg7[%dma_wait3A_112, %dma_wait3A_116] : memref<5x128xi32, #tpu.memory_space<vmem>> -> memref<1x128xi32, #tpu.memory_space<vmem>>
      %dma_wait3A_118 = tpu.memref_squeeze %dma_wait3A_117 : memref<1x128xi32, #tpu.memory_space<vmem>> -> memref<128xi32, #tpu.memory_space<vmem>>
      %dma_wait3A_119 = arith.constant 0 : i32
      %dma_wait3A_120 = arith.constant 0 : i32
      %dma_wait3A_121 = tpu.memref_slice %arg6[%dma_wait3A_119, %dma_wait3A_120] : memref<10240x32xf32, #tpu.memory_space<vmem_shared>> -> memref<10240x32xf32, #tpu.memory_space<vmem_shared>>
      tpu.wait_indirect_dma semaphore(%arg13 : memref<!tpu.dma_semaphore, #tpu.memory_space<semaphore_mem>>) src(%dma_wait3A_121 : memref<10240x32xf32, #tpu.memory_space<vmem_shared>>) dst(%dma_wait3A_115 : memref<128x32xf32, #tpu.memory_space<vmem>>)
      %dma_start3A_122 = arith.constant 1 : i32
      %dma_start3A_123 = arith.constant 128 : i32
      %dma_start3A_124 = arith.constant 0 : i32
      %dma_start3A_125 = tpu.memref_slice %arg11[%dma_start3A_123, %dma_start3A_124] : memref<640x32xf32, #tpu.memory_space<vmem>> -> memref<128x32xf32, #tpu.memory_space<vmem>>
      %dma_start3A_126 = arith.constant 0 : i32
      %dma_start3A_127 = tpu.memref_slice %arg8[%dma_start3A_122, %dma_start3A_126] : memref<5x128xi32, #tpu.memory_space<vmem>> -> memref<1x128xi32, #tpu.memory_space<vmem>>
      %dma_start3A_128 = tpu.memref_squeeze %dma_start3A_127 : memref<1x128xi32, #tpu.memory_space<vmem>> -> memref<128xi32, #tpu.memory_space<vmem>>
      %dma_start3A_129 = arith.constant 0 : i32
      %dma_start3A_130 = arith.constant 0 : i32
      %dma_start3A_131 = tpu.memref_slice %arg5[%dma_start3A_129, %dma_start3A_130] : memref<10240x32xf32, #tpu.memory_space<vmem_shared>> -> memref<10240x32xf32, #tpu.memory_space<vmem_shared>>
      tpu.enqueue_indirect_dma source(%dma_start3A_125 : memref<128x32xf32, #tpu.memory_space<vmem>>) target(%dma_start3A_131 : memref<10240x32xf32, #tpu.memory_space<vmem_shared>>) offsets(%dma_start3A_128 : memref<128xi32, #tpu.memory_space<vmem>>) semaphore(%arg14 : memref<!tpu.dma_semaphore, #tpu.memory_space<semaphore_mem>>) {add = true}
      %dma_wait3A_132 = arith.constant 2 : i32
      %dma_wait3A_133 = arith.constant 256 : i32
      %dma_wait3A_134 = arith.constant 0 : i32
      %dma_wait3A_135 = tpu.memref_slice %arg11[%dma_wait3A_133, %dma_wait3A_134] : memref<640x32xf32, #tpu.memory_space<vmem>> -> memref<128x32xf32, #tpu.memory_space<vmem>>
      %dma_wait3A_136 = arith.constant 0 : i32
      %dma_wait3A_137 = tpu.memref_slice %arg7[%dma_wait3A_132, %dma_wait3A_136] : memref<5x128xi32, #tpu.memory_space<vmem>> -> memref<1x128xi32, #tpu.memory_space<vmem>>
      %dma_wait3A_138 = tpu.memref_squeeze %dma_wait3A_137 : memref<1x128xi32, #tpu.memory_space<vmem>> -> memref<128xi32, #tpu.memory_space<vmem>>
      %dma_wait3A_139 = arith.constant 0 : i32
      %dma_wait3A_140 = arith.constant 0 : i32
      %dma_wait3A_141 = tpu.memref_slice %arg6[%dma_wait3A_139, %dma_wait3A_140] : memref<10240x32xf32, #tpu.memory_space<vmem_shared>> -> memref<10240x32xf32, #tpu.memory_space<vmem_shared>>
      tpu.wait_indirect_dma semaphore(%arg13 : memref<!tpu.dma_semaphore, #tpu.memory_space<semaphore_mem>>) src(%dma_wait3A_141 : memref<10240x32xf32, #tpu.memory_space<vmem_shared>>) dst(%dma_wait3A_135 : memref<128x32xf32, #tpu.memory_space<vmem>>)
      %dma_start3A_142 = arith.constant 2 : i32
      %dma_start3A_143 = arith.constant 256 : i32
      %dma_start3A_144 = arith.constant 0 : i32
      %dma_start3A_145 = tpu.memref_slice %arg11[%dma_start3A_143, %dma_start3A_144] : memref<640x32xf32, #tpu.memory_space<vmem>> -> memref<128x32xf32, #tpu.memory_space<vmem>>
      %dma_start3A_146 = arith.constant 0 : i32
      %dma_start3A_147 = tpu.memref_slice %arg8[%dma_start3A_142, %dma_start3A_146] : memref<5x128xi32, #tpu.memory_space<vmem>> -> memref<1x128xi32, #tpu.memory_space<vmem>>
      %dma_start3A_148 = tpu.memref_squeeze %dma_start3A_147 : memref<1x128xi32, #tpu.memory_space<vmem>> -> memref<128xi32, #tpu.memory_space<vmem>>
      %dma_start3A_149 = arith.constant 0 : i32
      %dma_start3A_150 = arith.constant 0 : i32
      %dma_start3A_151 = tpu.memref_slice %arg5[%dma_start3A_149, %dma_start3A_150] : memref<10240x32xf32, #tpu.memory_space<vmem_shared>> -> memref<10240x32xf32, #tpu.memory_space<vmem_shared>>
      tpu.enqueue_indirect_dma source(%dma_start3A_145 : memref<128x32xf32, #tpu.memory_space<vmem>>) target(%dma_start3A_151 : memref<10240x32xf32, #tpu.memory_space<vmem_shared>>) offsets(%dma_start3A_148 : memref<128xi32, #tpu.memory_space<vmem>>) semaphore(%arg14 : memref<!tpu.dma_semaphore, #tpu.memory_space<semaphore_mem>>) {add = true}
      %dma_wait3A_152 = arith.constant 3 : i32
      %dma_wait3A_153 = arith.constant 384 : i32
      %dma_wait3A_154 = arith.constant 0 : i32
      %dma_wait3A_155 = tpu.memref_slice %arg11[%dma_wait3A_153, %dma_wait3A_154] : memref<640x32xf32, #tpu.memory_space<vmem>> -> memref<128x32xf32, #tpu.memory_space<vmem>>
      %dma_wait3A_156 = arith.constant 0 : i32
      %dma_wait3A_157 = tpu.memref_slice %arg7[%dma_wait3A_152, %dma_wait3A_156] : memref<5x128xi32, #tpu.memory_space<vmem>> -> memref<1x128xi32, #tpu.memory_space<vmem>>
      %dma_wait3A_158 = tpu.memref_squeeze %dma_wait3A_157 : memref<1x128xi32, #tpu.memory_space<vmem>> -> memref<128xi32, #tpu.memory_space<vmem>>
      %dma_wait3A_159 = arith.constant 0 : i32
      %dma_wait3A_160 = arith.constant 0 : i32
      %dma_wait3A_161 = tpu.memref_slice %arg6[%dma_wait3A_159, %dma_wait3A_160] : memref<10240x32xf32, #tpu.memory_space<vmem_shared>> -> memref<10240x32xf32, #tpu.memory_space<vmem_shared>>
      tpu.wait_indirect_dma semaphore(%arg13 : memref<!tpu.dma_semaphore, #tpu.memory_space<semaphore_mem>>) src(%dma_wait3A_161 : memref<10240x32xf32, #tpu.memory_space<vmem_shared>>) dst(%dma_wait3A_155 : memref<128x32xf32, #tpu.memory_space<vmem>>)
      %dma_start3A_162 = arith.constant 3 : i32
      %dma_start3A_163 = arith.constant 384 : i32
      %dma_start3A_164 = arith.constant 0 : i32
      %dma_start3A_165 = tpu.memref_slice %arg11[%dma_start3A_163, %dma_start3A_164] : memref<640x32xf32, #tpu.memory_space<vmem>> -> memref<128x32xf32, #tpu.memory_space<vmem>>
      %dma_start3A_166 = arith.constant 0 : i32
      %dma_start3A_167 = tpu.memref_slice %arg8[%dma_start3A_162, %dma_start3A_166] : memref<5x128xi32, #tpu.memory_space<vmem>> -> memref<1x128xi32, #tpu.memory_space<vmem>>
      %dma_start3A_168 = tpu.memref_squeeze %dma_start3A_167 : memref<1x128xi32, #tpu.memory_space<vmem>> -> memref<128xi32, #tpu.memory_space<vmem>>
      %dma_start3A_169 = arith.constant 0 : i32
      %dma_start3A_170 = arith.constant 0 : i32
      %dma_start3A_171 = tpu.memref_slice %arg5[%dma_start3A_169, %dma_start3A_170] : memref<10240x32xf32, #tpu.memory_space<vmem_shared>> -> memref<10240x32xf32, #tpu.memory_space<vmem_shared>>
      tpu.enqueue_indirect_dma source(%dma_start3A_165 : memref<128x32xf32, #tpu.memory_space<vmem>>) target(%dma_start3A_171 : memref<10240x32xf32, #tpu.memory_space<vmem_shared>>) offsets(%dma_start3A_168 : memref<128xi32, #tpu.memory_space<vmem>>) semaphore(%arg14 : memref<!tpu.dma_semaphore, #tpu.memory_space<semaphore_mem>>) {add = true}
      %dma_wait3A_172 = arith.constant 4 : i32
      %dma_wait3A_173 = arith.constant 512 : i32
      %dma_wait3A_174 = arith.constant 0 : i32
      %dma_wait3A_175 = tpu.memref_slice %arg11[%dma_wait3A_173, %dma_wait3A_174] : memref<640x32xf32, #tpu.memory_space<vmem>> -> memref<128x32xf32, #tpu.memory_space<vmem>>
      %dma_wait3A_176 = arith.constant 0 : i32
      %dma_wait3A_177 = tpu.memref_slice %arg7[%dma_wait3A_172, %dma_wait3A_176] : memref<5x128xi32, #tpu.memory_space<vmem>> -> memref<1x128xi32, #tpu.memory_space<vmem>>
      %dma_wait3A_178 = tpu.memref_squeeze %dma_wait3A_177 : memref<1x128xi32, #tpu.memory_space<vmem>> -> memref<128xi32, #tpu.memory_space<vmem>>
      %dma_wait3A_179 = arith.constant 0 : i32
      %dma_wait3A_180 = arith.constant 0 : i32
      %dma_wait3A_181 = tpu.memref_slice %arg6[%dma_wait3A_179, %dma_wait3A_180] : memref<10240x32xf32, #tpu.memory_space<vmem_shared>> -> memref<10240x32xf32, #tpu.memory_space<vmem_shared>>
      tpu.wait_indirect_dma semaphore(%arg13 : memref<!tpu.dma_semaphore, #tpu.memory_space<semaphore_mem>>) src(%dma_wait3A_181 : memref<10240x32xf32, #tpu.memory_space<vmem_shared>>) dst(%dma_wait3A_175 : memref<128x32xf32, #tpu.memory_space<vmem>>)
      %dma_start3A_182 = arith.constant 4 : i32
      %dma_start3A_183 = arith.constant 512 : i32
      %dma_start3A_184 = arith.constant 0 : i32
      %dma_start3A_185 = tpu.memref_slice %arg11[%dma_start3A_183, %dma_start3A_184] : memref<640x32xf32, #tpu.memory_space<vmem>> -> memref<128x32xf32, #tpu.memory_space<vmem>>
      %dma_start3A_186 = arith.constant 0 : i32
      %dma_start3A_187 = tpu.memref_slice %arg8[%dma_start3A_182, %dma_start3A_186] : memref<5x128xi32, #tpu.memory_space<vmem>> -> memref<1x128xi32, #tpu.memory_space<vmem>>
      %dma_start3A_188 = tpu.memref_squeeze %dma_start3A_187 : memref<1x128xi32, #tpu.memory_space<vmem>> -> memref<128xi32, #tpu.memory_space<vmem>>
      %dma_start3A_189 = arith.constant 0 : i32
      %dma_start3A_190 = arith.constant 0 : i32
      %dma_start3A_191 = tpu.memref_slice %arg5[%dma_start3A_189, %dma_start3A_190] : memref<10240x32xf32, #tpu.memory_space<vmem_shared>> -> memref<10240x32xf32, #tpu.memory_space<vmem_shared>>
      tpu.enqueue_indirect_dma source(%dma_start3A_185 : memref<128x32xf32, #tpu.memory_space<vmem>>) target(%dma_start3A_191 : memref<10240x32xf32, #tpu.memory_space<vmem_shared>>) offsets(%dma_start3A_188 : memref<128xi32, #tpu.memory_space<vmem>>) semaphore(%arg14 : memref<!tpu.dma_semaphore, #tpu.memory_space<semaphore_mem>>) {add = true}
      %gt3A_192 = arith.constant 0 : i32
      %gt3A_193 = arith.cmpi sgt, %scan3A_27, %gt3A_192 : i32
      %convert_element_type3A_194 = arith.extui %gt3A_193 : i1 to i32
      %cond3A_195 = arith.constant 0 : i32
      %cond3A_196 = arith.cmpi ne, %convert_element_type3A_194, %cond3A_195 : i32
      scf.if %cond3A_196 {
        %dma_wait3A_350 = arith.constant 0 : i32
        %dma_wait3A_351 = arith.constant 0 : i32
        %dma_wait3A_352 = tpu.memref_slice %arg2[%dma_wait3A_350, %dma_wait3A_351] : memref<10240x32xf32, #tpu.memory_space<hbm>> -> memref<640x32xf32, #tpu.memory_space<hbm>>
        %dma_wait3A_353 = arith.constant 0 : i32
        %dma_wait3A_354 = arith.constant 0 : i32
        %dma_wait3A_355 = tpu.memref_slice %arg2[%dma_wait3A_353, %dma_wait3A_354] : memref<10240x32xf32, #tpu.memory_space<hbm>> -> memref<640x32xf32, #tpu.memory_space<hbm>>
        tpu.wait_dma2 semaphore(%arg14 : memref<!tpu.dma_semaphore, #tpu.memory_space<semaphore_mem>>) src(%dma_wait3A_355 : memref<640x32xf32, #tpu.memory_space<hbm>>) dst(%arg12 : memref<640x32xf32, #tpu.memory_space<vmem>>)
      } else {
      }
      %run_scoped3A_197 = arith.constant 0 : i32
      "tpu.region"() ({
        %run_scoped3A_350 = tpu.sem_alloc : memref<!tpu.dma_semaphore, #tpu.memory_space<semaphore_mem>>
        %dma_start3A_351 = arith.constant 0 : i32
        %dma_start3A_352 = tpu.memref_slice %arg3[%run_scoped3A_197, %add3A_37, %dma_start3A_351] : memref<2x2560x128xi32, #tpu.memory_space<hbm>> -> memref<1x5x128xi32, #tpu.memory_space<hbm>>
        %dma_start3A_353 = tpu.memref_squeeze %dma_start3A_352 : memref<1x5x128xi32, #tpu.memory_space<hbm>> -> memref<5x128xi32, #tpu.memory_space<hbm>>
        %dma_start3A_354 = arith.constant 0 : i32
        %dma_start3A_355 = tpu.memref_slice %arg3[%run_scoped3A_197, %add3A_37, %dma_start3A_354] : memref<2x2560x128xi32, #tpu.memory_space<hbm>> -> memref<1x5x128xi32, #tpu.memory_space<hbm>>
        %dma_start3A_356 = tpu.memref_squeeze %dma_start3A_355 : memref<1x5x128xi32, #tpu.memory_space<hbm>> -> memref<5x128xi32, #tpu.memory_space<hbm>>
        tpu.enqueue_dma source(%dma_start3A_356 : memref<5x128xi32, #tpu.memory_space<hbm>>) target(%arg9 : memref<5x128xi32, #tpu.memory_space<vmem>>) target_semaphore(%run_scoped3A_350 : memref<!tpu.dma_semaphore, #tpu.memory_space<semaphore_mem>>)
        %dma_wait3A_357 = arith.constant 0 : i32
        %dma_wait3A_358 = tpu.memref_slice %arg3[%run_scoped3A_197, %add3A_37, %dma_wait3A_357] : memref<2x2560x128xi32, #tpu.memory_space<hbm>> -> memref<1x5x128xi32, #tpu.memory_space<hbm>>
        %dma_wait3A_359 = tpu.memref_squeeze %dma_wait3A_358 : memref<1x5x128xi32, #tpu.memory_space<hbm>> -> memref<5x128xi32, #tpu.memory_space<hbm>>
        %dma_wait3A_360 = arith.constant 0 : i32
        %dma_wait3A_361 = tpu.memref_slice %arg3[%run_scoped3A_197, %add3A_37, %dma_wait3A_360] : memref<2x2560x128xi32, #tpu.memory_space<hbm>> -> memref<1x5x128xi32, #tpu.memory_space<hbm>>
        %dma_wait3A_362 = tpu.memref_squeeze %dma_wait3A_361 : memref<1x5x128xi32, #tpu.memory_space<hbm>> -> memref<5x128xi32, #tpu.memory_space<hbm>>
        tpu.wait_dma2 semaphore(%run_scoped3A_350 : memref<!tpu.dma_semaphore, #tpu.memory_space<semaphore_mem>>) src(%dma_wait3A_362 : memref<5x128xi32, #tpu.memory_space<hbm>>) dst(%arg9 : memref<5x128xi32, #tpu.memory_space<vmem>>)
        tpu.yield
      }) : () -> ()
      %run_scoped3A_198 = arith.constant 1 : i32
      "tpu.region"() ({
        %run_scoped3A_350 = tpu.sem_alloc : memref<!tpu.dma_semaphore, #tpu.memory_space<semaphore_mem>>
        %dma_start3A_351 = arith.constant 0 : i32
        %dma_start3A_352 = tpu.memref_slice %arg3[%run_scoped3A_198, %add3A_37, %dma_start3A_351] : memref<2x2560x128xi32, #tpu.memory_space<hbm>> -> memref<1x5x128xi32, #tpu.memory_space<hbm>>
        %dma_start3A_353 = tpu.memref_squeeze %dma_start3A_352 : memref<1x5x128xi32, #tpu.memory_space<hbm>> -> memref<5x128xi32, #tpu.memory_space<hbm>>
        %dma_start3A_354 = arith.constant 0 : i32
        %dma_start3A_355 = tpu.memref_slice %arg3[%run_scoped3A_198, %add3A_37, %dma_start3A_354] : memref<2x2560x128xi32, #tpu.memory_space<hbm>> -> memref<1x5x128xi32, #tpu.memory_space<hbm>>
        %dma_start3A_356 = tpu.memref_squeeze %dma_start3A_355 : memref<1x5x128xi32, #tpu.memory_space<hbm>> -> memref<5x128xi32, #tpu.memory_space<hbm>>
        tpu.enqueue_dma source(%dma_start3A_356 : memref<5x128xi32, #tpu.memory_space<hbm>>) target(%arg10 : memref<5x128xi32, #tpu.memory_space<vmem>>) target_semaphore(%run_scoped3A_350 : memref<!tpu.dma_semaphore, #tpu.memory_space<semaphore_mem>>)
        %dma_wait3A_357 = arith.constant 0 : i32
        %dma_wait3A_358 = tpu.memref_slice %arg3[%run_scoped3A_198, %add3A_37, %dma_wait3A_357] : memref<2x2560x128xi32, #tpu.memory_space<hbm>> -> memref<1x5x128xi32, #tpu.memory_space<hbm>>
        %dma_wait3A_359 = tpu.memref_squeeze %dma_wait3A_358 : memref<1x5x128xi32, #tpu.memory_space<hbm>> -> memref<5x128xi32, #tpu.memory_space<hbm>>
        %dma_wait3A_360 = arith.constant 0 : i32
        %dma_wait3A_361 = tpu.memref_slice %arg3[%run_scoped3A_198, %add3A_37, %dma_wait3A_360] : memref<2x2560x128xi32, #tpu.memory_space<hbm>> -> memref<1x5x128xi32, #tpu.memory_space<hbm>>
        %dma_wait3A_362 = tpu.memref_squeeze %dma_wait3A_361 : memref<1x5x128xi32, #tpu.memory_space<hbm>> -> memref<5x128xi32, #tpu.memory_space<hbm>>
        tpu.wait_dma2 semaphore(%run_scoped3A_350 : memref<!tpu.dma_semaphore, #tpu.memory_space<semaphore_mem>>) src(%dma_wait3A_362 : memref<5x128xi32, #tpu.memory_space<hbm>>) dst(%arg10 : memref<5x128xi32, #tpu.memory_space<vmem>>)
        tpu.yield
      }) : () -> ()
      %dma_start3A_199 = arith.constant 0 : i32
      %dma_start3A_200 = arith.constant 0 : i32
      %dma_start3A_201 = arith.constant 0 : i32
      %dma_start3A_202 = tpu.memref_slice %arg12[%dma_start3A_200, %dma_start3A_201] : memref<640x32xf32, #tpu.memory_space<vmem>> -> memref<128x32xf32, #tpu.memory_space<vmem>>
      %dma_start3A_203 = arith.constant 0 : i32
      %dma_start3A_204 = tpu.memref_slice %arg9[%dma_start3A_199, %dma_start3A_203] : memref<5x128xi32, #tpu.memory_space<vmem>> -> memref<1x128xi32, #tpu.memory_space<vmem>>
      %dma_start3A_205 = tpu.memref_squeeze %dma_start3A_204 : memref<1x128xi32, #tpu.memory_space<vmem>> -> memref<128xi32, #tpu.memory_space<vmem>>
      %dma_start3A_206 = arith.constant 0 : i32
      %dma_start3A_207 = arith.constant 0 : i32
      %dma_start3A_208 = tpu.memref_slice %arg6[%dma_start3A_206, %dma_start3A_207] : memref<10240x32xf32, #tpu.memory_space<vmem_shared>> -> memref<10240x32xf32, #tpu.memory_space<vmem_shared>>
      tpu.enqueue_indirect_dma source(%dma_start3A_208 : memref<10240x32xf32, #tpu.memory_space<vmem_shared>>) target(%dma_start3A_202 : memref<128x32xf32, #tpu.memory_space<vmem>>) offsets(%dma_start3A_205 : memref<128xi32, #tpu.memory_space<vmem>>) semaphore(%arg13 : memref<!tpu.dma_semaphore, #tpu.memory_space<semaphore_mem>>)
      %dma_start3A_209 = arith.constant 1 : i32
      %dma_start3A_210 = arith.constant 128 : i32
      %dma_start3A_211 = arith.constant 0 : i32
      %dma_start3A_212 = tpu.memref_slice %arg12[%dma_start3A_210, %dma_start3A_211] : memref<640x32xf32, #tpu.memory_space<vmem>> -> memref<128x32xf32, #tpu.memory_space<vmem>>
      %dma_start3A_213 = arith.constant 0 : i32
      %dma_start3A_214 = tpu.memref_slice %arg9[%dma_start3A_209, %dma_start3A_213] : memref<5x128xi32, #tpu.memory_space<vmem>> -> memref<1x128xi32, #tpu.memory_space<vmem>>
      %dma_start3A_215 = tpu.memref_squeeze %dma_start3A_214 : memref<1x128xi32, #tpu.memory_space<vmem>> -> memref<128xi32, #tpu.memory_space<vmem>>
      %dma_start3A_216 = arith.constant 0 : i32
      %dma_start3A_217 = arith.constant 0 : i32
      %dma_start3A_218 = tpu.memref_slice %arg6[%dma_start3A_216, %dma_start3A_217] : memref<10240x32xf32, #tpu.memory_space<vmem_shared>> -> memref<10240x32xf32, #tpu.memory_space<vmem_shared>>
      tpu.enqueue_indirect_dma source(%dma_start3A_218 : memref<10240x32xf32, #tpu.memory_space<vmem_shared>>) target(%dma_start3A_212 : memref<128x32xf32, #tpu.memory_space<vmem>>) offsets(%dma_start3A_215 : memref<128xi32, #tpu.memory_space<vmem>>) semaphore(%arg13 : memref<!tpu.dma_semaphore, #tpu.memory_space<semaphore_mem>>)
      %dma_start3A_219 = arith.constant 2 : i32
      %dma_start3A_220 = arith.constant 256 : i32
      %dma_start3A_221 = arith.constant 0 : i32
      %dma_start3A_222 = tpu.memref_slice %arg12[%dma_start3A_220, %dma_start3A_221] : memref<640x32xf32, #tpu.memory_space<vmem>> -> memref<128x32xf32, #tpu.memory_space<vmem>>
      %dma_start3A_223 = arith.constant 0 : i32
      %dma_start3A_224 = tpu.memref_slice %arg9[%dma_start3A_219, %dma_start3A_223] : memref<5x128xi32, #tpu.memory_space<vmem>> -> memref<1x128xi32, #tpu.memory_space<vmem>>
      %dma_start3A_225 = tpu.memref_squeeze %dma_start3A_224 : memref<1x128xi32, #tpu.memory_space<vmem>> -> memref<128xi32, #tpu.memory_space<vmem>>
      %dma_start3A_226 = arith.constant 0 : i32
      %dma_start3A_227 = arith.constant 0 : i32
      %dma_start3A_228 = tpu.memref_slice %arg6[%dma_start3A_226, %dma_start3A_227] : memref<10240x32xf32, #tpu.memory_space<vmem_shared>> -> memref<10240x32xf32, #tpu.memory_space<vmem_shared>>
      tpu.enqueue_indirect_dma source(%dma_start3A_228 : memref<10240x32xf32, #tpu.memory_space<vmem_shared>>) target(%dma_start3A_222 : memref<128x32xf32, #tpu.memory_space<vmem>>) offsets(%dma_start3A_225 : memref<128xi32, #tpu.memory_space<vmem>>) semaphore(%arg13 : memref<!tpu.dma_semaphore, #tpu.memory_space<semaphore_mem>>)
      %dma_start3A_229 = arith.constant 3 : i32
      %dma_start3A_230 = arith.constant 384 : i32
      %dma_start3A_231 = arith.constant 0 : i32
      %dma_start3A_232 = tpu.memref_slice %arg12[%dma_start3A_230, %dma_start3A_231] : memref<640x32xf32, #tpu.memory_space<vmem>> -> memref<128x32xf32, #tpu.memory_space<vmem>>
      %dma_start3A_233 = arith.constant 0 : i32
      %dma_start3A_234 = tpu.memref_slice %arg9[%dma_start3A_229, %dma_start3A_233] : memref<5x128xi32, #tpu.memory_space<vmem>> -> memref<1x128xi32, #tpu.memory_space<vmem>>
      %dma_start3A_235 = tpu.memref_squeeze %dma_start3A_234 : memref<1x128xi32, #tpu.memory_space<vmem>> -> memref<128xi32, #tpu.memory_space<vmem>>
      %dma_start3A_236 = arith.constant 0 : i32
      %dma_start3A_237 = arith.constant 0 : i32
      %dma_start3A_238 = tpu.memref_slice %arg6[%dma_start3A_236, %dma_start3A_237] : memref<10240x32xf32, #tpu.memory_space<vmem_shared>> -> memref<10240x32xf32, #tpu.memory_space<vmem_shared>>
      tpu.enqueue_indirect_dma source(%dma_start3A_238 : memref<10240x32xf32, #tpu.memory_space<vmem_shared>>) target(%dma_start3A_232 : memref<128x32xf32, #tpu.memory_space<vmem>>) offsets(%dma_start3A_235 : memref<128xi32, #tpu.memory_space<vmem>>) semaphore(%arg13 : memref<!tpu.dma_semaphore, #tpu.memory_space<semaphore_mem>>)
      %dma_start3A_239 = arith.constant 4 : i32
      %dma_start3A_240 = arith.constant 512 : i32
      %dma_start3A_241 = arith.constant 0 : i32
      %dma_start3A_242 = tpu.memref_slice %arg12[%dma_start3A_240, %dma_start3A_241] : memref<640x32xf32, #tpu.memory_space<vmem>> -> memref<128x32xf32, #tpu.memory_space<vmem>>
      %dma_start3A_243 = arith.constant 0 : i32
      %dma_start3A_244 = tpu.memref_slice %arg9[%dma_start3A_239, %dma_start3A_243] : memref<5x128xi32, #tpu.memory_space<vmem>> -> memref<1x128xi32, #tpu.memory_space<vmem>>
      %dma_start3A_245 = tpu.memref_squeeze %dma_start3A_244 : memref<1x128xi32, #tpu.memory_space<vmem>> -> memref<128xi32, #tpu.memory_space<vmem>>
      %dma_start3A_246 = arith.constant 0 : i32
      %dma_start3A_247 = arith.constant 0 : i32
      %dma_start3A_248 = tpu.memref_slice %arg6[%dma_start3A_246, %dma_start3A_247] : memref<10240x32xf32, #tpu.memory_space<vmem_shared>> -> memref<10240x32xf32, #tpu.memory_space<vmem_shared>>
      tpu.enqueue_indirect_dma source(%dma_start3A_248 : memref<10240x32xf32, #tpu.memory_space<vmem_shared>>) target(%dma_start3A_242 : memref<128x32xf32, #tpu.memory_space<vmem>>) offsets(%dma_start3A_245 : memref<128xi32, #tpu.memory_space<vmem>>) semaphore(%arg13 : memref<!tpu.dma_semaphore, #tpu.memory_space<semaphore_mem>>)
      %dma_wait3A_249 = arith.constant 0 : i32
      %dma_wait3A_250 = arith.constant 0 : i32
      %dma_wait3A_251 = arith.constant 0 : i32
      %dma_wait3A_252 = tpu.memref_slice %arg12[%dma_wait3A_250, %dma_wait3A_251] : memref<640x32xf32, #tpu.memory_space<vmem>> -> memref<128x32xf32, #tpu.memory_space<vmem>>
      %dma_wait3A_253 = arith.constant 0 : i32
      %dma_wait3A_254 = tpu.memref_slice %arg9[%dma_wait3A_249, %dma_wait3A_253] : memref<5x128xi32, #tpu.memory_space<vmem>> -> memref<1x128xi32, #tpu.memory_space<vmem>>
      %dma_wait3A_255 = tpu.memref_squeeze %dma_wait3A_254 : memref<1x128xi32, #tpu.memory_space<vmem>> -> memref<128xi32, #tpu.memory_space<vmem>>
      %dma_wait3A_256 = arith.constant 0 : i32
      %dma_wait3A_257 = arith.constant 0 : i32
      %dma_wait3A_258 = tpu.memref_slice %arg6[%dma_wait3A_256, %dma_wait3A_257] : memref<10240x32xf32, #tpu.memory_space<vmem_shared>> -> memref<10240x32xf32, #tpu.memory_space<vmem_shared>>
      tpu.wait_indirect_dma semaphore(%arg13 : memref<!tpu.dma_semaphore, #tpu.memory_space<semaphore_mem>>) src(%dma_wait3A_258 : memref<10240x32xf32, #tpu.memory_space<vmem_shared>>) dst(%dma_wait3A_252 : memref<128x32xf32, #tpu.memory_space<vmem>>)
      %dma_start3A_259 = arith.constant 0 : i32
      %dma_start3A_260 = arith.constant 0 : i32
      %dma_start3A_261 = arith.constant 0 : i32
      %dma_start3A_262 = tpu.memref_slice %arg12[%dma_start3A_260, %dma_start3A_261] : memref<640x32xf32, #tpu.memory_space<vmem>> -> memref<128x32xf32, #tpu.memory_space<vmem>>
      %dma_start3A_263 = arith.constant 0 : i32
      %dma_start3A_264 = tpu.memref_slice %arg10[%dma_start3A_259, %dma_start3A_263] : memref<5x128xi32, #tpu.memory_space<vmem>> -> memref<1x128xi32, #tpu.memory_space<vmem>>
      %dma_start3A_265 = tpu.memref_squeeze %dma_start3A_264 : memref<1x128xi32, #tpu.memory_space<vmem>> -> memref<128xi32, #tpu.memory_space<vmem>>
      %dma_start3A_266 = arith.constant 0 : i32
      %dma_start3A_267 = arith.constant 0 : i32
      %dma_start3A_268 = tpu.memref_slice %arg5[%dma_start3A_266, %dma_start3A_267] : memref<10240x32xf32, #tpu.memory_space<vmem_shared>> -> memref<10240x32xf32, #tpu.memory_space<vmem_shared>>
      tpu.enqueue_indirect_dma source(%dma_start3A_262 : memref<128x32xf32, #tpu.memory_space<vmem>>) target(%dma_start3A_268 : memref<10240x32xf32, #tpu.memory_space<vmem_shared>>) offsets(%dma_start3A_265 : memref<128xi32, #tpu.memory_space<vmem>>) semaphore(%arg14 : memref<!tpu.dma_semaphore, #tpu.memory_space<semaphore_mem>>) {add = true}
      %dma_wait3A_269 = arith.constant 1 : i32
      %dma_wait3A_270 = arith.constant 128 : i32
      %dma_wait3A_271 = arith.constant 0 : i32
      %dma_wait3A_272 = tpu.memref_slice %arg12[%dma_wait3A_270, %dma_wait3A_271] : memref<640x32xf32, #tpu.memory_space<vmem>> -> memref<128x32xf32, #tpu.memory_space<vmem>>
      %dma_wait3A_273 = arith.constant 0 : i32
      %dma_wait3A_274 = tpu.memref_slice %arg9[%dma_wait3A_269, %dma_wait3A_273] : memref<5x128xi32, #tpu.memory_space<vmem>> -> memref<1x128xi32, #tpu.memory_space<vmem>>
      %dma_wait3A_275 = tpu.memref_squeeze %dma_wait3A_274 : memref<1x128xi32, #tpu.memory_space<vmem>> -> memref<128xi32, #tpu.memory_space<vmem>>
      %dma_wait3A_276 = arith.constant 0 : i32
      %dma_wait3A_277 = arith.constant 0 : i32
      %dma_wait3A_278 = tpu.memref_slice %arg6[%dma_wait3A_276, %dma_wait3A_277] : memref<10240x32xf32, #tpu.memory_space<vmem_shared>> -> memref<10240x32xf32, #tpu.memory_space<vmem_shared>>
      tpu.wait_indirect_dma semaphore(%arg13 : memref<!tpu.dma_semaphore, #tpu.memory_space<semaphore_mem>>) src(%dma_wait3A_278 : memref<10240x32xf32, #tpu.memory_space<vmem_shared>>) dst(%dma_wait3A_272 : memref<128x32xf32, #tpu.memory_space<vmem>>)
      %dma_start3A_279 = arith.constant 1 : i32
      %dma_start3A_280 = arith.constant 128 : i32
      %dma_start3A_281 = arith.constant 0 : i32
      %dma_start3A_282 = tpu.memref_slice %arg12[%dma_start3A_280, %dma_start3A_281] : memref<640x32xf32, #tpu.memory_space<vmem>> -> memref<128x32xf32, #tpu.memory_space<vmem>>
      %dma_start3A_283 = arith.constant 0 : i32
      %dma_start3A_284 = tpu.memref_slice %arg10[%dma_start3A_279, %dma_start3A_283] : memref<5x128xi32, #tpu.memory_space<vmem>> -> memref<1x128xi32, #tpu.memory_space<vmem>>
      %dma_start3A_285 = tpu.memref_squeeze %dma_start3A_284 : memref<1x128xi32, #tpu.memory_space<vmem>> -> memref<128xi32, #tpu.memory_space<vmem>>
      %dma_start3A_286 = arith.constant 0 : i32
      %dma_start3A_287 = arith.constant 0 : i32
      %dma_start3A_288 = tpu.memref_slice %arg5[%dma_start3A_286, %dma_start3A_287] : memref<10240x32xf32, #tpu.memory_space<vmem_shared>> -> memref<10240x32xf32, #tpu.memory_space<vmem_shared>>
      tpu.enqueue_indirect_dma source(%dma_start3A_282 : memref<128x32xf32, #tpu.memory_space<vmem>>) target(%dma_start3A_288 : memref<10240x32xf32, #tpu.memory_space<vmem_shared>>) offsets(%dma_start3A_285 : memref<128xi32, #tpu.memory_space<vmem>>) semaphore(%arg14 : memref<!tpu.dma_semaphore, #tpu.memory_space<semaphore_mem>>) {add = true}
      %dma_wait3A_289 = arith.constant 2 : i32
      %dma_wait3A_290 = arith.constant 256 : i32
      %dma_wait3A_291 = arith.constant 0 : i32
      %dma_wait3A_292 = tpu.memref_slice %arg12[%dma_wait3A_290, %dma_wait3A_291] : memref<640x32xf32, #tpu.memory_space<vmem>> -> memref<128x32xf32, #tpu.memory_space<vmem>>
      %dma_wait3A_293 = arith.constant 0 : i32
      %dma_wait3A_294 = tpu.memref_slice %arg9[%dma_wait3A_289, %dma_wait3A_293] : memref<5x128xi32, #tpu.memory_space<vmem>> -> memref<1x128xi32, #tpu.memory_space<vmem>>
      %dma_wait3A_295 = tpu.memref_squeeze %dma_wait3A_294 : memref<1x128xi32, #tpu.memory_space<vmem>> -> memref<128xi32, #tpu.memory_space<vmem>>
      %dma_wait3A_296 = arith.constant 0 : i32
      %dma_wait3A_297 = arith.constant 0 : i32
      %dma_wait3A_298 = tpu.memref_slice %arg6[%dma_wait3A_296, %dma_wait3A_297] : memref<10240x32xf32, #tpu.memory_space<vmem_shared>> -> memref<10240x32xf32, #tpu.memory_space<vmem_shared>>
      tpu.wait_indirect_dma semaphore(%arg13 : memref<!tpu.dma_semaphore, #tpu.memory_space<semaphore_mem>>) src(%dma_wait3A_298 : memref<10240x32xf32, #tpu.memory_space<vmem_shared>>) dst(%dma_wait3A_292 : memref<128x32xf32, #tpu.memory_space<vmem>>)
      %dma_start3A_299 = arith.constant 2 : i32
      %dma_start3A_300 = arith.constant 256 : i32
      %dma_start3A_301 = arith.constant 0 : i32
      %dma_start3A_302 = tpu.memref_slice %arg12[%dma_start3A_300, %dma_start3A_301] : memref<640x32xf32, #tpu.memory_space<vmem>> -> memref<128x32xf32, #tpu.memory_space<vmem>>
      %dma_start3A_303 = arith.constant 0 : i32
      %dma_start3A_304 = tpu.memref_slice %arg10[%dma_start3A_299, %dma_start3A_303] : memref<5x128xi32, #tpu.memory_space<vmem>> -> memref<1x128xi32, #tpu.memory_space<vmem>>
      %dma_start3A_305 = tpu.memref_squeeze %dma_start3A_304 : memref<1x128xi32, #tpu.memory_space<vmem>> -> memref<128xi32, #tpu.memory_space<vmem>>
      %dma_start3A_306 = arith.constant 0 : i32
      %dma_start3A_307 = arith.constant 0 : i32
      %dma_start3A_308 = tpu.memref_slice %arg5[%dma_start3A_306, %dma_start3A_307] : memref<10240x32xf32, #tpu.memory_space<vmem_shared>> -> memref<10240x32xf32, #tpu.memory_space<vmem_shared>>
      tpu.enqueue_indirect_dma source(%dma_start3A_302 : memref<128x32xf32, #tpu.memory_space<vmem>>) target(%dma_start3A_308 : memref<10240x32xf32, #tpu.memory_space<vmem_shared>>) offsets(%dma_start3A_305 : memref<128xi32, #tpu.memory_space<vmem>>) semaphore(%arg14 : memref<!tpu.dma_semaphore, #tpu.memory_space<semaphore_mem>>) {add = true}
      %dma_wait3A_309 = arith.constant 3 : i32
      %dma_wait3A_310 = arith.constant 384 : i32
      %dma_wait3A_311 = arith.constant 0 : i32
      %dma_wait3A_312 = tpu.memref_slice %arg12[%dma_wait3A_310, %dma_wait3A_311] : memref<640x32xf32, #tpu.memory_space<vmem>> -> memref<128x32xf32, #tpu.memory_space<vmem>>
      %dma_wait3A_313 = arith.constant 0 : i32
      %dma_wait3A_314 = tpu.memref_slice %arg9[%dma_wait3A_309, %dma_wait3A_313] : memref<5x128xi32, #tpu.memory_space<vmem>> -> memref<1x128xi32, #tpu.memory_space<vmem>>
      %dma_wait3A_315 = tpu.memref_squeeze %dma_wait3A_314 : memref<1x128xi32, #tpu.memory_space<vmem>> -> memref<128xi32, #tpu.memory_space<vmem>>
      %dma_wait3A_316 = arith.constant 0 : i32
      %dma_wait3A_317 = arith.constant 0 : i32
      %dma_wait3A_318 = tpu.memref_slice %arg6[%dma_wait3A_316, %dma_wait3A_317] : memref<10240x32xf32, #tpu.memory_space<vmem_shared>> -> memref<10240x32xf32, #tpu.memory_space<vmem_shared>>
      tpu.wait_indirect_dma semaphore(%arg13 : memref<!tpu.dma_semaphore, #tpu.memory_space<semaphore_mem>>) src(%dma_wait3A_318 : memref<10240x32xf32, #tpu.memory_space<vmem_shared>>) dst(%dma_wait3A_312 : memref<128x32xf32, #tpu.memory_space<vmem>>)
      %dma_start3A_319 = arith.constant 3 : i32
      %dma_start3A_320 = arith.constant 384 : i32
      %dma_start3A_321 = arith.constant 0 : i32
      %dma_start3A_322 = tpu.memref_slice %arg12[%dma_start3A_320, %dma_start3A_321] : memref<640x32xf32, #tpu.memory_space<vmem>> -> memref<128x32xf32, #tpu.memory_space<vmem>>
      %dma_start3A_323 = arith.constant 0 : i32
      %dma_start3A_324 = tpu.memref_slice %arg10[%dma_start3A_319, %dma_start3A_323] : memref<5x128xi32, #tpu.memory_space<vmem>> -> memref<1x128xi32, #tpu.memory_space<vmem>>
      %dma_start3A_325 = tpu.memref_squeeze %dma_start3A_324 : memref<1x128xi32, #tpu.memory_space<vmem>> -> memref<128xi32, #tpu.memory_space<vmem>>
      %dma_start3A_326 = arith.constant 0 : i32
      %dma_start3A_327 = arith.constant 0 : i32
      %dma_start3A_328 = tpu.memref_slice %arg5[%dma_start3A_326, %dma_start3A_327] : memref<10240x32xf32, #tpu.memory_space<vmem_shared>> -> memref<10240x32xf32, #tpu.memory_space<vmem_shared>>
      tpu.enqueue_indirect_dma source(%dma_start3A_322 : memref<128x32xf32, #tpu.memory_space<vmem>>) target(%dma_start3A_328 : memref<10240x32xf32, #tpu.memory_space<vmem_shared>>) offsets(%dma_start3A_325 : memref<128xi32, #tpu.memory_space<vmem>>) semaphore(%arg14 : memref<!tpu.dma_semaphore, #tpu.memory_space<semaphore_mem>>) {add = true}
      %dma_wait3A_329 = arith.constant 4 : i32
      %dma_wait3A_330 = arith.constant 512 : i32
      %dma_wait3A_331 = arith.constant 0 : i32
      %dma_wait3A_332 = tpu.memref_slice %arg12[%dma_wait3A_330, %dma_wait3A_331] : memref<640x32xf32, #tpu.memory_space<vmem>> -> memref<128x32xf32, #tpu.memory_space<vmem>>
      %dma_wait3A_333 = arith.constant 0 : i32
      %dma_wait3A_334 = tpu.memref_slice %arg9[%dma_wait3A_329, %dma_wait3A_333] : memref<5x128xi32, #tpu.memory_space<vmem>> -> memref<1x128xi32, #tpu.memory_space<vmem>>
      %dma_wait3A_335 = tpu.memref_squeeze %dma_wait3A_334 : memref<1x128xi32, #tpu.memory_space<vmem>> -> memref<128xi32, #tpu.memory_space<vmem>>
      %dma_wait3A_336 = arith.constant 0 : i32
      %dma_wait3A_337 = arith.constant 0 : i32
      %dma_wait3A_338 = tpu.memref_slice %arg6[%dma_wait3A_336, %dma_wait3A_337] : memref<10240x32xf32, #tpu.memory_space<vmem_shared>> -> memref<10240x32xf32, #tpu.memory_space<vmem_shared>>
      tpu.wait_indirect_dma semaphore(%arg13 : memref<!tpu.dma_semaphore, #tpu.memory_space<semaphore_mem>>) src(%dma_wait3A_338 : memref<10240x32xf32, #tpu.memory_space<vmem_shared>>) dst(%dma_wait3A_332 : memref<128x32xf32, #tpu.memory_space<vmem>>)
      %dma_start3A_339 = arith.constant 4 : i32
      %dma_start3A_340 = arith.constant 512 : i32
      %dma_start3A_341 = arith.constant 0 : i32
      %dma_start3A_342 = tpu.memref_slice %arg12[%dma_start3A_340, %dma_start3A_341] : memref<640x32xf32, #tpu.memory_space<vmem>> -> memref<128x32xf32, #tpu.memory_space<vmem>>
      %dma_start3A_343 = arith.constant 0 : i32
      %dma_start3A_344 = tpu.memref_slice %arg10[%dma_start3A_339, %dma_start3A_343] : memref<5x128xi32, #tpu.memory_space<vmem>> -> memref<1x128xi32, #tpu.memory_space<vmem>>
      %dma_start3A_345 = tpu.memref_squeeze %dma_start3A_344 : memref<1x128xi32, #tpu.memory_space<vmem>> -> memref<128xi32, #tpu.memory_space<vmem>>
      %dma_start3A_346 = arith.constant 0 : i32
      %dma_start3A_347 = arith.constant 0 : i32
      %dma_start3A_348 = tpu.memref_slice %arg5[%dma_start3A_346, %dma_start3A_347] : memref<10240x32xf32, #tpu.memory_space<vmem_shared>> -> memref<10240x32xf32, #tpu.memory_space<vmem_shared>>
      tpu.enqueue_indirect_dma source(%dma_start3A_342 : memref<128x32xf32, #tpu.memory_space<vmem>>) target(%dma_start3A_348 : memref<10240x32xf32, #tpu.memory_space<vmem_shared>>) offsets(%dma_start3A_345 : memref<128xi32, #tpu.memory_space<vmem>>) semaphore(%arg14 : memref<!tpu.dma_semaphore, #tpu.memory_space<semaphore_mem>>) {add = true}
      %scan3A_349 = arith.constant 0 : i32
      scf.yield %scan3A_349 : i32
    }
    %scan3A_14 = arith.constant 8 : i32
    %dma_wait3A = arith.constant 0 : i32
    %dma_wait3A_15 = arith.constant 0 : i32
    %dma_wait3A_16 = tpu.memref_slice %arg2[%dma_wait3A, %dma_wait3A_15] : memref<10240x32xf32, #tpu.memory_space<hbm>> -> memref<640x32xf32, #tpu.memory_space<hbm>>
    %dma_wait3A_17 = arith.constant 0 : i32
    %dma_wait3A_18 = arith.constant 0 : i32
    %dma_wait3A_19 = tpu.memref_slice %arg2[%dma_wait3A_17, %dma_wait3A_18] : memref<10240x32xf32, #tpu.memory_space<hbm>> -> memref<640x32xf32, #tpu.memory_space<hbm>>
    tpu.wait_dma2 semaphore(%arg14 : memref<!tpu.dma_semaphore, #tpu.memory_space<semaphore_mem>>) src(%dma_wait3A_19 : memref<640x32xf32, #tpu.memory_space<hbm>>) dst(%arg11 : memref<640x32xf32, #tpu.memory_space<vmem>>)
    %dma_wait3A_20 = arith.constant 0 : i32
    %dma_wait3A_21 = arith.constant 0 : i32
    %dma_wait3A_22 = tpu.memref_slice %arg2[%dma_wait3A_20, %dma_wait3A_21] : memref<10240x32xf32, #tpu.memory_space<hbm>> -> memref<640x32xf32, #tpu.memory_space<hbm>>
    %dma_wait3A_23 = arith.constant 0 : i32
    %dma_wait3A_24 = arith.constant 0 : i32
    %dma_wait3A_25 = tpu.memref_slice %arg2[%dma_wait3A_23, %dma_wait3A_24] : memref<10240x32xf32, #tpu.memory_space<hbm>> -> memref<640x32xf32, #tpu.memory_space<hbm>>
    tpu.wait_dma2 semaphore(%arg14 : memref<!tpu.dma_semaphore, #tpu.memory_space<semaphore_mem>>) src(%dma_wait3A_25 : memref<640x32xf32, #tpu.memory_space<hbm>>) dst(%arg12 : memref<640x32xf32, #tpu.memory_space<vmem>>)
    %barrier3A_26 = arith.constant 0 : index
    tpu.barrier barrier_id(%barrier3A_26)
    "tpu.region"() ({
      %run_scoped3A = tpu.sem_alloc : memref<!tpu.dma_semaphore, #tpu.memory_space<semaphore_mem>>
      %dma_start3A = arith.constant 0 : i32
      %dma_start3A_27 = tpu.memref_slice %arg5[%mul3A_2, %dma_start3A] : memref<10240x32xf32, #tpu.memory_space<vmem_shared>> -> memref<640x32xf32, #tpu.memory_space<vmem_shared>>
      %dma_start3A_28 = arith.constant 0 : i32
      %dma_start3A_29 = tpu.memref_slice %arg5[%mul3A_2, %dma_start3A_28] : memref<10240x32xf32, #tpu.memory_space<vmem_shared>> -> memref<640x32xf32, #tpu.memory_space<vmem_shared>>
      tpu.enqueue_dma source(%dma_start3A_29 : memref<640x32xf32, #tpu.memory_space<vmem_shared>>) target(%arg11 : memref<640x32xf32, #tpu.memory_space<vmem>>) target_semaphore(%run_scoped3A : memref<!tpu.dma_semaphore, #tpu.memory_space<semaphore_mem>>)
      %dma_wait3A_30 = arith.constant 0 : i32
      %dma_wait3A_31 = tpu.memref_slice %arg5[%mul3A_2, %dma_wait3A_30] : memref<10240x32xf32, #tpu.memory_space<vmem_shared>> -> memref<640x32xf32, #tpu.memory_space<vmem_shared>>
      %dma_wait3A_32 = arith.constant 0 : i32
      %dma_wait3A_33 = tpu.memref_slice %arg5[%mul3A_2, %dma_wait3A_32] : memref<10240x32xf32, #tpu.memory_space<vmem_shared>> -> memref<640x32xf32, #tpu.memory_space<vmem_shared>>
      tpu.wait_dma2 semaphore(%run_scoped3A : memref<!tpu.dma_semaphore, #tpu.memory_space<semaphore_mem>>) src(%dma_wait3A_33 : memref<640x32xf32, #tpu.memory_space<vmem_shared>>) dst(%arg11 : memref<640x32xf32, #tpu.memory_space<vmem>>)
      tpu.yield
    }) : () -> ()
    "tpu.region"() ({
      %run_scoped3A = tpu.sem_alloc : memref<!tpu.dma_semaphore, #tpu.memory_space<semaphore_mem>>
      %dma_start3A = arith.constant 0 : i32
      %dma_start3A_27 = tpu.memref_slice %arg4[%arg0, %mul3A_2, %dma_start3A] : memref<2x10240x32xf32, #tpu.memory_space<hbm>> -> memref<1x640x32xf32, #tpu.memory_space<hbm>>
      %dma_start3A_28 = tpu.memref_squeeze %dma_start3A_27 : memref<1x640x32xf32, #tpu.memory_space<hbm>> -> memref<640x32xf32, #tpu.memory_space<hbm>>
      %dma_start3A_29 = arith.constant 0 : i32
      %dma_start3A_30 = tpu.memref_slice %arg4[%arg0, %mul3A_2, %dma_start3A_29] : memref<2x10240x32xf32, #tpu.memory_space<hbm>> -> memref<1x640x32xf32, #tpu.memory_space<hbm>>
      %dma_start3A_31 = tpu.memref_squeeze %dma_start3A_30 : memref<1x640x32xf32, #tpu.memory_space<hbm>> -> memref<640x32xf32, #tpu.memory_space<hbm>>
      tpu.enqueue_dma source(%arg11 : memref<640x32xf32, #tpu.memory_space<vmem>>) target(%dma_start3A_31 : memref<640x32xf32, #tpu.memory_space<hbm>>) target_semaphore(%run_scoped3A : memref<!tpu.dma_semaphore, #tpu.memory_space<semaphore_mem>>)
      %dma_wait3A_32 = arith.constant 0 : i32
      %dma_wait3A_33 = tpu.memref_slice %arg4[%arg0, %mul3A_2, %dma_wait3A_32] : memref<2x10240x32xf32, #tpu.memory_space<hbm>> -> memref<1x640x32xf32, #tpu.memory_space<hbm>>
      %dma_wait3A_34 = tpu.memref_squeeze %dma_wait3A_33 : memref<1x640x32xf32, #tpu.memory_space<hbm>> -> memref<640x32xf32, #tpu.memory_space<hbm>>
      %dma_wait3A_35 = arith.constant 0 : i32
      %dma_wait3A_36 = tpu.memref_slice %arg4[%arg0, %mul3A_2, %dma_wait3A_35] : memref<2x10240x32xf32, #tpu.memory_space<hbm>> -> memref<1x640x32xf32, #tpu.memory_space<hbm>>
      %dma_wait3A_37 = tpu.memref_squeeze %dma_wait3A_36 : memref<1x640x32xf32, #tpu.memory_space<hbm>> -> memref<640x32xf32, #tpu.memory_space<hbm>>
      tpu.wait_dma2 semaphore(%run_scoped3A : memref<!tpu.dma_semaphore, #tpu.memory_space<semaphore_mem>>) src(%arg11 : memref<640x32xf32, #tpu.memory_space<vmem>>) dst(%dma_wait3A_37 : memref<640x32xf32, #tpu.memory_space<hbm>>)
      tpu.yield
    }) : () -> ()
    return
  }
}

#map = affine_map<(d0, d1) -> (0, 0, 0)>
#map1 = affine_map<(d0, d1) -> (0, 0)>
module attributes {stable_mosaic.version = 14 : i64} {
  func.func @_deg_sc(%arg0: i32, %arg1: i32, %arg2: memref<2x2560x128xi32, #tpu.memory_space<hbm>>, %arg3: memref<2x10240xf32, #tpu.memory_space<hbm>>, %arg4: memref<10240xf32, #tpu.memory_space<vmem_shared>>, %arg5: memref<8x128xi32, #tpu.memory_space<vmem>>, %arg6: memref<128xf32, #tpu.memory_space<vmem>>, %arg7: memref<640xf32, #tpu.memory_space<vmem>>) attributes {dimension_semantics = [#tpu.dimension_semantics<core_parallel>, #tpu.dimension_semantics<subcore_parallel>], iteration_bounds = array<i64: 2, 16>, scalar_prefetch = 0 : i64, scratch_operands = 4 : i64, tpu.core_type = #tpu.core_type<sc_vector_subcore>, window_params = [{transform_indices = #map}, {transform_indices = #map1}]} {
    %mul3A = arith.constant 2 : i32
    %mul3A_0 = arith.muli %arg1, %mul3A : i32
    %add3A = arith.addi %mul3A_0, %arg0 : i32
    %scan3A = arith.constant 0 : i32
    %scan3A_1 = arith.constant 0 : i32
    %scan3A_2 = arith.constant 40 : i32
    %scan3A_3 = arith.addi %scan3A_1, %scan3A_2 : i32
    %scan3A_4 = arith.constant 1 : i32
    %scan3A_5 = scf.for %scan3A_28 = %scan3A_1 to %scan3A_3 step %scan3A_4 iter_args(%scan3A_29 = %scan3A) -> (i32)  : i32 {
      %broadcast_in_dim3A = arith.constant 0.000000e+00 : f32
      %broadcast_in_dim3A_30 = vector.broadcast %broadcast_in_dim3A : f32 to vector<16xf32>
      %mul3A_31 = arith.constant 16 : i32
      %mul3A_32 = arith.muli %scan3A_28, %mul3A_31 : i32
      %swap3A = arith.index_cast %mul3A_32 : i32 to index
      %swap3A_33 = tpu.vector_load %arg7[%swap3A] {strides = array<i32>} : memref<640xf32, #tpu.memory_space<vmem>>, vector<16xf32>,
      %swap3A_34 = vector.shape_cast %swap3A_33 : vector<16xf32> to vector<16xf32>
      %swap3A_35 = vector.shape_cast %broadcast_in_dim3A_30 : vector<16xf32> to vector<16xf32>
      tpu.vector_store %arg7[%swap3A], %swap3A_35 {strides = array<i32>} : memref<640xf32, #tpu.memory_space<vmem>>, vector<16xf32>,
      %scan3A_36 = arith.constant 0 : i32
      scf.yield %scan3A_36 : i32
    }
    %scan3A_6 = arith.constant 40 : i32
    %mul3A_7 = arith.constant 640 : i32
    %mul3A_8 = arith.muli %arg1, %mul3A_7 : i32
    "tpu.region"() ({
      %run_scoped3A = tpu.sem_alloc : memref<!tpu.dma_semaphore, #tpu.memory_space<semaphore_mem>>
      %dma_start3A = tpu.memref_slice %arg4[%mul3A_8] : memref<10240xf32, #tpu.memory_space<vmem_shared>> -> memref<640xf32, #tpu.memory_space<vmem_shared>>
      %dma_start3A_28 = tpu.memref_slice %arg4[%mul3A_8] : memref<10240xf32, #tpu.memory_space<vmem_shared>> -> memref<640xf32, #tpu.memory_space<vmem_shared>>
      tpu.enqueue_dma source(%arg7 : memref<640xf32, #tpu.memory_space<vmem>>) target(%dma_start3A_28 : memref<640xf32, #tpu.memory_space<vmem_shared>>) target_semaphore(%run_scoped3A : memref<!tpu.dma_semaphore, #tpu.memory_space<semaphore_mem>>)
      %dma_wait3A = tpu.memref_slice %arg4[%mul3A_8] : memref<10240xf32, #tpu.memory_space<vmem_shared>> -> memref<640xf32, #tpu.memory_space<vmem_shared>>
      %dma_wait3A_29 = tpu.memref_slice %arg4[%mul3A_8] : memref<10240xf32, #tpu.memory_space<vmem_shared>> -> memref<640xf32, #tpu.memory_space<vmem_shared>>
      tpu.wait_dma2 semaphore(%run_scoped3A : memref<!tpu.dma_semaphore, #tpu.memory_space<semaphore_mem>>) src(%arg7 : memref<640xf32, #tpu.memory_space<vmem>>) dst(%dma_wait3A_29 : memref<640xf32, #tpu.memory_space<vmem_shared>>)
      tpu.yield
    }) : () -> ()
    %scan3A_9 = arith.constant 0 : i32
    %scan3A_10 = arith.constant 0 : i32
    %scan3A_11 = arith.constant 8 : i32
    %scan3A_12 = arith.addi %scan3A_10, %scan3A_11 : i32
    %scan3A_13 = arith.constant 1 : i32
    %scan3A_14 = scf.for %scan3A_28 = %scan3A_10 to %scan3A_12 step %scan3A_13 iter_args(%scan3A_29 = %scan3A_9) -> (i32)  : i32 {
      %broadcast_in_dim3A = arith.constant 1.000000e+00 : f32
      %broadcast_in_dim3A_30 = vector.broadcast %broadcast_in_dim3A : f32 to vector<16xf32>
      %mul3A_31 = arith.constant 16 : i32
      %mul3A_32 = arith.muli %scan3A_28, %mul3A_31 : i32
      %swap3A = arith.index_cast %mul3A_32 : i32 to index
      %swap3A_33 = tpu.vector_load %arg6[%swap3A] {strides = array<i32>} : memref<128xf32, #tpu.memory_space<vmem>>, vector<16xf32>,
      %swap3A_34 = vector.shape_cast %swap3A_33 : vector<16xf32> to vector<16xf32>
      %swap3A_35 = vector.shape_cast %broadcast_in_dim3A_30 : vector<16xf32> to vector<16xf32>
      tpu.vector_store %arg6[%swap3A], %swap3A_35 {strides = array<i32>} : memref<128xf32, #tpu.memory_space<vmem>>, vector<16xf32>,
      %scan3A_36 = arith.constant 0 : i32
      scf.yield %scan3A_36 : i32
    }
    %scan3A_15 = arith.constant 8 : i32
    %barrier3A = arith.constant 0 : index
    tpu.barrier barrier_id(%barrier3A)
    %scan3A_16 = arith.constant 0 : i32
    %scan3A_17 = arith.constant 0 : i32
    %scan3A_18 = arith.constant 10 : i32
    %scan3A_19 = arith.addi %scan3A_17, %scan3A_18 : i32
    %scan3A_20 = arith.constant 1 : i32
    %scan3A_21 = scf.for %scan3A_28 = %scan3A_17 to %scan3A_19 step %scan3A_20 iter_args(%scan3A_29 = %scan3A_16) -> (i32)  : i32 {
      %mul3A_30 = arith.constant 80 : i32
      %mul3A_31 = arith.muli %add3A, %mul3A_30 : i32
      %mul3A_32 = arith.constant 8 : i32
      %mul3A_33 = arith.muli %scan3A_28, %mul3A_32 : i32
      %add3A_34 = arith.addi %mul3A_31, %mul3A_33 : i32
      %run_scoped3A = arith.constant 1 : i32
      "tpu.region"() ({
        %run_scoped3A_44 = tpu.sem_alloc : memref<!tpu.dma_semaphore, #tpu.memory_space<semaphore_mem>>
        %dma_start3A = arith.constant 0 : i32
        %dma_start3A_45 = tpu.memref_slice %arg2[%run_scoped3A, %add3A_34, %dma_start3A] : memref<2x2560x128xi32, #tpu.memory_space<hbm>> -> memref<1x8x128xi32, #tpu.memory_space<hbm>>
        %dma_start3A_46 = tpu.memref_squeeze %dma_start3A_45 : memref<1x8x128xi32, #tpu.memory_space<hbm>> -> memref<8x128xi32, #tpu.memory_space<hbm>>
        %dma_start3A_47 = arith.constant 0 : i32
        %dma_start3A_48 = tpu.memref_slice %arg2[%run_scoped3A, %add3A_34, %dma_start3A_47] : memref<2x2560x128xi32, #tpu.memory_space<hbm>> -> memref<1x8x128xi32, #tpu.memory_space<hbm>>
        %dma_start3A_49 = tpu.memref_squeeze %dma_start3A_48 : memref<1x8x128xi32, #tpu.memory_space<hbm>> -> memref<8x128xi32, #tpu.memory_space<hbm>>
        tpu.enqueue_dma source(%dma_start3A_49 : memref<8x128xi32, #tpu.memory_space<hbm>>) target(%arg5 : memref<8x128xi32, #tpu.memory_space<vmem>>) target_semaphore(%run_scoped3A_44 : memref<!tpu.dma_semaphore, #tpu.memory_space<semaphore_mem>>)
        %dma_wait3A = arith.constant 0 : i32
        %dma_wait3A_50 = tpu.memref_slice %arg2[%run_scoped3A, %add3A_34, %dma_wait3A] : memref<2x2560x128xi32, #tpu.memory_space<hbm>> -> memref<1x8x128xi32, #tpu.memory_space<hbm>>
        %dma_wait3A_51 = tpu.memref_squeeze %dma_wait3A_50 : memref<1x8x128xi32, #tpu.memory_space<hbm>> -> memref<8x128xi32, #tpu.memory_space<hbm>>
        %dma_wait3A_52 = arith.constant 0 : i32
        %dma_wait3A_53 = tpu.memref_slice %arg2[%run_scoped3A, %add3A_34, %dma_wait3A_52] : memref<2x2560x128xi32, #tpu.memory_space<hbm>> -> memref<1x8x128xi32, #tpu.memory_space<hbm>>
        %dma_wait3A_54 = tpu.memref_squeeze %dma_wait3A_53 : memref<1x8x128xi32, #tpu.memory_space<hbm>> -> memref<8x128xi32, #tpu.memory_space<hbm>>
        tpu.wait_dma2 semaphore(%run_scoped3A_44 : memref<!tpu.dma_semaphore, #tpu.memory_space<semaphore_mem>>) src(%dma_wait3A_54 : memref<8x128xi32, #tpu.memory_space<hbm>>) dst(%arg5 : memref<8x128xi32, #tpu.memory_space<vmem>>)
        tpu.yield
      }) : () -> ()
      %run_scoped3A_35 = arith.constant 0 : i32
      "tpu.region"() ({
        %run_scoped3A_44 = tpu.sem_alloc : memref<!tpu.dma_semaphore, #tpu.memory_space<semaphore_mem>>
        %dma_start3A = arith.constant 0 : i32
        %dma_start3A_45 = tpu.memref_slice %arg5[%run_scoped3A_35, %dma_start3A] : memref<8x128xi32, #tpu.memory_space<vmem>> -> memref<1x128xi32, #tpu.memory_space<vmem>>
        %dma_start3A_46 = tpu.memref_squeeze %dma_start3A_45 : memref<1x128xi32, #tpu.memory_space<vmem>> -> memref<128xi32, #tpu.memory_space<vmem>>
        %dma_start3A_47 = arith.constant 0 : i32
        %dma_start3A_48 = tpu.memref_slice %arg4[%dma_start3A_47] : memref<10240xf32, #tpu.memory_space<vmem_shared>> -> memref<10240xf32, #tpu.memory_space<vmem_shared>>
        tpu.enqueue_indirect_dma source(%arg6 : memref<128xf32, #tpu.memory_space<vmem>>) target(%dma_start3A_48 : memref<10240xf32, #tpu.memory_space<vmem_shared>>) offsets(%dma_start3A_46 : memref<128xi32, #tpu.memory_space<vmem>>) semaphore(%run_scoped3A_44 : memref<!tpu.dma_semaphore, #tpu.memory_space<semaphore_mem>>) {add = true}
        %dma_wait3A = arith.constant 0 : i32
        %dma_wait3A_49 = tpu.memref_slice %arg5[%run_scoped3A_35, %dma_wait3A] : memref<8x128xi32, #tpu.memory_space<vmem>> -> memref<1x128xi32, #tpu.memory_space<vmem>>
        %dma_wait3A_50 = tpu.memref_squeeze %dma_wait3A_49 : memref<1x128xi32, #tpu.memory_space<vmem>> -> memref<128xi32, #tpu.memory_space<vmem>>
        %dma_wait3A_51 = arith.constant 0 : i32
        %dma_wait3A_52 = tpu.memref_slice %arg4[%dma_wait3A_51] : memref<10240xf32, #tpu.memory_space<vmem_shared>> -> memref<10240xf32, #tpu.memory_space<vmem_shared>>
        tpu.wait_indirect_dma semaphore(%run_scoped3A_44 : memref<!tpu.dma_semaphore, #tpu.memory_space<semaphore_mem>>) src(%arg6 : memref<128xf32, #tpu.memory_space<vmem>>) dst(%dma_wait3A_52 : memref<10240xf32, #tpu.memory_space<vmem_shared>>)
        tpu.yield
      }) : () -> ()
      %run_scoped3A_36 = arith.constant 1 : i32
      "tpu.region"() ({
        %run_scoped3A_44 = tpu.sem_alloc : memref<!tpu.dma_semaphore, #tpu.memory_space<semaphore_mem>>
        %dma_start3A = arith.constant 0 : i32
        %dma_start3A_45 = tpu.memref_slice %arg5[%run_scoped3A_36, %dma_start3A] : memref<8x128xi32, #tpu.memory_space<vmem>> -> memref<1x128xi32, #tpu.memory_space<vmem>>
        %dma_start3A_46 = tpu.memref_squeeze %dma_start3A_45 : memref<1x128xi32, #tpu.memory_space<vmem>> -> memref<128xi32, #tpu.memory_space<vmem>>
        %dma_start3A_47 = arith.constant 0 : i32
        %dma_start3A_48 = tpu.memref_slice %arg4[%dma_start3A_47] : memref<10240xf32, #tpu.memory_space<vmem_shared>> -> memref<10240xf32, #tpu.memory_space<vmem_shared>>
        tpu.enqueue_indirect_dma source(%arg6 : memref<128xf32, #tpu.memory_space<vmem>>) target(%dma_start3A_48 : memref<10240xf32, #tpu.memory_space<vmem_shared>>) offsets(%dma_start3A_46 : memref<128xi32, #tpu.memory_space<vmem>>) semaphore(%run_scoped3A_44 : memref<!tpu.dma_semaphore, #tpu.memory_space<semaphore_mem>>) {add = true}
        %dma_wait3A = arith.constant 0 : i32
        %dma_wait3A_49 = tpu.memref_slice %arg5[%run_scoped3A_36, %dma_wait3A] : memref<8x128xi32, #tpu.memory_space<vmem>> -> memref<1x128xi32, #tpu.memory_space<vmem>>
        %dma_wait3A_50 = tpu.memref_squeeze %dma_wait3A_49 : memref<1x128xi32, #tpu.memory_space<vmem>> -> memref<128xi32, #tpu.memory_space<vmem>>
        %dma_wait3A_51 = arith.constant 0 : i32
        %dma_wait3A_52 = tpu.memref_slice %arg4[%dma_wait3A_51] : memref<10240xf32, #tpu.memory_space<vmem_shared>> -> memref<10240xf32, #tpu.memory_space<vmem_shared>>
        tpu.wait_indirect_dma semaphore(%run_scoped3A_44 : memref<!tpu.dma_semaphore, #tpu.memory_space<semaphore_mem>>) src(%arg6 : memref<128xf32, #tpu.memory_space<vmem>>) dst(%dma_wait3A_52 : memref<10240xf32, #tpu.memory_space<vmem_shared>>)
        tpu.yield
      }) : () -> ()
      %run_scoped3A_37 = arith.constant 2 : i32
      "tpu.region"() ({
        %run_scoped3A_44 = tpu.sem_alloc : memref<!tpu.dma_semaphore, #tpu.memory_space<semaphore_mem>>
        %dma_start3A = arith.constant 0 : i32
        %dma_start3A_45 = tpu.memref_slice %arg5[%run_scoped3A_37, %dma_start3A] : memref<8x128xi32, #tpu.memory_space<vmem>> -> memref<1x128xi32, #tpu.memory_space<vmem>>
        %dma_start3A_46 = tpu.memref_squeeze %dma_start3A_45 : memref<1x128xi32, #tpu.memory_space<vmem>> -> memref<128xi32, #tpu.memory_space<vmem>>
        %dma_start3A_47 = arith.constant 0 : i32
        %dma_start3A_48 = tpu.memref_slice %arg4[%dma_start3A_47] : memref<10240xf32, #tpu.memory_space<vmem_shared>> -> memref<10240xf32, #tpu.memory_space<vmem_shared>>
        tpu.enqueue_indirect_dma source(%arg6 : memref<128xf32, #tpu.memory_space<vmem>>) target(%dma_start3A_48 : memref<10240xf32, #tpu.memory_space<vmem_shared>>) offsets(%dma_start3A_46 : memref<128xi32, #tpu.memory_space<vmem>>) semaphore(%run_scoped3A_44 : memref<!tpu.dma_semaphore, #tpu.memory_space<semaphore_mem>>) {add = true}
        %dma_wait3A = arith.constant 0 : i32
        %dma_wait3A_49 = tpu.memref_slice %arg5[%run_scoped3A_37, %dma_wait3A] : memref<8x128xi32, #tpu.memory_space<vmem>> -> memref<1x128xi32, #tpu.memory_space<vmem>>
        %dma_wait3A_50 = tpu.memref_squeeze %dma_wait3A_49 : memref<1x128xi32, #tpu.memory_space<vmem>> -> memref<128xi32, #tpu.memory_space<vmem>>
        %dma_wait3A_51 = arith.constant 0 : i32
        %dma_wait3A_52 = tpu.memref_slice %arg4[%dma_wait3A_51] : memref<10240xf32, #tpu.memory_space<vmem_shared>> -> memref<10240xf32, #tpu.memory_space<vmem_shared>>
        tpu.wait_indirect_dma semaphore(%run_scoped3A_44 : memref<!tpu.dma_semaphore, #tpu.memory_space<semaphore_mem>>) src(%arg6 : memref<128xf32, #tpu.memory_space<vmem>>) dst(%dma_wait3A_52 : memref<10240xf32, #tpu.memory_space<vmem_shared>>)
        tpu.yield
      }) : () -> ()
      %run_scoped3A_38 = arith.constant 3 : i32
      "tpu.region"() ({
        %run_scoped3A_44 = tpu.sem_alloc : memref<!tpu.dma_semaphore, #tpu.memory_space<semaphore_mem>>
        %dma_start3A = arith.constant 0 : i32
        %dma_start3A_45 = tpu.memref_slice %arg5[%run_scoped3A_38, %dma_start3A] : memref<8x128xi32, #tpu.memory_space<vmem>> -> memref<1x128xi32, #tpu.memory_space<vmem>>
        %dma_start3A_46 = tpu.memref_squeeze %dma_start3A_45 : memref<1x128xi32, #tpu.memory_space<vmem>> -> memref<128xi32, #tpu.memory_space<vmem>>
        %dma_start3A_47 = arith.constant 0 : i32
        %dma_start3A_48 = tpu.memref_slice %arg4[%dma_start3A_47] : memref<10240xf32, #tpu.memory_space<vmem_shared>> -> memref<10240xf32, #tpu.memory_space<vmem_shared>>
        tpu.enqueue_indirect_dma source(%arg6 : memref<128xf32, #tpu.memory_space<vmem>>) target(%dma_start3A_48 : memref<10240xf32, #tpu.memory_space<vmem_shared>>) offsets(%dma_start3A_46 : memref<128xi32, #tpu.memory_space<vmem>>) semaphore(%run_scoped3A_44 : memref<!tpu.dma_semaphore, #tpu.memory_space<semaphore_mem>>) {add = true}
        %dma_wait3A = arith.constant 0 : i32
        %dma_wait3A_49 = tpu.memref_slice %arg5[%run_scoped3A_38, %dma_wait3A] : memref<8x128xi32, #tpu.memory_space<vmem>> -> memref<1x128xi32, #tpu.memory_space<vmem>>
        %dma_wait3A_50 = tpu.memref_squeeze %dma_wait3A_49 : memref<1x128xi32, #tpu.memory_space<vmem>> -> memref<128xi32, #tpu.memory_space<vmem>>
        %dma_wait3A_51 = arith.constant 0 : i32
        %dma_wait3A_52 = tpu.memref_slice %arg4[%dma_wait3A_51] : memref<10240xf32, #tpu.memory_space<vmem_shared>> -> memref<10240xf32, #tpu.memory_space<vmem_shared>>
        tpu.wait_indirect_dma semaphore(%run_scoped3A_44 : memref<!tpu.dma_semaphore, #tpu.memory_space<semaphore_mem>>) src(%arg6 : memref<128xf32, #tpu.memory_space<vmem>>) dst(%dma_wait3A_52 : memref<10240xf32, #tpu.memory_space<vmem_shared>>)
        tpu.yield
      }) : () -> ()
      %run_scoped3A_39 = arith.constant 4 : i32
      "tpu.region"() ({
        %run_scoped3A_44 = tpu.sem_alloc : memref<!tpu.dma_semaphore, #tpu.memory_space<semaphore_mem>>
        %dma_start3A = arith.constant 0 : i32
        %dma_start3A_45 = tpu.memref_slice %arg5[%run_scoped3A_39, %dma_start3A] : memref<8x128xi32, #tpu.memory_space<vmem>> -> memref<1x128xi32, #tpu.memory_space<vmem>>
        %dma_start3A_46 = tpu.memref_squeeze %dma_start3A_45 : memref<1x128xi32, #tpu.memory_space<vmem>> -> memref<128xi32, #tpu.memory_space<vmem>>
        %dma_start3A_47 = arith.constant 0 : i32
        %dma_start3A_48 = tpu.memref_slice %arg4[%dma_start3A_47] : memref<10240xf32, #tpu.memory_space<vmem_shared>> -> memref<10240xf32, #tpu.memory_space<vmem_shared>>
        tpu.enqueue_indirect_dma source(%arg6 : memref<128xf32, #tpu.memory_space<vmem>>) target(%dma_start3A_48 : memref<10240xf32, #tpu.memory_space<vmem_shared>>) offsets(%dma_start3A_46 : memref<128xi32, #tpu.memory_space<vmem>>) semaphore(%run_scoped3A_44 : memref<!tpu.dma_semaphore, #tpu.memory_space<semaphore_mem>>) {add = true}
        %dma_wait3A = arith.constant 0 : i32
        %dma_wait3A_49 = tpu.memref_slice %arg5[%run_scoped3A_39, %dma_wait3A] : memref<8x128xi32, #tpu.memory_space<vmem>> -> memref<1x128xi32, #tpu.memory_space<vmem>>
        %dma_wait3A_50 = tpu.memref_squeeze %dma_wait3A_49 : memref<1x128xi32, #tpu.memory_space<vmem>> -> memref<128xi32, #tpu.memory_space<vmem>>
        %dma_wait3A_51 = arith.constant 0 : i32
        %dma_wait3A_52 = tpu.memref_slice %arg4[%dma_wait3A_51] : memref<10240xf32, #tpu.memory_space<vmem_shared>> -> memref<10240xf32, #tpu.memory_space<vmem_shared>>
        tpu.wait_indirect_dma semaphore(%run_scoped3A_44 : memref<!tpu.dma_semaphore, #tpu.memory_space<semaphore_mem>>) src(%arg6 : memref<128xf32, #tpu.memory_space<vmem>>) dst(%dma_wait3A_52 : memref<10240xf32, #tpu.memory_space<vmem_shared>>)
        tpu.yield
      }) : () -> ()
      %run_scoped3A_40 = arith.constant 5 : i32
      "tpu.region"() ({
        %run_scoped3A_44 = tpu.sem_alloc : memref<!tpu.dma_semaphore, #tpu.memory_space<semaphore_mem>>
        %dma_start3A = arith.constant 0 : i32
        %dma_start3A_45 = tpu.memref_slice %arg5[%run_scoped3A_40, %dma_start3A] : memref<8x128xi32, #tpu.memory_space<vmem>> -> memref<1x128xi32, #tpu.memory_space<vmem>>
        %dma_start3A_46 = tpu.memref_squeeze %dma_start3A_45 : memref<1x128xi32, #tpu.memory_space<vmem>> -> memref<128xi32, #tpu.memory_space<vmem>>
        %dma_start3A_47 = arith.constant 0 : i32
        %dma_start3A_48 = tpu.memref_slice %arg4[%dma_start3A_47] : memref<10240xf32, #tpu.memory_space<vmem_shared>> -> memref<10240xf32, #tpu.memory_space<vmem_shared>>
        tpu.enqueue_indirect_dma source(%arg6 : memref<128xf32, #tpu.memory_space<vmem>>) target(%dma_start3A_48 : memref<10240xf32, #tpu.memory_space<vmem_shared>>) offsets(%dma_start3A_46 : memref<128xi32, #tpu.memory_space<vmem>>) semaphore(%run_scoped3A_44 : memref<!tpu.dma_semaphore, #tpu.memory_space<semaphore_mem>>) {add = true}
        %dma_wait3A = arith.constant 0 : i32
        %dma_wait3A_49 = tpu.memref_slice %arg5[%run_scoped3A_40, %dma_wait3A] : memref<8x128xi32, #tpu.memory_space<vmem>> -> memref<1x128xi32, #tpu.memory_space<vmem>>
        %dma_wait3A_50 = tpu.memref_squeeze %dma_wait3A_49 : memref<1x128xi32, #tpu.memory_space<vmem>> -> memref<128xi32, #tpu.memory_space<vmem>>
        %dma_wait3A_51 = arith.constant 0 : i32
        %dma_wait3A_52 = tpu.memref_slice %arg4[%dma_wait3A_51] : memref<10240xf32, #tpu.memory_space<vmem_shared>> -> memref<10240xf32, #tpu.memory_space<vmem_shared>>
        tpu.wait_indirect_dma semaphore(%run_scoped3A_44 : memref<!tpu.dma_semaphore, #tpu.memory_space<semaphore_mem>>) src(%arg6 : memref<128xf32, #tpu.memory_space<vmem>>) dst(%dma_wait3A_52 : memref<10240xf32, #tpu.memory_space<vmem_shared>>)
        tpu.yield
      }) : () -> ()
      %run_scoped3A_41 = arith.constant 6 : i32
      "tpu.region"() ({
        %run_scoped3A_44 = tpu.sem_alloc : memref<!tpu.dma_semaphore, #tpu.memory_space<semaphore_mem>>
        %dma_start3A = arith.constant 0 : i32
        %dma_start3A_45 = tpu.memref_slice %arg5[%run_scoped3A_41, %dma_start3A] : memref<8x128xi32, #tpu.memory_space<vmem>> -> memref<1x128xi32, #tpu.memory_space<vmem>>
        %dma_start3A_46 = tpu.memref_squeeze %dma_start3A_45 : memref<1x128xi32, #tpu.memory_space<vmem>> -> memref<128xi32, #tpu.memory_space<vmem>>
        %dma_start3A_47 = arith.constant 0 : i32
        %dma_start3A_48 = tpu.memref_slice %arg4[%dma_start3A_47] : memref<10240xf32, #tpu.memory_space<vmem_shared>> -> memref<10240xf32, #tpu.memory_space<vmem_shared>>
        tpu.enqueue_indirect_dma source(%arg6 : memref<128xf32, #tpu.memory_space<vmem>>) target(%dma_start3A_48 : memref<10240xf32, #tpu.memory_space<vmem_shared>>) offsets(%dma_start3A_46 : memref<128xi32, #tpu.memory_space<vmem>>) semaphore(%run_scoped3A_44 : memref<!tpu.dma_semaphore, #tpu.memory_space<semaphore_mem>>) {add = true}
        %dma_wait3A = arith.constant 0 : i32
        %dma_wait3A_49 = tpu.memref_slice %arg5[%run_scoped3A_41, %dma_wait3A] : memref<8x128xi32, #tpu.memory_space<vmem>> -> memref<1x128xi32, #tpu.memory_space<vmem>>
        %dma_wait3A_50 = tpu.memref_squeeze %dma_wait3A_49 : memref<1x128xi32, #tpu.memory_space<vmem>> -> memref<128xi32, #tpu.memory_space<vmem>>
        %dma_wait3A_51 = arith.constant 0 : i32
        %dma_wait3A_52 = tpu.memref_slice %arg4[%dma_wait3A_51] : memref<10240xf32, #tpu.memory_space<vmem_shared>> -> memref<10240xf32, #tpu.memory_space<vmem_shared>>
        tpu.wait_indirect_dma semaphore(%run_scoped3A_44 : memref<!tpu.dma_semaphore, #tpu.memory_space<semaphore_mem>>) src(%arg6 : memref<128xf32, #tpu.memory_space<vmem>>) dst(%dma_wait3A_52 : memref<10240xf32, #tpu.memory_space<vmem_shared>>)
        tpu.yield
      }) : () -> ()
      %run_scoped3A_42 = arith.constant 7 : i32
      "tpu.region"() ({
        %run_scoped3A_44 = tpu.sem_alloc : memref<!tpu.dma_semaphore, #tpu.memory_space<semaphore_mem>>
        %dma_start3A = arith.constant 0 : i32
        %dma_start3A_45 = tpu.memref_slice %arg5[%run_scoped3A_42, %dma_start3A] : memref<8x128xi32, #tpu.memory_space<vmem>> -> memref<1x128xi32, #tpu.memory_space<vmem>>
        %dma_start3A_46 = tpu.memref_squeeze %dma_start3A_45 : memref<1x128xi32, #tpu.memory_space<vmem>> -> memref<128xi32, #tpu.memory_space<vmem>>
        %dma_start3A_47 = arith.constant 0 : i32
        %dma_start3A_48 = tpu.memref_slice %arg4[%dma_start3A_47] : memref<10240xf32, #tpu.memory_space<vmem_shared>> -> memref<10240xf32, #tpu.memory_space<vmem_shared>>
        tpu.enqueue_indirect_dma source(%arg6 : memref<128xf32, #tpu.memory_space<vmem>>) target(%dma_start3A_48 : memref<10240xf32, #tpu.memory_space<vmem_shared>>) offsets(%dma_start3A_46 : memref<128xi32, #tpu.memory_space<vmem>>) semaphore(%run_scoped3A_44 : memref<!tpu.dma_semaphore, #tpu.memory_space<semaphore_mem>>) {add = true}
        %dma_wait3A = arith.constant 0 : i32
        %dma_wait3A_49 = tpu.memref_slice %arg5[%run_scoped3A_42, %dma_wait3A] : memref<8x128xi32, #tpu.memory_space<vmem>> -> memref<1x128xi32, #tpu.memory_space<vmem>>
        %dma_wait3A_50 = tpu.memref_squeeze %dma_wait3A_49 : memref<1x128xi32, #tpu.memory_space<vmem>> -> memref<128xi32, #tpu.memory_space<vmem>>
        %dma_wait3A_51 = arith.constant 0 : i32
        %dma_wait3A_52 = tpu.memref_slice %arg4[%dma_wait3A_51] : memref<10240xf32, #tpu.memory_space<vmem_shared>> -> memref<10240xf32, #tpu.memory_space<vmem_shared>>
        tpu.wait_indirect_dma semaphore(%run_scoped3A_44 : memref<!tpu.dma_semaphore, #tpu.memory_space<semaphore_mem>>) src(%arg6 : memref<128xf32, #tpu.memory_space<vmem>>) dst(%dma_wait3A_52 : memref<10240xf32, #tpu.memory_space<vmem_shared>>)
        tpu.yield
      }) : () -> ()
      %scan3A_43 = arith.constant 0 : i32
      scf.yield %scan3A_43 : i32
    }
    %scan3A_22 = arith.constant 10 : i32
    %barrier3A_23 = arith.constant 0 : index
    tpu.barrier barrier_id(%barrier3A_23)
    %mul3A_24 = arith.constant 640 : i32
    %mul3A_25 = arith.muli %arg1, %mul3A_24 : i32
    "tpu.region"() ({
      %run_scoped3A = tpu.sem_alloc : memref<!tpu.dma_semaphore, #tpu.memory_space<semaphore_mem>>
      %dma_start3A = tpu.memref_slice %arg4[%mul3A_25] : memref<10240xf32, #tpu.memory_space<vmem_shared>> -> memref<640xf32, #tpu.memory_space<vmem_shared>>
      %dma_start3A_28 = tpu.memref_slice %arg4[%mul3A_25] : memref<10240xf32, #tpu.memory_space<vmem_shared>> -> memref<640xf32, #tpu.memory_space<vmem_shared>>
      tpu.enqueue_dma source(%dma_start3A_28 : memref<640xf32, #tpu.memory_space<vmem_shared>>) target(%arg7 : memref<640xf32, #tpu.memory_space<vmem>>) target_semaphore(%run_scoped3A : memref<!tpu.dma_semaphore, #tpu.memory_space<semaphore_mem>>)
      %dma_wait3A = tpu.memref_slice %arg4[%mul3A_25] : memref<10240xf32, #tpu.memory_space<vmem_shared>> -> memref<640xf32, #tpu.memory_space<vmem_shared>>
      %dma_wait3A_29 = tpu.memref_slice %arg4[%mul3A_25] : memref<10240xf32, #tpu.memory_space<vmem_shared>> -> memref<640xf32, #tpu.memory_space<vmem_shared>>
      tpu.wait_dma2 semaphore(%run_scoped3A : memref<!tpu.dma_semaphore, #tpu.memory_space<semaphore_mem>>) src(%dma_wait3A_29 : memref<640xf32, #tpu.memory_space<vmem_shared>>) dst(%arg7 : memref<640xf32, #tpu.memory_space<vmem>>)
      tpu.yield
    }) : () -> ()
    %mul3A_26 = arith.constant 640 : i32
    %mul3A_27 = arith.muli %arg1, %mul3A_26 : i32
    "tpu.region"() ({
      %run_scoped3A = tpu.sem_alloc : memref<!tpu.dma_semaphore, #tpu.memory_space<semaphore_mem>>
      %dma_start3A = tpu.memref_slice %arg3[%arg0, %mul3A_27] : memref<2x10240xf32, #tpu.memory_space<hbm>> -> memref<1x640xf32, #tpu.memory_space<hbm>>
      %dma_start3A_28 = tpu.memref_squeeze %dma_start3A : memref<1x640xf32, #tpu.memory_space<hbm>> -> memref<640xf32, #tpu.memory_space<hbm>>
      %dma_start3A_29 = tpu.memref_slice %arg3[%arg0, %mul3A_27] : memref<2x10240xf32, #tpu.memory_space<hbm>> -> memref<1x640xf32, #tpu.memory_space<hbm>>
      %dma_start3A_30 = tpu.memref_squeeze %dma_start3A_29 : memref<1x640xf32, #tpu.memory_space<hbm>> -> memref<640xf32, #tpu.memory_space<hbm>>
      tpu.enqueue_dma source(%arg7 : memref<640xf32, #tpu.memory_space<vmem>>) target(%dma_start3A_30 : memref<640xf32, #tpu.memory_space<hbm>>) target_semaphore(%run_scoped3A : memref<!tpu.dma_semaphore, #tpu.memory_space<semaphore_mem>>)
      %dma_wait3A = tpu.memref_slice %arg3[%arg0, %mul3A_27] : memref<2x10240xf32, #tpu.memory_space<hbm>> -> memref<1x640xf32, #tpu.memory_space<hbm>>
      %dma_wait3A_31 = tpu.memref_squeeze %dma_wait3A : memref<1x640xf32, #tpu.memory_space<hbm>> -> memref<640xf32, #tpu.memory_space<hbm>>
      %dma_wait3A_32 = tpu.memref_slice %arg3[%arg0, %mul3A_27] : memref<2x10240xf32, #tpu.memory_space<hbm>> -> memref<1x640xf32, #tpu.memory_space<hbm>>
      %dma_wait3A_33 = tpu.memref_squeeze %dma_wait3A_32 : memref<1x640xf32, #tpu.memory_space<hbm>> -> memref<640xf32, #tpu.memory_space<hbm>>
      tpu.wait_dma2 semaphore(%run_scoped3A : memref<!tpu.dma_semaphore, #tpu.memory_space<semaphore_mem>>) src(%arg7 : memref<640xf32, #tpu.memory_space<vmem>>) dst(%dma_wait3A_33 : memref<640xf32, #tpu.memory_space<hbm>>)
      tpu.yield
    }) : () -> ()
    return
  }
}

#map = affine_map<(d0, d1) -> (0, 0)>
#map1 = affine_map<(d0, d1) -> (0, 0, 0)>
module attributes {stable_mosaic.version = 14 : i64} {
  func.func @_prop_sc(%arg0: i32, %arg1: i32, %arg2: memref<10240x32xf32, #tpu.memory_space<hbm>>, %arg3: memref<2x2560x128xi32, #tpu.memory_space<hbm>>, %arg4: memref<2x10240x32xf32, #tpu.memory_space<hbm>>, %arg5: memref<10240x32xf32, #tpu.memory_space<vmem_shared>>, %arg6: memref<10240x32xf32, #tpu.memory_space<vmem_shared>>, %arg7: memref<5x128xi32, #tpu.memory_space<vmem>>, %arg8: memref<5x128xi32, #tpu.memory_space<vmem>>, %arg9: memref<5x128xi32, #tpu.memory_space<vmem>>, %arg10: memref<5x128xi32, #tpu.memory_space<vmem>>, %arg11: memref<640x32xf32, #tpu.memory_space<vmem>>, %arg12: memref<640x32xf32, #tpu.memory_space<vmem>>, %arg13: memref<!tpu.dma_semaphore, #tpu.memory_space<semaphore_mem>>, %arg14: memref<!tpu.dma_semaphore, #tpu.memory_space<semaphore_mem>>) attributes {dimension_semantics = [#tpu.dimension_semantics<core_parallel>, #tpu.dimension_semantics<subcore_parallel>], iteration_bounds = array<i64: 2, 16>, scalar_prefetch = 0 : i64, scratch_operands = 10 : i64, tpu.core_type = #tpu.core_type<sc_vector_subcore>, window_params = [{transform_indices = #map}, {transform_indices = #map1}, {transform_indices = #map1}]} {
    %mul3A = arith.constant 2 : i32
    %mul3A_0 = arith.muli %arg1, %mul3A : i32
    %add3A = arith.addi %mul3A_0, %arg0 : i32
    %mul3A_1 = arith.constant 640 : i32
    %mul3A_2 = arith.muli %arg1, %mul3A_1 : i32
    "tpu.region"() ({
      %run_scoped3A = tpu.sem_alloc : memref<!tpu.dma_semaphore, #tpu.memory_space<semaphore_mem>>
      %dma_start3A = arith.constant 0 : i32
      %dma_start3A_27 = tpu.memref_slice %arg2[%mul3A_2, %dma_start3A] : memref<10240x32xf32, #tpu.memory_space<hbm>> -> memref<640x32xf32, #tpu.memory_space<hbm>>
      %dma_start3A_28 = arith.constant 0 : i32
      %dma_start3A_29 = tpu.memref_slice %arg2[%mul3A_2, %dma_start3A_28] : memref<10240x32xf32, #tpu.memory_space<hbm>> -> memref<640x32xf32, #tpu.memory_space<hbm>>
      tpu.enqueue_dma source(%dma_start3A_29 : memref<640x32xf32, #tpu.memory_space<hbm>>) target(%arg11 : memref<640x32xf32, #tpu.memory_space<vmem>>) target_semaphore(%run_scoped3A : memref<!tpu.dma_semaphore, #tpu.memory_space<semaphore_mem>>)
      %dma_wait3A_30 = arith.constant 0 : i32
      %dma_wait3A_31 = tpu.memref_slice %arg2[%mul3A_2, %dma_wait3A_30] : memref<10240x32xf32, #tpu.memory_space<hbm>> -> memref<640x32xf32, #tpu.memory_space<hbm>>
      %dma_wait3A_32 = arith.constant 0 : i32
      %dma_wait3A_33 = tpu.memref_slice %arg2[%mul3A_2, %dma_wait3A_32] : memref<10240x32xf32, #tpu.memory_space<hbm>> -> memref<640x32xf32, #tpu.memory_space<hbm>>
      tpu.wait_dma2 semaphore(%run_scoped3A : memref<!tpu.dma_semaphore, #tpu.memory_space<semaphore_mem>>) src(%dma_wait3A_33 : memref<640x32xf32, #tpu.memory_space<hbm>>) dst(%arg11 : memref<640x32xf32, #tpu.memory_space<vmem>>)
      tpu.yield
    }) : () -> ()
    "tpu.region"() ({
      %run_scoped3A = tpu.sem_alloc : memref<!tpu.dma_semaphore, #tpu.memory_space<semaphore_mem>>
      %dma_start3A = arith.constant 0 : i32
      %dma_start3A_27 = tpu.memref_slice %arg6[%mul3A_2, %dma_start3A] : memref<10240x32xf32, #tpu.memory_space<vmem_shared>> -> memref<640x32xf32, #tpu.memory_space<vmem_shared>>
      %dma_start3A_28 = arith.constant 0 : i32
      %dma_start3A_29 = tpu.memref_slice %arg6[%mul3A_2, %dma_start3A_28] : memref<10240x32xf32, #tpu.memory_space<vmem_shared>> -> memref<640x32xf32, #tpu.memory_space<vmem_shared>>
      tpu.enqueue_dma source(%arg11 : memref<640x32xf32, #tpu.memory_space<vmem>>) target(%dma_start3A_29 : memref<640x32xf32, #tpu.memory_space<vmem_shared>>) target_semaphore(%run_scoped3A : memref<!tpu.dma_semaphore, #tpu.memory_space<semaphore_mem>>)
      %dma_wait3A_30 = arith.constant 0 : i32
      %dma_wait3A_31 = tpu.memref_slice %arg6[%mul3A_2, %dma_wait3A_30] : memref<10240x32xf32, #tpu.memory_space<vmem_shared>> -> memref<640x32xf32, #tpu.memory_space<vmem_shared>>
      %dma_wait3A_32 = arith.constant 0 : i32
      %dma_wait3A_33 = tpu.memref_slice %arg6[%mul3A_2, %dma_wait3A_32] : memref<10240x32xf32, #tpu.memory_space<vmem_shared>> -> memref<640x32xf32, #tpu.memory_space<vmem_shared>>
      tpu.wait_dma2 semaphore(%run_scoped3A : memref<!tpu.dma_semaphore, #tpu.memory_space<semaphore_mem>>) src(%arg11 : memref<640x32xf32, #tpu.memory_space<vmem>>) dst(%dma_wait3A_33 : memref<640x32xf32, #tpu.memory_space<vmem_shared>>)
      tpu.yield
    }) : () -> ()
    %eq3A = arith.constant 0 : i32
    %eq3A_3 = arith.cmpi eq, %arg0, %eq3A : i32
    %convert_element_type3A = arith.extui %eq3A_3 : i1 to i32
    %cond3A = arith.constant 0 : i32
    %cond3A_4 = arith.cmpi ne, %convert_element_type3A, %cond3A : i32
    scf.if %cond3A_4 {
      "tpu.region"() ({
        %run_scoped3A = tpu.sem_alloc : memref<!tpu.dma_semaphore, #tpu.memory_space<semaphore_mem>>
        %dma_start3A = arith.constant 0 : i32
        %dma_start3A_27 = tpu.memref_slice %arg5[%mul3A_2, %dma_start3A] : memref<10240x32xf32, #tpu.memory_space<vmem_shared>> -> memref<640x32xf32, #tpu.memory_space<vmem_shared>>
        %dma_start3A_28 = arith.constant 0 : i32
        %dma_start3A_29 = tpu.memref_slice %arg5[%mul3A_2, %dma_start3A_28] : memref<10240x32xf32, #tpu.memory_space<vmem_shared>> -> memref<640x32xf32, #tpu.memory_space<vmem_shared>>
        tpu.enqueue_dma source(%arg11 : memref<640x32xf32, #tpu.memory_space<vmem>>) target(%dma_start3A_29 : memref<640x32xf32, #tpu.memory_space<vmem_shared>>) target_semaphore(%run_scoped3A : memref<!tpu.dma_semaphore, #tpu.memory_space<semaphore_mem>>)
        %dma_wait3A_30 = arith.constant 0 : i32
        %dma_wait3A_31 = tpu.memref_slice %arg5[%mul3A_2, %dma_wait3A_30] : memref<10240x32xf32, #tpu.memory_space<vmem_shared>> -> memref<640x32xf32, #tpu.memory_space<vmem_shared>>
        %dma_wait3A_32 = arith.constant 0 : i32
        %dma_wait3A_33 = tpu.memref_slice %arg5[%mul3A_2, %dma_wait3A_32] : memref<10240x32xf32, #tpu.memory_space<vmem_shared>> -> memref<640x32xf32, #tpu.memory_space<vmem_shared>>
        tpu.wait_dma2 semaphore(%run_scoped3A : memref<!tpu.dma_semaphore, #tpu.memory_space<semaphore_mem>>) src(%arg11 : memref<640x32xf32, #tpu.memory_space<vmem>>) dst(%dma_wait3A_33 : memref<640x32xf32, #tpu.memory_space<vmem_shared>>)
        tpu.yield
      }) : () -> ()
    } else {
    }
    %ne3A = arith.constant 0 : i32
    %ne3A_5 = arith.cmpi ne, %arg0, %ne3A : i32
    %convert_element_type3A_6 = arith.extui %ne3A_5 : i1 to i32
    %cond3A_7 = arith.constant 0 : i32
    %cond3A_8 = arith.cmpi ne, %convert_element_type3A_6, %cond3A_7 : i32
    scf.if %cond3A_8 {
      %scan3A_27 = arith.constant 0 : i32
      %scan3A_28 = arith.constant 0 : i32
      %scan3A_29 = arith.constant 640 : i32
      %scan3A_30 = arith.addi %scan3A_28, %scan3A_29 : i32
      %scan3A_31 = arith.constant 1 : i32
      %scan3A_32 = scf.for %scan3A_34 = %scan3A_28 to %scan3A_30 step %scan3A_31 iter_args(%scan3A_35 = %scan3A_27) -> (i32)  : i32 {
        %broadcast_in_dim3A = arith.constant 0.000000e+00 : f32
        %broadcast_in_dim3A_36 = vector.broadcast %broadcast_in_dim3A : f32 to vector<16xf32>
        %swap3A = arith.index_cast %scan3A_34 : i32 to index
        %swap3A_37 = arith.constant 0 : index
        %swap3A_38 = tpu.vector_load %arg11[%swap3A, %swap3A_37] {strides = array<i32>} : memref<640x32xf32, #tpu.memory_space<vmem>>, vector<1x16xf32>,
        %swap3A_39 = vector.shape_cast %swap3A_38 : vector<1x16xf32> to vector<16xf32>
        %swap3A_40 = vector.shape_cast %broadcast_in_dim3A_36 : vector<16xf32> to vector<1x16xf32>
        tpu.vector_store %arg11[%swap3A, %swap3A_37], %swap3A_40 {strides = array<i32>} : memref<640x32xf32, #tpu.memory_space<vmem>>, vector<1x16xf32>,
        %broadcast_in_dim3A_41 = arith.constant 0.000000e+00 : f32
        %broadcast_in_dim3A_42 = vector.broadcast %broadcast_in_dim3A_41 : f32 to vector<16xf32>
        %swap3A_43 = arith.index_cast %scan3A_34 : i32 to index
        %swap3A_44 = arith.constant 16 : index
        %swap3A_45 = tpu.vector_load %arg11[%swap3A_43, %swap3A_44] {strides = array<i32>} : memref<640x32xf32, #tpu.memory_space<vmem>>, vector<1x16xf32>,
        %swap3A_46 = vector.shape_cast %swap3A_45 : vector<1x16xf32> to vector<16xf32>
        %swap3A_47 = vector.shape_cast %broadcast_in_dim3A_42 : vector<16xf32> to vector<1x16xf32>
        tpu.vector_store %arg11[%swap3A_43, %swap3A_44], %swap3A_47 {strides = array<i32>} : memref<640x32xf32, #tpu.memory_space<vmem>>, vector<1x16xf32>,
        %scan3A_48 = arith.constant 0 : i32
        scf.yield %scan3A_48 : i32
      }
      %scan3A_33 = arith.constant 640 : i32
      "tpu.region"() ({
        %run_scoped3A = tpu.sem_alloc : memref<!tpu.dma_semaphore, #tpu.memory_space<semaphore_mem>>
        %dma_start3A = arith.constant 0 : i32
        %dma_start3A_34 = tpu.memref_slice %arg5[%mul3A_2, %dma_start3A] : memref<10240x32xf32, #tpu.memory_space<vmem_shared>> -> memref<640x32xf32, #tpu.memory_space<vmem_shared>>
        %dma_start3A_35 = arith.constant 0 : i32
        %dma_start3A_36 = tpu.memref_slice %arg5[%mul3A_2, %dma_start3A_35] : memref<10240x32xf32, #tpu.memory_space<vmem_shared>> -> memref<640x32xf32, #tpu.memory_space<vmem_shared>>
        tpu.enqueue_dma source(%arg11 : memref<640x32xf32, #tpu.memory_space<vmem>>) target(%dma_start3A_36 : memref<640x32xf32, #tpu.memory_space<vmem_shared>>) target_semaphore(%run_scoped3A : memref<!tpu.dma_semaphore, #tpu.memory_space<semaphore_mem>>)
        %dma_wait3A_37 = arith.constant 0 : i32
        %dma_wait3A_38 = tpu.memref_slice %arg5[%mul3A_2, %dma_wait3A_37] : memref<10240x32xf32, #tpu.memory_space<vmem_shared>> -> memref<640x32xf32, #tpu.memory_space<vmem_shared>>
        %dma_wait3A_39 = arith.constant 0 : i32
        %dma_wait3A_40 = tpu.memref_slice %arg5[%mul3A_2, %dma_wait3A_39] : memref<10240x32xf32, #tpu.memory_space<vmem_shared>> -> memref<640x32xf32, #tpu.memory_space<vmem_shared>>
        tpu.wait_dma2 semaphore(%run_scoped3A : memref<!tpu.dma_semaphore, #tpu.memory_space<semaphore_mem>>) src(%arg11 : memref<640x32xf32, #tpu.memory_space<vmem>>) dst(%dma_wait3A_40 : memref<640x32xf32, #tpu.memory_space<vmem_shared>>)
        tpu.yield
      }) : () -> ()
    } else {
    }
    %barrier3A = arith.constant 0 : index
    tpu.barrier barrier_id(%barrier3A)
    %scan3A = arith.constant 0 : i32
    %scan3A_9 = arith.constant 0 : i32
    %scan3A_10 = arith.constant 8 : i32
    %scan3A_11 = arith.addi %scan3A_9, %scan3A_10 : i32
    %scan3A_12 = arith.constant 1 : i32
    %scan3A_13 = scf.for %scan3A_27 = %scan3A_9 to %scan3A_11 step %scan3A_12 iter_args(%scan3A_28 = %scan3A) -> (i32)  : i32 {
      %mul3A_29 = arith.constant 80 : i32
      %mul3A_30 = arith.muli %add3A, %mul3A_29 : i32
      %mul3A_31 = arith.constant 2 : i32
      %mul3A_32 = arith.muli %mul3A_31, %scan3A_27 : i32
      %mul3A_33 = arith.constant 5 : i32
      %mul3A_34 = arith.muli %mul3A_32, %mul3A_33 : i32
      %add3A_35 = arith.addi %mul3A_30, %mul3A_34 : i32
      %add3A_36 = arith.constant 5 : i32
      %add3A_37 = arith.addi %add3A_35, %add3A_36 : i32
      %gt3A = arith.constant 0 : i32
      %gt3A_38 = arith.cmpi sgt, %scan3A_27, %gt3A : i32
      %convert_element_type3A_39 = arith.extui %gt3A_38 : i1 to i32
      %cond3A_40 = arith.constant 0 : i32
      %cond3A_41 = arith.cmpi ne, %convert_element_type3A_39, %cond3A_40 : i32
      scf.if %cond3A_41 {
        %dma_wait3A_350 = arith.constant 0 : i32
        %dma_wait3A_351 = arith.constant 0 : i32
        %dma_wait3A_352 = tpu.memref_slice %arg2[%dma_wait3A_350, %dma_wait3A_351] : memref<10240x32xf32, #tpu.memory_space<hbm>> -> memref<640x32xf32, #tpu.memory_space<hbm>>
        %dma_wait3A_353 = arith.constant 0 : i32
        %dma_wait3A_354 = arith.constant 0 : i32
        %dma_wait3A_355 = tpu.memref_slice %arg2[%dma_wait3A_353, %dma_wait3A_354] : memref<10240x32xf32, #tpu.memory_space<hbm>> -> memref<640x32xf32, #tpu.memory_space<hbm>>
        tpu.wait_dma2 semaphore(%arg14 : memref<!tpu.dma_semaphore, #tpu.memory_space<semaphore_mem>>) src(%dma_wait3A_355 : memref<640x32xf32, #tpu.memory_space<hbm>>) dst(%arg11 : memref<640x32xf32, #tpu.memory_space<vmem>>)
      } else {
      }
      %run_scoped3A = arith.constant 0 : i32
      "tpu.region"() ({
        %run_scoped3A_350 = tpu.sem_alloc : memref<!tpu.dma_semaphore, #tpu.memory_space<semaphore_mem>>
        %dma_start3A_351 = arith.constant 0 : i32
        %dma_start3A_352 = tpu.memref_slice %arg3[%run_scoped3A, %add3A_35, %dma_start3A_351] : memref<2x2560x128xi32, #tpu.memory_space<hbm>> -> memref<1x5x128xi32, #tpu.memory_space<hbm>>
        %dma_start3A_353 = tpu.memref_squeeze %dma_start3A_352 : memref<1x5x128xi32, #tpu.memory_space<hbm>> -> memref<5x128xi32, #tpu.memory_space<hbm>>
        %dma_start3A_354 = arith.constant 0 : i32
        %dma_start3A_355 = tpu.memref_slice %arg3[%run_scoped3A, %add3A_35, %dma_start3A_354] : memref<2x2560x128xi32, #tpu.memory_space<hbm>> -> memref<1x5x128xi32, #tpu.memory_space<hbm>>
        %dma_start3A_356 = tpu.memref_squeeze %dma_start3A_355 : memref<1x5x128xi32, #tpu.memory_space<hbm>> -> memref<5x128xi32, #tpu.memory_space<hbm>>
        tpu.enqueue_dma source(%dma_start3A_356 : memref<5x128xi32, #tpu.memory_space<hbm>>) target(%arg7 : memref<5x128xi32, #tpu.memory_space<vmem>>) target_semaphore(%run_scoped3A_350 : memref<!tpu.dma_semaphore, #tpu.memory_space<semaphore_mem>>)
        %dma_wait3A_357 = arith.constant 0 : i32
        %dma_wait3A_358 = tpu.memref_slice %arg3[%run_scoped3A, %add3A_35, %dma_wait3A_357] : memref<2x2560x128xi32, #tpu.memory_space<hbm>> -> memref<1x5x128xi32, #tpu.memory_space<hbm>>
        %dma_wait3A_359 = tpu.memref_squeeze %dma_wait3A_358 : memref<1x5x128xi32, #tpu.memory_space<hbm>> -> memref<5x128xi32, #tpu.memory_space<hbm>>
        %dma_wait3A_360 = arith.constant 0 : i32
        %dma_wait3A_361 = tpu.memref_slice %arg3[%run_scoped3A, %add3A_35, %dma_wait3A_360] : memref<2x2560x128xi32, #tpu.memory_space<hbm>> -> memref<1x5x128xi32, #tpu.memory_space<hbm>>
        %dma_wait3A_362 = tpu.memref_squeeze %dma_wait3A_361 : memref<1x5x128xi32, #tpu.memory_space<hbm>> -> memref<5x128xi32, #tpu.memory_space<hbm>>
        tpu.wait_dma2 semaphore(%run_scoped3A_350 : memref<!tpu.dma_semaphore, #tpu.memory_space<semaphore_mem>>) src(%dma_wait3A_362 : memref<5x128xi32, #tpu.memory_space<hbm>>) dst(%arg7 : memref<5x128xi32, #tpu.memory_space<vmem>>)
        tpu.yield
      }) : () -> ()
      %run_scoped3A_42 = arith.constant 1 : i32
      "tpu.region"() ({
        %run_scoped3A_350 = tpu.sem_alloc : memref<!tpu.dma_semaphore, #tpu.memory_space<semaphore_mem>>
        %dma_start3A_351 = arith.constant 0 : i32
        %dma_start3A_352 = tpu.memref_slice %arg3[%run_scoped3A_42, %add3A_35, %dma_start3A_351] : memref<2x2560x128xi32, #tpu.memory_space<hbm>> -> memref<1x5x128xi32, #tpu.memory_space<hbm>>
        %dma_start3A_353 = tpu.memref_squeeze %dma_start3A_352 : memref<1x5x128xi32, #tpu.memory_space<hbm>> -> memref<5x128xi32, #tpu.memory_space<hbm>>
        %dma_start3A_354 = arith.constant 0 : i32
        %dma_start3A_355 = tpu.memref_slice %arg3[%run_scoped3A_42, %add3A_35, %dma_start3A_354] : memref<2x2560x128xi32, #tpu.memory_space<hbm>> -> memref<1x5x128xi32, #tpu.memory_space<hbm>>
        %dma_start3A_356 = tpu.memref_squeeze %dma_start3A_355 : memref<1x5x128xi32, #tpu.memory_space<hbm>> -> memref<5x128xi32, #tpu.memory_space<hbm>>
        tpu.enqueue_dma source(%dma_start3A_356 : memref<5x128xi32, #tpu.memory_space<hbm>>) target(%arg8 : memref<5x128xi32, #tpu.memory_space<vmem>>) target_semaphore(%run_scoped3A_350 : memref<!tpu.dma_semaphore, #tpu.memory_space<semaphore_mem>>)
        %dma_wait3A_357 = arith.constant 0 : i32
        %dma_wait3A_358 = tpu.memref_slice %arg3[%run_scoped3A_42, %add3A_35, %dma_wait3A_357] : memref<2x2560x128xi32, #tpu.memory_space<hbm>> -> memref<1x5x128xi32, #tpu.memory_space<hbm>>
        %dma_wait3A_359 = tpu.memref_squeeze %dma_wait3A_358 : memref<1x5x128xi32, #tpu.memory_space<hbm>> -> memref<5x128xi32, #tpu.memory_space<hbm>>
        %dma_wait3A_360 = arith.constant 0 : i32
        %dma_wait3A_361 = tpu.memref_slice %arg3[%run_scoped3A_42, %add3A_35, %dma_wait3A_360] : memref<2x2560x128xi32, #tpu.memory_space<hbm>> -> memref<1x5x128xi32, #tpu.memory_space<hbm>>
        %dma_wait3A_362 = tpu.memref_squeeze %dma_wait3A_361 : memref<1x5x128xi32, #tpu.memory_space<hbm>> -> memref<5x128xi32, #tpu.memory_space<hbm>>
        tpu.wait_dma2 semaphore(%run_scoped3A_350 : memref<!tpu.dma_semaphore, #tpu.memory_space<semaphore_mem>>) src(%dma_wait3A_362 : memref<5x128xi32, #tpu.memory_space<hbm>>) dst(%arg8 : memref<5x128xi32, #tpu.memory_space<vmem>>)
        tpu.yield
      }) : () -> ()
      %dma_start3A = arith.constant 0 : i32
      %dma_start3A_43 = arith.constant 0 : i32
      %dma_start3A_44 = arith.constant 0 : i32
      %dma_start3A_45 = tpu.memref_slice %arg11[%dma_start3A_43, %dma_start3A_44] : memref<640x32xf32, #tpu.memory_space<vmem>> -> memref<128x32xf32, #tpu.memory_space<vmem>>
      %dma_start3A_46 = arith.constant 0 : i32
      %dma_start3A_47 = tpu.memref_slice %arg7[%dma_start3A, %dma_start3A_46] : memref<5x128xi32, #tpu.memory_space<vmem>> -> memref<1x128xi32, #tpu.memory_space<vmem>>
      %dma_start3A_48 = tpu.memref_squeeze %dma_start3A_47 : memref<1x128xi32, #tpu.memory_space<vmem>> -> memref<128xi32, #tpu.memory_space<vmem>>
      %dma_start3A_49 = arith.constant 0 : i32
      %dma_start3A_50 = arith.constant 0 : i32
      %dma_start3A_51 = tpu.memref_slice %arg6[%dma_start3A_49, %dma_start3A_50] : memref<10240x32xf32, #tpu.memory_space<vmem_shared>> -> memref<10240x32xf32, #tpu.memory_space<vmem_shared>>
      tpu.enqueue_indirect_dma source(%dma_start3A_51 : memref<10240x32xf32, #tpu.memory_space<vmem_shared>>) target(%dma_start3A_45 : memref<128x32xf32, #tpu.memory_space<vmem>>) offsets(%dma_start3A_48 : memref<128xi32, #tpu.memory_space<vmem>>) semaphore(%arg13 : memref<!tpu.dma_semaphore, #tpu.memory_space<semaphore_mem>>)
      %dma_start3A_52 = arith.constant 1 : i32
      %dma_start3A_53 = arith.constant 128 : i32
      %dma_start3A_54 = arith.constant 0 : i32
      %dma_start3A_55 = tpu.memref_slice %arg11[%dma_start3A_53, %dma_start3A_54] : memref<640x32xf32, #tpu.memory_space<vmem>> -> memref<128x32xf32, #tpu.memory_space<vmem>>
      %dma_start3A_56 = arith.constant 0 : i32
      %dma_start3A_57 = tpu.memref_slice %arg7[%dma_start3A_52, %dma_start3A_56] : memref<5x128xi32, #tpu.memory_space<vmem>> -> memref<1x128xi32, #tpu.memory_space<vmem>>
      %dma_start3A_58 = tpu.memref_squeeze %dma_start3A_57 : memref<1x128xi32, #tpu.memory_space<vmem>> -> memref<128xi32, #tpu.memory_space<vmem>>
      %dma_start3A_59 = arith.constant 0 : i32
      %dma_start3A_60 = arith.constant 0 : i32
      %dma_start3A_61 = tpu.memref_slice %arg6[%dma_start3A_59, %dma_start3A_60] : memref<10240x32xf32, #tpu.memory_space<vmem_shared>> -> memref<10240x32xf32, #tpu.memory_space<vmem_shared>>
      tpu.enqueue_indirect_dma source(%dma_start3A_61 : memref<10240x32xf32, #tpu.memory_space<vmem_shared>>) target(%dma_start3A_55 : memref<128x32xf32, #tpu.memory_space<vmem>>) offsets(%dma_start3A_58 : memref<128xi32, #tpu.memory_space<vmem>>) semaphore(%arg13 : memref<!tpu.dma_semaphore, #tpu.memory_space<semaphore_mem>>)
      %dma_start3A_62 = arith.constant 2 : i32
      %dma_start3A_63 = arith.constant 256 : i32
      %dma_start3A_64 = arith.constant 0 : i32
      %dma_start3A_65 = tpu.memref_slice %arg11[%dma_start3A_63, %dma_start3A_64] : memref<640x32xf32, #tpu.memory_space<vmem>> -> memref<128x32xf32, #tpu.memory_space<vmem>>
      %dma_start3A_66 = arith.constant 0 : i32
      %dma_start3A_67 = tpu.memref_slice %arg7[%dma_start3A_62, %dma_start3A_66] : memref<5x128xi32, #tpu.memory_space<vmem>> -> memref<1x128xi32, #tpu.memory_space<vmem>>
      %dma_start3A_68 = tpu.memref_squeeze %dma_start3A_67 : memref<1x128xi32, #tpu.memory_space<vmem>> -> memref<128xi32, #tpu.memory_space<vmem>>
      %dma_start3A_69 = arith.constant 0 : i32
      %dma_start3A_70 = arith.constant 0 : i32
      %dma_start3A_71 = tpu.memref_slice %arg6[%dma_start3A_69, %dma_start3A_70] : memref<10240x32xf32, #tpu.memory_space<vmem_shared>> -> memref<10240x32xf32, #tpu.memory_space<vmem_shared>>
      tpu.enqueue_indirect_dma source(%dma_start3A_71 : memref<10240x32xf32, #tpu.memory_space<vmem_shared>>) target(%dma_start3A_65 : memref<128x32xf32, #tpu.memory_space<vmem>>) offsets(%dma_start3A_68 : memref<128xi32, #tpu.memory_space<vmem>>) semaphore(%arg13 : memref<!tpu.dma_semaphore, #tpu.memory_space<semaphore_mem>>)
      %dma_start3A_72 = arith.constant 3 : i32
      %dma_start3A_73 = arith.constant 384 : i32
      %dma_start3A_74 = arith.constant 0 : i32
      %dma_start3A_75 = tpu.memref_slice %arg11[%dma_start3A_73, %dma_start3A_74] : memref<640x32xf32, #tpu.memory_space<vmem>> -> memref<128x32xf32, #tpu.memory_space<vmem>>
      %dma_start3A_76 = arith.constant 0 : i32
      %dma_start3A_77 = tpu.memref_slice %arg7[%dma_start3A_72, %dma_start3A_76] : memref<5x128xi32, #tpu.memory_space<vmem>> -> memref<1x128xi32, #tpu.memory_space<vmem>>
      %dma_start3A_78 = tpu.memref_squeeze %dma_start3A_77 : memref<1x128xi32, #tpu.memory_space<vmem>> -> memref<128xi32, #tpu.memory_space<vmem>>
      %dma_start3A_79 = arith.constant 0 : i32
      %dma_start3A_80 = arith.constant 0 : i32
      %dma_start3A_81 = tpu.memref_slice %arg6[%dma_start3A_79, %dma_start3A_80] : memref<10240x32xf32, #tpu.memory_space<vmem_shared>> -> memref<10240x32xf32, #tpu.memory_space<vmem_shared>>
      tpu.enqueue_indirect_dma source(%dma_start3A_81 : memref<10240x32xf32, #tpu.memory_space<vmem_shared>>) target(%dma_start3A_75 : memref<128x32xf32, #tpu.memory_space<vmem>>) offsets(%dma_start3A_78 : memref<128xi32, #tpu.memory_space<vmem>>) semaphore(%arg13 : memref<!tpu.dma_semaphore, #tpu.memory_space<semaphore_mem>>)
      %dma_start3A_82 = arith.constant 4 : i32
      %dma_start3A_83 = arith.constant 512 : i32
      %dma_start3A_84 = arith.constant 0 : i32
      %dma_start3A_85 = tpu.memref_slice %arg11[%dma_start3A_83, %dma_start3A_84] : memref<640x32xf32, #tpu.memory_space<vmem>> -> memref<128x32xf32, #tpu.memory_space<vmem>>
      %dma_start3A_86 = arith.constant 0 : i32
      %dma_start3A_87 = tpu.memref_slice %arg7[%dma_start3A_82, %dma_start3A_86] : memref<5x128xi32, #tpu.memory_space<vmem>> -> memref<1x128xi32, #tpu.memory_space<vmem>>
      %dma_start3A_88 = tpu.memref_squeeze %dma_start3A_87 : memref<1x128xi32, #tpu.memory_space<vmem>> -> memref<128xi32, #tpu.memory_space<vmem>>
      %dma_start3A_89 = arith.constant 0 : i32
      %dma_start3A_90 = arith.constant 0 : i32
      %dma_start3A_91 = tpu.memref_slice %arg6[%dma_start3A_89, %dma_start3A_90] : memref<10240x32xf32, #tpu.memory_space<vmem_shared>> -> memref<10240x32xf32, #tpu.memory_space<vmem_shared>>
      tpu.enqueue_indirect_dma source(%dma_start3A_91 : memref<10240x32xf32, #tpu.memory_space<vmem_shared>>) target(%dma_start3A_85 : memref<128x32xf32, #tpu.memory_space<vmem>>) offsets(%dma_start3A_88 : memref<128xi32, #tpu.memory_space<vmem>>) semaphore(%arg13 : memref<!tpu.dma_semaphore, #tpu.memory_space<semaphore_mem>>)
      %dma_wait3A_92 = arith.constant 0 : i32
      %dma_wait3A_93 = arith.constant 0 : i32
      %dma_wait3A_94 = arith.constant 0 : i32
      %dma_wait3A_95 = tpu.memref_slice %arg11[%dma_wait3A_93, %dma_wait3A_94] : memref<640x32xf32, #tpu.memory_space<vmem>> -> memref<128x32xf32, #tpu.memory_space<vmem>>
      %dma_wait3A_96 = arith.constant 0 : i32
      %dma_wait3A_97 = tpu.memref_slice %arg7[%dma_wait3A_92, %dma_wait3A_96] : memref<5x128xi32, #tpu.memory_space<vmem>> -> memref<1x128xi32, #tpu.memory_space<vmem>>
      %dma_wait3A_98 = tpu.memref_squeeze %dma_wait3A_97 : memref<1x128xi32, #tpu.memory_space<vmem>> -> memref<128xi32, #tpu.memory_space<vmem>>
      %dma_wait3A_99 = arith.constant 0 : i32
      %dma_wait3A_100 = arith.constant 0 : i32
      %dma_wait3A_101 = tpu.memref_slice %arg6[%dma_wait3A_99, %dma_wait3A_100] : memref<10240x32xf32, #tpu.memory_space<vmem_shared>> -> memref<10240x32xf32, #tpu.memory_space<vmem_shared>>
      tpu.wait_indirect_dma semaphore(%arg13 : memref<!tpu.dma_semaphore, #tpu.memory_space<semaphore_mem>>) src(%dma_wait3A_101 : memref<10240x32xf32, #tpu.memory_space<vmem_shared>>) dst(%dma_wait3A_95 : memref<128x32xf32, #tpu.memory_space<vmem>>)
      %dma_start3A_102 = arith.constant 0 : i32
      %dma_start3A_103 = arith.constant 0 : i32
      %dma_start3A_104 = arith.constant 0 : i32
      %dma_start3A_105 = tpu.memref_slice %arg11[%dma_start3A_103, %dma_start3A_104] : memref<640x32xf32, #tpu.memory_space<vmem>> -> memref<128x32xf32, #tpu.memory_space<vmem>>
      %dma_start3A_106 = arith.constant 0 : i32
      %dma_start3A_107 = tpu.memref_slice %arg8[%dma_start3A_102, %dma_start3A_106] : memref<5x128xi32, #tpu.memory_space<vmem>> -> memref<1x128xi32, #tpu.memory_space<vmem>>
      %dma_start3A_108 = tpu.memref_squeeze %dma_start3A_107 : memref<1x128xi32, #tpu.memory_space<vmem>> -> memref<128xi32, #tpu.memory_space<vmem>>
      %dma_start3A_109 = arith.constant 0 : i32
      %dma_start3A_110 = arith.constant 0 : i32
      %dma_start3A_111 = tpu.memref_slice %arg5[%dma_start3A_109, %dma_start3A_110] : memref<10240x32xf32, #tpu.memory_space<vmem_shared>> -> memref<10240x32xf32, #tpu.memory_space<vmem_shared>>
      tpu.enqueue_indirect_dma source(%dma_start3A_105 : memref<128x32xf32, #tpu.memory_space<vmem>>) target(%dma_start3A_111 : memref<10240x32xf32, #tpu.memory_space<vmem_shared>>) offsets(%dma_start3A_108 : memref<128xi32, #tpu.memory_space<vmem>>) semaphore(%arg14 : memref<!tpu.dma_semaphore, #tpu.memory_space<semaphore_mem>>) {add = true}
      %dma_wait3A_112 = arith.constant 1 : i32
      %dma_wait3A_113 = arith.constant 128 : i32
      %dma_wait3A_114 = arith.constant 0 : i32
      %dma_wait3A_115 = tpu.memref_slice %arg11[%dma_wait3A_113, %dma_wait3A_114] : memref<640x32xf32, #tpu.memory_space<vmem>> -> memref<128x32xf32, #tpu.memory_space<vmem>>
      %dma_wait3A_116 = arith.constant 0 : i32
      %dma_wait3A_117 = tpu.memref_slice %arg7[%dma_wait3A_112, %dma_wait3A_116] : memref<5x128xi32, #tpu.memory_space<vmem>> -> memref<1x128xi32, #tpu.memory_space<vmem>>
      %dma_wait3A_118 = tpu.memref_squeeze %dma_wait3A_117 : memref<1x128xi32, #tpu.memory_space<vmem>> -> memref<128xi32, #tpu.memory_space<vmem>>
      %dma_wait3A_119 = arith.constant 0 : i32
      %dma_wait3A_120 = arith.constant 0 : i32
      %dma_wait3A_121 = tpu.memref_slice %arg6[%dma_wait3A_119, %dma_wait3A_120] : memref<10240x32xf32, #tpu.memory_space<vmem_shared>> -> memref<10240x32xf32, #tpu.memory_space<vmem_shared>>
      tpu.wait_indirect_dma semaphore(%arg13 : memref<!tpu.dma_semaphore, #tpu.memory_space<semaphore_mem>>) src(%dma_wait3A_121 : memref<10240x32xf32, #tpu.memory_space<vmem_shared>>) dst(%dma_wait3A_115 : memref<128x32xf32, #tpu.memory_space<vmem>>)
      %dma_start3A_122 = arith.constant 1 : i32
      %dma_start3A_123 = arith.constant 128 : i32
      %dma_start3A_124 = arith.constant 0 : i32
      %dma_start3A_125 = tpu.memref_slice %arg11[%dma_start3A_123, %dma_start3A_124] : memref<640x32xf32, #tpu.memory_space<vmem>> -> memref<128x32xf32, #tpu.memory_space<vmem>>
      %dma_start3A_126 = arith.constant 0 : i32
      %dma_start3A_127 = tpu.memref_slice %arg8[%dma_start3A_122, %dma_start3A_126] : memref<5x128xi32, #tpu.memory_space<vmem>> -> memref<1x128xi32, #tpu.memory_space<vmem>>
      %dma_start3A_128 = tpu.memref_squeeze %dma_start3A_127 : memref<1x128xi32, #tpu.memory_space<vmem>> -> memref<128xi32, #tpu.memory_space<vmem>>
      %dma_start3A_129 = arith.constant 0 : i32
      %dma_start3A_130 = arith.constant 0 : i32
      %dma_start3A_131 = tpu.memref_slice %arg5[%dma_start3A_129, %dma_start3A_130] : memref<10240x32xf32, #tpu.memory_space<vmem_shared>> -> memref<10240x32xf32, #tpu.memory_space<vmem_shared>>
      tpu.enqueue_indirect_dma source(%dma_start3A_125 : memref<128x32xf32, #tpu.memory_space<vmem>>) target(%dma_start3A_131 : memref<10240x32xf32, #tpu.memory_space<vmem_shared>>) offsets(%dma_start3A_128 : memref<128xi32, #tpu.memory_space<vmem>>) semaphore(%arg14 : memref<!tpu.dma_semaphore, #tpu.memory_space<semaphore_mem>>) {add = true}
      %dma_wait3A_132 = arith.constant 2 : i32
      %dma_wait3A_133 = arith.constant 256 : i32
      %dma_wait3A_134 = arith.constant 0 : i32
      %dma_wait3A_135 = tpu.memref_slice %arg11[%dma_wait3A_133, %dma_wait3A_134] : memref<640x32xf32, #tpu.memory_space<vmem>> -> memref<128x32xf32, #tpu.memory_space<vmem>>
      %dma_wait3A_136 = arith.constant 0 : i32
      %dma_wait3A_137 = tpu.memref_slice %arg7[%dma_wait3A_132, %dma_wait3A_136] : memref<5x128xi32, #tpu.memory_space<vmem>> -> memref<1x128xi32, #tpu.memory_space<vmem>>
      %dma_wait3A_138 = tpu.memref_squeeze %dma_wait3A_137 : memref<1x128xi32, #tpu.memory_space<vmem>> -> memref<128xi32, #tpu.memory_space<vmem>>
      %dma_wait3A_139 = arith.constant 0 : i32
      %dma_wait3A_140 = arith.constant 0 : i32
      %dma_wait3A_141 = tpu.memref_slice %arg6[%dma_wait3A_139, %dma_wait3A_140] : memref<10240x32xf32, #tpu.memory_space<vmem_shared>> -> memref<10240x32xf32, #tpu.memory_space<vmem_shared>>
      tpu.wait_indirect_dma semaphore(%arg13 : memref<!tpu.dma_semaphore, #tpu.memory_space<semaphore_mem>>) src(%dma_wait3A_141 : memref<10240x32xf32, #tpu.memory_space<vmem_shared>>) dst(%dma_wait3A_135 : memref<128x32xf32, #tpu.memory_space<vmem>>)
      %dma_start3A_142 = arith.constant 2 : i32
      %dma_start3A_143 = arith.constant 256 : i32
      %dma_start3A_144 = arith.constant 0 : i32
      %dma_start3A_145 = tpu.memref_slice %arg11[%dma_start3A_143, %dma_start3A_144] : memref<640x32xf32, #tpu.memory_space<vmem>> -> memref<128x32xf32, #tpu.memory_space<vmem>>
      %dma_start3A_146 = arith.constant 0 : i32
      %dma_start3A_147 = tpu.memref_slice %arg8[%dma_start3A_142, %dma_start3A_146] : memref<5x128xi32, #tpu.memory_space<vmem>> -> memref<1x128xi32, #tpu.memory_space<vmem>>
      %dma_start3A_148 = tpu.memref_squeeze %dma_start3A_147 : memref<1x128xi32, #tpu.memory_space<vmem>> -> memref<128xi32, #tpu.memory_space<vmem>>
      %dma_start3A_149 = arith.constant 0 : i32
      %dma_start3A_150 = arith.constant 0 : i32
      %dma_start3A_151 = tpu.memref_slice %arg5[%dma_start3A_149, %dma_start3A_150] : memref<10240x32xf32, #tpu.memory_space<vmem_shared>> -> memref<10240x32xf32, #tpu.memory_space<vmem_shared>>
      tpu.enqueue_indirect_dma source(%dma_start3A_145 : memref<128x32xf32, #tpu.memory_space<vmem>>) target(%dma_start3A_151 : memref<10240x32xf32, #tpu.memory_space<vmem_shared>>) offsets(%dma_start3A_148 : memref<128xi32, #tpu.memory_space<vmem>>) semaphore(%arg14 : memref<!tpu.dma_semaphore, #tpu.memory_space<semaphore_mem>>) {add = true}
      %dma_wait3A_152 = arith.constant 3 : i32
      %dma_wait3A_153 = arith.constant 384 : i32
      %dma_wait3A_154 = arith.constant 0 : i32
      %dma_wait3A_155 = tpu.memref_slice %arg11[%dma_wait3A_153, %dma_wait3A_154] : memref<640x32xf32, #tpu.memory_space<vmem>> -> memref<128x32xf32, #tpu.memory_space<vmem>>
      %dma_wait3A_156 = arith.constant 0 : i32
      %dma_wait3A_157 = tpu.memref_slice %arg7[%dma_wait3A_152, %dma_wait3A_156] : memref<5x128xi32, #tpu.memory_space<vmem>> -> memref<1x128xi32, #tpu.memory_space<vmem>>
      %dma_wait3A_158 = tpu.memref_squeeze %dma_wait3A_157 : memref<1x128xi32, #tpu.memory_space<vmem>> -> memref<128xi32, #tpu.memory_space<vmem>>
      %dma_wait3A_159 = arith.constant 0 : i32
      %dma_wait3A_160 = arith.constant 0 : i32
      %dma_wait3A_161 = tpu.memref_slice %arg6[%dma_wait3A_159, %dma_wait3A_160] : memref<10240x32xf32, #tpu.memory_space<vmem_shared>> -> memref<10240x32xf32, #tpu.memory_space<vmem_shared>>
      tpu.wait_indirect_dma semaphore(%arg13 : memref<!tpu.dma_semaphore, #tpu.memory_space<semaphore_mem>>) src(%dma_wait3A_161 : memref<10240x32xf32, #tpu.memory_space<vmem_shared>>) dst(%dma_wait3A_155 : memref<128x32xf32, #tpu.memory_space<vmem>>)
      %dma_start3A_162 = arith.constant 3 : i32
      %dma_start3A_163 = arith.constant 384 : i32
      %dma_start3A_164 = arith.constant 0 : i32
      %dma_start3A_165 = tpu.memref_slice %arg11[%dma_start3A_163, %dma_start3A_164] : memref<640x32xf32, #tpu.memory_space<vmem>> -> memref<128x32xf32, #tpu.memory_space<vmem>>
      %dma_start3A_166 = arith.constant 0 : i32
      %dma_start3A_167 = tpu.memref_slice %arg8[%dma_start3A_162, %dma_start3A_166] : memref<5x128xi32, #tpu.memory_space<vmem>> -> memref<1x128xi32, #tpu.memory_space<vmem>>
      %dma_start3A_168 = tpu.memref_squeeze %dma_start3A_167 : memref<1x128xi32, #tpu.memory_space<vmem>> -> memref<128xi32, #tpu.memory_space<vmem>>
      %dma_start3A_169 = arith.constant 0 : i32
      %dma_start3A_170 = arith.constant 0 : i32
      %dma_start3A_171 = tpu.memref_slice %arg5[%dma_start3A_169, %dma_start3A_170] : memref<10240x32xf32, #tpu.memory_space<vmem_shared>> -> memref<10240x32xf32, #tpu.memory_space<vmem_shared>>
      tpu.enqueue_indirect_dma source(%dma_start3A_165 : memref<128x32xf32, #tpu.memory_space<vmem>>) target(%dma_start3A_171 : memref<10240x32xf32, #tpu.memory_space<vmem_shared>>) offsets(%dma_start3A_168 : memref<128xi32, #tpu.memory_space<vmem>>) semaphore(%arg14 : memref<!tpu.dma_semaphore, #tpu.memory_space<semaphore_mem>>) {add = true}
      %dma_wait3A_172 = arith.constant 4 : i32
      %dma_wait3A_173 = arith.constant 512 : i32
      %dma_wait3A_174 = arith.constant 0 : i32
      %dma_wait3A_175 = tpu.memref_slice %arg11[%dma_wait3A_173, %dma_wait3A_174] : memref<640x32xf32, #tpu.memory_space<vmem>> -> memref<128x32xf32, #tpu.memory_space<vmem>>
      %dma_wait3A_176 = arith.constant 0 : i32
      %dma_wait3A_177 = tpu.memref_slice %arg7[%dma_wait3A_172, %dma_wait3A_176] : memref<5x128xi32, #tpu.memory_space<vmem>> -> memref<1x128xi32, #tpu.memory_space<vmem>>
      %dma_wait3A_178 = tpu.memref_squeeze %dma_wait3A_177 : memref<1x128xi32, #tpu.memory_space<vmem>> -> memref<128xi32, #tpu.memory_space<vmem>>
      %dma_wait3A_179 = arith.constant 0 : i32
      %dma_wait3A_180 = arith.constant 0 : i32
      %dma_wait3A_181 = tpu.memref_slice %arg6[%dma_wait3A_179, %dma_wait3A_180] : memref<10240x32xf32, #tpu.memory_space<vmem_shared>> -> memref<10240x32xf32, #tpu.memory_space<vmem_shared>>
      tpu.wait_indirect_dma semaphore(%arg13 : memref<!tpu.dma_semaphore, #tpu.memory_space<semaphore_mem>>) src(%dma_wait3A_181 : memref<10240x32xf32, #tpu.memory_space<vmem_shared>>) dst(%dma_wait3A_175 : memref<128x32xf32, #tpu.memory_space<vmem>>)
      %dma_start3A_182 = arith.constant 4 : i32
      %dma_start3A_183 = arith.constant 512 : i32
      %dma_start3A_184 = arith.constant 0 : i32
      %dma_start3A_185 = tpu.memref_slice %arg11[%dma_start3A_183, %dma_start3A_184] : memref<640x32xf32, #tpu.memory_space<vmem>> -> memref<128x32xf32, #tpu.memory_space<vmem>>
      %dma_start3A_186 = arith.constant 0 : i32
      %dma_start3A_187 = tpu.memref_slice %arg8[%dma_start3A_182, %dma_start3A_186] : memref<5x128xi32, #tpu.memory_space<vmem>> -> memref<1x128xi32, #tpu.memory_space<vmem>>
      %dma_start3A_188 = tpu.memref_squeeze %dma_start3A_187 : memref<1x128xi32, #tpu.memory_space<vmem>> -> memref<128xi32, #tpu.memory_space<vmem>>
      %dma_start3A_189 = arith.constant 0 : i32
      %dma_start3A_190 = arith.constant 0 : i32
      %dma_start3A_191 = tpu.memref_slice %arg5[%dma_start3A_189, %dma_start3A_190] : memref<10240x32xf32, #tpu.memory_space<vmem_shared>> -> memref<10240x32xf32, #tpu.memory_space<vmem_shared>>
      tpu.enqueue_indirect_dma source(%dma_start3A_185 : memref<128x32xf32, #tpu.memory_space<vmem>>) target(%dma_start3A_191 : memref<10240x32xf32, #tpu.memory_space<vmem_shared>>) offsets(%dma_start3A_188 : memref<128xi32, #tpu.memory_space<vmem>>) semaphore(%arg14 : memref<!tpu.dma_semaphore, #tpu.memory_space<semaphore_mem>>) {add = true}
      %gt3A_192 = arith.constant 0 : i32
      %gt3A_193 = arith.cmpi sgt, %scan3A_27, %gt3A_192 : i32
      %convert_element_type3A_194 = arith.extui %gt3A_193 : i1 to i32
      %cond3A_195 = arith.constant 0 : i32
      %cond3A_196 = arith.cmpi ne, %convert_element_type3A_194, %cond3A_195 : i32
      scf.if %cond3A_196 {
        %dma_wait3A_350 = arith.constant 0 : i32
        %dma_wait3A_351 = arith.constant 0 : i32
        %dma_wait3A_352 = tpu.memref_slice %arg2[%dma_wait3A_350, %dma_wait3A_351] : memref<10240x32xf32, #tpu.memory_space<hbm>> -> memref<640x32xf32, #tpu.memory_space<hbm>>
        %dma_wait3A_353 = arith.constant 0 : i32
        %dma_wait3A_354 = arith.constant 0 : i32
        %dma_wait3A_355 = tpu.memref_slice %arg2[%dma_wait3A_353, %dma_wait3A_354] : memref<10240x32xf32, #tpu.memory_space<hbm>> -> memref<640x32xf32, #tpu.memory_space<hbm>>
        tpu.wait_dma2 semaphore(%arg14 : memref<!tpu.dma_semaphore, #tpu.memory_space<semaphore_mem>>) src(%dma_wait3A_355 : memref<640x32xf32, #tpu.memory_space<hbm>>) dst(%arg12 : memref<640x32xf32, #tpu.memory_space<vmem>>)
      } else {
      }
      %run_scoped3A_197 = arith.constant 0 : i32
      "tpu.region"() ({
        %run_scoped3A_350 = tpu.sem_alloc : memref<!tpu.dma_semaphore, #tpu.memory_space<semaphore_mem>>
        %dma_start3A_351 = arith.constant 0 : i32
        %dma_start3A_352 = tpu.memref_slice %arg3[%run_scoped3A_197, %add3A_37, %dma_start3A_351] : memref<2x2560x128xi32, #tpu.memory_space<hbm>> -> memref<1x5x128xi32, #tpu.memory_space<hbm>>
        %dma_start3A_353 = tpu.memref_squeeze %dma_start3A_352 : memref<1x5x128xi32, #tpu.memory_space<hbm>> -> memref<5x128xi32, #tpu.memory_space<hbm>>
        %dma_start3A_354 = arith.constant 0 : i32
        %dma_start3A_355 = tpu.memref_slice %arg3[%run_scoped3A_197, %add3A_37, %dma_start3A_354] : memref<2x2560x128xi32, #tpu.memory_space<hbm>> -> memref<1x5x128xi32, #tpu.memory_space<hbm>>
        %dma_start3A_356 = tpu.memref_squeeze %dma_start3A_355 : memref<1x5x128xi32, #tpu.memory_space<hbm>> -> memref<5x128xi32, #tpu.memory_space<hbm>>
        tpu.enqueue_dma source(%dma_start3A_356 : memref<5x128xi32, #tpu.memory_space<hbm>>) target(%arg9 : memref<5x128xi32, #tpu.memory_space<vmem>>) target_semaphore(%run_scoped3A_350 : memref<!tpu.dma_semaphore, #tpu.memory_space<semaphore_mem>>)
        %dma_wait3A_357 = arith.constant 0 : i32
        %dma_wait3A_358 = tpu.memref_slice %arg3[%run_scoped3A_197, %add3A_37, %dma_wait3A_357] : memref<2x2560x128xi32, #tpu.memory_space<hbm>> -> memref<1x5x128xi32, #tpu.memory_space<hbm>>
        %dma_wait3A_359 = tpu.memref_squeeze %dma_wait3A_358 : memref<1x5x128xi32, #tpu.memory_space<hbm>> -> memref<5x128xi32, #tpu.memory_space<hbm>>
        %dma_wait3A_360 = arith.constant 0 : i32
        %dma_wait3A_361 = tpu.memref_slice %arg3[%run_scoped3A_197, %add3A_37, %dma_wait3A_360] : memref<2x2560x128xi32, #tpu.memory_space<hbm>> -> memref<1x5x128xi32, #tpu.memory_space<hbm>>
        %dma_wait3A_362 = tpu.memref_squeeze %dma_wait3A_361 : memref<1x5x128xi32, #tpu.memory_space<hbm>> -> memref<5x128xi32, #tpu.memory_space<hbm>>
        tpu.wait_dma2 semaphore(%run_scoped3A_350 : memref<!tpu.dma_semaphore, #tpu.memory_space<semaphore_mem>>) src(%dma_wait3A_362 : memref<5x128xi32, #tpu.memory_space<hbm>>) dst(%arg9 : memref<5x128xi32, #tpu.memory_space<vmem>>)
        tpu.yield
      }) : () -> ()
      %run_scoped3A_198 = arith.constant 1 : i32
      "tpu.region"() ({
        %run_scoped3A_350 = tpu.sem_alloc : memref<!tpu.dma_semaphore, #tpu.memory_space<semaphore_mem>>
        %dma_start3A_351 = arith.constant 0 : i32
        %dma_start3A_352 = tpu.memref_slice %arg3[%run_scoped3A_198, %add3A_37, %dma_start3A_351] : memref<2x2560x128xi32, #tpu.memory_space<hbm>> -> memref<1x5x128xi32, #tpu.memory_space<hbm>>
        %dma_start3A_353 = tpu.memref_squeeze %dma_start3A_352 : memref<1x5x128xi32, #tpu.memory_space<hbm>> -> memref<5x128xi32, #tpu.memory_space<hbm>>
        %dma_start3A_354 = arith.constant 0 : i32
        %dma_start3A_355 = tpu.memref_slice %arg3[%run_scoped3A_198, %add3A_37, %dma_start3A_354] : memref<2x2560x128xi32, #tpu.memory_space<hbm>> -> memref<1x5x128xi32, #tpu.memory_space<hbm>>
        %dma_start3A_356 = tpu.memref_squeeze %dma_start3A_355 : memref<1x5x128xi32, #tpu.memory_space<hbm>> -> memref<5x128xi32, #tpu.memory_space<hbm>>
        tpu.enqueue_dma source(%dma_start3A_356 : memref<5x128xi32, #tpu.memory_space<hbm>>) target(%arg10 : memref<5x128xi32, #tpu.memory_space<vmem>>) target_semaphore(%run_scoped3A_350 : memref<!tpu.dma_semaphore, #tpu.memory_space<semaphore_mem>>)
        %dma_wait3A_357 = arith.constant 0 : i32
        %dma_wait3A_358 = tpu.memref_slice %arg3[%run_scoped3A_198, %add3A_37, %dma_wait3A_357] : memref<2x2560x128xi32, #tpu.memory_space<hbm>> -> memref<1x5x128xi32, #tpu.memory_space<hbm>>
        %dma_wait3A_359 = tpu.memref_squeeze %dma_wait3A_358 : memref<1x5x128xi32, #tpu.memory_space<hbm>> -> memref<5x128xi32, #tpu.memory_space<hbm>>
        %dma_wait3A_360 = arith.constant 0 : i32
        %dma_wait3A_361 = tpu.memref_slice %arg3[%run_scoped3A_198, %add3A_37, %dma_wait3A_360] : memref<2x2560x128xi32, #tpu.memory_space<hbm>> -> memref<1x5x128xi32, #tpu.memory_space<hbm>>
        %dma_wait3A_362 = tpu.memref_squeeze %dma_wait3A_361 : memref<1x5x128xi32, #tpu.memory_space<hbm>> -> memref<5x128xi32, #tpu.memory_space<hbm>>
        tpu.wait_dma2 semaphore(%run_scoped3A_350 : memref<!tpu.dma_semaphore, #tpu.memory_space<semaphore_mem>>) src(%dma_wait3A_362 : memref<5x128xi32, #tpu.memory_space<hbm>>) dst(%arg10 : memref<5x128xi32, #tpu.memory_space<vmem>>)
        tpu.yield
      }) : () -> ()
      %dma_start3A_199 = arith.constant 0 : i32
      %dma_start3A_200 = arith.constant 0 : i32
      %dma_start3A_201 = arith.constant 0 : i32
      %dma_start3A_202 = tpu.memref_slice %arg12[%dma_start3A_200, %dma_start3A_201] : memref<640x32xf32, #tpu.memory_space<vmem>> -> memref<128x32xf32, #tpu.memory_space<vmem>>
      %dma_start3A_203 = arith.constant 0 : i32
      %dma_start3A_204 = tpu.memref_slice %arg9[%dma_start3A_199, %dma_start3A_203] : memref<5x128xi32, #tpu.memory_space<vmem>> -> memref<1x128xi32, #tpu.memory_space<vmem>>
      %dma_start3A_205 = tpu.memref_squeeze %dma_start3A_204 : memref<1x128xi32, #tpu.memory_space<vmem>> -> memref<128xi32, #tpu.memory_space<vmem>>
      %dma_start3A_206 = arith.constant 0 : i32
      %dma_start3A_207 = arith.constant 0 : i32
      %dma_start3A_208 = tpu.memref_slice %arg6[%dma_start3A_206, %dma_start3A_207] : memref<10240x32xf32, #tpu.memory_space<vmem_shared>> -> memref<10240x32xf32, #tpu.memory_space<vmem_shared>>
      tpu.enqueue_indirect_dma source(%dma_start3A_208 : memref<10240x32xf32, #tpu.memory_space<vmem_shared>>) target(%dma_start3A_202 : memref<128x32xf32, #tpu.memory_space<vmem>>) offsets(%dma_start3A_205 : memref<128xi32, #tpu.memory_space<vmem>>) semaphore(%arg13 : memref<!tpu.dma_semaphore, #tpu.memory_space<semaphore_mem>>)
      %dma_start3A_209 = arith.constant 1 : i32
      %dma_start3A_210 = arith.constant 128 : i32
      %dma_start3A_211 = arith.constant 0 : i32
      %dma_start3A_212 = tpu.memref_slice %arg12[%dma_start3A_210, %dma_start3A_211] : memref<640x32xf32, #tpu.memory_space<vmem>> -> memref<128x32xf32, #tpu.memory_space<vmem>>
      %dma_start3A_213 = arith.constant 0 : i32
      %dma_start3A_214 = tpu.memref_slice %arg9[%dma_start3A_209, %dma_start3A_213] : memref<5x128xi32, #tpu.memory_space<vmem>> -> memref<1x128xi32, #tpu.memory_space<vmem>>
      %dma_start3A_215 = tpu.memref_squeeze %dma_start3A_214 : memref<1x128xi32, #tpu.memory_space<vmem>> -> memref<128xi32, #tpu.memory_space<vmem>>
      %dma_start3A_216 = arith.constant 0 : i32
      %dma_start3A_217 = arith.constant 0 : i32
      %dma_start3A_218 = tpu.memref_slice %arg6[%dma_start3A_216, %dma_start3A_217] : memref<10240x32xf32, #tpu.memory_space<vmem_shared>> -> memref<10240x32xf32, #tpu.memory_space<vmem_shared>>
      tpu.enqueue_indirect_dma source(%dma_start3A_218 : memref<10240x32xf32, #tpu.memory_space<vmem_shared>>) target(%dma_start3A_212 : memref<128x32xf32, #tpu.memory_space<vmem>>) offsets(%dma_start3A_215 : memref<128xi32, #tpu.memory_space<vmem>>) semaphore(%arg13 : memref<!tpu.dma_semaphore, #tpu.memory_space<semaphore_mem>>)
      %dma_start3A_219 = arith.constant 2 : i32
      %dma_start3A_220 = arith.constant 256 : i32
      %dma_start3A_221 = arith.constant 0 : i32
      %dma_start3A_222 = tpu.memref_slice %arg12[%dma_start3A_220, %dma_start3A_221] : memref<640x32xf32, #tpu.memory_space<vmem>> -> memref<128x32xf32, #tpu.memory_space<vmem>>
      %dma_start3A_223 = arith.constant 0 : i32
      %dma_start3A_224 = tpu.memref_slice %arg9[%dma_start3A_219, %dma_start3A_223] : memref<5x128xi32, #tpu.memory_space<vmem>> -> memref<1x128xi32, #tpu.memory_space<vmem>>
      %dma_start3A_225 = tpu.memref_squeeze %dma_start3A_224 : memref<1x128xi32, #tpu.memory_space<vmem>> -> memref<128xi32, #tpu.memory_space<vmem>>
      %dma_start3A_226 = arith.constant 0 : i32
      %dma_start3A_227 = arith.constant 0 : i32
      %dma_start3A_228 = tpu.memref_slice %arg6[%dma_start3A_226, %dma_start3A_227] : memref<10240x32xf32, #tpu.memory_space<vmem_shared>> -> memref<10240x32xf32, #tpu.memory_space<vmem_shared>>
      tpu.enqueue_indirect_dma source(%dma_start3A_228 : memref<10240x32xf32, #tpu.memory_space<vmem_shared>>) target(%dma_start3A_222 : memref<128x32xf32, #tpu.memory_space<vmem>>) offsets(%dma_start3A_225 : memref<128xi32, #tpu.memory_space<vmem>>) semaphore(%arg13 : memref<!tpu.dma_semaphore, #tpu.memory_space<semaphore_mem>>)
      %dma_start3A_229 = arith.constant 3 : i32
      %dma_start3A_230 = arith.constant 384 : i32
      %dma_start3A_231 = arith.constant 0 : i32
      %dma_start3A_232 = tpu.memref_slice %arg12[%dma_start3A_230, %dma_start3A_231] : memref<640x32xf32, #tpu.memory_space<vmem>> -> memref<128x32xf32, #tpu.memory_space<vmem>>
      %dma_start3A_233 = arith.constant 0 : i32
      %dma_start3A_234 = tpu.memref_slice %arg9[%dma_start3A_229, %dma_start3A_233] : memref<5x128xi32, #tpu.memory_space<vmem>> -> memref<1x128xi32, #tpu.memory_space<vmem>>
      %dma_start3A_235 = tpu.memref_squeeze %dma_start3A_234 : memref<1x128xi32, #tpu.memory_space<vmem>> -> memref<128xi32, #tpu.memory_space<vmem>>
      %dma_start3A_236 = arith.constant 0 : i32
      %dma_start3A_237 = arith.constant 0 : i32
      %dma_start3A_238 = tpu.memref_slice %arg6[%dma_start3A_236, %dma_start3A_237] : memref<10240x32xf32, #tpu.memory_space<vmem_shared>> -> memref<10240x32xf32, #tpu.memory_space<vmem_shared>>
      tpu.enqueue_indirect_dma source(%dma_start3A_238 : memref<10240x32xf32, #tpu.memory_space<vmem_shared>>) target(%dma_start3A_232 : memref<128x32xf32, #tpu.memory_space<vmem>>) offsets(%dma_start3A_235 : memref<128xi32, #tpu.memory_space<vmem>>) semaphore(%arg13 : memref<!tpu.dma_semaphore, #tpu.memory_space<semaphore_mem>>)
      %dma_start3A_239 = arith.constant 4 : i32
      %dma_start3A_240 = arith.constant 512 : i32
      %dma_start3A_241 = arith.constant 0 : i32
      %dma_start3A_242 = tpu.memref_slice %arg12[%dma_start3A_240, %dma_start3A_241] : memref<640x32xf32, #tpu.memory_space<vmem>> -> memref<128x32xf32, #tpu.memory_space<vmem>>
      %dma_start3A_243 = arith.constant 0 : i32
      %dma_start3A_244 = tpu.memref_slice %arg9[%dma_start3A_239, %dma_start3A_243] : memref<5x128xi32, #tpu.memory_space<vmem>> -> memref<1x128xi32, #tpu.memory_space<vmem>>
      %dma_start3A_245 = tpu.memref_squeeze %dma_start3A_244 : memref<1x128xi32, #tpu.memory_space<vmem>> -> memref<128xi32, #tpu.memory_space<vmem>>
      %dma_start3A_246 = arith.constant 0 : i32
      %dma_start3A_247 = arith.constant 0 : i32
      %dma_start3A_248 = tpu.memref_slice %arg6[%dma_start3A_246, %dma_start3A_247] : memref<10240x32xf32, #tpu.memory_space<vmem_shared>> -> memref<10240x32xf32, #tpu.memory_space<vmem_shared>>
      tpu.enqueue_indirect_dma source(%dma_start3A_248 : memref<10240x32xf32, #tpu.memory_space<vmem_shared>>) target(%dma_start3A_242 : memref<128x32xf32, #tpu.memory_space<vmem>>) offsets(%dma_start3A_245 : memref<128xi32, #tpu.memory_space<vmem>>) semaphore(%arg13 : memref<!tpu.dma_semaphore, #tpu.memory_space<semaphore_mem>>)
      %dma_wait3A_249 = arith.constant 0 : i32
      %dma_wait3A_250 = arith.constant 0 : i32
      %dma_wait3A_251 = arith.constant 0 : i32
      %dma_wait3A_252 = tpu.memref_slice %arg12[%dma_wait3A_250, %dma_wait3A_251] : memref<640x32xf32, #tpu.memory_space<vmem>> -> memref<128x32xf32, #tpu.memory_space<vmem>>
      %dma_wait3A_253 = arith.constant 0 : i32
      %dma_wait3A_254 = tpu.memref_slice %arg9[%dma_wait3A_249, %dma_wait3A_253] : memref<5x128xi32, #tpu.memory_space<vmem>> -> memref<1x128xi32, #tpu.memory_space<vmem>>
      %dma_wait3A_255 = tpu.memref_squeeze %dma_wait3A_254 : memref<1x128xi32, #tpu.memory_space<vmem>> -> memref<128xi32, #tpu.memory_space<vmem>>
      %dma_wait3A_256 = arith.constant 0 : i32
      %dma_wait3A_257 = arith.constant 0 : i32
      %dma_wait3A_258 = tpu.memref_slice %arg6[%dma_wait3A_256, %dma_wait3A_257] : memref<10240x32xf32, #tpu.memory_space<vmem_shared>> -> memref<10240x32xf32, #tpu.memory_space<vmem_shared>>
      tpu.wait_indirect_dma semaphore(%arg13 : memref<!tpu.dma_semaphore, #tpu.memory_space<semaphore_mem>>) src(%dma_wait3A_258 : memref<10240x32xf32, #tpu.memory_space<vmem_shared>>) dst(%dma_wait3A_252 : memref<128x32xf32, #tpu.memory_space<vmem>>)
      %dma_start3A_259 = arith.constant 0 : i32
      %dma_start3A_260 = arith.constant 0 : i32
      %dma_start3A_261 = arith.constant 0 : i32
      %dma_start3A_262 = tpu.memref_slice %arg12[%dma_start3A_260, %dma_start3A_261] : memref<640x32xf32, #tpu.memory_space<vmem>> -> memref<128x32xf32, #tpu.memory_space<vmem>>
      %dma_start3A_263 = arith.constant 0 : i32
      %dma_start3A_264 = tpu.memref_slice %arg10[%dma_start3A_259, %dma_start3A_263] : memref<5x128xi32, #tpu.memory_space<vmem>> -> memref<1x128xi32, #tpu.memory_space<vmem>>
      %dma_start3A_265 = tpu.memref_squeeze %dma_start3A_264 : memref<1x128xi32, #tpu.memory_space<vmem>> -> memref<128xi32, #tpu.memory_space<vmem>>
      %dma_start3A_266 = arith.constant 0 : i32
      %dma_start3A_267 = arith.constant 0 : i32
      %dma_start3A_268 = tpu.memref_slice %arg5[%dma_start3A_266, %dma_start3A_267] : memref<10240x32xf32, #tpu.memory_space<vmem_shared>> -> memref<10240x32xf32, #tpu.memory_space<vmem_shared>>
      tpu.enqueue_indirect_dma source(%dma_start3A_262 : memref<128x32xf32, #tpu.memory_space<vmem>>) target(%dma_start3A_268 : memref<10240x32xf32, #tpu.memory_space<vmem_shared>>) offsets(%dma_start3A_265 : memref<128xi32, #tpu.memory_space<vmem>>) semaphore(%arg14 : memref<!tpu.dma_semaphore, #tpu.memory_space<semaphore_mem>>) {add = true}
      %dma_wait3A_269 = arith.constant 1 : i32
      %dma_wait3A_270 = arith.constant 128 : i32
      %dma_wait3A_271 = arith.constant 0 : i32
      %dma_wait3A_272 = tpu.memref_slice %arg12[%dma_wait3A_270, %dma_wait3A_271] : memref<640x32xf32, #tpu.memory_space<vmem>> -> memref<128x32xf32, #tpu.memory_space<vmem>>
      %dma_wait3A_273 = arith.constant 0 : i32
      %dma_wait3A_274 = tpu.memref_slice %arg9[%dma_wait3A_269, %dma_wait3A_273] : memref<5x128xi32, #tpu.memory_space<vmem>> -> memref<1x128xi32, #tpu.memory_space<vmem>>
      %dma_wait3A_275 = tpu.memref_squeeze %dma_wait3A_274 : memref<1x128xi32, #tpu.memory_space<vmem>> -> memref<128xi32, #tpu.memory_space<vmem>>
      %dma_wait3A_276 = arith.constant 0 : i32
      %dma_wait3A_277 = arith.constant 0 : i32
      %dma_wait3A_278 = tpu.memref_slice %arg6[%dma_wait3A_276, %dma_wait3A_277] : memref<10240x32xf32, #tpu.memory_space<vmem_shared>> -> memref<10240x32xf32, #tpu.memory_space<vmem_shared>>
      tpu.wait_indirect_dma semaphore(%arg13 : memref<!tpu.dma_semaphore, #tpu.memory_space<semaphore_mem>>) src(%dma_wait3A_278 : memref<10240x32xf32, #tpu.memory_space<vmem_shared>>) dst(%dma_wait3A_272 : memref<128x32xf32, #tpu.memory_space<vmem>>)
      %dma_start3A_279 = arith.constant 1 : i32
      %dma_start3A_280 = arith.constant 128 : i32
      %dma_start3A_281 = arith.constant 0 : i32
      %dma_start3A_282 = tpu.memref_slice %arg12[%dma_start3A_280, %dma_start3A_281] : memref<640x32xf32, #tpu.memory_space<vmem>> -> memref<128x32xf32, #tpu.memory_space<vmem>>
      %dma_start3A_283 = arith.constant 0 : i32
      %dma_start3A_284 = tpu.memref_slice %arg10[%dma_start3A_279, %dma_start3A_283] : memref<5x128xi32, #tpu.memory_space<vmem>> -> memref<1x128xi32, #tpu.memory_space<vmem>>
      %dma_start3A_285 = tpu.memref_squeeze %dma_start3A_284 : memref<1x128xi32, #tpu.memory_space<vmem>> -> memref<128xi32, #tpu.memory_space<vmem>>
      %dma_start3A_286 = arith.constant 0 : i32
      %dma_start3A_287 = arith.constant 0 : i32
      %dma_start3A_288 = tpu.memref_slice %arg5[%dma_start3A_286, %dma_start3A_287] : memref<10240x32xf32, #tpu.memory_space<vmem_shared>> -> memref<10240x32xf32, #tpu.memory_space<vmem_shared>>
      tpu.enqueue_indirect_dma source(%dma_start3A_282 : memref<128x32xf32, #tpu.memory_space<vmem>>) target(%dma_start3A_288 : memref<10240x32xf32, #tpu.memory_space<vmem_shared>>) offsets(%dma_start3A_285 : memref<128xi32, #tpu.memory_space<vmem>>) semaphore(%arg14 : memref<!tpu.dma_semaphore, #tpu.memory_space<semaphore_mem>>) {add = true}
      %dma_wait3A_289 = arith.constant 2 : i32
      %dma_wait3A_290 = arith.constant 256 : i32
      %dma_wait3A_291 = arith.constant 0 : i32
      %dma_wait3A_292 = tpu.memref_slice %arg12[%dma_wait3A_290, %dma_wait3A_291] : memref<640x32xf32, #tpu.memory_space<vmem>> -> memref<128x32xf32, #tpu.memory_space<vmem>>
      %dma_wait3A_293 = arith.constant 0 : i32
      %dma_wait3A_294 = tpu.memref_slice %arg9[%dma_wait3A_289, %dma_wait3A_293] : memref<5x128xi32, #tpu.memory_space<vmem>> -> memref<1x128xi32, #tpu.memory_space<vmem>>
      %dma_wait3A_295 = tpu.memref_squeeze %dma_wait3A_294 : memref<1x128xi32, #tpu.memory_space<vmem>> -> memref<128xi32, #tpu.memory_space<vmem>>
      %dma_wait3A_296 = arith.constant 0 : i32
      %dma_wait3A_297 = arith.constant 0 : i32
      %dma_wait3A_298 = tpu.memref_slice %arg6[%dma_wait3A_296, %dma_wait3A_297] : memref<10240x32xf32, #tpu.memory_space<vmem_shared>> -> memref<10240x32xf32, #tpu.memory_space<vmem_shared>>
      tpu.wait_indirect_dma semaphore(%arg13 : memref<!tpu.dma_semaphore, #tpu.memory_space<semaphore_mem>>) src(%dma_wait3A_298 : memref<10240x32xf32, #tpu.memory_space<vmem_shared>>) dst(%dma_wait3A_292 : memref<128x32xf32, #tpu.memory_space<vmem>>)
      %dma_start3A_299 = arith.constant 2 : i32
      %dma_start3A_300 = arith.constant 256 : i32
      %dma_start3A_301 = arith.constant 0 : i32
      %dma_start3A_302 = tpu.memref_slice %arg12[%dma_start3A_300, %dma_start3A_301] : memref<640x32xf32, #tpu.memory_space<vmem>> -> memref<128x32xf32, #tpu.memory_space<vmem>>
      %dma_start3A_303 = arith.constant 0 : i32
      %dma_start3A_304 = tpu.memref_slice %arg10[%dma_start3A_299, %dma_start3A_303] : memref<5x128xi32, #tpu.memory_space<vmem>> -> memref<1x128xi32, #tpu.memory_space<vmem>>
      %dma_start3A_305 = tpu.memref_squeeze %dma_start3A_304 : memref<1x128xi32, #tpu.memory_space<vmem>> -> memref<128xi32, #tpu.memory_space<vmem>>
      %dma_start3A_306 = arith.constant 0 : i32
      %dma_start3A_307 = arith.constant 0 : i32
      %dma_start3A_308 = tpu.memref_slice %arg5[%dma_start3A_306, %dma_start3A_307] : memref<10240x32xf32, #tpu.memory_space<vmem_shared>> -> memref<10240x32xf32, #tpu.memory_space<vmem_shared>>
      tpu.enqueue_indirect_dma source(%dma_start3A_302 : memref<128x32xf32, #tpu.memory_space<vmem>>) target(%dma_start3A_308 : memref<10240x32xf32, #tpu.memory_space<vmem_shared>>) offsets(%dma_start3A_305 : memref<128xi32, #tpu.memory_space<vmem>>) semaphore(%arg14 : memref<!tpu.dma_semaphore, #tpu.memory_space<semaphore_mem>>) {add = true}
      %dma_wait3A_309 = arith.constant 3 : i32
      %dma_wait3A_310 = arith.constant 384 : i32
      %dma_wait3A_311 = arith.constant 0 : i32
      %dma_wait3A_312 = tpu.memref_slice %arg12[%dma_wait3A_310, %dma_wait3A_311] : memref<640x32xf32, #tpu.memory_space<vmem>> -> memref<128x32xf32, #tpu.memory_space<vmem>>
      %dma_wait3A_313 = arith.constant 0 : i32
      %dma_wait3A_314 = tpu.memref_slice %arg9[%dma_wait3A_309, %dma_wait3A_313] : memref<5x128xi32, #tpu.memory_space<vmem>> -> memref<1x128xi32, #tpu.memory_space<vmem>>
      %dma_wait3A_315 = tpu.memref_squeeze %dma_wait3A_314 : memref<1x128xi32, #tpu.memory_space<vmem>> -> memref<128xi32, #tpu.memory_space<vmem>>
      %dma_wait3A_316 = arith.constant 0 : i32
      %dma_wait3A_317 = arith.constant 0 : i32
      %dma_wait3A_318 = tpu.memref_slice %arg6[%dma_wait3A_316, %dma_wait3A_317] : memref<10240x32xf32, #tpu.memory_space<vmem_shared>> -> memref<10240x32xf32, #tpu.memory_space<vmem_shared>>
      tpu.wait_indirect_dma semaphore(%arg13 : memref<!tpu.dma_semaphore, #tpu.memory_space<semaphore_mem>>) src(%dma_wait3A_318 : memref<10240x32xf32, #tpu.memory_space<vmem_shared>>) dst(%dma_wait3A_312 : memref<128x32xf32, #tpu.memory_space<vmem>>)
      %dma_start3A_319 = arith.constant 3 : i32
      %dma_start3A_320 = arith.constant 384 : i32
      %dma_start3A_321 = arith.constant 0 : i32
      %dma_start3A_322 = tpu.memref_slice %arg12[%dma_start3A_320, %dma_start3A_321] : memref<640x32xf32, #tpu.memory_space<vmem>> -> memref<128x32xf32, #tpu.memory_space<vmem>>
      %dma_start3A_323 = arith.constant 0 : i32
      %dma_start3A_324 = tpu.memref_slice %arg10[%dma_start3A_319, %dma_start3A_323] : memref<5x128xi32, #tpu.memory_space<vmem>> -> memref<1x128xi32, #tpu.memory_space<vmem>>
      %dma_start3A_325 = tpu.memref_squeeze %dma_start3A_324 : memref<1x128xi32, #tpu.memory_space<vmem>> -> memref<128xi32, #tpu.memory_space<vmem>>
      %dma_start3A_326 = arith.constant 0 : i32
      %dma_start3A_327 = arith.constant 0 : i32
      %dma_start3A_328 = tpu.memref_slice %arg5[%dma_start3A_326, %dma_start3A_327] : memref<10240x32xf32, #tpu.memory_space<vmem_shared>> -> memref<10240x32xf32, #tpu.memory_space<vmem_shared>>
      tpu.enqueue_indirect_dma source(%dma_start3A_322 : memref<128x32xf32, #tpu.memory_space<vmem>>) target(%dma_start3A_328 : memref<10240x32xf32, #tpu.memory_space<vmem_shared>>) offsets(%dma_start3A_325 : memref<128xi32, #tpu.memory_space<vmem>>) semaphore(%arg14 : memref<!tpu.dma_semaphore, #tpu.memory_space<semaphore_mem>>) {add = true}
      %dma_wait3A_329 = arith.constant 4 : i32
      %dma_wait3A_330 = arith.constant 512 : i32
      %dma_wait3A_331 = arith.constant 0 : i32
      %dma_wait3A_332 = tpu.memref_slice %arg12[%dma_wait3A_330, %dma_wait3A_331] : memref<640x32xf32, #tpu.memory_space<vmem>> -> memref<128x32xf32, #tpu.memory_space<vmem>>
      %dma_wait3A_333 = arith.constant 0 : i32
      %dma_wait3A_334 = tpu.memref_slice %arg9[%dma_wait3A_329, %dma_wait3A_333] : memref<5x128xi32, #tpu.memory_space<vmem>> -> memref<1x128xi32, #tpu.memory_space<vmem>>
      %dma_wait3A_335 = tpu.memref_squeeze %dma_wait3A_334 : memref<1x128xi32, #tpu.memory_space<vmem>> -> memref<128xi32, #tpu.memory_space<vmem>>
      %dma_wait3A_336 = arith.constant 0 : i32
      %dma_wait3A_337 = arith.constant 0 : i32
      %dma_wait3A_338 = tpu.memref_slice %arg6[%dma_wait3A_336, %dma_wait3A_337] : memref<10240x32xf32, #tpu.memory_space<vmem_shared>> -> memref<10240x32xf32, #tpu.memory_space<vmem_shared>>
      tpu.wait_indirect_dma semaphore(%arg13 : memref<!tpu.dma_semaphore, #tpu.memory_space<semaphore_mem>>) src(%dma_wait3A_338 : memref<10240x32xf32, #tpu.memory_space<vmem_shared>>) dst(%dma_wait3A_332 : memref<128x32xf32, #tpu.memory_space<vmem>>)
      %dma_start3A_339 = arith.constant 4 : i32
      %dma_start3A_340 = arith.constant 512 : i32
      %dma_start3A_341 = arith.constant 0 : i32
      %dma_start3A_342 = tpu.memref_slice %arg12[%dma_start3A_340, %dma_start3A_341] : memref<640x32xf32, #tpu.memory_space<vmem>> -> memref<128x32xf32, #tpu.memory_space<vmem>>
      %dma_start3A_343 = arith.constant 0 : i32
      %dma_start3A_344 = tpu.memref_slice %arg10[%dma_start3A_339, %dma_start3A_343] : memref<5x128xi32, #tpu.memory_space<vmem>> -> memref<1x128xi32, #tpu.memory_space<vmem>>
      %dma_start3A_345 = tpu.memref_squeeze %dma_start3A_344 : memref<1x128xi32, #tpu.memory_space<vmem>> -> memref<128xi32, #tpu.memory_space<vmem>>
      %dma_start3A_346 = arith.constant 0 : i32
      %dma_start3A_347 = arith.constant 0 : i32
      %dma_start3A_348 = tpu.memref_slice %arg5[%dma_start3A_346, %dma_start3A_347] : memref<10240x32xf32, #tpu.memory_space<vmem_shared>> -> memref<10240x32xf32, #tpu.memory_space<vmem_shared>>
      tpu.enqueue_indirect_dma source(%dma_start3A_342 : memref<128x32xf32, #tpu.memory_space<vmem>>) target(%dma_start3A_348 : memref<10240x32xf32, #tpu.memory_space<vmem_shared>>) offsets(%dma_start3A_345 : memref<128xi32, #tpu.memory_space<vmem>>) semaphore(%arg14 : memref<!tpu.dma_semaphore, #tpu.memory_space<semaphore_mem>>) {add = true}
      %scan3A_349 = arith.constant 0 : i32
      scf.yield %scan3A_349 : i32
    }
    %scan3A_14 = arith.constant 8 : i32
    %dma_wait3A = arith.constant 0 : i32
    %dma_wait3A_15 = arith.constant 0 : i32
    %dma_wait3A_16 = tpu.memref_slice %arg2[%dma_wait3A, %dma_wait3A_15] : memref<10240x32xf32, #tpu.memory_space<hbm>> -> memref<640x32xf32, #tpu.memory_space<hbm>>
    %dma_wait3A_17 = arith.constant 0 : i32
    %dma_wait3A_18 = arith.constant 0 : i32
    %dma_wait3A_19 = tpu.memref_slice %arg2[%dma_wait3A_17, %dma_wait3A_18] : memref<10240x32xf32, #tpu.memory_space<hbm>> -> memref<640x32xf32, #tpu.memory_space<hbm>>
    tpu.wait_dma2 semaphore(%arg14 : memref<!tpu.dma_semaphore, #tpu.memory_space<semaphore_mem>>) src(%dma_wait3A_19 : memref<640x32xf32, #tpu.memory_space<hbm>>) dst(%arg11 : memref<640x32xf32, #tpu.memory_space<vmem>>)
    %dma_wait3A_20 = arith.constant 0 : i32
    %dma_wait3A_21 = arith.constant 0 : i32
    %dma_wait3A_22 = tpu.memref_slice %arg2[%dma_wait3A_20, %dma_wait3A_21] : memref<10240x32xf32, #tpu.memory_space<hbm>> -> memref<640x32xf32, #tpu.memory_space<hbm>>
    %dma_wait3A_23 = arith.constant 0 : i32
    %dma_wait3A_24 = arith.constant 0 : i32
    %dma_wait3A_25 = tpu.memref_slice %arg2[%dma_wait3A_23, %dma_wait3A_24] : memref<10240x32xf32, #tpu.memory_space<hbm>> -> memref<640x32xf32, #tpu.memory_space<hbm>>
    tpu.wait_dma2 semaphore(%arg14 : memref<!tpu.dma_semaphore, #tpu.memory_space<semaphore_mem>>) src(%dma_wait3A_25 : memref<640x32xf32, #tpu.memory_space<hbm>>) dst(%arg12 : memref<640x32xf32, #tpu.memory_space<vmem>>)
    %barrier3A_26 = arith.constant 0 : index
    tpu.barrier barrier_id(%barrier3A_26)
    "tpu.region"() ({
      %run_scoped3A = tpu.sem_alloc : memref<!tpu.dma_semaphore, #tpu.memory_space<semaphore_mem>>
      %dma_start3A = arith.constant 0 : i32
      %dma_start3A_27 = tpu.memref_slice %arg5[%mul3A_2, %dma_start3A] : memref<10240x32xf32, #tpu.memory_space<vmem_shared>> -> memref<640x32xf32, #tpu.memory_space<vmem_shared>>
      %dma_start3A_28 = arith.constant 0 : i32
      %dma_start3A_29 = tpu.memref_slice %arg5[%mul3A_2, %dma_start3A_28] : memref<10240x32xf32, #tpu.memory_space<vmem_shared>> -> memref<640x32xf32, #tpu.memory_space<vmem_shared>>
      tpu.enqueue_dma source(%dma_start3A_29 : memref<640x32xf32, #tpu.memory_space<vmem_shared>>) target(%arg11 : memref<640x32xf32, #tpu.memory_space<vmem>>) target_semaphore(%run_scoped3A : memref<!tpu.dma_semaphore, #tpu.memory_space<semaphore_mem>>)
      %dma_wait3A_30 = arith.constant 0 : i32
      %dma_wait3A_31 = tpu.memref_slice %arg5[%mul3A_2, %dma_wait3A_30] : memref<10240x32xf32, #tpu.memory_space<vmem_shared>> -> memref<640x32xf32, #tpu.memory_space<vmem_shared>>
      %dma_wait3A_32 = arith.constant 0 : i32
      %dma_wait3A_33 = tpu.memref_slice %arg5[%mul3A_2, %dma_wait3A_32] : memref<10240x32xf32, #tpu.memory_space<vmem_shared>> -> memref<640x32xf32, #tpu.memory_space<vmem_shared>>
      tpu.wait_dma2 semaphore(%run_scoped3A : memref<!tpu.dma_semaphore, #tpu.memory_space<semaphore_mem>>) src(%dma_wait3A_33 : memref<640x32xf32, #tpu.memory_space<vmem_shared>>) dst(%arg11 : memref<640x32xf32, #tpu.memory_space<vmem>>)
      tpu.yield
    }) : () -> ()
    "tpu.region"() ({
      %run_scoped3A = tpu.sem_alloc : memref<!tpu.dma_semaphore, #tpu.memory_space<semaphore_mem>>
      %dma_start3A = arith.constant 0 : i32
      %dma_start3A_27 = tpu.memref_slice %arg4[%arg0, %mul3A_2, %dma_start3A] : memref<2x10240x32xf32, #tpu.memory_space<hbm>> -> memref<1x640x32xf32, #tpu.memory_space<hbm>>
      %dma_start3A_28 = tpu.memref_squeeze %dma_start3A_27 : memref<1x640x32xf32, #tpu.memory_space<hbm>> -> memref<640x32xf32, #tpu.memory_space<hbm>>
      %dma_start3A_29 = arith.constant 0 : i32
      %dma_start3A_30 = tpu.memref_slice %arg4[%arg0, %mul3A_2, %dma_start3A_29] : memref<2x10240x32xf32, #tpu.memory_space<hbm>> -> memref<1x640x32xf32, #tpu.memory_space<hbm>>
      %dma_start3A_31 = tpu.memref_squeeze %dma_start3A_30 : memref<1x640x32xf32, #tpu.memory_space<hbm>> -> memref<640x32xf32, #tpu.memory_space<hbm>>
      tpu.enqueue_dma source(%arg11 : memref<640x32xf32, #tpu.memory_space<vmem>>) target(%dma_start3A_31 : memref<640x32xf32, #tpu.memory_space<hbm>>) target_semaphore(%run_scoped3A : memref<!tpu.dma_semaphore, #tpu.memory_space<semaphore_mem>>)
      %dma_wait3A_32 = arith.constant 0 : i32
      %dma_wait3A_33 = tpu.memref_slice %arg4[%arg0, %mul3A_2, %dma_wait3A_32] : memref<2x10240x32xf32, #tpu.memory_space<hbm>> -> memref<1x640x32xf32, #tpu.memory_space<hbm>>
      %dma_wait3A_34 = tpu.memref_squeeze %dma_wait3A_33 : memref<1x640x32xf32, #tpu.memory_space<hbm>> -> memref<640x32xf32, #tpu.memory_space<hbm>>
      %dma_wait3A_35 = arith.constant 0 : i32
      %dma_wait3A_36 = tpu.memref_slice %arg4[%arg0, %mul3A_2, %dma_wait3A_35] : memref<2x10240x32xf32, #tpu.memory_space<hbm>> -> memref<1x640x32xf32, #tpu.memory_space<hbm>>
      %dma_wait3A_37 = tpu.memref_squeeze %dma_wait3A_36 : memref<1x640x32xf32, #tpu.memory_space<hbm>> -> memref<640x32xf32, #tpu.memory_space<hbm>>
      tpu.wait_dma2 semaphore(%run_scoped3A : memref<!tpu.dma_semaphore, #tpu.memory_space<semaphore_mem>>) src(%arg11 : memref<640x32xf32, #tpu.memory_space<vmem>>) dst(%dma_wait3A_37 : memref<640x32xf32, #tpu.memory_space<hbm>>)
      tpu.yield
    }) : () -> ()
    return
  }
}

module attributes {stable_mosaic.version = 14 : i64} {
  func.func @_k1_body(%arg0: i32, %arg1: memref<1024x128xf32, #tpu.memory_space<vmem>>, %arg2: memref<128x32xf32, #tpu.memory_space<vmem>>, %arg3: memref<2x1024xf32, #tpu.memory_space<vmem>>, %arg4: memref<1024x32xf32, #tpu.memory_space<vmem>>, %arg5: memref<1024x1xf32, #tpu.memory_space<vmem>>) attributes {dimension_semantics = [#tpu.dimension_semantics<arbitrary>], iteration_bounds = array<i64: 10>, scalar_prefetch = 0 : i64, scratch_operands = 0 : i64, tpu.core_type = #tpu.core_type<tc>, window_params = [{transform_indices = @transform_0, window_bounds = array<i64: 1024, 128>}, {pipeline_mode = #tpu.pipeline_mode<synchronous>, transform_indices = @transform_1, window_bounds = array<i64: 128, 32>}, {transform_indices = @transform_2, window_bounds = array<i64: 2, 1024>}, {transform_indices = @transform_3, window_bounds = array<i64: 1024, 32>}, {transform_indices = @transform_4, window_bounds = array<i64: 1024, 1>}]} {
    %get3A = arith.constant 0 : index
    %get3A_0 = arith.constant 0 : index
    %get3A_1 = vector.load %arg3[%get3A, %get3A_0] : memref<2x1024xf32, #tpu.memory_space<vmem>>, vector<1x1024xf32>
    %get3A_2 = arith.constant 1 : index
    %get3A_3 = arith.constant 0 : index
    %get3A_4 = vector.load %arg3[%get3A_2, %get3A_3] : memref<2x1024xf32, #tpu.memory_space<vmem>>, vector<1x1024xf32>
    %add3A = arith.addf %get3A_1, %get3A_4 : vector<1x1024xf32>
    %add3A_5 = arith.constant 1.000000e+00 : f32
    %add3A_6 = vector.broadcast %add3A_5 : f32 to vector<1x1024xf32>
    %add3A_7 = arith.addf %add3A, %add3A_6 : vector<1x1024xf32>
    %mul3A = arith.constant 1024 : i32
    %mul3A_8 = arith.muli %arg0, %mul3A : i32
    %iota3A = tpu.iota {dimensions = array<i32: 1>} : vector<1x1024xi32>
    %add3A_9 = vector.broadcast %mul3A_8 : i32 to vector<1x1024xi32>
    %add3A_10 = arith.addi %add3A_9, %iota3A : vector<1x1024xi32>
    %lt3A = arith.constant 10000 : i32
    %lt3A_11 = vector.broadcast %lt3A : i32 to vector<1x1024xi32>
    %lt3A_12 = arith.cmpi slt, %add3A_10, %lt3A_11 : vector<1x1024xi32>
    %max3A = arith.constant 1.000000e+00 : f32
    %max3A_13 = vector.broadcast %max3A : f32 to vector<1x1024xf32>
    %max3A_14 = arith.maximumf %add3A_7, %max3A_13 : vector<1x1024xf32>
    %rsqrt3A = math.rsqrt %max3A_14 : vector<1x1024xf32>
    %jit3A = arith.constant 0.000000e+00 : f32
    %broadcast_in_dim3A = vector.broadcast %jit3A : f32 to vector<1x1024xf32>
    %select_n3A = arith.select %lt3A_12, %rsqrt3A, %broadcast_in_dim3A : vector<1x1024xi1>, vector<1x1024xf32>
    %reshape3A = vector.shape_cast %select_n3A : vector<1x1024xf32> to vector<1024x1xf32>
    %get3A_15 = arith.constant 0 : index
    %get3A_16 = arith.constant 0 : index
    %get3A_17 = vector.load %arg1[%get3A_15, %get3A_16] : memref<1024x128xf32, #tpu.memory_space<vmem>>, vector<1024x128xf32>
    %get3A_18 = arith.constant 0 : index
    %get3A_19 = arith.constant 0 : index
    %get3A_20 = vector.load %arg2[%get3A_18, %get3A_19] : memref<128x32xf32, #tpu.memory_space<vmem>>, vector<128x32xf32>
    %dot_general3A = arith.constant dense<0.000000e+00> : vector<1024x32xf32>
    %dot_general3A_21 = tpu.matmul %get3A_17, %get3A_20, %dot_general3A {dimension_numbers = #tpu.dot_dimension_numbers<[1], [0], [0], [1], [0, 0, 1, 1], [], []>, transpose_lhs_hint = false} : vector<1024x128xf32>, vector<128x32xf32>, vector<1024x32xf32> -> vector<1024x32xf32>
    %mul3A_22 = vector.broadcast %reshape3A : vector<1024x1xf32> to vector<1024x32xf32>
    %mul3A_23 = arith.mulf %dot_general3A_21, %mul3A_22 : vector<1024x32xf32>
    %swap3A = arith.constant 0 : index
    %swap3A_24 = arith.constant 0 : index
    %swap3A_25 = vector.load %arg4[%swap3A, %swap3A_24] : memref<1024x32xf32, #tpu.memory_space<vmem>>, vector<1024x32xf32>
    tpu.vector_store %arg4[%swap3A, %swap3A_24], %mul3A_23 {strides = array<i32>} : memref<1024x32xf32, #tpu.memory_space<vmem>>, vector<1024x32xf32>,
    %swap3A_26 = arith.constant 0 : index
    %swap3A_27 = arith.constant 0 : index
    %swap3A_28 = vector.load %arg5[%swap3A_26, %swap3A_27] : memref<1024x1xf32, #tpu.memory_space<vmem>>, vector<1024x1xf32>
    tpu.vector_store %arg5[%swap3A_26, %swap3A_27], %reshape3A {strides = array<i32>} : memref<1024x1xf32, #tpu.memory_space<vmem>>, vector<1024x1xf32>,
    return
  }
  func.func @transform_0(%arg0: i32) -> (i32, i32) {
    %c0_i32 = arith.constant 0 : i32
    %c0_i32_0 = arith.constant 0 : i32
    return %arg0, %c0_i32 : i32, i32
  }
  func.func @transform_1(%arg0: i32) -> (i32, i32) {
    %c0_i32 = arith.constant 0 : i32
    %c0_i32_0 = arith.constant 0 : i32
    %c0_i32_1 = arith.constant 0 : i32
    return %c0_i32, %c0_i32_0 : i32, i32
  }
  func.func @transform_2(%arg0: i32) -> (i32, i32) {
    %c0_i32 = arith.constant 0 : i32
    %c0_i32_0 = arith.constant 0 : i32
    return %c0_i32, %arg0 : i32, i32
  }
  func.func @transform_3(%arg0: i32) -> (i32, i32) {
    %c0_i32 = arith.constant 0 : i32
    %c0_i32_0 = arith.constant 0 : i32
    return %arg0, %c0_i32 : i32, i32
  }
  func.func @transform_4(%arg0: i32) -> (i32, i32) {
    %c0_i32 = arith.constant 0 : i32
    %c0_i32_0 = arith.constant 0 : i32
    return %arg0, %c0_i32 : i32, i32
  }
}

module attributes {stable_mosaic.version = 14 : i64} {
  func.func @_bnrc_body(%arg0: i32, %arg1: memref<2x1024x32xf32, #tpu.memory_space<vmem>>, %arg2: memref<1024x1xf32, #tpu.memory_space<vmem>>, %arg3: memref<2x32xf32, #tpu.memory_space<vmem>>, %arg4: memref<32x32xf32, #tpu.memory_space<vmem>>, %arg5: memref<1024x32xf32, #tpu.memory_space<vmem>>, %arg6: memref<2x32xf32, #tpu.memory_space<vmem>>) attributes {dimension_semantics = [#tpu.dimension_semantics<arbitrary>], iteration_bounds = array<i64: 20>, scalar_prefetch = 0 : i64, scratch_operands = 1 : i64, tpu.core_type = #tpu.core_type<tc>, window_params = [{transform_indices = @transform_0, window_bounds = array<i64: 2, 1024, 32>}, {transform_indices = @transform_1, window_bounds = array<i64: 1024, 1>}, {pipeline_mode = #tpu.pipeline_mode<synchronous>, transform_indices = @transform_2, window_bounds = array<i64: 2, 32>}, {pipeline_mode = #tpu.pipeline_mode<synchronous>, transform_indices = @transform_3, window_bounds = array<i64: 32, 32>}, {transform_indices = @transform_4, window_bounds = array<i64: 1024, 32>}]} {
    %get3A = arith.constant 0 : index
    %get3A_0 = arith.constant 0 : index
    %get3A_1 = vector.load %arg2[%get3A, %get3A_0] : memref<1024x1xf32, #tpu.memory_space<vmem>>, vector<1024x1xf32>
    %get3A_2 = arith.constant 0 : index
    %get3A_3 = arith.constant 0 : index
    %get3A_4 = arith.constant 0 : index
    %get3A_5 = vector.load %arg1[%get3A_2, %get3A_3, %get3A_4] : memref<2x1024x32xf32, #tpu.memory_space<vmem>>, vector<1x1024x32xf32>
    %get3A_6 = vector.shape_cast %get3A_5 : vector<1x1024x32xf32> to vector<1024x32xf32>
    %get3A_7 = arith.constant 1 : index
    %get3A_8 = arith.constant 0 : index
    %get3A_9 = arith.constant 0 : index
    %get3A_10 = vector.load %arg1[%get3A_7, %get3A_8, %get3A_9] : memref<2x1024x32xf32, #tpu.memory_space<vmem>>, vector<1x1024x32xf32>
    %get3A_11 = vector.shape_cast %get3A_10 : vector<1x1024x32xf32> to vector<1024x32xf32>
    %add3A = arith.addf %get3A_6, %get3A_11 : vector<1024x32xf32>
    %mul3A = vector.broadcast %get3A_1 : vector<1024x1xf32> to vector<1024x32xf32>
    %mul3A_12 = arith.mulf %add3A, %mul3A : vector<1024x32xf32>
    %eq3A = arith.constant 0 : i32
    %eq3A_13 = arith.cmpi eq, %arg0, %eq3A : i32
    %convert_element_type3A = arith.extui %eq3A_13 : i1 to i32
    %cond3A = arith.constant 0 : i32
    %cond3A_14 = arith.cmpi ne, %convert_element_type3A, %cond3A : i32
    scf.if %cond3A_14 {
      %broadcast_in_dim3A = arith.constant 0.000000e+00 : f32
      %broadcast_in_dim3A_23 = vector.broadcast %broadcast_in_dim3A : f32 to vector<2x32xf32>
      %swap3A = arith.constant 0 : index
      %swap3A_24 = arith.constant 0 : index
      %swap3A_25 = vector.load %arg6[%swap3A, %swap3A_24] : memref<2x32xf32, #tpu.memory_space<vmem>>, vector<2x32xf32>
      tpu.vector_store %arg6[%swap3A, %swap3A_24], %broadcast_in_dim3A_23 {strides = array<i32>} : memref<2x32xf32, #tpu.memory_space<vmem>>, vector<2x32xf32>,
    } else {
    }
    %lt3A = arith.constant 10 : i32
    %lt3A_15 = arith.cmpi slt, %arg0, %lt3A : i32
    %convert_element_type3A_16 = arith.extui %lt3A_15 : i1 to i32
    %cond3A_17 = arith.constant 0 : i32
    %cond3A_18 = arith.cmpi ne, %convert_element_type3A_16, %cond3A_17 : i32
    scf.if %cond3A_18 {
      %get3A_23 = arith.constant 0 : index
      %get3A_24 = arith.constant 0 : index
      %get3A_25 = vector.load %arg6[%get3A_23, %get3A_24] : memref<2x32xf32, #tpu.memory_space<vmem>>, vector<2x32xf32>
      %reduce_sum3A = arith.constant dense<0.000000e+00> : vector<32xf32>
      %reduce_sum3A_26 = vector.multi_reduction <add>, %mul3A_12, %reduce_sum3A [0] : vector<1024x32xf32> to vector<32xf32>
      %broadcast_in_dim3A = vector.shape_cast %reduce_sum3A_26 : vector<32xf32> to vector<1x32xf32>
      %mul3A_27 = arith.mulf %mul3A_12, %mul3A_12 : vector<1024x32xf32>
      %reduce_sum3A_28 = arith.constant dense<0.000000e+00> : vector<32xf32>
      %reduce_sum3A_29 = vector.multi_reduction <add>, %mul3A_27, %reduce_sum3A_28 [0] : vector<1024x32xf32> to vector<32xf32>
      %broadcast_in_dim3A_30 = vector.shape_cast %reduce_sum3A_29 : vector<32xf32> to vector<1x32xf32>
      %concatenate3A = tpu.concatenate %broadcast_in_dim3A, %broadcast_in_dim3A_30 in 0 : vector<1x32xf32>, vector<1x32xf32> -> vector<2x32xf32>
      %add3A_31 = arith.addf %get3A_25, %concatenate3A : vector<2x32xf32>
      %swap3A = arith.constant 0 : index
      %swap3A_32 = arith.constant 0 : index
      %swap3A_33 = vector.load %arg6[%swap3A, %swap3A_32] : memref<2x32xf32, #tpu.memory_space<vmem>>, vector<2x32xf32>
      tpu.vector_store %arg6[%swap3A, %swap3A_32], %add3A_31 {strides = array<i32>} : memref<2x32xf32, #tpu.memory_space<vmem>>, vector<2x32xf32>,
    } else {
    }
    %ge3A = arith.constant 10 : i32
    %ge3A_19 = arith.cmpi sge, %arg0, %ge3A : i32
    %convert_element_type3A_20 = arith.extui %ge3A_19 : i1 to i32
    %cond3A_21 = arith.constant 0 : i32
    %cond3A_22 = arith.cmpi ne, %convert_element_type3A_20, %cond3A_21 : i32
    scf.if %cond3A_22 {
      %get3A_23 = arith.constant 0 : index
      %get3A_24 = arith.constant 0 : index
      %get3A_25 = vector.load %arg6[%get3A_23, %get3A_24] : memref<2x32xf32, #tpu.memory_space<vmem>>, vector<1x32xf32>
      %mul3A_26 = arith.constant 9.99999974E-5 : f32
      %mul3A_27 = vector.broadcast %mul3A_26 : f32 to vector<1x32xf32>
      %mul3A_28 = arith.mulf %get3A_25, %mul3A_27 : vector<1x32xf32>
      %get3A_29 = arith.constant 1 : index
      %get3A_30 = arith.constant 0 : index
      %get3A_31 = vector.load %arg6[%get3A_29, %get3A_30] : memref<2x32xf32, #tpu.memory_space<vmem>>, vector<1x32xf32>
      %mul3A_32 = arith.constant 9.99999974E-5 : f32
      %mul3A_33 = vector.broadcast %mul3A_32 : f32 to vector<1x32xf32>
      %mul3A_34 = arith.mulf %get3A_31, %mul3A_33 : vector<1x32xf32>
      %mul3A_35 = arith.mulf %mul3A_28, %mul3A_28 : vector<1x32xf32>
      %sub3A = arith.subf %mul3A_34, %mul3A_35 : vector<1x32xf32>
      %get3A_36 = arith.constant 0 : index
      %get3A_37 = arith.constant 0 : index
      %get3A_38 = vector.load %arg3[%get3A_36, %get3A_37] : memref<2x32xf32, #tpu.memory_space<vmem>>, vector<1x32xf32>
      %add3A_39 = arith.constant 9.99999974E-6 : f32
      %add3A_40 = vector.broadcast %add3A_39 : f32 to vector<1x32xf32>
      %add3A_41 = arith.addf %sub3A, %add3A_40 : vector<1x32xf32>
      %rsqrt3A = math.rsqrt %add3A_41 : vector<1x32xf32>
      %mul3A_42 = arith.mulf %get3A_38, %rsqrt3A : vector<1x32xf32>
      %get3A_43 = arith.constant 1 : index
      %get3A_44 = arith.constant 0 : index
      %get3A_45 = vector.load %arg3[%get3A_43, %get3A_44] : memref<2x32xf32, #tpu.memory_space<vmem>>, vector<1x32xf32>
      %mul3A_46 = arith.mulf %mul3A_28, %mul3A_42 : vector<1x32xf32>
      %sub3A_47 = arith.subf %get3A_45, %mul3A_46 : vector<1x32xf32>
      %mul3A_48 = vector.broadcast %mul3A_42 : vector<1x32xf32> to vector<1024x32xf32>
      %mul3A_49 = arith.mulf %mul3A_12, %mul3A_48 : vector<1024x32xf32>
      %add3A_50 = vector.broadcast %sub3A_47 : vector<1x32xf32> to vector<1024x32xf32>
      %add3A_51 = arith.addf %mul3A_49, %add3A_50 : vector<1024x32xf32>
      %max3A = arith.constant 0.000000e+00 : f32
      %max3A_52 = vector.broadcast %max3A : f32 to vector<1024x32xf32>
      %max3A_53 = arith.maximumf %add3A_51, %max3A_52 : vector<1024x32xf32>
      %get3A_54 = arith.constant 0 : index
      %get3A_55 = arith.constant 0 : index
      %get3A_56 = vector.load %arg4[%get3A_54, %get3A_55] : memref<32x32xf32, #tpu.memory_space<vmem>>, vector<32x32xf32>
      %dot_general3A = arith.constant dense<0.000000e+00> : vector<1024x32xf32>
      %dot_general3A_57 = tpu.matmul %max3A_53, %get3A_56, %dot_general3A {dimension_numbers = #tpu.dot_dimension_numbers<[1], [0], [0], [1], [0, 0, 1, 1], [], []>, transpose_lhs_hint = false} : vector<1024x32xf32>, vector<32x32xf32>, vector<1024x32xf32> -> vector<1024x32xf32>
      %mul3A_58 = vector.broadcast %get3A_1 : vector<1024x1xf32> to vector<1024x32xf32>
      %mul3A_59 = arith.mulf %dot_general3A_57, %mul3A_58 : vector<1024x32xf32>
      %swap3A = arith.constant 0 : index
      %swap3A_60 = arith.constant 0 : index
      %swap3A_61 = vector.load %arg5[%swap3A, %swap3A_60] : memref<1024x32xf32, #tpu.memory_space<vmem>>, vector<1024x32xf32>
      tpu.vector_store %arg5[%swap3A, %swap3A_60], %mul3A_59 {strides = array<i32>} : memref<1024x32xf32, #tpu.memory_space<vmem>>, vector<1024x32xf32>,
    } else {
    }
    return
  }
  func.func @transform_0(%arg0: i32) -> (i32, i32, i32) {
    %jit3A = arith.constant 10 : i32
    %eq3A = arith.constant 0 : i32
    %eq3A_0 = arith.cmpi eq, %jit3A, %eq3A : i32
    %jit3A_1 = arith.constant 1 : i32
    %select_n3A = arith.select %eq3A_0, %jit3A_1, %jit3A : i32
    %rem3A = arith.remsi %arg0, %select_n3A : i32
    %ne3A = arith.constant 0 : i32
    %ne3A_2 = arith.cmpi ne, %rem3A, %ne3A : i32
    %lt3A = arith.constant 0 : i32
    %lt3A_3 = arith.cmpi slt, %rem3A, %lt3A : i32
    %lt3A_4 = arith.constant 0 : i32
    %lt3A_5 = arith.cmpi slt, %select_n3A, %lt3A_4 : i32
    %ne3A_6 = arith.xori %lt3A_3, %lt3A_5 : i1
    %and3A = arith.andi %ne3A_6, %ne3A_2 : i1
    %add3A = arith.addi %rem3A, %select_n3A : i32
    %select_n3A_7 = arith.select %and3A, %add3A, %rem3A : i32
    %c0_i32 = arith.constant 0 : i32
    %c0_i32_8 = arith.constant 0 : i32
    %c0_i32_9 = arith.constant 0 : i32
    return %c0_i32, %select_n3A_7, %c0_i32_8 : i32, i32, i32
  }
  func.func @transform_1(%arg0: i32) -> (i32, i32) {
    %jit3A = arith.constant 10 : i32
    %eq3A = arith.constant 0 : i32
    %eq3A_0 = arith.cmpi eq, %jit3A, %eq3A : i32
    %jit3A_1 = arith.constant 1 : i32
    %select_n3A = arith.select %eq3A_0, %jit3A_1, %jit3A : i32
    %rem3A = arith.remsi %arg0, %select_n3A : i32
    %ne3A = arith.constant 0 : i32
    %ne3A_2 = arith.cmpi ne, %rem3A, %ne3A : i32
    %lt3A = arith.constant 0 : i32
    %lt3A_3 = arith.cmpi slt, %rem3A, %lt3A : i32
    %lt3A_4 = arith.constant 0 : i32
    %lt3A_5 = arith.cmpi slt, %select_n3A, %lt3A_4 : i32
    %ne3A_6 = arith.xori %lt3A_3, %lt3A_5 : i1
    %and3A = arith.andi %ne3A_6, %ne3A_2 : i1
    %add3A = arith.addi %rem3A, %select_n3A : i32
    %select_n3A_7 = arith.select %and3A, %add3A, %rem3A : i32
    %c0_i32 = arith.constant 0 : i32
    %c0_i32_8 = arith.constant 0 : i32
    return %select_n3A_7, %c0_i32 : i32, i32
  }
  func.func @transform_2(%arg0: i32) -> (i32, i32) {
    %c0_i32 = arith.constant 0 : i32
    %c0_i32_0 = arith.constant 0 : i32
    %c0_i32_1 = arith.constant 0 : i32
    return %c0_i32, %c0_i32_0 : i32, i32
  }
  func.func @transform_3(%arg0: i32) -> (i32, i32) {
    %c0_i32 = arith.constant 0 : i32
    %c0_i32_0 = arith.constant 0 : i32
    %c0_i32_1 = arith.constant 0 : i32
    return %c0_i32, %c0_i32_0 : i32, i32
  }
  func.func @transform_4(%arg0: i32) -> (i32, i32) {
    %jit3A = arith.constant 10 : i32
    %eq3A = arith.constant 0 : i32
    %eq3A_0 = arith.cmpi eq, %jit3A, %eq3A : i32
    %jit3A_1 = arith.constant 1 : i32
    %select_n3A = arith.select %eq3A_0, %jit3A_1, %jit3A : i32
    %rem3A = arith.remsi %arg0, %select_n3A : i32
    %ne3A = arith.constant 0 : i32
    %ne3A_2 = arith.cmpi ne, %rem3A, %ne3A : i32
    %lt3A = arith.constant 0 : i32
    %lt3A_3 = arith.cmpi slt, %rem3A, %lt3A : i32
    %lt3A_4 = arith.constant 0 : i32
    %lt3A_5 = arith.cmpi slt, %select_n3A, %lt3A_4 : i32
    %ne3A_6 = arith.xori %lt3A_3, %lt3A_5 : i1
    %and3A = arith.andi %ne3A_6, %ne3A_2 : i1
    %add3A = arith.addi %rem3A, %select_n3A : i32
    %select_n3A_7 = arith.select %and3A, %add3A, %rem3A : i32
    %c0_i32 = arith.constant 0 : i32
    %c0_i32_8 = arith.constant 0 : i32
    return %select_n3A_7, %c0_i32 : i32, i32
  }
}

module attributes {stable_mosaic.version = 14 : i64} {
  func.func @_pool_body(%arg0: i32, %arg1: memref<2x1024x32xf32, #tpu.memory_space<vmem>>, %arg2: memref<1024x1xf32, #tpu.memory_space<vmem>>, %arg3: memref<1x32xf32, #tpu.memory_space<vmem>>, %arg4: memref<1x1x1024xi32, #tpu.memory_space<vmem>>, %arg5: memref<64x32xf32, #tpu.memory_space<vmem>>, %arg6: memref<64x32xf32, #tpu.memory_space<vmem>>, %arg7: memref<64x1xf32, #tpu.memory_space<vmem>>) attributes {dimension_semantics = [#tpu.dimension_semantics<arbitrary>], iteration_bounds = array<i64: 10>, scalar_prefetch = 0 : i64, scratch_operands = 2 : i64, tpu.core_type = #tpu.core_type<tc>, window_params = [{transform_indices = @transform_0, window_bounds = array<i64: 2, 1024, 32>}, {transform_indices = @transform_1, window_bounds = array<i64: 1024, 1>}, {pipeline_mode = #tpu.pipeline_mode<synchronous>, transform_indices = @transform_2, window_bounds = array<i64: 1, 32>}, {transform_indices = @transform_3, window_bounds = array<i64: 1, 1, 1024>}, {pipeline_mode = #tpu.pipeline_mode<synchronous>, transform_indices = @transform_4, window_bounds = array<i64: 64, 32>}]} {
    %eq3A = arith.constant 0 : i32
    %eq3A_0 = arith.cmpi eq, %arg0, %eq3A : i32
    %convert_element_type3A = arith.extui %eq3A_0 : i1 to i32
    %cond3A = arith.constant 0 : i32
    %cond3A_1 = arith.cmpi ne, %convert_element_type3A, %cond3A : i32
    scf.if %cond3A_1 {
      %broadcast_in_dim3A_56 = arith.constant 0.000000e+00 : f32
      %broadcast_in_dim3A_57 = vector.broadcast %broadcast_in_dim3A_56 : f32 to vector<64x32xf32>
      %swap3A_58 = arith.constant 0 : index
      %swap3A_59 = arith.constant 0 : index
      %swap3A_60 = vector.load %arg6[%swap3A_58, %swap3A_59] : memref<64x32xf32, #tpu.memory_space<vmem>>, vector<64x32xf32>
      tpu.vector_store %arg6[%swap3A_58, %swap3A_59], %broadcast_in_dim3A_57 {strides = array<i32>} : memref<64x32xf32, #tpu.memory_space<vmem>>, vector<64x32xf32>,
      %broadcast_in_dim3A_61 = arith.constant 0.000000e+00 : f32
      %broadcast_in_dim3A_62 = vector.broadcast %broadcast_in_dim3A_61 : f32 to vector<64x1xf32>
      %swap3A_63 = arith.constant 0 : index
      %swap3A_64 = arith.constant 0 : index
      %swap3A_65 = vector.load %arg7[%swap3A_63, %swap3A_64] : memref<64x1xf32, #tpu.memory_space<vmem>>, vector<64x1xf32>
      tpu.vector_store %arg7[%swap3A_63, %swap3A_64], %broadcast_in_dim3A_62 {strides = array<i32>} : memref<64x1xf32, #tpu.memory_space<vmem>>, vector<64x1xf32>,
    } else {
    }
    %get3A = arith.constant 0 : index
    %get3A_2 = arith.constant 0 : index
    %get3A_3 = arith.constant 0 : index
    %get3A_4 = vector.load %arg1[%get3A, %get3A_2, %get3A_3] : memref<2x1024x32xf32, #tpu.memory_space<vmem>>, vector<1x1024x32xf32>
    %get3A_5 = vector.shape_cast %get3A_4 : vector<1x1024x32xf32> to vector<1024x32xf32>
    %get3A_6 = arith.constant 1 : index
    %get3A_7 = arith.constant 0 : index
    %get3A_8 = arith.constant 0 : index
    %get3A_9 = vector.load %arg1[%get3A_6, %get3A_7, %get3A_8] : memref<2x1024x32xf32, #tpu.memory_space<vmem>>, vector<1x1024x32xf32>
    %get3A_10 = vector.shape_cast %get3A_9 : vector<1x1024x32xf32> to vector<1024x32xf32>
    %add3A = arith.addf %get3A_5, %get3A_10 : vector<1024x32xf32>
    %get3A_11 = arith.constant 0 : index
    %get3A_12 = arith.constant 0 : index
    %get3A_13 = vector.load %arg2[%get3A_11, %get3A_12] : memref<1024x1xf32, #tpu.memory_space<vmem>>, vector<1024x1xf32>
    %mul3A = vector.broadcast %get3A_13 : vector<1024x1xf32> to vector<1024x32xf32>
    %mul3A_14 = arith.mulf %add3A, %mul3A : vector<1024x32xf32>
    %get3A_15 = arith.constant 0 : index
    %get3A_16 = arith.constant 0 : index
    %get3A_17 = vector.load %arg3[%get3A_15, %get3A_16] : memref<1x32xf32, #tpu.memory_space<vmem>>, vector<1x32xf32>
    %add3A_18 = vector.broadcast %get3A_17 : vector<1x32xf32> to vector<1024x32xf32>
    %add3A_19 = arith.addf %mul3A_14, %add3A_18 : vector<1024x32xf32>
    %get3A_20 = arith.constant 0 : index
    %get3A_21 = arith.constant 0 : index
    %get3A_22 = arith.constant 0 : index
    %get3A_23 = vector.load %arg4[%get3A_20, %get3A_21, %get3A_22] : memref<1x1x1024xi32, #tpu.memory_space<vmem>>, vector<1x1x1024xi32>
    %get3A_24 = vector.shape_cast %get3A_23 : vector<1x1x1024xi32> to vector<1x1024xi32>
    %iota3A = tpu.iota {dimensions = array<i32: 0>} : vector<64x1024xi32>
    %eq3A_25 = vector.broadcast %get3A_24 : vector<1x1024xi32> to vector<64x1024xi32>
    %eq3A_26 = arith.cmpi eq, %iota3A, %eq3A_25 : vector<64x1024xi32>
    %convert_element_type3A_27 = arith.extui %eq3A_26 : vector<64x1024xi1> to vector<64x1024xi32>
    %convert_element_type3A_28 = arith.sitofp %convert_element_type3A_27 : vector<64x1024xi32> to vector<64x1024xf32>
    %get3A_29 = arith.constant 0 : index
    %get3A_30 = arith.constant 0 : index
    %get3A_31 = vector.load %arg6[%get3A_29, %get3A_30] : memref<64x32xf32, #tpu.memory_space<vmem>>, vector<64x32xf32>
    %dot_general3A = arith.constant dense<0.000000e+00> : vector<64x32xf32>
    %dot_general3A_32 = tpu.matmul %convert_element_type3A_28, %add3A_19, %dot_general3A {dimension_numbers = #tpu.dot_dimension_numbers<[1], [0], [0], [1], [0, 0, 1, 1], [], []>, transpose_lhs_hint = false} : vector<64x1024xf32>, vector<1024x32xf32>, vector<64x32xf32> -> vector<64x32xf32>
    %add3A_33 = arith.addf %get3A_31, %dot_general3A_32 : vector<64x32xf32>
    %swap3A = arith.constant 0 : index
    %swap3A_34 = arith.constant 0 : index
    %swap3A_35 = vector.load %arg6[%swap3A, %swap3A_34] : memref<64x32xf32, #tpu.memory_space<vmem>>, vector<64x32xf32>
    tpu.vector_store %arg6[%swap3A, %swap3A_34], %add3A_33 {strides = array<i32>} : memref<64x32xf32, #tpu.memory_space<vmem>>, vector<64x32xf32>,
    %get3A_36 = arith.constant 0 : index
    %get3A_37 = arith.constant 0 : index
    %get3A_38 = vector.load %arg7[%get3A_36, %get3A_37] : memref<64x1xf32, #tpu.memory_space<vmem>>, vector<64x1xf32>
    %reduce_sum3A = arith.constant dense<0.000000e+00> : vector<64xf32>
    %reduce_sum3A_39 = vector.multi_reduction <add>, %convert_element_type3A_28, %reduce_sum3A [1] : vector<64x1024xf32> to vector<64xf32>
    %broadcast_in_dim3A = vector.shape_cast %reduce_sum3A_39 : vector<64xf32> to vector<64x1xf32>
    %add3A_40 = arith.addf %get3A_38, %broadcast_in_dim3A : vector<64x1xf32>
    %swap3A_41 = arith.constant 0 : index
    %swap3A_42 = arith.constant 0 : index
    %swap3A_43 = vector.load %arg7[%swap3A_41, %swap3A_42] : memref<64x1xf32, #tpu.memory_space<vmem>>, vector<64x1xf32>
    tpu.vector_store %arg7[%swap3A_41, %swap3A_42], %add3A_40 {strides = array<i32>} : memref<64x1xf32, #tpu.memory_space<vmem>>, vector<64x1xf32>,
    %get3A_44 = arith.constant 0 : index
    %get3A_45 = arith.constant 0 : index
    %get3A_46 = vector.load %arg6[%get3A_44, %get3A_45] : memref<64x32xf32, #tpu.memory_space<vmem>>, vector<64x32xf32>
    %get3A_47 = arith.constant 0 : index
    %get3A_48 = arith.constant 0 : index
    %get3A_49 = vector.load %arg7[%get3A_47, %get3A_48] : memref<64x1xf32, #tpu.memory_space<vmem>>, vector<64x1xf32>
    %max3A = arith.constant 1.000000e+00 : f32
    %max3A_50 = vector.broadcast %max3A : f32 to vector<64x1xf32>
    %max3A_51 = arith.maximumf %get3A_49, %max3A_50 : vector<64x1xf32>
    %div3A = vector.broadcast %max3A_51 : vector<64x1xf32> to vector<64x32xf32>
    %div3A_52 = arith.divf %get3A_46, %div3A : vector<64x32xf32>
    %swap3A_53 = arith.constant 0 : index
    %swap3A_54 = arith.constant 0 : index
    %swap3A_55 = vector.load %arg5[%swap3A_53, %swap3A_54] : memref<64x32xf32, #tpu.memory_space<vmem>>, vector<64x32xf32>
    tpu.vector_store %arg5[%swap3A_53, %swap3A_54], %div3A_52 {strides = array<i32>} : memref<64x32xf32, #tpu.memory_space<vmem>>, vector<64x32xf32>,
    return
  }
  func.func @transform_0(%arg0: i32) -> (i32, i32, i32) {
    %c0_i32 = arith.constant 0 : i32
    %c0_i32_0 = arith.constant 0 : i32
    %c0_i32_1 = arith.constant 0 : i32
    return %c0_i32, %arg0, %c0_i32_0 : i32, i32, i32
  }
  func.func @transform_1(%arg0: i32) -> (i32, i32) {
    %c0_i32 = arith.constant 0 : i32
    %c0_i32_0 = arith.constant 0 : i32
    return %arg0, %c0_i32 : i32, i32
  }
  func.func @transform_2(%arg0: i32) -> (i32, i32) {
    %c0_i32 = arith.constant 0 : i32
    %c0_i32_0 = arith.constant 0 : i32
    %c0_i32_1 = arith.constant 0 : i32
    return %c0_i32, %c0_i32_0 : i32, i32
  }
  func.func @transform_3(%arg0: i32) -> (i32, i32, i32) {
    %c0_i32 = arith.constant 0 : i32
    %c0_i32_0 = arith.constant 0 : i32
    %c0_i32_1 = arith.constant 0 : i32
    return %arg0, %c0_i32, %c0_i32_0 : i32, i32, i32
  }
  func.func @transform_4(%arg0: i32) -> (i32, i32) {
    %c0_i32 = arith.constant 0 : i32
    %c0_i32_0 = arith.constant 0 : i32
    %c0_i32_1 = arith.constant 0 : i32
    return %c0_i32, %c0_i32_0 : i32, i32
  }
}

</mosaic_0001>

<sc_bundles>
// kernel: kernel.10.cloned.1.call-start
scs
__scs_entry_jumppad:
0x0: {  	(pc) =	sbr.rel $0x88, $3  }
0x1: {  	(tag) =	ssettag $0x0;
	lr =	simm.s32 $0x1  }
0x2: {  	[smem:$0x3F96] =	sst lr;
	_ =	strace $0xD0000000  }
0x3: {  	_ = 	snop  }
0x4: {  	_ = 	snop  }
0x5: {  	_ = 	snop  }
0x6: {  	_ = 	snop  }
0x7: {  	_ = 	snop  }
__scs_overlays_trampoline_lowered:
0x8: {  	[smem:$0x3FA5] =	sst s0  }
0x9: {  	[smem:$0x3FA6] =	sst s1  }
0xa: {  	[smem:$0x3FA7] =	sst s2  }
0xb: {  	[smem:$0x3FA8] =	sst s3  }
0xc: {  	[smem:$0x3FA9] =	sst s4  }
0xd: {  	[smem:$0x3FAA] =	sst s5  }
0xe: {  	[smem:$0x3FAB] =	sst s6  }
0xf: {  	[smem:$0x3FAC] =	sst s7  }
0x10: {  	[smem:$0x3FAD] =	sst s8  }
0x11: {  	[smem:$0x3FAE] =	sst s9;
	s0 =	simm.s32 @!p0 $0x0  }
0x12: {  	s1 =	sld [smem:$0x3F94];
	s0 =	simm.s32 @p0 $0x1  }
0x13: {  	[smem:$0x3FAF] =	sst s0;
	s0 =	simm.s32 @!p1 $0x0  }
0x14: {  	s2 =	sld [smem:$0x3F93];
	s0 =	simm.s32 @p1 $0x1  }
0x15: {  	[smem:$0x3FB0] =	sst s0;
	s0 =	simm.s32 @!p2 $0x0  }
0x16: {  	s3 =	sld [smem:$0x3FDB];
	s0 =	simm.s32 @p2 $0x1  }
0x17: {  	s4 =	simm.s32 $0x1BF5;
	[smem:$0x3FB2] =	sst s0  }
0x18: {  	s0 =	sld [smem:$0x3F95];
	_ =	swait.ge [sflag:s4], $0x0  }
0x19: {  	s7 =	sld [smem:$0x3F96]  }
0x1a: {  	s8 =	sadd.s32 $0xFFFFE003, lr  }
0x1b: {  	s9 =	sadd.s32 $0xFFFFFEF7, lr;
	s5 =	simm.s32 $0xFFFFFFFF;
	p2 =	slt.u32 s8, $0xFFFFF086  }
0x1c: {  	p1 =	slt.u32 s9, $0xF7A;
	s5 =	simm.s32 @!p2 $0x0  }
0x1d: {  	s5 =	simm.s32 @p1 $0x1;
	p0 =	seq.s32 s7, s2  }
0x1e: {  	s7 =	smul.u32 @!p0 $0xF7A, s2;
	p2 =	seq.s32 @!p0 s5, $0x0  }
0x1f: {  	s9 =	smul.u32 $0xF7A, s1;
	s8 =	simm.s32 @!p0 $0x1BF5;
	p2 =	por !p2, p0  }
0x20: {  	[sflag:s8] =	ssyncset.s32 @!p0 $0xFFFFF086;
	s6 =	sadd.s32 @!p0 s3, s7;
	s7 =	simm.s32 @!p0 $0x108  }
0x21: {  	s3 =	sadd.s32 s3, s9;
	s6 =	sadd.s32 @!p0 $0x88, s6;
	s7 =	simm.s32 @p2 $0x1082  }
0x22: {  	[simem:s7], [sflag:s8] =	dma.local @!p0 [hbm:s6], $0xF7A  }
0x23: {  	s9 =	sor.u32 $0xD0000000, s2;
	s6 =	simm.s32 $0x108;
	_ =	swait.ge @!p0 [sflag:s8], $0x0  }
0x24: {  	s3 =	sadd.s32 $0x88, s3;
	s6 =	simm.s32 @!p1 $0x1082;
	[sflag:s4] =	ssyncset.s32 $0xFFFFF086  }
0x25: {  	[simem:s6], [sflag:s4] =	dma.local [hbm:s3], $0xF7A  }
0x26: {  	[smem:$0x3F96] =	sst s1;
	(tag) =	ssettag s2;
	_ =	strace s9  }
0x27: {  	s1 =	sld [smem:$0x3FA6]  }
0x28: {  	s2 =	sld [smem:$0x3FA7]  }
0x29: {  	s4 =	sld [smem:$0x3FA9]  }
0x2a: {  	p0 =	seq.s32 s5, $0x0;
	s5 =	sld [smem:$0x3FAA]  }
0x2b: {  	s6 =	sld [smem:$0x3FAB]  }
0x2c: {  	s7 =	sld [smem:$0x3FAC]  }
0x2d: {  	s3 =	simm.s32 $0x108;
	s8 =	sld [smem:$0x3FAD]  }
0x2e: {  	s3 =	simm.s32 @!p0 $0x1082;
	s9 =	sld [smem:$0x3FAE]  }
0x2f: {  	lr =	sadd.s32 s0, s3;
	s0 =	sld [smem:$0x3FA5]  }
0x30: {  	s3 =	sld [smem:$0x3FA8]  }
0x31: {  	[smem:$0x3FB1] =	sst s10  }
0x32: {  	s10 =	sld [smem:$0x3FAF];
	_ =	sdelay $0x3  }
0x33: {  	p0 =	seq.s32 s10, $0x1;
	s10 =	sld [smem:$0x3FB1];
	_ =	sdelay $0x3  }
0x34: {  	[smem:$0x3FB1] =	sst s10  }
0x35: {  	s10 =	sld [smem:$0x3FB0];
	_ =	sdelay $0x3  }
0x36: {  	p1 =	seq.s32 s10, $0x1;
	s10 =	sld [smem:$0x3FB1];
	_ =	sdelay $0x3  }
0x37: {  	[smem:$0x3FB1] =	sst s10  }
0x38: {  	s10 =	sld [smem:$0x3FB2]  }
0x39: {  	_ = 	snop;
	(pc) =	sbr.ind lr, $3  }
0x3a: {  	_ = 	snop  }
0x3b: {  	_ = 	snop  }
0x3c: {  	p2 =	seq.s32 s10, $0x1;
	s10 =	sld [smem:$0x3FB1]  }
0x3d: {  	_ =	shalt  }
0x3e: {  	_ =	shalt  }
0x3f: {  	_ =	shalt  }
0x40: {  	_ =	shalt  }
0x41: {  	_ =	shalt  }
0x42: {  	_ =	shalt  }
0x43: {  	_ =	shalt  }
0x44: {  	_ =	shalt  }
0x45: {  	_ =	shalt  }
0x46: {  	_ =	shalt  }
0x47: {  	_ =	shalt  }
0x48: {  	_ =	shalt  }
0x49: {  	_ =	shalt  }
0x4a: {  	_ =	shalt  }
0x4b: {  	_ =	shalt  }
0x4c: {  	_ =	shalt  }
0x4d: {  	_ =	shalt  }
0x4e: {  	_ =	shalt  }
0x4f: {  	_ =	shalt  }
0x50: {  	_ =	shalt  }
0x51: {  	_ =	shalt  }
0x52: {  	_ =	shalt  }
0x53: {  	_ =	shalt  }
0x54: {  	_ =	shalt  }
0x55: {  	_ =	shalt  }
0x56: {  	_ =	shalt  }
0x57: {  	_ =	shalt  }
0x58: {  	_ =	shalt  }
0x59: {  	_ =	shalt  }
0x5a: {  	_ =	shalt  }
0x5b: {  	_ =	shalt  }
0x5c: {  	_ =	shalt  }
0x5d: {  	_ =	shalt  }
0x5e: {  	_ =	shalt  }
0x5f: {  	_ =	shalt  }
0x60: {  	_ =	shalt  }
0x61: {  	_ =	shalt  }
0x62: {  	_ =	shalt  }
0x63: {  	_ =	shalt  }
0x64: {  	_ =	shalt  }
0x65: {  	_ =	shalt  }
0x66: {  	_ =	shalt  }
0x67: {  	_ =	shalt  }
0x68: {  	_ =	shalt  }
0x69: {  	_ =	shalt  }
0x6a: {  	_ =	shalt  }
0x6b: {  	_ =	shalt  }
0x6c: {  	_ =	shalt  }
0x6d: {  	_ =	shalt  }
0x6e: {  	_ =	shalt  }
0x6f: {  	_ =	shalt  }
0x70: {  	_ =	shalt  }
0x71: {  	_ =	shalt  }
0x72: {  	_ =	shalt  }
0x73: {  	_ =	shalt  }
0x74: {  	_ =	shalt  }
0x75: {  	_ =	shalt  }
0x76: {  	_ =	shalt  }
0x77: {  	_ =	shalt  }
0x78: {  	_ =	shalt  }
0x79: {  	_ =	shalt  }
0x7a: {  	_ =	shalt  }
0x7b: {  	_ =	shalt  }
0x7c: {  	_ =	shalt  }
0x7d: {  	_ =	shalt  }
0x7e: {  	_ =	shalt  }
0x7f: {  	_ =	shalt  }
0x80: {  	_ =	shalt  }
0x81: {  	_ =	shalt  }
0x82: {  	_ =	shalt  }
0x83: {  	_ =	shalt  }
0x84: {  	_ =	shalt  }
0x85: {  	_ =	shalt  }
0x86: {  	_ =	shalt  }
0x87: {  	_ =	shalt  }
.Lfunc_end0:
.L_simem_size_0:
called_computation_lowered:
.L_overlay_start_0:
0x88: {  	s2 =	sld [smem:$0x3FD9]  }
0x89: {  	s3 =	sld [smem:$0x3FFE];
	_ =	sdelay $0x1  }
0x8a: {  	s1 =	srdreg.scid  }
0x8b: {  	s0 =	sand.u32 $0x1, s1  }
0x8c: {  	s16 =	sshll.u32 s0, $0xA;
	s2 =	sadd.s32 s3, s2  }
0x8d: {  	s2 =	sadd.s32 s2, s16  }
0x8e: {  	[smem:$0x3FBD] =	sst s2  }
0x8f: {  	_ = 	snop  }
0x90: {  	(tm) =	ssettm $0x1  }
0x91: {  	s17 =	sld [smem:$0x3FFB];
	_ =	sdelay $0x3  }
0x92: {  	_ =	strace s17  }
0x93: {  	s2 =	sld [smem:$0x3FFC];
	_ =	sdelay $0x3  }
0x94: {  	_ =	strace s2  }
0x95: {  	s2 =	sld [smem:$0x3FFD];
	_ =	sdelay $0x3  }
0x96: {  	_ =	strace s2  }
0x97: {  	_ =	strace $0x8FFFFFFF  }
0x98: {  	s18 =	sld [smem:$0x3FDB];
	_ =	sdelay $0x1  }
0x99: {  	s19 =	simm.s32 $_scs_section_size  }
0x9a: {  	s4 =	simm.s32 $_size__tile_overlayer_lowered;
	s5 =	simm.s32 $_tile_overlayer_lowered  }
0x9b: {  	s22 =	simm.s32 $0x1BFF;
	s21 =	sshll.u32 s5, $0x1;
	s2 =	sadd.s32 s19, s18  }
0x9c: {  	s6 =	simm.s32 $0x0;
	s20 =	sshll.u32 s4, $0x1;
	s4 =	sadd.s32 s21, s2  }
0x9d: {  	[timem:s6], [sflag:s22] =	dma.local [hbm:s4], s20  }
0x9e: {  	_ =	swait.ge [sflag:s22], s20  }
0x9f: {  	s3 =	ssub.s32 $0x0, s20;
	[sflag:s22] =	ssyncset.done $0x0  }
0xa0: {  	[sflag:s22] =	ssyncadd.s32 s3;
	_ =	sdelay $0x1  }
0xa1: {  	s23 =	simm.s32 $0x1B8B  }
0xa2: {  	_ =	swait.ge [sflag:s23], $0x1  }
0xa3: {  	[sflag:s23] =	ssyncset.done $0x0  }
0xa4: {  	s25 =	simm.s32 $0x1B8E;
	s24 =	sld [smem:$0x3FFE];
	[sflag:s23] =	ssyncadd.s32 $0xFFFFFFFF  }
0xa5: {  	s26 =	simm.s32 $execute0_lowered;
	[smem:$0x3FD2] =	sst s25  }
0xa6: {  	s4 =	sshll.u32 s26, $0x1;
	_ =	strace $0x80000046;
	[dreg:$0x1] =	wrdreg $0xFFFFFFFF  }
0xa7: {  	s28 =	simm.s32 $_size_execute0_lowered;
	s2 =	sadd.s32 s2, s4;
	[dreg:$0x0] =	wrdreg $0x0  }
0xa8: {  	s4 =	sshll.u32 s28, $0x1;
	[dreg:$0x2] =	wrdreg s2  }
0xa9: {  	[dreg:$0x3] =	wrdreg s4  }
0xaa: {  	[dreg:$0x4] =	wrdreg $0xC0  }
0xab: {  	_ =	task [dreg:s6], $0x5FFFF  }
0xac: {  	[dreg:$0x1] =	wrdreg $0xFFFFFFFF  }
0xad: {  	[dreg:$0x0] =	wrdreg $0x60  }
0xae: {  	[dreg:$0x2] =	wrdreg s24  }
0xaf: {  	[dreg:$0x3] =	wrdreg $0x0  }
0xb0: {  	[dreg:$0x4] =	wrdreg $0x9  }
0xb1: {  	_ =	task.clear_ibuf [dreg:s6], $0x5FFFF;
	_ =	strace $0x90000046  }
0xb2: {  	s29 =	simm.s32 $0x9;
	_ =	strace $0x80000048  }
0xb3: {  	_ =	swait.ge [sflag:s29], $0x1  }
0xb4: {  	[sflag:s29] =	ssyncadd.s32 $0xFFFFFFFF  }
0xb5: {  	_ =	strace $0x90000048  }
0xb6: {  	_ =	sfence  }
0xb7: {  	s30 =	sld [smem:$0x0];
	_ =	sdelay $0x2  }
0xb8: {  	s31 =	sshll.u32 s1, $0xD;
	s1 =	sshrl.u32 s1, $0x2  }
0xb9: {  	s3 =	sand.u32 $0x4000, s31;
	s1 =	sadd.s32 s1, s30  }
0xba: {  	s0 =	sor.u32 s3, s0;
	s1 =	sshll.u32 s1, $0x11  }
0xbb: {  	s0 =	sor.u32 s1, s0  }
0xbc: {  	s0 =	sadd.s32 $0x8F2B, s0  }
0xbd: {  	[sflag:s0] =	ssyncadd.remote.s32 $0x1  }
0xbe: {  	_ =	sfence.sel $0xFFFF  }
0xbf: {  	[dreg:$0x0] =	wrdreg $0xFFFFFFFF;
	(pc) =	sbr.abs _section_cstart, $3  }
0xc0: {  	[dreg:$0x1] =	wrdreg $0xFFFFFFFF  }
0xc1: {  	_ =	task.clear_ibuf [dreg:s6], $0x2FFFF;
	_ =	strace $0x9FFFFFFF  }
0xc2: {  	(tm) =	ssettm $0x7FFFFFFF  }
0xc3: {  	_ =	shalt  }
tec
execute0_lowered:
.L_overlay_start_1:
0x0: {  	(tag) =	ssettag $0x1  }
0x1: {  	s4 =	rddreg [dreg:$0x0]  }
0x2: {  	s0 =	srdreg.scid;
	s2 =	rddreg [dreg:$0x1]  }
0x3: {  	s1 =	rddreg [dreg:$0x2];
	s3 =	simm.s32 $0x0;
	s10 =	simm.s32 $0x280  }
0x4: {  	s11 =	simm.s32 $0x80;
	s12 =	simm.s32 $0x680;
	s13 =	simm.s32 $0x300  }
0x5: {  	s14 =	simm.s32 $0x380;
	s15 =	simm.s32 $0x400;
	s5 =	sand.u32 $0x1, s0  }
0x6: {  	s16 =	simm.s32 $0x480;
	s0 =	stileid.u32;
	s6 =	smul.u32 $0x2800, s5  }
0x7: {  	s17 =	simm.s32 $0x500;
	s18 =	simm.s32 $0x580;
	s7 =	smul.u32 $0x5000, s0  }
0x8: {  	s19 =	simm.s32 $0x600;
	[smem:$0x7FF] =	sst s3;
	s8 =	smul.u32 $0x280, s0  }
0x9: {  	s20 =	simm.s32 $0x0;
	_ =	strace $0x80000047;
	s7 =	sadd.s32 s6, s7  }
0xa: {  	s5 =	ssub.s32 $0x2, s5;
	s6 =	sadd.s32 s8, s6;
	s7 =	sadd.s32 $0x50000, s7  }
0xb: {  	s31 =	sshrl.u32 s5, $0x1;
	s6 =	sshrl.u32 s6, $0x3;
	s7 =	sshrl.u32 s7, $0x3  }
0xc: {  	s9 =	ssub.s32 s5, s31;
	s6 =	sadd.s32 s6, s4;
	s7 =	sadd.s32 s7, s4  }
0xd: {  	s4 =	sadd.s32 s8, s2;
	s5 =	sadd.s32 $0x16C00, s6;
	s6 =	smax.u32 s9, $0x1  }
0xe: {  	v0 =	vimm.f32 $0.0e+00;
	v1 =	vimm.f32 $1.000000000e+00;
	s8 =	simm.s32 $0x700;
	s9 =	simm.s32 $0x1;
	s7 =	sadd.s32 $0x2C00, s7  }
.LBB2_1:
0xf: {  	[tilespmem:$0x700] =	vst v0  }
0x10: {  	[tilespmem:$0x710] =	vst v0  }
0x11: {  	[tilespmem:$0x720] =	vst v0  }
0x12: {  	[tilespmem:$0x730] =	vst v0  }
0x13: {  	[tilespmem:$0x740] =	vst v0  }
0x14: {  	[tilespmem:$0x750] =	vst v0  }
0x15: {  	[tilespmem:$0x760] =	vst v0  }
0x16: {  	[tilespmem:$0x770] =	vst v0  }
0x17: {  	[tilespmem:$0x780] =	vst v0  }
0x18: {  	[tilespmem:$0x790] =	vst v0  }
0x19: {  	[tilespmem:$0x7A0] =	vst v0  }
0x1a: {  	[tilespmem:$0x7B0] =	vst v0  }
0x1b: {  	[tilespmem:$0x7C0] =	vst v0  }
0x1c: {  	[tilespmem:$0x7D0] =	vst v0  }
0x1d: {  	[tilespmem:$0x7E0] =	vst v0  }
0x1e: {  	[tilespmem:$0x7F0] =	vst v0  }
0x1f: {  	[tilespmem:$0x800] =	vst v0  }
0x20: {  	[tilespmem:$0x810] =	vst v0  }
0x21: {  	[tilespmem:$0x820] =	vst v0  }
0x22: {  	[tilespmem:$0x830] =	vst v0  }
0x23: {  	[tilespmem:$0x840] =	vst v0  }
0x24: {  	[tilespmem:$0x850] =	vst v0  }
0x25: {  	[tilespmem:$0x860] =	vst v0  }
0x26: {  	[tilespmem:$0x870] =	vst v0  }
0x27: {  	[tilespmem:$0x880] =	vst v0  }
0x28: {  	[tilespmem:$0x890] =	vst v0  }
0x29: {  	[tilespmem:$0x8A0] =	vst v0  }
0x2a: {  	[tilespmem:$0x8B0] =	vst v0  }
0x2b: {  	[tilespmem:$0x8C0] =	vst v0  }
0x2c: {  	[tilespmem:$0x8D0] =	vst v0  }
0x2d: {  	[tilespmem:$0x8E0] =	vst v0  }
0x2e: {  	[tilespmem:$0x8F0] =	vst v0  }
0x2f: {  	[tilespmem:$0x900] =	vst v0  }
0x30: {  	[tilespmem:$0x910] =	vst v0  }
0x31: {  	[tilespmem:$0x920] =	vst v0  }
0x32: {  	[tilespmem:$0x930] =	vst v0  }
0x33: {  	[tilespmem:$0x940] =	vst v0  }
0x34: {  	[tilespmem:$0x950] =	vst v0  }
0x35: {  	[tilespmem:$0x960] =	vst v0  }
0x36: {  	[tilespmem:$0x970] =	vst v0  }
0x37: {  	[spmem:s4] =	stream.linear.scatter [tilespmem:s8], [sflag:$0x1], $0x280, $0x38;
	[tilespmem:$0x980] =	vst v63  }
0x38: {  	_ =	swait.ge [sflag:s9], $0x280  }
0x39: {  	[sflag:s9] =	ssyncset.done $0x0  }
0x3a: {  	[sflag:s9] =	ssyncadd.s32 $0xFFFFFD80  }
0x3b: {  	[tilespmem:$0x680] =	vst v1  }
0x3c: {  	[tilespmem:$0x690] =	vst v1  }
0x3d: {  	[tilespmem:$0x6A0] =	vst v1  }
0x3e: {  	[tilespmem:$0x6B0] =	vst v1  }
0x3f: {  	[tilespmem:$0x6C0] =	vst v1  }
0x40: {  	[tilespmem:$0x6D0] =	vst v1  }
0x41: {  	[tilespmem:$0x6E0] =	vst v1  }
0x42: {  	[tilespmem:$0x6F0] =	vst v1  }
0x43: {  	s21 =	sadd.s32 $0x0, s7;
	[bflag:$0x0] =	sbarrier.arrive $0xFFFF  }
0x44: {  	[tilespmem:s10], [sflag:$0x1] =	stream.linear.gather [hbm4b:s21+s3], $0x400, $0x38;
	[tilespmem:$0x980] =	vst v63  }
0x45: {  	_ =	swait.ge [sflag:s9], $0x400  }
0x46: {  	[sflag:s9] =	ssyncset.done $0x0  }
0x47: {  	[sflag:s9] =	ssyncadd.s32 $0xFFFFFC00  }
0x48: {  	[spmem:s2] =	stream.indirect.scatter.add.f32 [tilespmem:s12], [sflag:$0x1], $0x1, s10, s11, $0xb8;
	[tilespmem:$0x980] =	vst v63  }
0x49: {  	_ =	swait.ge [sflag:s9], $0x80  }
0x4a: {  	[sflag:s9] =	ssyncset.done $0x0  }
0x4b: {  	[sflag:s9] =	ssyncadd.s32 $0xFFFFFF80  }
0x4c: {  	[spmem:s2] =	stream.indirect.scatter.add.f32 [tilespmem:s12], [sflag:$0x1], $0x1, s13, s11, $0xb8;
	[tilespmem:$0x980] =	vst v63  }
0x4d: {  	_ =	swait.ge [sflag:s9], $0x80  }
0x4e: {  	[sflag:s9] =	ssyncset.done $0x0  }
0x4f: {  	[sflag:s9] =	ssyncadd.s32 $0xFFFFFF80  }
0x50: {  	[spmem:s2] =	stream.indirect.scatter.add.f32 [tilespmem:s12], [sflag:$0x1], $0x1, s14, s11, $0xb8;
	[tilespmem:$0x980] =	vst v63  }
0x51: {  	_ =	swait.ge [sflag:s9], $0x80  }
0x52: {  	[sflag:s9] =	ssyncset.done $0x0  }
0x53: {  	[sflag:s9] =	ssyncadd.s32 $0xFFFFFF80  }
0x54: {  	[spmem:s2] =	stream.indirect.scatter.add.f32 [tilespmem:s12], [sflag:$0x1], $0x1, s15, s11, $0xb8;
	[tilespmem:$0x980] =	vst v63  }
0x55: {  	_ =	swait.ge [sflag:s9], $0x80  }
0x56: {  	[sflag:s9] =	ssyncset.done $0x0  }
0x57: {  	[sflag:s9] =	ssyncadd.s32 $0xFFFFFF80  }
0x58: {  	[spmem:s2] =	stream.indirect.scatter.add.f32 [tilespmem:s12], [sflag:$0x1], $0x1, s16, s11, $0xb8;
	[tilespmem:$0x980] =	vst v63  }
0x59: {  	_ =	swait.ge [sflag:s9], $0x80  }
0x5a: {  	[sflag:s9] =	ssyncset.done $0x0  }
0x5b: {  	[sflag:s9] =	ssyncadd.s32 $0xFFFFFF80  }
0x5c: {  	[spmem:s2] =	stream.indirect.scatter.add.f32 [tilespmem:s12], [sflag:$0x1], $0x1, s17, s11, $0xb8;
	[tilespmem:$0x980] =	vst v63  }
0x5d: {  	_ =	swait.ge [sflag:s9], $0x80  }
0x5e: {  	[sflag:s9] =	ssyncset.done $0x0  }
0x5f: {  	[sflag:s9] =	ssyncadd.s32 $0xFFFFFF80  }
0x60: {  	[spmem:s2] =	stream.indirect.scatter.add.f32 [tilespmem:s12], [sflag:$0x1], $0x1, s18, s11, $0xb8;
	[tilespmem:$0x980] =	vst v63  }
0x61: {  	_ =	swait.ge [sflag:s9], $0x80  }
0x62: {  	[sflag:s9] =	ssyncset.done $0x0  }
0x63: {  	[sflag:s9] =	ssyncadd.s32 $0xFFFFFF80  }
0x64: {  	[spmem:s2] =	stream.indirect.scatter.add.f32 [tilespmem:s12], [sflag:$0x1], $0x1, s19, s11, $0xb8;
	[tilespmem:$0x980] =	vst v63  }
0x65: {  	_ =	swait.ge [sflag:s9], $0x80  }
0x66: {  	s23 =	simm.s32 $0x100;
	s21 =	simm.s32 $0x80;
	[sflag:s9] =	ssyncset.done $0x0  }
.LBB2_2:
0x67: {  	s24 =	sadd.s32 s21, s7  }
0x68: {  	[sflag:s9] =	ssyncadd.s32 $0xFFFFFF80;
	s21 =	smov.u32 s23;
	s22 =	sadd.s32 $0x80, s23  }
0x69: {  	[tilespmem:s10], [sflag:$0x1] =	stream.linear.gather [hbm4b:s24+s3], $0x400, $0x38;
	[tilespmem:$0x980] =	vst v63  }
0x6a: {  	p0 =	sne.s32 s23, $0x480;
	_ =	swait.ge [sflag:s9], $0x400  }
0x6b: {  	[sflag:s9] =	ssyncset.done $0x0  }
0x6c: {  	[sflag:s9] =	ssyncadd.s32 $0xFFFFFC00  }
0x6d: {  	[spmem:s2] =	stream.indirect.scatter.add.f32 [tilespmem:s12], [sflag:$0x1], $0x1, s10, s11, $0xb8;
	[tilespmem:$0x980] =	vst v63  }
0x6e: {  	_ =	swait.ge [sflag:s9], $0x80  }
0x6f: {  	[sflag:s9] =	ssyncset.done $0x0  }
0x70: {  	[sflag:s9] =	ssyncadd.s32 $0xFFFFFF80  }
0x71: {  	[spmem:s2] =	stream.indirect.scatter.add.f32 [tilespmem:s12], [sflag:$0x1], $0x1, s13, s11, $0xb8;
	[tilespmem:$0x980] =	vst v63  }
0x72: {  	_ =	swait.ge [sflag:s9], $0x80  }
0x73: {  	[sflag:s9] =	ssyncset.done $0x0  }
0x74: {  	[sflag:s9] =	ssyncadd.s32 $0xFFFFFF80  }
0x75: {  	[spmem:s2] =	stream.indirect.scatter.add.f32 [tilespmem:s12], [sflag:$0x1], $0x1, s14, s11, $0xb8;
	[tilespmem:$0x980] =	vst v63  }
0x76: {  	_ =	swait.ge [sflag:s9], $0x80  }
0x77: {  	[sflag:s9] =	ssyncset.done $0x0  }
0x78: {  	[sflag:s9] =	ssyncadd.s32 $0xFFFFFF80  }
0x79: {  	[spmem:s2] =	stream.indirect.scatter.add.f32 [tilespmem:s12], [sflag:$0x1], $0x1, s15, s11, $0xb8;
	[tilespmem:$0x980] =	vst v63  }
0x7a: {  	_ =	swait.ge [sflag:s9], $0x80  }
0x7b: {  	[sflag:s9] =	ssyncset.done $0x0  }
0x7c: {  	[sflag:s9] =	ssyncadd.s32 $0xFFFFFF80  }
0x7d: {  	[spmem:s2] =	stream.indirect.scatter.add.f32 [tilespmem:s12], [sflag:$0x1], $0x1, s16, s11, $0xb8;
	[tilespmem:$0x980] =	vst v63  }
0x7e: {  	_ =	swait.ge [sflag:s9], $0x80  }
0x7f: {  	[sflag:s9] =	ssyncset.done $0x0  }
0x80: {  	[sflag:s9] =	ssyncadd.s32 $0xFFFFFF80  }
0x81: {  	[spmem:s2] =	stream.indirect.scatter.add.f32 [tilespmem:s12], [sflag:$0x1], $0x1, s17, s11, $0xb8;
	[tilespmem:$0x980] =	vst v63  }
0x82: {  	_ =	swait.ge [sflag:s9], $0x80  }
0x83: {  	[sflag:s9] =	ssyncset.done $0x0  }
0x84: {  	[sflag:s9] =	ssyncadd.s32 $0xFFFFFF80  }
0x85: {  	[spmem:s2] =	stream.indirect.scatter.add.f32 [tilespmem:s12], [sflag:$0x1], $0x1, s18, s11, $0xb8;
	[tilespmem:$0x980] =	vst v63  }
0x86: {  	_ =	swait.ge [sflag:s9], $0x80  }
.Ltmp0:
0x87: {  	[sflag:s9] =	ssyncset.done $0x0;
	(pc) =	sbr.rel @p0 .LBB2_2-.Ltmp0, $4  }
0x88: {  	[sflag:s9] =	ssyncadd.s32 $0xFFFFFF80  }
0x89: {  	[spmem:s2] =	stream.indirect.scatter.add.f32 [tilespmem:s12], [sflag:$0x1], $0x1, s19, s11, $0xb8;
	[tilespmem:$0x980] =	vst v63  }
0x8a: {  	_ =	swait.ge [sflag:s9], $0x80  }
0x8b: {  	s23 =	smov.u32 s22;
	[sflag:s9] =	ssyncset.done $0x0  }
0x8c: {  	s21 =	sadd.s32 s21, s7;
	[sflag:s9] =	ssyncadd.s32 $0xFFFFFF80  }
0x8d: {  	[tilespmem:s10], [sflag:$0x1] =	stream.linear.gather [hbm4b:s21+s3], $0x400, $0x38;
	[tilespmem:$0x980] =	vst v63  }
0x8e: {  	_ =	swait.ge [sflag:s9], $0x400  }
0x8f: {  	[sflag:s9] =	ssyncset.done $0x0  }
0x90: {  	[sflag:s9] =	ssyncadd.s32 $0xFFFFFC00  }
0x91: {  	[spmem:s2] =	stream.indirect.scatter.add.f32 [tilespmem:s12], [sflag:$0x1], $0x1, s10, s11, $0xb8;
	[tilespmem:$0x980] =	vst v63  }
0x92: {  	_ =	swait.ge [sflag:s9], $0x80  }
0x93: {  	[sflag:s9] =	ssyncset.done $0x0  }
0x94: {  	[sflag:s9] =	ssyncadd.s32 $0xFFFFFF80  }
0x95: {  	[spmem:s2] =	stream.indirect.scatter.add.f32 [tilespmem:s12], [sflag:$0x1], $0x1, s13, s11, $0xb8;
	[tilespmem:$0x980] =	vst v63  }
0x96: {  	_ =	swait.ge [sflag:s9], $0x80  }
0x97: {  	[sflag:s9] =	ssyncset.done $0x0  }
0x98: {  	[sflag:s9] =	ssyncadd.s32 $0xFFFFFF80  }
0x99: {  	[spmem:s2] =	stream.indirect.scatter.add.f32 [tilespmem:s12], [sflag:$0x1], $0x1, s14, s11, $0xb8;
	[tilespmem:$0x980] =	vst v63  }
0x9a: {  	_ =	swait.ge [sflag:s9], $0x80  }
0x9b: {  	[sflag:s9] =	ssyncset.done $0x0  }
0x9c: {  	[sflag:s9] =	ssyncadd.s32 $0xFFFFFF80  }
0x9d: {  	[spmem:s2] =	stream.indirect.scatter.add.f32 [tilespmem:s12], [sflag:$0x1], $0x1, s15, s11, $0xb8;
	[tilespmem:$0x980] =	vst v63  }
0x9e: {  	_ =	swait.ge [sflag:s9], $0x80  }
0x9f: {  	[sflag:s9] =	ssyncset.done $0x0  }
0xa0: {  	[sflag:s9] =	ssyncadd.s32 $0xFFFFFF80  }
0xa1: {  	[spmem:s2] =	stream.indirect.scatter.add.f32 [tilespmem:s12], [sflag:$0x1], $0x1, s16, s11, $0xb8;
	[tilespmem:$0x980] =	vst v63  }
0xa2: {  	_ =	swait.ge [sflag:s9], $0x80  }
0xa3: {  	[sflag:s9] =	ssyncset.done $0x0  }
0xa4: {  	[sflag:s9] =	ssyncadd.s32 $0xFFFFFF80  }
0xa5: {  	[spmem:s2] =	stream.indirect.scatter.add.f32 [tilespmem:s12], [sflag:$0x1], $0x1, s17, s11, $0xb8;
	[tilespmem:$0x980] =	vst v63  }
0xa6: {  	_ =	swait.ge [sflag:s9], $0x80  }
0xa7: {  	[sflag:s9] =	ssyncset.done $0x0  }
0xa8: {  	[sflag:s9] =	ssyncadd.s32 $0xFFFFFF80  }
0xa9: {  	[spmem:s2] =	stream.indirect.scatter.add.f32 [tilespmem:s12], [sflag:$0x1], $0x1, s18, s11, $0xb8;
	[tilespmem:$0x980] =	vst v63  }
0xaa: {  	_ =	swait.ge [sflag:s9], $0x80  }
0xab: {  	[sflag:s9] =	ssyncset.done $0x0  }
0xac: {  	[sflag:s9] =	ssyncadd.s32 $0xFFFFFF80  }
0xad: {  	[spmem:s2] =	stream.indirect.scatter.add.f32 [tilespmem:s12], [sflag:$0x1], $0x1, s19, s11, $0xb8;
	[tilespmem:$0x980] =	vst v63  }
0xae: {  	_ =	swait.ge [sflag:s9], $0x80  }
0xaf: {  	[sflag:s9] =	ssyncset.done $0x0  }
0xb0: {  	[sflag:s9] =	ssyncadd.s32 $0xFFFFFF80  }
0xb1: {  	[bflag:$0x0] =	sbarrier.arrive $0xFFFF  }
0xb2: {  	[tilespmem:s8], [sflag:$0x1] =	stream.linear.gather [spmem:s4], $0x280, $0x38;
	[tilespmem:$0x980] =	vst v63  }
0xb3: {  	s20 =	sadd.s32 $0x1, s20;
	_ =	swait.ge [sflag:s9], $0x280  }
0xb4: {  	p0 =	sne.s32 s20, s6;
	[sflag:s9] =	ssyncset.done $0x0  }
.Ltmp1:
0xb5: {  	[sflag:s9] =	ssyncadd.s32 $0xFFFFFD80;
	(pc) =	sbr.rel @p0 .LBB2_1-.Ltmp1, $4  }
0xb6: {  	[hbm4b:s5+s3] =	stream.linear.scatter [tilespmem:s8], [sflag:$0x1], $0x280, $0x38;
	[tilespmem:$0x980] =	vst v63  }
0xb7: {  	_ =	swait.ge [sflag:s9], $0x280  }
0xb8: {  	[sflag:s9] =	ssyncset.done $0x0  }
0xb9: {  	[sflag:s9] =	ssyncadd.s32 $0xFFFFFD80  }
0xba: {  	_ =	sfence.sel $0x180000  }
0xbb: {  	[bflag:$0x0] =	sbarrier.arrive $0xFFFF  }
0xbc: {  	p0 =	sne.s32 s0, $0x0;
	_ =	strace $0x90000047  }
0xbd: {  	s0 =	sadd.s32 @!p0 $0x100000, s1;
	[bflag:$0x2] =	sbarrier.arrive $0xFFFF  }
0xbe: {  	[sflag:s0] =	ssyncadd.tile.s32 @!p0 $0x1;
	_ =	shalt  }
.Lfunc_end2:
_tile_overlayer_lowered:
.L_overlay_start_2:
0xbf: {  	(tag) =	ssettag $0x2  }
0xc0: {  	s0 =	rddreg [dreg:$0x0];
	s2 =	stileid.u32  }
0xc1: {  	s1 =	rddreg [dreg:$0x1];
	p0 =	sne.s32 s2, $0x0  }
0xc2: {  	s3 =	rddreg [dreg:$0x2];
	[bflag:$0x3] =	sbarrier.arrive $0xFFFF;
	s2 =	simm.s32 @!p0 $0x1C01  }
0xc3: {  	[timem:s3], [sflag:s2] =	dma.local @!p0 [hbm:s0], s1  }
0xc4: {  	s0 =	simm.s32 @!p0 $0x1  }
0xc5: {  	_ =	swait.ge @!p0 [sflag:s0], s1  }
0xc6: {  	s1 =	ssub.s32 @!p0 $0x0, s1;
	[sflag:s0] =	ssyncset.done @!p0 $0x0  }
0xc7: {  	[sflag:s0] =	ssyncadd.s32 @!p0 s1  }
0xc8: {  	[bflag:$0x3] =	sbarrier.arrive $0xFFFF  }
0xc9: {  	_ =	shalt  }

// kernel: kernel.13.cloned.1.call-start
scs
__scs_entry_jumppad:
0x0: {  	(pc) =	sbr.rel $0x88, $3  }
0x1: {  	(tag) =	ssettag $0x0;
	lr =	simm.s32 $0x1  }
0x2: {  	[smem:$0x3F96] =	sst lr;
	_ =	strace $0xD0000000  }
0x3: {  	_ = 	snop  }
0x4: {  	_ = 	snop  }
0x5: {  	_ = 	snop  }
0x6: {  	_ = 	snop  }
0x7: {  	_ = 	snop  }
__scs_overlays_trampoline_lowered:
0x8: {  	[smem:$0x3FA5] =	sst s0  }
0x9: {  	[smem:$0x3FA6] =	sst s1  }
0xa: {  	[smem:$0x3FA7] =	sst s2  }
0xb: {  	[smem:$0x3FA8] =	sst s3  }
0xc: {  	[smem:$0x3FA9] =	sst s4  }
0xd: {  	[smem:$0x3FAA] =	sst s5  }
0xe: {  	[smem:$0x3FAB] =	sst s6  }
0xf: {  	[smem:$0x3FAC] =	sst s7  }
0x10: {  	[smem:$0x3FAD] =	sst s8  }
0x11: {  	[smem:$0x3FAE] =	sst s9;
	s0 =	simm.s32 @!p0 $0x0  }
0x12: {  	s1 =	sld [smem:$0x3F94];
	s0 =	simm.s32 @p0 $0x1  }
0x13: {  	[smem:$0x3FAF] =	sst s0;
	s0 =	simm.s32 @!p1 $0x0  }
0x14: {  	s2 =	sld [smem:$0x3F93];
	s0 =	simm.s32 @p1 $0x1  }
0x15: {  	[smem:$0x3FB0] =	sst s0;
	s0 =	simm.s32 @!p2 $0x0  }
0x16: {  	s3 =	sld [smem:$0x3FDB];
	s0 =	simm.s32 @p2 $0x1  }
0x17: {  	s4 =	simm.s32 $0x1BF5;
	[smem:$0x3FB2] =	sst s0  }
0x18: {  	s0 =	sld [smem:$0x3F95];
	_ =	swait.ge [sflag:s4], $0x0  }
0x19: {  	s7 =	sld [smem:$0x3F96]  }
0x1a: {  	s8 =	sadd.s32 $0xFFFFE003, lr  }
0x1b: {  	s9 =	sadd.s32 $0xFFFFFEF7, lr;
	s5 =	simm.s32 $0xFFFFFFFF;
	p2 =	slt.u32 s8, $0xFFFFF086  }
0x1c: {  	p1 =	slt.u32 s9, $0xF7A;
	s5 =	simm.s32 @!p2 $0x0  }
0x1d: {  	s5 =	simm.s32 @p1 $0x1;
	p0 =	seq.s32 s7, s2  }
0x1e: {  	s7 =	smul.u32 @!p0 $0xF7A, s2;
	p2 =	seq.s32 @!p0 s5, $0x0  }
0x1f: {  	s9 =	smul.u32 $0xF7A, s1;
	s8 =	simm.s32 @!p0 $0x1BF5;
	p2 =	por !p2, p0  }
0x20: {  	[sflag:s8] =	ssyncset.s32 @!p0 $0xFFFFF086;
	s6 =	sadd.s32 @!p0 s3, s7;
	s7 =	simm.s32 @!p0 $0x108  }
0x21: {  	s3 =	sadd.s32 s3, s9;
	s6 =	sadd.s32 @!p0 $0x88, s6;
	s7 =	simm.s32 @p2 $0x1082  }
0x22: {  	[simem:s7], [sflag:s8] =	dma.local @!p0 [hbm:s6], $0xF7A  }
0x23: {  	s9 =	sor.u32 $0xD0000000, s2;
	s6 =	simm.s32 $0x108;
	_ =	swait.ge @!p0 [sflag:s8], $0x0  }
0x24: {  	s3 =	sadd.s32 $0x88, s3;
	s6 =	simm.s32 @!p1 $0x1082;
	[sflag:s4] =	ssyncset.s32 $0xFFFFF086  }
0x25: {  	[simem:s6], [sflag:s4] =	dma.local [hbm:s3], $0xF7A  }
0x26: {  	[smem:$0x3F96] =	sst s1;
	(tag) =	ssettag s2;
	_ =	strace s9  }
0x27: {  	s1 =	sld [smem:$0x3FA6]  }
0x28: {  	s2 =	sld [smem:$0x3FA7]  }
0x29: {  	s4 =	sld [smem:$0x3FA9]  }
0x2a: {  	p0 =	seq.s32 s5, $0x0;
	s5 =	sld [smem:$0x3FAA]  }
0x2b: {  	s6 =	sld [smem:$0x3FAB]  }
0x2c: {  	s7 =	sld [smem:$0x3FAC]  }
0x2d: {  	s3 =	simm.s32 $0x108;
	s8 =	sld [smem:$0x3FAD]  }
0x2e: {  	s3 =	simm.s32 @!p0 $0x1082;
	s9 =	sld [smem:$0x3FAE]  }
0x2f: {  	lr =	sadd.s32 s0, s3;
	s0 =	sld [smem:$0x3FA5]  }
0x30: {  	s3 =	sld [smem:$0x3FA8]  }
0x31: {  	[smem:$0x3FB1] =	sst s10  }
0x32: {  	s10 =	sld [smem:$0x3FAF];
	_ =	sdelay $0x3  }
0x33: {  	p0 =	seq.s32 s10, $0x1;
	s10 =	sld [smem:$0x3FB1];
	_ =	sdelay $0x3  }
0x34: {  	[smem:$0x3FB1] =	sst s10  }
0x35: {  	s10 =	sld [smem:$0x3FB0];
	_ =	sdelay $0x3  }
0x36: {  	p1 =	seq.s32 s10, $0x1;
	s10 =	sld [smem:$0x3FB1];
	_ =	sdelay $0x3  }
0x37: {  	[smem:$0x3FB1] =	sst s10  }
0x38: {  	s10 =	sld [smem:$0x3FB2]  }
0x39: {  	_ = 	snop;
	(pc) =	sbr.ind lr, $3  }
0x3a: {  	_ = 	snop  }
0x3b: {  	_ = 	snop  }
0x3c: {  	p2 =	seq.s32 s10, $0x1;
	s10 =	sld [smem:$0x3FB1]  }
0x3d: {  	_ =	shalt  }
0x3e: {  	_ =	shalt  }
0x3f: {  	_ =	shalt  }
0x40: {  	_ =	shalt  }
0x41: {  	_ =	shalt  }
0x42: {  	_ =	shalt  }
0x43: {  	_ =	shalt  }
0x44: {  	_ =	shalt  }
0x45: {  	_ =	shalt  }
0x46: {  	_ =	shalt  }
0x47: {  	_ =	shalt  }
0x48: {  	_ =	shalt  }
0x49: {  	_ =	shalt  }
0x4a: {  	_ =	shalt  }
0x4b: {  	_ =	shalt  }
0x4c: {  	_ =	shalt  }
0x4d: {  	_ =	shalt  }
0x4e: {  	_ =	shalt  }
0x4f: {  	_ =	shalt  }
0x50: {  	_ =	shalt  }
0x51: {  	_ =	shalt  }
0x52: {  	_ =	shalt  }
0x53: {  	_ =	shalt  }
0x54: {  	_ =	shalt  }
0x55: {  	_ =	shalt  }
0x56: {  	_ =	shalt  }
0x57: {  	_ =	shalt  }
0x58: {  	_ =	shalt  }
0x59: {  	_ =	shalt  }
0x5a: {  	_ =	shalt  }
0x5b: {  	_ =	shalt  }
0x5c: {  	_ =	shalt  }
0x5d: {  	_ =	shalt  }
0x5e: {  	_ =	shalt  }
0x5f: {  	_ =	shalt  }
0x60: {  	_ =	shalt  }
0x61: {  	_ =	shalt  }
0x62: {  	_ =	shalt  }
0x63: {  	_ =	shalt  }
0x64: {  	_ =	shalt  }
0x65: {  	_ =	shalt  }
0x66: {  	_ =	shalt  }
0x67: {  	_ =	shalt  }
0x68: {  	_ =	shalt  }
0x69: {  	_ =	shalt  }
0x6a: {  	_ =	shalt  }
0x6b: {  	_ =	shalt  }
0x6c: {  	_ =	shalt  }
0x6d: {  	_ =	shalt  }
0x6e: {  	_ =	shalt  }
0x6f: {  	_ =	shalt  }
0x70: {  	_ =	shalt  }
0x71: {  	_ =	shalt  }
0x72: {  	_ =	shalt  }
0x73: {  	_ =	shalt  }
0x74: {  	_ =	shalt  }
0x75: {  	_ =	shalt  }
0x76: {  	_ =	shalt  }
0x77: {  	_ =	shalt  }
0x78: {  	_ =	shalt  }
0x79: {  	_ =	shalt  }
0x7a: {  	_ =	shalt  }
0x7b: {  	_ =	shalt  }
0x7c: {  	_ =	shalt  }
0x7d: {  	_ =	shalt  }
0x7e: {  	_ =	shalt  }
0x7f: {  	_ =	shalt  }
0x80: {  	_ =	shalt  }
0x81: {  	_ =	shalt  }
0x82: {  	_ =	shalt  }
0x83: {  	_ =	shalt  }
0x84: {  	_ =	shalt  }
0x85: {  	_ =	shalt  }
0x86: {  	_ =	shalt  }
0x87: {  	_ =	shalt  }
.Lfunc_end0:
.L_simem_size_0:
called_computation.1_lowered:
.L_overlay_start_0:
0x88: {  	s2 =	sld [smem:$0x3FD9]  }
0x89: {  	s3 =	sld [smem:$0x3FFE];
	_ =	sdelay $0x1  }
0x8a: {  	s1 =	srdreg.scid  }
0x8b: {  	s0 =	sand.u32 $0x1, s1  }
0x8c: {  	s16 =	sshll.u32 s0, $0xA;
	s2 =	sadd.s32 s3, s2  }
0x8d: {  	s2 =	sadd.s32 s2, s16  }
0x8e: {  	[smem:$0x3FBD] =	sst s2  }
0x8f: {  	_ = 	snop  }
0x90: {  	(tm) =	ssettm $0x1  }
0x91: {  	s17 =	sld [smem:$0x3FFB];
	_ =	sdelay $0x3  }
0x92: {  	_ =	strace s17  }
0x93: {  	s2 =	sld [smem:$0x3FFC];
	_ =	sdelay $0x3  }
0x94: {  	_ =	strace s2  }
0x95: {  	s2 =	sld [smem:$0x3FFD];
	_ =	sdelay $0x3  }
0x96: {  	_ =	strace s2  }
0x97: {  	_ =	strace $0x8FFFFFFF  }
0x98: {  	s18 =	sld [smem:$0x3FDB];
	_ =	sdelay $0x1  }
0x99: {  	s19 =	simm.s32 $_scs_section_size  }
0x9a: {  	s4 =	simm.s32 $_size__tile_overlayer_lowered;
	s5 =	simm.s32 $_tile_overlayer_lowered  }
0x9b: {  	s22 =	simm.s32 $0x1BFF;
	s21 =	sshll.u32 s5, $0x1;
	s2 =	sadd.s32 s19, s18  }
0x9c: {  	s6 =	simm.s32 $0x0;
	s20 =	sshll.u32 s4, $0x1;
	s4 =	sadd.s32 s21, s2  }
0x9d: {  	[timem:s6], [sflag:s22] =	dma.local [hbm:s4], s20  }
0x9e: {  	_ =	swait.ge [sflag:s22], s20  }
0x9f: {  	s3 =	ssub.s32 $0x0, s20;
	[sflag:s22] =	ssyncset.done $0x0  }
0xa0: {  	[sflag:s22] =	ssyncadd.s32 s3;
	_ =	sdelay $0x1  }
0xa1: {  	s23 =	simm.s32 $0x1B8B  }
0xa2: {  	_ =	swait.ge [sflag:s23], $0x1  }
0xa3: {  	[sflag:s23] =	ssyncset.done $0x0  }
0xa4: {  	s25 =	simm.s32 $0x1B8E;
	s24 =	sld [smem:$0x3FFE];
	[sflag:s23] =	ssyncadd.s32 $0xFFFFFFFF  }
0xa5: {  	s26 =	simm.s32 $execute0_lowered;
	[smem:$0x3FD2] =	sst s25  }
0xa6: {  	s4 =	sshll.u32 s26, $0x1;
	_ =	strace $0x80000049;
	[dreg:$0x1] =	wrdreg $0xFFFFFFFF  }
0xa7: {  	s28 =	simm.s32 $_size_execute0_lowered;
	s2 =	sadd.s32 s2, s4;
	[dreg:$0x0] =	wrdreg $0x0  }
0xa8: {  	s4 =	sshll.u32 s28, $0x1;
	[dreg:$0x2] =	wrdreg s2  }
0xa9: {  	[dreg:$0x3] =	wrdreg s4  }
0xaa: {  	[dreg:$0x4] =	wrdreg $0xC0  }
0xab: {  	_ =	task [dreg:s6], $0x5FFFF  }
0xac: {  	[dreg:$0x1] =	wrdreg $0xFFFFFFFF  }
0xad: {  	[dreg:$0x0] =	wrdreg $0x60  }
0xae: {  	[dreg:$0x2] =	wrdreg s24  }
0xaf: {  	[dreg:$0x3] =	wrdreg $0x50000  }
0xb0: {  	[dreg:$0x4] =	wrdreg $0x0  }
0xb1: {  	[dreg:$0x5] =	wrdreg $0x9  }
0xb2: {  	_ =	task.clear_ibuf [dreg:s6], $0x6FFFF;
	_ =	strace $0x90000049  }
0xb3: {  	s29 =	simm.s32 $0x9;
	_ =	strace $0x8000004B  }
0xb4: {  	_ =	swait.ge [sflag:s29], $0x1  }
0xb5: {  	[sflag:s29] =	ssyncadd.s32 $0xFFFFFFFF  }
0xb6: {  	_ =	strace $0x9000004B  }
0xb7: {  	_ =	sfence  }
0xb8: {  	s30 =	sld [smem:$0x0];
	_ =	sdelay $0x2  }
0xb9: {  	s31 =	sshll.u32 s1, $0xD;
	s1 =	sshrl.u32 s1, $0x2  }
0xba: {  	s3 =	sand.u32 $0x4000, s31;
	s1 =	sadd.s32 s1, s30  }
0xbb: {  	s0 =	sor.u32 s3, s0;
	s1 =	sshll.u32 s1, $0x11  }
0xbc: {  	s0 =	sor.u32 s1, s0  }
0xbd: {  	s0 =	sadd.s32 $0x8F2B, s0  }
0xbe: {  	[sflag:s0] =	ssyncadd.remote.s32 $0x1  }
0xbf: {  	_ =	sfence.sel $0xFFFF  }
0xc0: {  	[dreg:$0x0] =	wrdreg $0xFFFFFFFF;
	(pc) =	sbr.abs _section_cstart, $3  }
0xc1: {  	[dreg:$0x1] =	wrdreg $0xFFFFFFFF  }
0xc2: {  	_ =	task.clear_ibuf [dreg:s6], $0x2FFFF;
	_ =	strace $0x9FFFFFFF  }
0xc3: {  	(tm) =	ssettm $0x7FFFFFFF  }
tec
execute0_lowered:
.L_overlay_start_1:
0x0: {  	(tag) =	ssettag $0x1  }
0x1: {  	s0 =	rddreg [dreg:$0x0]  }
0x2: {  	s2 =	rddreg [dreg:$0x1]  }
0x3: {  	s3 =	rddreg [dreg:$0x2];
	s11 =	stileid.u32  }
0x4: {  	s1 =	srdreg.scid;
	s4 =	simm.s32 $0x0;
	s16 =	simm.s32 $0xA080  }
0x5: {  	s17 =	simm.s32 $0xA100;
	s18 =	simm.s32 $0xA180;
	s19 =	simm.s32 $0xA200  }
0x6: {  	s20 =	simm.s32 $0xA300;
	s21 =	simm.s32 $0xA380;
	s28 =	simm.s32 $0x13A00  }
0x7: {  	s29 =	simm.s32 $0xA800;
	s30 =	simm.s32 $0xA880;
	s31 =	simm.s32 $0xA900  }
0x8: {  	s5 =	smul.u32 $0x5000, s11;
	s1 =	sand.u32 $0x1, s1;
	[smem:$0x7FF] =	sst s4  }
0x9: {  	s25 =	smul.u32 $0xA00, s11;
	_ =	strace $0x8000004A;
	[dreg:$0x7] =	wrdreg s16  }
0xa: {  	s9 =	sadd.s32 $0x2C00, s0;
	s6 =	smul.u32 $0x50000, s1;
	[dreg:$0x8] =	wrdreg s17  }
0xb: {  	s8 =	ssub.s32 $0x2, s1;
	s23 =	smul.u32 $0x2800, s1;
	[dreg:$0x9] =	wrdreg s18  }
0xc: {  	s11 =	smul.u32 $0x500, s1;
	p0 =	seq.s32 s1, $0x0;
	[dreg:$0xa] =	wrdreg s19  }
0xd: {  	s16 =	simm.s32 $0xCA00;
	s17 =	simm.s32 $0xDA00;
	[dreg:$0xb] =	wrdreg s20  }
0xe: {  	s18 =	simm.s32 $0xEA00;
	[dreg:$0xc] =	wrdreg s21;
	s19 =	simm.s32 $0x1  }
0xf: {  	s20 =	simm.s32 $0xA500;
	s21 =	simm.s32 $0xA780;
	s7 =	sshrl.u32 s5, $0x3  }
0x10: {  	s10 =	sshrl.u32 s8, $0x1;
	s24 =	sadd.s32 s5, s2;
	s26 =	sadd.s32 s5, s3  }
0x11: {  	s12 =	sadd.s32 s25, s9;
	s25 =	simm.s32 $0xA600;
	s7 =	sadd.s32 s7, s0  }
0x12: {  	s6 =	sadd.s32 s5, s6;
	s22 =	ssub.s32 s8, s10;
	[dreg:$0x13] =	wrdreg s24  }
0x13: {  	[dreg:$0x14] =	wrdreg s26;
	s5 =	sadd.s32 s23, s5;
	s10 =	simm.s32 $0xAA00  }
0x14: {  	s23 =	simm.s32 $0xA480;
	s24 =	simm.s32 $0xA580;
	[dreg:$0x10] =	wrdreg s25  }
0x15: {  	s26 =	simm.s32 $0xA680;
	s25 =	simm.s32 $0x12A00;
	s6 =	sshrl.u32 s6, $0x3  }
0x16: {  	s7 =	sadd.s32 $0x16C00, s7;
	s13 =	sadd.s32 $0x50280, s5;
	[dreg:$0xe] =	wrdreg s23  }
0x17: {  	s5 =	sor.u32 $0x280, s5;
	[dreg:$0xf] =	wrdreg s24;
	s23 =	simm.s32 $0x10A00  }
0x18: {  	s24 =	simm.s32 $0x11A00;
	[dreg:$0x11] =	wrdreg s26;
	s26 =	simm.s32 $0xA700  }
0x19: {  	s0 =	sadd.s32 s6, s0;
	[dreg:$0x12] =	wrdreg s7;
	s6 =	smax.u32 s22, $0x1  }
0x1a: {  	s7 =	sshrl.u32 s13, $0x3;
	s22 =	simm.s32 $0xA400;
	[dreg:$0x16] =	wrdreg s6  }
0x1b: {  	s5 =	sshrl.u32 s5, $0x3;
	s0 =	sadd.s32 $0x20C00, s0;
	[dreg:$0xd] =	wrdreg s22  }
0x1c: {  	s13 =	simm.s32 $0xA280;
	s14 =	sadd.s32 s7, s9;
	[dreg:$0x15] =	wrdreg s0  }
0x1d: {  	s15 =	sadd.s32 s5, s9;
	s22 =	simm.s32 $0xFA00;
	[dreg:$0x5] =	wrdreg s14  }
0x1e: {  	s5 =	simm.s32 $0x0;
	s0 =	sadd.s32 s11, s12;
	[dreg:$0x6] =	wrdreg s15  }
0x1f: {  	s11 =	simm.s32 $0x3;
	s12 =	simm.s32 $0xA000;
	s14 =	simm.s32 $0x80  }
0x20: {  	v0 =	vimm.f32 $0.0e+00;
	s15 =	simm.s32 $0xBA00;
	[dreg:$0x4] =	wrdreg s0;
	s0 =	simm.s32 $0xA980  }
.LBB2_1:
0x21: {  	s1 =	rddreg [dreg:$0x12]  }
0x22: {  	[tilespmem:s10], [sflag:$0x3] =	stream.linear.gather [hbm4b:s1+s4], $0x5000, $0x38;
	[tilespmem:$0x14A00] =	vst v63  }
0x23: {  	_ =	swait.ge [sflag:s11], $0x5000  }
0x24: {  	[sflag:s11] =	ssyncset.done $0x0  }
.Ltmp0:
0x25: {  	s9 =	rddreg [dreg:$0x13];
	[sflag:s11] =	ssyncadd.s32 $0xFFFFB000;
	(pc) =	sbr.rel @p0 .LBB2_5-.Ltmp0, $4  }
0x26: {  	[spmem:s9] =	stream.linear.scatter [tilespmem:s10], [sflag:$0x3], $0x5000, $0x38;
	[tilespmem:$0x14A00] =	vst v63  }
0x27: {  	_ =	swait.ge [sflag:s11], $0x5000  }
0x28: {  	[sflag:s11] =	ssyncset.done $0x0  }
0x29: {  	[sflag:s11] =	ssyncadd.s32 $0xFFFFB000  }
0x2a: {  	s6 =	simm.s32 $0x80;
	s7 =	simm.s32 $0x0  }
.LBB2_3:
0x2b: {  	p1 =	sne.s32 s6, $0x13F80;
	[tilespmem:s7+$0xAA00] =	vst v0;
	s8 =	smov.u32 s6;
	s6 =	sadd.s32 $0x80, s6  }
.Ltmp1:
0x2c: {  	[tilespmem:s7+$0xAA10] =	vst v0;
	(pc) =	sbr.rel @p1 .LBB2_3-.Ltmp1, $2  }
0x2d: {  	_ =	sdelay $0x2  }
0x2e: {  	s7 =	sshra.s32 s8, $0x2  }
0x2f: {  	[tilespmem:s7+$0xAA00] =	vst v0  }
0x30: {  	[tilespmem:s7+$0xAA10] =	vst v0  }
.LBB2_5:
0x31: {  	[dreg:$0x17] =	wrdreg s5  }
0x32: {  	s1 =	rddreg [dreg:$0x14]  }
0x33: {  	[spmem:s1] =	stream.linear.scatter [tilespmem:s10], [sflag:$0x3], $0x5000, $0x38;
	[tilespmem:$0x14A00] =	vst v63  }
0x34: {  	_ =	swait.ge [sflag:s11], $0x5000  }
0x35: {  	[sflag:s11] =	ssyncset.done $0x0  }
0x36: {  	p1 =	por $0x1, $0x1;
	[sflag:s11] =	ssyncadd.s32 $0xFFFFB000  }
0x37: {  	s6 =	simm.s32 @!p1 $0x2;
	[bflag:$0x0] =	sbarrier.arrive $0xFFFF  }
0x38: {  	_ =	swait.ge @!p1 [sflag:s6], $0x5000  }
0x39: {  	s7 =	rddreg [dreg:$0x4];
	[sflag:s6] =	ssyncset.done @!p1 $0x0  }
0x3a: {  	[sflag:s6] =	ssyncadd.s32 @!p1 $0xFFFFB000;
	s7 =	sadd.s32 $0x0, s7  }
0x3b: {  	[tilespmem:s12], [sflag:$0x3] =	stream.linear.gather [hbm4b:s7+s4], $0x280, $0x38;
	[tilespmem:$0x14A00] =	vst v63  }
0x3c: {  	_ =	swait.ge [sflag:s11], $0x280  }
0x3d: {  	[sflag:s11] =	ssyncset.done $0x0  }
0x3e: {  	s7 =	sadd.s32 $0xA000, s7;
	[sflag:s11] =	ssyncadd.s32 $0xFFFFFD80  }
0x3f: {  	[tilespmem:s13], [sflag:$0x3] =	stream.linear.gather [hbm4b:s7+s4], $0x280, $0x38;
	[tilespmem:$0x14A00] =	vst v63  }
0x40: {  	_ =	swait.ge [sflag:s11], $0x280  }
0x41: {  	[sflag:s11] =	ssyncset.done $0x0  }
0x42: {  	[sflag:s11] =	ssyncadd.s32 $0xFFFFFD80  }
0x43: {  	[tilespmem:s10], [sflag:$0x1] =	stream.indirect.gather [spmem:s2], $0x20, s12, s14, $0xb8;
	[tilespmem:$0x14A00] =	vst v63  }
0x44: {  	s9 =	rddreg [dreg:$0x7]  }
0x45: {  	[tilespmem:s15], [sflag:$0x1] =	stream.indirect.gather [spmem:s2], $0x20, s9, s14, $0xb8;
	[tilespmem:$0x14A00] =	vst v63  }
0x46: {  	s8 =	rddreg [dreg:$0x8]  }
0x47: {  	[tilespmem:s16], [sflag:$0x1] =	stream.indirect.gather [spmem:s2], $0x20, s8, s14, $0xb8;
	[tilespmem:$0x14A00] =	vst v63  }
0x48: {  	s1 =	rddreg [dreg:$0x9]  }
0x49: {  	[tilespmem:s17], [sflag:$0x1] =	stream.indirect.gather [spmem:s2], $0x20, s1, s14, $0xb8;
	[tilespmem:$0x14A00] =	vst v63  }
0x4a: {  	s5 =	rddreg [dreg:$0xa]  }
0x4b: {  	[tilespmem:s18], [sflag:$0x1] =	stream.indirect.gather [spmem:s2], $0x20, s5, s14, $0xb8;
	[tilespmem:$0x14A00] =	vst v63  }
0x4c: {  	_ =	swait.ge [sflag:s19], $0x1000  }
0x4d: {  	[sflag:s19] =	ssyncset.done $0x0  }
0x4e: {  	[sflag:s19] =	ssyncadd.s32 $0xFFFFF000  }
0x4f: {  	[spmem:s3] =	stream.indirect.scatter.add.f32 [tilespmem:s10], [sflag:$0x2], $0x20, s13, s14, $0xb8;
	[tilespmem:$0x14A00] =	vst v63  }
0x50: {  	_ =	swait.ge [sflag:s19], $0x1000  }
0x51: {  	[sflag:s19] =	ssyncset.done $0x0  }
0x52: {  	s9 =	rddreg [dreg:$0xb];
	[sflag:s19] =	ssyncadd.s32 $0xFFFFF000  }
0x53: {  	[spmem:s3] =	stream.indirect.scatter.add.f32 [tilespmem:s15], [sflag:$0x2], $0x20, s9, s14, $0xb8;
	[tilespmem:$0x14A00] =	vst v63  }
0x54: {  	_ =	swait.ge [sflag:s19], $0x1000  }
0x55: {  	[sflag:s19] =	ssyncset.done $0x0  }
0x56: {  	s1 =	rddreg [dreg:$0xc];
	[sflag:s19] =	ssyncadd.s32 $0xFFFFF000  }
0x57: {  	[spmem:s3] =	stream.indirect.scatter.add.f32 [tilespmem:s16], [sflag:$0x2], $0x20, s1, s14, $0xb8;
	[tilespmem:$0x14A00] =	vst v63  }
0x58: {  	_ =	swait.ge [sflag:s19], $0x1000  }
0x59: {  	[sflag:s19] =	ssyncset.done $0x0  }
0x5a: {  	s5 =	rddreg [dreg:$0xd];
	[sflag:s19] =	ssyncadd.s32 $0xFFFFF000  }
0x5b: {  	[spmem:s3] =	stream.indirect.scatter.add.f32 [tilespmem:s17], [sflag:$0x2], $0x20, s5, s14, $0xb8;
	[tilespmem:$0x14A00] =	vst v63  }
0x5c: {  	_ =	swait.ge [sflag:s19], $0x1000  }
0x5d: {  	[sflag:s19] =	ssyncset.done $0x0  }
0x5e: {  	s8 =	rddreg [dreg:$0xe];
	[sflag:s19] =	ssyncadd.s32 $0xFFFFF000  }
0x5f: {  	[spmem:s3] =	stream.indirect.scatter.add.f32 [tilespmem:s18], [sflag:$0x2], $0x20, s8, s14, $0xb8;
	[tilespmem:$0x14A00] =	vst v63  }
0x60: {  	_ =	swait.ge @!p1 [sflag:s6], $0x5000  }
0x61: {  	s9 =	rddreg [dreg:$0x6];
	[sflag:s6] =	ssyncset.done @!p1 $0x0  }
0x62: {  	[sflag:s6] =	ssyncadd.s32 @!p1 $0xFFFFB000;
	s1 =	sadd.s32 $0x0, s9  }
0x63: {  	[tilespmem:s20], [sflag:$0x3] =	stream.linear.gather [hbm4b:s1+s4], $0x280, $0x38;
	[tilespmem:$0x14A00] =	vst v63  }
0x64: {  	_ =	swait.ge [sflag:s11], $0x280  }
0x65: {  	s5 =	rddreg [dreg:$0x5];
	[sflag:s11] =	ssyncset.done $0x0  }
0x66: {  	[sflag:s11] =	ssyncadd.s32 $0xFFFFFD80;
	s6 =	sadd.s32 $0x0, s5  }
0x67: {  	[tilespmem:s21], [sflag:$0x3] =	stream.linear.gather [hbm4b:s6+s4], $0x280, $0x38;
	[tilespmem:$0x14A00] =	vst v63  }
0x68: {  	_ =	swait.ge [sflag:s11], $0x280  }
0x69: {  	[sflag:s11] =	ssyncset.done $0x0  }
0x6a: {  	[sflag:s11] =	ssyncadd.s32 $0xFFFFFD80  }
0x6b: {  	[tilespmem:s22], [sflag:$0x1] =	stream.indirect.gather [spmem:s2], $0x20, s20, s14, $0xb8;
	[tilespmem:$0x14A00] =	vst v63  }
0x6c: {  	s7 =	rddreg [dreg:$0xf]  }
0x6d: {  	[tilespmem:s23], [sflag:$0x1] =	stream.indirect.gather [spmem:s2], $0x20, s7, s14, $0xb8;
	[tilespmem:$0x14A00] =	vst v63  }
0x6e: {  	s8 =	rddreg [dreg:$0x10]  }
0x6f: {  	[tilespmem:s24], [sflag:$0x1] =	stream.indirect.gather [spmem:s2], $0x20, s8, s14, $0xb8;
	[tilespmem:$0x14A00] =	vst v63  }
0x70: {  	s9 =	rddreg [dreg:$0x11]  }
0x71: {  	[tilespmem:s25], [sflag:$0x1] =	stream.indirect.gather [spmem:s2], $0x20, s9, s14, $0xb8;
	[tilespmem:$0x14A00] =	vst v63  }
0x72: {  	_ = 	snop  }
0x73: {  	[tilespmem:s28], [sflag:$0x1] =	stream.indirect.gather [spmem:s2], $0x20, s26, s14, $0xb8;
	[tilespmem:$0x14A00] =	vst v63  }
0x74: {  	_ =	swait.ge [sflag:s19], $0x1000  }
0x75: {  	[sflag:s19] =	ssyncset.done $0x0  }
0x76: {  	[sflag:s19] =	ssyncadd.s32 $0xFFFFF000  }
0x77: {  	[spmem:s3] =	stream.indirect.scatter.add.f32 [tilespmem:s22], [sflag:$0x2], $0x20, s21, s14, $0xb8;
	[tilespmem:$0x14A00] =	vst v63  }
0x78: {  	_ =	swait.ge [sflag:s19], $0x1000  }
0x79: {  	[sflag:s19] =	ssyncset.done $0x0  }
0x7a: {  	[sflag:s19] =	ssyncadd.s32 $0xFFFFF000  }
0x7b: {  	[spmem:s3] =	stream.indirect.scatter.add.f32 [tilespmem:s23], [sflag:$0x2], $0x20, s29, s14, $0xb8;
	[tilespmem:$0x14A00] =	vst v63  }
0x7c: {  	_ =	swait.ge [sflag:s19], $0x1000  }
0x7d: {  	[sflag:s19] =	ssyncset.done $0x0  }
0x7e: {  	[sflag:s19] =	ssyncadd.s32 $0xFFFFF000  }
0x7f: {  	[spmem:s3] =	stream.indirect.scatter.add.f32 [tilespmem:s24], [sflag:$0x2], $0x20, s30, s14, $0xb8;
	[tilespmem:$0x14A00] =	vst v63  }
0x80: {  	_ =	swait.ge [sflag:s19], $0x1000  }
0x81: {  	[sflag:s19] =	ssyncset.done $0x0  }
0x82: {  	[sflag:s19] =	ssyncadd.s32 $0xFFFFF000  }
0x83: {  	[spmem:s3] =	stream.indirect.scatter.add.f32 [tilespmem:s25], [sflag:$0x2], $0x20, s31, s14, $0xb8;
	[tilespmem:$0x14A00] =	vst v63  }
0x84: {  	p2 =	por $0x0, $0x0;
	_ =	swait.ge [sflag:s19], $0x1000  }
0x85: {  	s6 =	simm.s32 $0xA0;
	s8 =	simm.s32 $0x140;
	[sflag:s19] =	ssyncset.done $0x0  }
.LBB2_6:
0x86: {  	s7 =	simm.s32 @!p2 $0x2;
	[sflag:s19] =	ssyncadd.s32 $0xFFFFF000  }
0x87: {  	[spmem:s3] =	stream.indirect.scatter.add.f32 [tilespmem:s28], [sflag:$0x2], $0x20, s0, s14, $0xb8;
	[tilespmem:$0x14A00] =	vst v63  }
0x88: {  	_ =	swait.ge @!p2 [sflag:s7], $0x5000  }
0x89: {  	[sflag:s7] =	ssyncset.done @!p2 $0x0;
	s1 =	rddreg [dreg:$0x4]  }
0x8a: {  	[sflag:s7] =	ssyncadd.s32 @!p2 $0xFFFFB000;
	s1 =	sadd.s32 s6, s1  }
0x8b: {  	[tilespmem:s12], [sflag:$0x3] =	stream.linear.gather [hbm4b:s1+s4], $0x280, $0x38;
	[tilespmem:$0x14A00] =	vst v63  }
0x8c: {  	_ =	swait.ge [sflag:s11], $0x280  }
0x8d: {  	[sflag:s11] =	ssyncset.done $0x0  }
0x8e: {  	s1 =	sadd.s32 $0xA000, s1;
	[sflag:s11] =	ssyncadd.s32 $0xFFFFFD80  }
0x8f: {  	[tilespmem:s13], [sflag:$0x3] =	stream.linear.gather [hbm4b:s1+s4], $0x280, $0x38;
	[tilespmem:$0x14A00] =	vst v63  }
0x90: {  	_ =	swait.ge [sflag:s11], $0x280  }
0x91: {  	[sflag:s11] =	ssyncset.done $0x0  }
0x92: {  	[sflag:s11] =	ssyncadd.s32 $0xFFFFFD80  }
0x93: {  	[tilespmem:s10], [sflag:$0x1] =	stream.indirect.gather [spmem:s2], $0x20, s12, s14, $0xb8;
	[tilespmem:$0x14A00] =	vst v63  }
0x94: {  	s1 =	rddreg [dreg:$0x7]  }
0x95: {  	[tilespmem:s15], [sflag:$0x1] =	stream.indirect.gather [spmem:s2], $0x20, s1, s14, $0xb8;
	[tilespmem:$0x14A00] =	vst v63  }
0x96: {  	s5 =	rddreg [dreg:$0x8]  }
0x97: {  	[tilespmem:s16], [sflag:$0x1] =	stream.indirect.gather [spmem:s2], $0x20, s5, s14, $0xb8;
	[tilespmem:$0x14A00] =	vst v63  }
0x98: {  	s1 =	rddreg [dreg:$0x9]  }
0x99: {  	[tilespmem:s17], [sflag:$0x1] =	stream.indirect.gather [spmem:s2], $0x20, s1, s14, $0xb8;
	[tilespmem:$0x14A00] =	vst v63  }
0x9a: {  	s5 =	rddreg [dreg:$0xa]  }
0x9b: {  	[tilespmem:s18], [sflag:$0x1] =	stream.indirect.gather [spmem:s2], $0x20, s5, s14, $0xb8;
	[tilespmem:$0x14A00] =	vst v63  }
0x9c: {  	_ =	swait.ge [sflag:s19], $0x1000  }
0x9d: {  	[sflag:s19] =	ssyncset.done $0x0  }
0x9e: {  	[sflag:s19] =	ssyncadd.s32 $0xFFFFF000  }
0x9f: {  	[spmem:s3] =	stream.indirect.scatter.add.f32 [tilespmem:s10], [sflag:$0x2], $0x20, s13, s14, $0xb8;
	[tilespmem:$0x14A00] =	vst v63  }
0xa0: {  	_ =	swait.ge [sflag:s19], $0x1000  }
0xa1: {  	[sflag:s19] =	ssyncset.done $0x0  }
0xa2: {  	s5 =	rddreg [dreg:$0xb];
	[sflag:s19] =	ssyncadd.s32 $0xFFFFF000  }
0xa3: {  	[spmem:s3] =	stream.indirect.scatter.add.f32 [tilespmem:s15], [sflag:$0x2], $0x20, s5, s14, $0xb8;
	[tilespmem:$0x14A00] =	vst v63  }
0xa4: {  	_ =	swait.ge [sflag:s19], $0x1000  }
0xa5: {  	[sflag:s19] =	ssyncset.done $0x0  }
0xa6: {  	s5 =	rddreg [dreg:$0xc];
	[sflag:s19] =	ssyncadd.s32 $0xFFFFF000  }
0xa7: {  	[spmem:s3] =	stream.indirect.scatter.add.f32 [tilespmem:s16], [sflag:$0x2], $0x20, s5, s14, $0xb8;
	[tilespmem:$0x14A00] =	vst v63  }
0xa8: {  	_ =	swait.ge [sflag:s19], $0x1000  }
0xa9: {  	[sflag:s19] =	ssyncset.done $0x0  }
0xaa: {  	s5 =	rddreg [dreg:$0xd];
	[sflag:s19] =	ssyncadd.s32 $0xFFFFF000  }
0xab: {  	[spmem:s3] =	stream.indirect.scatter.add.f32 [tilespmem:s17], [sflag:$0x2], $0x20, s5, s14, $0xb8;
	[tilespmem:$0x14A00] =	vst v63  }
0xac: {  	_ =	swait.ge [sflag:s19], $0x1000  }
0xad: {  	[sflag:s19] =	ssyncset.done $0x0  }
0xae: {  	s5 =	rddreg [dreg:$0xe];
	[sflag:s19] =	ssyncadd.s32 $0xFFFFF000  }
0xaf: {  	[spmem:s3] =	stream.indirect.scatter.add.f32 [tilespmem:s18], [sflag:$0x2], $0x20, s5, s14, $0xb8;
	[tilespmem:$0x14A00] =	vst v63  }
0xb0: {  	_ =	swait.ge @!p2 [sflag:s7], $0x5000  }
0xb1: {  	[sflag:s7] =	ssyncset.done @!p2 $0x0;
	s5 =	rddreg [dreg:$0x6]  }
0xb2: {  	[sflag:s7] =	ssyncadd.s32 @!p2 $0xFFFFB000;
	s1 =	sadd.s32 s6, s5  }
0xb3: {  	[tilespmem:s20], [sflag:$0x3] =	stream.linear.gather [hbm4b:s1+s4], $0x280, $0x38;
	[tilespmem:$0x14A00] =	vst v63  }
0xb4: {  	_ =	swait.ge [sflag:s11], $0x280  }
0xb5: {  	s7 =	rddreg [dreg:$0x5];
	[sflag:s11] =	ssyncset.done $0x0  }
0xb6: {  	[sflag:s11] =	ssyncadd.s32 $0xFFFFFD80;
	s1 =	sadd.s32 s6, s7  }
0xb7: {  	[tilespmem:s21], [sflag:$0x3] =	stream.linear.gather [hbm4b:s1+s4], $0x280, $0x38;
	[tilespmem:$0x14A00] =	vst v63  }
0xb8: {  	_ =	swait.ge [sflag:s11], $0x280  }
0xb9: {  	[sflag:s11] =	ssyncset.done $0x0  }
0xba: {  	[sflag:s11] =	ssyncadd.s32 $0xFFFFFD80  }
0xbb: {  	[tilespmem:s22], [sflag:$0x1] =	stream.indirect.gather [spmem:s2], $0x20, s20, s14, $0xb8;
	[tilespmem:$0x14A00] =	vst v63  }
0xbc: {  	s5 =	rddreg [dreg:$0xf]  }
0xbd: {  	[tilespmem:s23], [sflag:$0x1] =	stream.indirect.gather [spmem:s2], $0x20, s5, s14, $0xb8;
	[tilespmem:$0x14A00] =	vst v63  }
0xbe: {  	s9 =	smov.u32 s8;
	s7 =	rddreg [dreg:$0x10]  }
0xbf: {  	[tilespmem:s24], [sflag:$0x1] =	stream.indirect.gather [spmem:s2], $0x20, s7, s14, $0xb8;
	[tilespmem:$0x14A00] =	vst v63  }
0xc0: {  	s6 =	smov.u32 s9;
	s9 =	rddreg [dreg:$0x11]  }
0xc1: {  	[tilespmem:s25], [sflag:$0x1] =	stream.indirect.gather [spmem:s2], $0x20, s9, s14, $0xb8;
	[tilespmem:$0x14A00] =	vst v63  }
0xc2: {  	_ = 	snop  }
0xc3: {  	[tilespmem:s28], [sflag:$0x1] =	stream.indirect.gather [spmem:s2], $0x20, s26, s14, $0xb8;
	[tilespmem:$0x14A00] =	vst v63  }
0xc4: {  	_ =	swait.ge [sflag:s19], $0x1000  }
0xc5: {  	[sflag:s19] =	ssyncset.done $0x0  }
0xc6: {  	[sflag:s19] =	ssyncadd.s32 $0xFFFFF000  }
0xc7: {  	[spmem:s3] =	stream.indirect.scatter.add.f32 [tilespmem:s22], [sflag:$0x2], $0x20, s21, s14, $0xb8;
	[tilespmem:$0x14A00] =	vst v63  }
0xc8: {  	_ =	swait.ge [sflag:s19], $0x1000  }
0xc9: {  	[sflag:s19] =	ssyncset.done $0x0  }
0xca: {  	[sflag:s19] =	ssyncadd.s32 $0xFFFFF000  }
0xcb: {  	[spmem:s3] =	stream.indirect.scatter.add.f32 [tilespmem:s23], [sflag:$0x2], $0x20, s29, s14, $0xb8;
	[tilespmem:$0x14A00] =	vst v63  }
0xcc: {  	_ =	swait.ge [sflag:s19], $0x1000  }
0xcd: {  	[sflag:s19] =	ssyncset.done $0x0  }
0xce: {  	s8 =	sadd.s32 $0xA0, s8;
	[sflag:s19] =	ssyncadd.s32 $0xFFFFF000  }
0xcf: {  	[spmem:s3] =	stream.indirect.scatter.add.f32 [tilespmem:s24], [sflag:$0x2], $0x20, s30, s14, $0xb8;
	[tilespmem:$0x14A00] =	vst v63  }
0xd0: {  	p1 =	sne.s32 s8, $0x500;
	_ =	swait.ge [sflag:s19], $0x1000  }
.Ltmp2:
0xd1: {  	[sflag:s19] =	ssyncset.done $0x0;
	(pc) =	sbr.rel @p1 .LBB2_6-.Ltmp2, $4  }
0xd2: {  	[sflag:s19] =	ssyncadd.s32 $0xFFFFF000  }
0xd3: {  	[spmem:s3] =	stream.indirect.scatter.add.f32 [tilespmem:s25], [sflag:$0x2], $0x20, s31, s14, $0xb8;
	[tilespmem:$0x14A00] =	vst v63  }
0xd4: {  	_ =	swait.ge [sflag:s19], $0x1000  }
0xd5: {  	p2 =	seq.s32 s6, $0x0;
	[sflag:s19] =	ssyncset.done $0x0  }
0xd6: {  	s1 =	simm.s32 @!p2 $0x2;
	[sflag:s19] =	ssyncadd.s32 $0xFFFFF000  }
0xd7: {  	[spmem:s3] =	stream.indirect.scatter.add.f32 [tilespmem:s28], [sflag:$0x2], $0x20, s0, s14, $0xb8;
	[tilespmem:$0x14A00] =	vst v63  }
0xd8: {  	_ =	swait.ge @!p2 [sflag:s1], $0x5000  }
0xd9: {  	s5 =	rddreg [dreg:$0x4];
	[sflag:s1] =	ssyncset.done @!p2 $0x0  }
0xda: {  	[sflag:s1] =	ssyncadd.s32 @!p2 $0xFFFFB000;
	s5 =	sadd.s32 s6, s5  }
0xdb: {  	[tilespmem:s12], [sflag:$0x3] =	stream.linear.gather [hbm4b:s5+s4], $0x280, $0x38;
	[tilespmem:$0x14A00] =	vst v63  }
0xdc: {  	_ =	swait.ge [sflag:s11], $0x280  }
0xdd: {  	[sflag:s11] =	ssyncset.done $0x0  }
0xde: {  	s5 =	sadd.s32 $0xA000, s5;
	[sflag:s11] =	ssyncadd.s32 $0xFFFFFD80  }
0xdf: {  	[tilespmem:s13], [sflag:$0x3] =	stream.linear.gather [hbm4b:s5+s4], $0x280, $0x38;
	[tilespmem:$0x14A00] =	vst v63  }
0xe0: {  	_ =	swait.ge [sflag:s11], $0x280  }
0xe1: {  	[sflag:s11] =	ssyncset.done $0x0  }
0xe2: {  	[sflag:s11] =	ssyncadd.s32 $0xFFFFFD80  }
0xe3: {  	[tilespmem:s10], [sflag:$0x1] =	stream.indirect.gather [spmem:s2], $0x20, s12, s14, $0xb8;
	[tilespmem:$0x14A00] =	vst v63  }
0xe4: {  	s9 =	rddreg [dreg:$0x7]  }
0xe5: {  	[tilespmem:s15], [sflag:$0x1] =	stream.indirect.gather [spmem:s2], $0x20, s9, s14, $0xb8;
	[tilespmem:$0x14A00] =	vst v63  }
0xe6: {  	s7 =	rddreg [dreg:$0x8]  }
0xe7: {  	[tilespmem:s16], [sflag:$0x1] =	stream.indirect.gather [spmem:s2], $0x20, s7, s14, $0xb8;
	[tilespmem:$0x14A00] =	vst v63  }
0xe8: {  	s8 =	rddreg [dreg:$0x9]  }
0xe9: {  	[tilespmem:s17], [sflag:$0x1] =	stream.indirect.gather [spmem:s2], $0x20, s8, s14, $0xb8;
	[tilespmem:$0x14A00] =	vst v63  }
0xea: {  	s9 =	rddreg [dreg:$0xa]  }
0xeb: {  	[tilespmem:s18], [sflag:$0x1] =	stream.indirect.gather [spmem:s2], $0x20, s9, s14, $0xb8;
	[tilespmem:$0x14A00] =	vst v63  }
0xec: {  	_ =	swait.ge [sflag:s19], $0x1000  }
0xed: {  	[sflag:s19] =	ssyncset.done $0x0  }
0xee: {  	[sflag:s19] =	ssyncadd.s32 $0xFFFFF000  }
0xef: {  	[spmem:s3] =	stream.indirect.scatter.add.f32 [tilespmem:s10], [sflag:$0x2], $0x20, s13, s14, $0xb8;
	[tilespmem:$0x14A00] =	vst v63  }
0xf0: {  	_ =	swait.ge [sflag:s19], $0x1000  }
0xf1: {  	[sflag:s19] =	ssyncset.done $0x0  }
0xf2: {  	s7 =	rddreg [dreg:$0xb];
	[sflag:s19] =	ssyncadd.s32 $0xFFFFF000  }
0xf3: {  	[spmem:s3] =	stream.indirect.scatter.add.f32 [tilespmem:s15], [sflag:$0x2], $0x20, s7, s14, $0xb8;
	[tilespmem:$0x14A00] =	vst v63  }
0xf4: {  	_ =	swait.ge [sflag:s19], $0x1000  }
0xf5: {  	[sflag:s19] =	ssyncset.done $0x0  }
0xf6: {  	s8 =	rddreg [dreg:$0xc];
	[sflag:s19] =	ssyncadd.s32 $0xFFFFF000  }
0xf7: {  	[spmem:s3] =	stream.indirect.scatter.add.f32 [tilespmem:s16], [sflag:$0x2], $0x20, s8, s14, $0xb8;
	[tilespmem:$0x14A00] =	vst v63  }
0xf8: {  	_ =	swait.ge [sflag:s19], $0x1000  }
0xf9: {  	[sflag:s19] =	ssyncset.done $0x0  }
0xfa: {  	s9 =	rddreg [dreg:$0xd];
	[sflag:s19] =	ssyncadd.s32 $0xFFFFF000  }
0xfb: {  	[spmem:s3] =	stream.indirect.scatter.add.f32 [tilespmem:s17], [sflag:$0x2], $0x20, s9, s14, $0xb8;
	[tilespmem:$0x14A00] =	vst v63  }
0xfc: {  	_ =	swait.ge [sflag:s19], $0x1000  }
0xfd: {  	[sflag:s19] =	ssyncset.done $0x0  }
0xfe: {  	s7 =	rddreg [dreg:$0xe];
	[sflag:s19] =	ssyncadd.s32 $0xFFFFF000  }
0xff: {  	[spmem:s3] =	stream.indirect.scatter.add.f32 [tilespmem:s18], [sflag:$0x2], $0x20, s7, s14, $0xb8;
	[tilespmem:$0x14A00] =	vst v63  }
0x100: {  	_ =	swait.ge @!p2 [sflag:s1], $0x5000  }
0x101: {  	s8 =	rddreg [dreg:$0x6];
	[sflag:s1] =	ssyncset.done @!p2 $0x0  }
0x102: {  	[sflag:s1] =	ssyncadd.s32 @!p2 $0xFFFFB000;
	s9 =	sadd.s32 s6, s8  }
0x103: {  	[tilespmem:s20], [sflag:$0x3] =	stream.linear.gather [hbm4b:s9+s4], $0x280, $0x38;
	[tilespmem:$0x14A00] =	vst v63  }
0x104: {  	_ =	swait.ge [sflag:s11], $0x280  }
0x105: {  	s5 =	rddreg [dreg:$0x5];
	[sflag:s11] =	ssyncset.done $0x0  }
0x106: {  	[sflag:s11] =	ssyncadd.s32 $0xFFFFFD80;
	s1 =	sadd.s32 s6, s5  }
0x107: {  	[tilespmem:s21], [sflag:$0x3] =	stream.linear.gather [hbm4b:s1+s4], $0x280, $0x38;
	[tilespmem:$0x14A00] =	vst v63  }
0x108: {  	_ =	swait.ge [sflag:s11], $0x280  }
0x109: {  	[sflag:s11] =	ssyncset.done $0x0  }
0x10a: {  	[sflag:s11] =	ssyncadd.s32 $0xFFFFFD80  }
0x10b: {  	[tilespmem:s22], [sflag:$0x1] =	stream.indirect.gather [spmem:s2], $0x20, s20, s14, $0xb8;
	[tilespmem:$0x14A00] =	vst v63  }
0x10c: {  	s7 =	rddreg [dreg:$0xf]  }
0x10d: {  	[tilespmem:s23], [sflag:$0x1] =	stream.indirect.gather [spmem:s2], $0x20, s7, s14, $0xb8;
	[tilespmem:$0x14A00] =	vst v63  }
0x10e: {  	s8 =	rddreg [dreg:$0x10]  }
0x10f: {  	[tilespmem:s24], [sflag:$0x1] =	stream.indirect.gather [spmem:s2], $0x20, s8, s14, $0xb8;
	[tilespmem:$0x14A00] =	vst v63  }
0x110: {  	s9 =	rddreg [dreg:$0x11]  }
0x111: {  	[tilespmem:s25], [sflag:$0x1] =	stream.indirect.gather [spmem:s2], $0x20, s9, s14, $0xb8;
	[tilespmem:$0x14A00] =	vst v63  }
0x112: {  	_ = 	snop  }
0x113: {  	[tilespmem:s28], [sflag:$0x1] =	stream.indirect.gather [spmem:s2], $0x20, s26, s14, $0xb8;
	[tilespmem:$0x14A00] =	vst v63  }
0x114: {  	_ =	swait.ge [sflag:s19], $0x1000  }
0x115: {  	[sflag:s19] =	ssyncset.done $0x0  }
0x116: {  	[sflag:s19] =	ssyncadd.s32 $0xFFFFF000  }
0x117: {  	[spmem:s3] =	stream.indirect.scatter.add.f32 [tilespmem:s22], [sflag:$0x2], $0x20, s21, s14, $0xb8;
	[tilespmem:$0x14A00] =	vst v63  }
0x118: {  	_ =	swait.ge [sflag:s19], $0x1000  }
0x119: {  	[sflag:s19] =	ssyncset.done $0x0  }
0x11a: {  	[sflag:s19] =	ssyncadd.s32 $0xFFFFF000  }
0x11b: {  	[spmem:s3] =	stream.indirect.scatter.add.f32 [tilespmem:s23], [sflag:$0x2], $0x20, s29, s14, $0xb8;
	[tilespmem:$0x14A00] =	vst v63  }
0x11c: {  	_ =	swait.ge [sflag:s19], $0x1000  }
0x11d: {  	[sflag:s19] =	ssyncset.done $0x0  }
0x11e: {  	[sflag:s19] =	ssyncadd.s32 $0xFFFFF000  }
0x11f: {  	[spmem:s3] =	stream.indirect.scatter.add.f32 [tilespmem:s24], [sflag:$0x2], $0x20, s30, s14, $0xb8;
	[tilespmem:$0x14A00] =	vst v63  }
0x120: {  	_ =	swait.ge [sflag:s19], $0x1000  }
0x121: {  	[sflag:s19] =	ssyncset.done $0x0  }
0x122: {  	[sflag:s19] =	ssyncadd.s32 $0xFFFFF000  }
0x123: {  	[spmem:s3] =	stream.indirect.scatter.add.f32 [tilespmem:s25], [sflag:$0x2], $0x20, s31, s14, $0xb8;
	[tilespmem:$0x14A00] =	vst v63  }
0x124: {  	_ =	swait.ge [sflag:s19], $0x1000  }
0x125: {  	[sflag:s19] =	ssyncset.done $0x0  }
0x126: {  	s5 =	simm.s32 $0x2;
	[sflag:s19] =	ssyncadd.s32 $0xFFFFF000  }
0x127: {  	[spmem:s3] =	stream.indirect.scatter.add.f32 [tilespmem:s28], [sflag:$0x2], $0x20, s0, s14, $0xb8;
	[tilespmem:$0x14A00] =	vst v63  }
0x128: {  	_ =	swait.ge [sflag:s5], $0x5000  }
0x129: {  	[sflag:s5] =	ssyncset.done $0x0  }
0x12a: {  	[sflag:s5] =	ssyncadd.s32 $0xFFFFB000  }
0x12b: {  	_ =	swait.ge [sflag:s5], $0x5000  }
0x12c: {  	[sflag:s5] =	ssyncset.done $0x0  }
0x12d: {  	[sflag:s5] =	ssyncadd.s32 $0xFFFFB000  }
0x12e: {  	[bflag:$0x0] =	sbarrier.arrive $0xFFFF  }
0x12f: {  	s6 =	rddreg [dreg:$0x14]  }
0x130: {  	[tilespmem:s10], [sflag:$0x3] =	stream.linear.gather [spmem:s6], $0x5000, $0x38;
	[tilespmem:$0x14A00] =	vst v63  }
0x131: {  	_ =	swait.ge [sflag:s11], $0x5000  }
0x132: {  	[sflag:s11] =	ssyncset.done $0x0  }
0x133: {  	s7 =	rddreg [dreg:$0x15];
	[sflag:s11] =	ssyncadd.s32 $0xFFFFB000  }
0x134: {  	[hbm4b:s7+s4] =	stream.linear.scatter [tilespmem:s10], [sflag:$0x3], $0x5000, $0x38;
	[tilespmem:$0x14A00] =	vst v63  }
0x135: {  	_ =	swait.ge [sflag:s11], $0x5000  }
0x136: {  	s8 =	rddreg [dreg:$0x17]  }
0x137: {  	s9 =	rddreg [dreg:$0x16];
	s5 =	sadd.s32 $0x1, s8  }
0x138: {  	p1 =	sne.s32 s5, s9  }
.Ltmp3:
0x139: {  	_ = 	snop;
	(pc) =	sbr.rel @p1 .LBB2_1-.Ltmp3, $3  }
0x13a: {  	_ =	sdelay $0x1  }
0x13b: {  	[sflag:s11] =	ssyncset.done $0x0  }
0x13c: {  	[sflag:s11] =	ssyncadd.s32 $0xFFFFB000  }
0x13d: {  	_ =	sfence.sel $0x180000  }
0x13e: {  	[bflag:$0x0] =	sbarrier.arrive $0xFFFF  }
0x13f: {  	_ =	strace $0x9000004A  }
0x140: {  	s0 =	stileid.u32;
	[bflag:$0x2] =	sbarrier.arrive $0xFFFF  }
0x141: {  	p0 =	sne.s32 s0, $0x0;
	s0 =	rddreg [dreg:$0x3]  }
0x142: {  	s0 =	sadd.s32 @!p0 $0x100000, s0  }
0x143: {  	[sflag:s0] =	ssyncadd.tile.s32 @!p0 $0x1;
	_ =	shalt  }
.Lfunc_end2:
_tile_overlayer_lowered:
.L_overlay_start_2:
0x144: {  	(tag) =	ssettag $0x2  }
0x145: {  	s0 =	rddreg [dreg:$0x0];
	s2 =	stileid.u32  }
0x146: {  	s1 =	rddreg [dreg:$0x1];
	p0 =	sne.s32 s2, $0x0  }
0x147: {  	s3 =	rddreg [dreg:$0x2];
	[bflag:$0x3] =	sbarrier.arrive $0xFFFF;
	s2 =	simm.s32 @!p0 $0x1C03  }
0x148: {  	[timem:s3], [sflag:s2] =	dma.local @!p0 [hbm:s0], s1  }
0x149: {  	s0 =	simm.s32 @!p0 $0x3  }
0x14a: {  	_ =	swait.ge @!p0 [sflag:s0], s1  }
0x14b: {  	s1 =	ssub.s32 @!p0 $0x0, s1;
	[sflag:s0] =	ssyncset.done @!p0 $0x0  }
0x14c: {  	[sflag:s0] =	ssyncadd.s32 @!p0 s1  }
0x14d: {  	[bflag:$0x3] =	sbarrier.arrive $0xFFFF  }
0x14e: {  	_ =	shalt  }

// kernel: kernel.16.cloned.1.call-start
scs
__scs_entry_jumppad:
0x0: {  	(pc) =	sbr.rel $0x88, $3  }
0x1: {  	(tag) =	ssettag $0x0;
	lr =	simm.s32 $0x1  }
0x2: {  	[smem:$0x3F96] =	sst lr;
	_ =	strace $0xD0000000  }
0x3: {  	_ = 	snop  }
0x4: {  	_ = 	snop  }
0x5: {  	_ = 	snop  }
0x6: {  	_ = 	snop  }
0x7: {  	_ = 	snop  }
__scs_overlays_trampoline_lowered:
0x8: {  	[smem:$0x3FA5] =	sst s0  }
0x9: {  	[smem:$0x3FA6] =	sst s1  }
0xa: {  	[smem:$0x3FA7] =	sst s2  }
0xb: {  	[smem:$0x3FA8] =	sst s3  }
0xc: {  	[smem:$0x3FA9] =	sst s4  }
0xd: {  	[smem:$0x3FAA] =	sst s5  }
0xe: {  	[smem:$0x3FAB] =	sst s6  }
0xf: {  	[smem:$0x3FAC] =	sst s7  }
0x10: {  	[smem:$0x3FAD] =	sst s8  }
0x11: {  	[smem:$0x3FAE] =	sst s9;
	s0 =	simm.s32 @!p0 $0x0  }
0x12: {  	s1 =	sld [smem:$0x3F94];
	s0 =	simm.s32 @p0 $0x1  }
0x13: {  	[smem:$0x3FAF] =	sst s0;
	s0 =	simm.s32 @!p1 $0x0  }
0x14: {  	s2 =	sld [smem:$0x3F93];
	s0 =	simm.s32 @p1 $0x1  }
0x15: {  	[smem:$0x3FB0] =	sst s0;
	s0 =	simm.s32 @!p2 $0x0  }
0x16: {  	s3 =	sld [smem:$0x3FDB];
	s0 =	simm.s32 @p2 $0x1  }
0x17: {  	s4 =	simm.s32 $0x1BF5;
	[smem:$0x3FB2] =	sst s0  }
0x18: {  	s0 =	sld [smem:$0x3F95];
	_ =	swait.ge [sflag:s4], $0x0  }
0x19: {  	s7 =	sld [smem:$0x3F96]  }
0x1a: {  	s8 =	sadd.s32 $0xFFFFE003, lr  }
0x1b: {  	s9 =	sadd.s32 $0xFFFFFEF7, lr;
	s5 =	simm.s32 $0xFFFFFFFF;
	p2 =	slt.u32 s8, $0xFFFFF086  }
0x1c: {  	p1 =	slt.u32 s9, $0xF7A;
	s5 =	simm.s32 @!p2 $0x0  }
0x1d: {  	s5 =	simm.s32 @p1 $0x1;
	p0 =	seq.s32 s7, s2  }
0x1e: {  	s7 =	smul.u32 @!p0 $0xF7A, s2;
	p2 =	seq.s32 @!p0 s5, $0x0  }
0x1f: {  	s9 =	smul.u32 $0xF7A, s1;
	s8 =	simm.s32 @!p0 $0x1BF5;
	p2 =	por !p2, p0  }
0x20: {  	[sflag:s8] =	ssyncset.s32 @!p0 $0xFFFFF086;
	s6 =	sadd.s32 @!p0 s3, s7;
	s7 =	simm.s32 @!p0 $0x108  }
0x21: {  	s3 =	sadd.s32 s3, s9;
	s6 =	sadd.s32 @!p0 $0x88, s6;
	s7 =	simm.s32 @p2 $0x1082  }
0x22: {  	[simem:s7], [sflag:s8] =	dma.local @!p0 [hbm:s6], $0xF7A  }
0x23: {  	s9 =	sor.u32 $0xD0000000, s2;
	s6 =	simm.s32 $0x108;
	_ =	swait.ge @!p0 [sflag:s8], $0x0  }
0x24: {  	s3 =	sadd.s32 $0x88, s3;
	s6 =	simm.s32 @!p1 $0x1082;
	[sflag:s4] =	ssyncset.s32 $0xFFFFF086  }
0x25: {  	[simem:s6], [sflag:s4] =	dma.local [hbm:s3], $0xF7A  }
0x26: {  	[smem:$0x3F96] =	sst s1;
	(tag) =	ssettag s2;
	_ =	strace s9  }
0x27: {  	s1 =	sld [smem:$0x3FA6]  }
0x28: {  	s2 =	sld [smem:$0x3FA7]  }
0x29: {  	s4 =	sld [smem:$0x3FA9]  }
0x2a: {  	p0 =	seq.s32 s5, $0x0;
	s5 =	sld [smem:$0x3FAA]  }
0x2b: {  	s6 =	sld [smem:$0x3FAB]  }
0x2c: {  	s7 =	sld [smem:$0x3FAC]  }
0x2d: {  	s3 =	simm.s32 $0x108;
	s8 =	sld [smem:$0x3FAD]  }
0x2e: {  	s3 =	simm.s32 @!p0 $0x1082;
	s9 =	sld [smem:$0x3FAE]  }
0x2f: {  	lr =	sadd.s32 s0, s3;
	s0 =	sld [smem:$0x3FA5]  }
0x30: {  	s3 =	sld [smem:$0x3FA8]  }
0x31: {  	[smem:$0x3FB1] =	sst s10  }
0x32: {  	s10 =	sld [smem:$0x3FAF];
	_ =	sdelay $0x3  }
0x33: {  	p0 =	seq.s32 s10, $0x1;
	s10 =	sld [smem:$0x3FB1];
	_ =	sdelay $0x3  }
0x34: {  	[smem:$0x3FB1] =	sst s10  }
0x35: {  	s10 =	sld [smem:$0x3FB0];
	_ =	sdelay $0x3  }
0x36: {  	p1 =	seq.s32 s10, $0x1;
	s10 =	sld [smem:$0x3FB1];
	_ =	sdelay $0x3  }
0x37: {  	[smem:$0x3FB1] =	sst s10  }
0x38: {  	s10 =	sld [smem:$0x3FB2]  }
0x39: {  	_ = 	snop;
	(pc) =	sbr.ind lr, $3  }
0x3a: {  	_ = 	snop  }
0x3b: {  	_ = 	snop  }
0x3c: {  	p2 =	seq.s32 s10, $0x1;
	s10 =	sld [smem:$0x3FB1]  }
0x3d: {  	_ =	shalt  }
0x3e: {  	_ =	shalt  }
0x3f: {  	_ =	shalt  }
0x40: {  	_ =	shalt  }
0x41: {  	_ =	shalt  }
0x42: {  	_ =	shalt  }
0x43: {  	_ =	shalt  }
0x44: {  	_ =	shalt  }
0x45: {  	_ =	shalt  }
0x46: {  	_ =	shalt  }
0x47: {  	_ =	shalt  }
0x48: {  	_ =	shalt  }
0x49: {  	_ =	shalt  }
0x4a: {  	_ =	shalt  }
0x4b: {  	_ =	shalt  }
0x4c: {  	_ =	shalt  }
0x4d: {  	_ =	shalt  }
0x4e: {  	_ =	shalt  }
0x4f: {  	_ =	shalt  }
0x50: {  	_ =	shalt  }
0x51: {  	_ =	shalt  }
0x52: {  	_ =	shalt  }
0x53: {  	_ =	shalt  }
0x54: {  	_ =	shalt  }
0x55: {  	_ =	shalt  }
0x56: {  	_ =	shalt  }
0x57: {  	_ =	shalt  }
0x58: {  	_ =	shalt  }
0x59: {  	_ =	shalt  }
0x5a: {  	_ =	shalt  }
0x5b: {  	_ =	shalt  }
0x5c: {  	_ =	shalt  }
0x5d: {  	_ =	shalt  }
0x5e: {  	_ =	shalt  }
0x5f: {  	_ =	shalt  }
0x60: {  	_ =	shalt  }
0x61: {  	_ =	shalt  }
0x62: {  	_ =	shalt  }
0x63: {  	_ =	shalt  }
0x64: {  	_ =	shalt  }
0x65: {  	_ =	shalt  }
0x66: {  	_ =	shalt  }
0x67: {  	_ =	shalt  }
0x68: {  	_ =	shalt  }
0x69: {  	_ =	shalt  }
0x6a: {  	_ =	shalt  }
0x6b: {  	_ =	shalt  }
0x6c: {  	_ =	shalt  }
0x6d: {  	_ =	shalt  }
0x6e: {  	_ =	shalt  }
0x6f: {  	_ =	shalt  }
0x70: {  	_ =	shalt  }
0x71: {  	_ =	shalt  }
0x72: {  	_ =	shalt  }
0x73: {  	_ =	shalt  }
0x74: {  	_ =	shalt  }
0x75: {  	_ =	shalt  }
0x76: {  	_ =	shalt  }
0x77: {  	_ =	shalt  }
0x78: {  	_ =	shalt  }
0x79: {  	_ =	shalt  }
0x7a: {  	_ =	shalt  }
0x7b: {  	_ =	shalt  }
0x7c: {  	_ =	shalt  }
0x7d: {  	_ =	shalt  }
0x7e: {  	_ =	shalt  }
0x7f: {  	_ =	shalt  }
0x80: {  	_ =	shalt  }
0x81: {  	_ =	shalt  }
0x82: {  	_ =	shalt  }
0x83: {  	_ =	shalt  }
0x84: {  	_ =	shalt  }
0x85: {  	_ =	shalt  }
0x86: {  	_ =	shalt  }
0x87: {  	_ =	shalt  }
.Lfunc_end0:
.L_simem_size_0:
called_computation.2_lowered:
.L_overlay_start_0:
0x88: {  	s2 =	sld [smem:$0x3FD9]  }
0x89: {  	s3 =	sld [smem:$0x3FFE];
	_ =	sdelay $0x1  }
0x8a: {  	s1 =	srdreg.scid  }
0x8b: {  	s0 =	sand.u32 $0x1, s1  }
0x8c: {  	s16 =	sshll.u32 s0, $0xA;
	s2 =	sadd.s32 s3, s2  }
0x8d: {  	s2 =	sadd.s32 s2, s16  }
0x8e: {  	[smem:$0x3FBD] =	sst s2  }
0x8f: {  	_ = 	snop  }
0x90: {  	(tm) =	ssettm $0x1  }
0x91: {  	s17 =	sld [smem:$0x3FFB];
	_ =	sdelay $0x3  }
0x92: {  	_ =	strace s17  }
0x93: {  	s2 =	sld [smem:$0x3FFC];
	_ =	sdelay $0x3  }
0x94: {  	_ =	strace s2  }
0x95: {  	s2 =	sld [smem:$0x3FFD];
	_ =	sdelay $0x3  }
0x96: {  	_ =	strace s2  }
0x97: {  	_ =	strace $0x8FFFFFFF  }
0x98: {  	s18 =	sld [smem:$0x3FDB];
	_ =	sdelay $0x1  }
0x99: {  	s19 =	simm.s32 $_scs_section_size  }
0x9a: {  	s4 =	simm.s32 $_size__tile_overlayer_lowered;
	s5 =	simm.s32 $_tile_overlayer_lowered  }
0x9b: {  	s22 =	simm.s32 $0x1BFF;
	s21 =	sshll.u32 s5, $0x1;
	s2 =	sadd.s32 s19, s18  }
0x9c: {  	s6 =	simm.s32 $0x0;
	s20 =	sshll.u32 s4, $0x1;
	s4 =	sadd.s32 s21, s2  }
0x9d: {  	[timem:s6], [sflag:s22] =	dma.local [hbm:s4], s20  }
0x9e: {  	_ =	swait.ge [sflag:s22], s20  }
0x9f: {  	s3 =	ssub.s32 $0x0, s20;
	[sflag:s22] =	ssyncset.done $0x0  }
0xa0: {  	[sflag:s22] =	ssyncadd.s32 s3;
	_ =	sdelay $0x1  }
0xa1: {  	s23 =	simm.s32 $0x1B8B  }
0xa2: {  	_ =	swait.ge [sflag:s23], $0x1  }
0xa3: {  	[sflag:s23] =	ssyncset.done $0x0  }
0xa4: {  	s25 =	simm.s32 $0x1B8E;
	s24 =	sld [smem:$0x3FFE];
	[sflag:s23] =	ssyncadd.s32 $0xFFFFFFFF  }
0xa5: {  	s26 =	simm.s32 $execute0_lowered;
	[smem:$0x3FD2] =	sst s25  }
0xa6: {  	s4 =	sshll.u32 s26, $0x1;
	_ =	strace $0x8000004C;
	[dreg:$0x1] =	wrdreg $0xFFFFFFFF  }
0xa7: {  	s28 =	simm.s32 $_size_execute0_lowered;
	s2 =	sadd.s32 s2, s4;
	[dreg:$0x0] =	wrdreg $0x0  }
0xa8: {  	s4 =	sshll.u32 s28, $0x1;
	[dreg:$0x2] =	wrdreg s2  }
0xa9: {  	[dreg:$0x3] =	wrdreg s4  }
0xaa: {  	[dreg:$0x4] =	wrdreg $0xC0  }
0xab: {  	_ =	task [dreg:s6], $0x5FFFF  }
0xac: {  	[dreg:$0x1] =	wrdreg $0xFFFFFFFF  }
0xad: {  	[dreg:$0x0] =	wrdreg $0x60  }
0xae: {  	[dreg:$0x2] =	wrdreg s24  }
0xaf: {  	[dreg:$0x3] =	wrdreg $0x50000  }
0xb0: {  	[dreg:$0x4] =	wrdreg $0x0  }
0xb1: {  	[dreg:$0x5] =	wrdreg $0x9  }
0xb2: {  	_ =	task.clear_ibuf [dreg:s6], $0x6FFFF;
	_ =	strace $0x9000004C  }
0xb3: {  	s29 =	simm.s32 $0x9;
	_ =	strace $0x8000004E  }
0xb4: {  	_ =	swait.ge [sflag:s29], $0x1  }
0xb5: {  	[sflag:s29] =	ssyncadd.s32 $0xFFFFFFFF  }
0xb6: {  	_ =	strace $0x9000004E  }
0xb7: {  	_ =	sfence  }
0xb8: {  	s30 =	sld [smem:$0x0];
	_ =	sdelay $0x2  }
0xb9: {  	s31 =	sshll.u32 s1, $0xD;
	s1 =	sshrl.u32 s1, $0x2  }
0xba: {  	s3 =	sand.u32 $0x4000, s31;
	s1 =	sadd.s32 s1, s30  }
0xbb: {  	s0 =	sor.u32 s3, s0;
	s1 =	sshll.u32 s1, $0x11  }
0xbc: {  	s0 =	sor.u32 s1, s0  }
0xbd: {  	s0 =	sadd.s32 $0x8F2B, s0  }
0xbe: {  	[sflag:s0] =	ssyncadd.remote.s32 $0x1  }
0xbf: {  	_ =	sfence.sel $0xFFFF  }
0xc0: {  	[dreg:$0x0] =	wrdreg $0xFFFFFFFF;
	(pc) =	sbr.abs _section_cstart, $3  }
0xc1: {  	[dreg:$0x1] =	wrdreg $0xFFFFFFFF  }
0xc2: {  	_ =	task.clear_ibuf [dreg:s6], $0x2FFFF;
	_ =	strace $0x9FFFFFFF  }
0xc3: {  	(tm) =	ssettm $0x7FFFFFFF  }
tec
execute0_lowered:
.L_overlay_start_1:
0x0: {  	(tag) =	ssettag $0x1  }
0x1: {  	s0 =	rddreg [dreg:$0x0]  }
0x2: {  	s2 =	rddreg [dreg:$0x1]  }
0x3: {  	s3 =	rddreg [dreg:$0x2];
	s11 =	stileid.u32  }
0x4: {  	s1 =	srdreg.scid;
	s4 =	simm.s32 $0x0;
	s16 =	simm.s32 $0xA080  }
0x5: {  	s17 =	simm.s32 $0xA100;
	s18 =	simm.s32 $0xA180;
	s19 =	simm.s32 $0xA200  }
0x6: {  	s20 =	simm.s32 $0xA300;
	s21 =	simm.s32 $0xA380;
	s28 =	simm.s32 $0x13A00  }
0x7: {  	s29 =	simm.s32 $0xA800;
	s30 =	simm.s32 $0xA880;
	s31 =	simm.s32 $0xA900  }
0x8: {  	s5 =	smul.u32 $0x5000, s11;
	s1 =	sand.u32 $0x1, s1;
	[smem:$0x7FF] =	sst s4  }
0x9: {  	s25 =	smul.u32 $0xA00, s11;
	_ =	strace $0x8000004D;
	[dreg:$0x7] =	wrdreg s16  }
0xa: {  	s9 =	sadd.s32 $0x2C00, s0;
	s6 =	smul.u32 $0x50000, s1;
	[dreg:$0x8] =	wrdreg s17  }
0xb: {  	s8 =	ssub.s32 $0x2, s1;
	s23 =	smul.u32 $0x2800, s1;
	[dreg:$0x9] =	wrdreg s18  }
0xc: {  	s11 =	smul.u32 $0x500, s1;
	p0 =	seq.s32 s1, $0x0;
	[dreg:$0xa] =	wrdreg s19  }
0xd: {  	s16 =	simm.s32 $0xCA00;
	s17 =	simm.s32 $0xDA00;
	[dreg:$0xb] =	wrdreg s20  }
0xe: {  	s18 =	simm.s32 $0xEA00;
	[dreg:$0xc] =	wrdreg s21;
	s19 =	simm.s32 $0x1  }
0xf: {  	s20 =	simm.s32 $0xA500;
	s21 =	simm.s32 $0xA780;
	s7 =	sshrl.u32 s5, $0x3  }
0x10: {  	s10 =	sshrl.u32 s8, $0x1;
	s24 =	sadd.s32 s5, s2;
	s26 =	sadd.s32 s5, s3  }
0x11: {  	s12 =	sadd.s32 s25, s9;
	s25 =	simm.s32 $0xA600;
	s7 =	sadd.s32 s7, s0  }
0x12: {  	s6 =	sadd.s32 s5, s6;
	s22 =	ssub.s32 s8, s10;
	[dreg:$0x13] =	wrdreg s24  }
0x13: {  	[dreg:$0x14] =	wrdreg s26;
	s5 =	sadd.s32 s23, s5;
	s10 =	simm.s32 $0xAA00  }
0x14: {  	s23 =	simm.s32 $0xA480;
	s24 =	simm.s32 $0xA580;
	[dreg:$0x10] =	wrdreg s25  }
0x15: {  	s26 =	simm.s32 $0xA680;
	s25 =	simm.s32 $0x12A00;
	s6 =	sshrl.u32 s6, $0x3  }
0x16: {  	s7 =	sadd.s32 $0x16C00, s7;
	s13 =	sadd.s32 $0x50280, s5;
	[dreg:$0xe] =	wrdreg s23  }
0x17: {  	s5 =	sor.u32 $0x280, s5;
	[dreg:$0xf] =	wrdreg s24;
	s23 =	simm.s32 $0x10A00  }
0x18: {  	s24 =	simm.s32 $0x11A00;
	[dreg:$0x11] =	wrdreg s26;
	s26 =	simm.s32 $0xA700  }
0x19: {  	s0 =	sadd.s32 s6, s0;
	[dreg:$0x12] =	wrdreg s7;
	s6 =	smax.u32 s22, $0x1  }
0x1a: {  	s7 =	sshrl.u32 s13, $0x3;
	s22 =	simm.s32 $0xA400;
	[dreg:$0x16] =	wrdreg s6  }
0x1b: {  	s5 =	sshrl.u32 s5, $0x3;
	s0 =	sadd.s32 $0x20C00, s0;
	[dreg:$0xd] =	wrdreg s22  }
0x1c: {  	s13 =	simm.s32 $0xA280;
	s14 =	sadd.s32 s7, s9;
	[dreg:$0x15] =	wrdreg s0  }
0x1d: {  	s15 =	sadd.s32 s5, s9;
	s22 =	simm.s32 $0xFA00;
	[dreg:$0x5] =	wrdreg s14  }
0x1e: {  	s5 =	simm.s32 $0x0;
	s0 =	sadd.s32 s11, s12;
	[dreg:$0x6] =	wrdreg s15  }
0x1f: {  	s11 =	simm.s32 $0x3;
	s12 =	simm.s32 $0xA000;
	s14 =	simm.s32 $0x80  }
0x20: {  	v0 =	vimm.f32 $0.0e+00;
	s15 =	simm.s32 $0xBA00;
	[dreg:$0x4] =	wrdreg s0;
	s0 =	simm.s32 $0xA980  }
.LBB2_1:
0x21: {  	s1 =	rddreg [dreg:$0x12]  }
0x22: {  	[tilespmem:s10], [sflag:$0x3] =	stream.linear.gather [hbm4b:s1+s4], $0x5000, $0x38;
	[tilespmem:$0x14A00] =	vst v63  }
0x23: {  	_ =	swait.ge [sflag:s11], $0x5000  }
0x24: {  	[sflag:s11] =	ssyncset.done $0x0  }
.Ltmp0:
0x25: {  	s9 =	rddreg [dreg:$0x13];
	[sflag:s11] =	ssyncadd.s32 $0xFFFFB000;
	(pc) =	sbr.rel @p0 .LBB2_5-.Ltmp0, $4  }
0x26: {  	[spmem:s9] =	stream.linear.scatter [tilespmem:s10], [sflag:$0x3], $0x5000, $0x38;
	[tilespmem:$0x14A00] =	vst v63  }
0x27: {  	_ =	swait.ge [sflag:s11], $0x5000  }
0x28: {  	[sflag:s11] =	ssyncset.done $0x0  }
0x29: {  	[sflag:s11] =	ssyncadd.s32 $0xFFFFB000  }
0x2a: {  	s6 =	simm.s32 $0x80;
	s7 =	simm.s32 $0x0  }
.LBB2_3:
0x2b: {  	p1 =	sne.s32 s6, $0x13F80;
	[tilespmem:s7+$0xAA00] =	vst v0;
	s8 =	smov.u32 s6;
	s6 =	sadd.s32 $0x80, s6  }
.Ltmp1:
0x2c: {  	[tilespmem:s7+$0xAA10] =	vst v0;
	(pc) =	sbr.rel @p1 .LBB2_3-.Ltmp1, $2  }
0x2d: {  	_ =	sdelay $0x2  }
0x2e: {  	s7 =	sshra.s32 s8, $0x2  }
0x2f: {  	[tilespmem:s7+$0xAA00] =	vst v0  }
0x30: {  	[tilespmem:s7+$0xAA10] =	vst v0  }
.LBB2_5:
0x31: {  	[dreg:$0x17] =	wrdreg s5  }
0x32: {  	s1 =	rddreg [dreg:$0x14]  }
0x33: {  	[spmem:s1] =	stream.linear.scatter [tilespmem:s10], [sflag:$0x3], $0x5000, $0x38;
	[tilespmem:$0x14A00] =	vst v63  }
0x34: {  	_ =	swait.ge [sflag:s11], $0x5000  }
0x35: {  	[sflag:s11] =	ssyncset.done $0x0  }
0x36: {  	p1 =	por $0x1, $0x1;
	[sflag:s11] =	ssyncadd.s32 $0xFFFFB000  }
0x37: {  	s6 =	simm.s32 @!p1 $0x2;
	[bflag:$0x0] =	sbarrier.arrive $0xFFFF  }
0x38: {  	_ =	swait.ge @!p1 [sflag:s6], $0x5000  }
0x39: {  	s7 =	rddreg [dreg:$0x4];
	[sflag:s6] =	ssyncset.done @!p1 $0x0  }
0x3a: {  	[sflag:s6] =	ssyncadd.s32 @!p1 $0xFFFFB000;
	s7 =	sadd.s32 $0x0, s7  }
0x3b: {  	[tilespmem:s12], [sflag:$0x3] =	stream.linear.gather [hbm4b:s7+s4], $0x280, $0x38;
	[tilespmem:$0x14A00] =	vst v63  }
0x3c: {  	_ =	swait.ge [sflag:s11], $0x280  }
0x3d: {  	[sflag:s11] =	ssyncset.done $0x0  }
0x3e: {  	s7 =	sadd.s32 $0xA000, s7;
	[sflag:s11] =	ssyncadd.s32 $0xFFFFFD80  }
0x3f: {  	[tilespmem:s13], [sflag:$0x3] =	stream.linear.gather [hbm4b:s7+s4], $0x280, $0x38;
	[tilespmem:$0x14A00] =	vst v63  }
0x40: {  	_ =	swait.ge [sflag:s11], $0x280  }
0x41: {  	[sflag:s11] =	ssyncset.done $0x0  }
0x42: {  	[sflag:s11] =	ssyncadd.s32 $0xFFFFFD80  }
0x43: {  	[tilespmem:s10], [sflag:$0x1] =	stream.indirect.gather [spmem:s2], $0x20, s12, s14, $0xb8;
	[tilespmem:$0x14A00] =	vst v63  }
0x44: {  	s9 =	rddreg [dreg:$0x7]  }
0x45: {  	[tilespmem:s15], [sflag:$0x1] =	stream.indirect.gather [spmem:s2], $0x20, s9, s14, $0xb8;
	[tilespmem:$0x14A00] =	vst v63  }
0x46: {  	s8 =	rddreg [dreg:$0x8]  }
0x47: {  	[tilespmem:s16], [sflag:$0x1] =	stream.indirect.gather [spmem:s2], $0x20, s8, s14, $0xb8;
	[tilespmem:$0x14A00] =	vst v63  }
0x48: {  	s1 =	rddreg [dreg:$0x9]  }
0x49: {  	[tilespmem:s17], [sflag:$0x1] =	stream.indirect.gather [spmem:s2], $0x20, s1, s14, $0xb8;
	[tilespmem:$0x14A00] =	vst v63  }
0x4a: {  	s5 =	rddreg [dreg:$0xa]  }
0x4b: {  	[tilespmem:s18], [sflag:$0x1] =	stream.indirect.gather [spmem:s2], $0x20, s5, s14, $0xb8;
	[tilespmem:$0x14A00] =	vst v63  }
0x4c: {  	_ =	swait.ge [sflag:s19], $0x1000  }
0x4d: {  	[sflag:s19] =	ssyncset.done $0x0  }
0x4e: {  	[sflag:s19] =	ssyncadd.s32 $0xFFFFF000  }
0x4f: {  	[spmem:s3] =	stream.indirect.scatter.add.f32 [tilespmem:s10], [sflag:$0x2], $0x20, s13, s14, $0xb8;
	[tilespmem:$0x14A00] =	vst v63  }
0x50: {  	_ =	swait.ge [sflag:s19], $0x1000  }
0x51: {  	[sflag:s19] =	ssyncset.done $0x0  }
0x52: {  	s9 =	rddreg [dreg:$0xb];
	[sflag:s19] =	ssyncadd.s32 $0xFFFFF000  }
0x53: {  	[spmem:s3] =	stream.indirect.scatter.add.f32 [tilespmem:s15], [sflag:$0x2], $0x20, s9, s14, $0xb8;
	[tilespmem:$0x14A00] =	vst v63  }
0x54: {  	_ =	swait.ge [sflag:s19], $0x1000  }
0x55: {  	[sflag:s19] =	ssyncset.done $0x0  }
0x56: {  	s1 =	rddreg [dreg:$0xc];
	[sflag:s19] =	ssyncadd.s32 $0xFFFFF000  }
0x57: {  	[spmem:s3] =	stream.indirect.scatter.add.f32 [tilespmem:s16], [sflag:$0x2], $0x20, s1, s14, $0xb8;
	[tilespmem:$0x14A00] =	vst v63  }
0x58: {  	_ =	swait.ge [sflag:s19], $0x1000  }
0x59: {  	[sflag:s19] =	ssyncset.done $0x0  }
0x5a: {  	s5 =	rddreg [dreg:$0xd];
	[sflag:s19] =	ssyncadd.s32 $0xFFFFF000  }
0x5b: {  	[spmem:s3] =	stream.indirect.scatter.add.f32 [tilespmem:s17], [sflag:$0x2], $0x20, s5, s14, $0xb8;
	[tilespmem:$0x14A00] =	vst v63  }
0x5c: {  	_ =	swait.ge [sflag:s19], $0x1000  }
0x5d: {  	[sflag:s19] =	ssyncset.done $0x0  }
0x5e: {  	s8 =	rddreg [dreg:$0xe];
	[sflag:s19] =	ssyncadd.s32 $0xFFFFF000  }
0x5f: {  	[spmem:s3] =	stream.indirect.scatter.add.f32 [tilespmem:s18], [sflag:$0x2], $0x20, s8, s14, $0xb8;
	[tilespmem:$0x14A00] =	vst v63  }
0x60: {  	_ =	swait.ge @!p1 [sflag:s6], $0x5000  }
0x61: {  	s9 =	rddreg [dreg:$0x6];
	[sflag:s6] =	ssyncset.done @!p1 $0x0  }
0x62: {  	[sflag:s6] =	ssyncadd.s32 @!p1 $0xFFFFB000;
	s1 =	sadd.s32 $0x0, s9  }
0x63: {  	[tilespmem:s20], [sflag:$0x3] =	stream.linear.gather [hbm4b:s1+s4], $0x280, $0x38;
	[tilespmem:$0x14A00] =	vst v63  }
0x64: {  	_ =	swait.ge [sflag:s11], $0x280  }
0x65: {  	s5 =	rddreg [dreg:$0x5];
	[sflag:s11] =	ssyncset.done $0x0  }
0x66: {  	[sflag:s11] =	ssyncadd.s32 $0xFFFFFD80;
	s6 =	sadd.s32 $0x0, s5  }
0x67: {  	[tilespmem:s21], [sflag:$0x3] =	stream.linear.gather [hbm4b:s6+s4], $0x280, $0x38;
	[tilespmem:$0x14A00] =	vst v63  }
0x68: {  	_ =	swait.ge [sflag:s11], $0x280  }
0x69: {  	[sflag:s11] =	ssyncset.done $0x0  }
0x6a: {  	[sflag:s11] =	ssyncadd.s32 $0xFFFFFD80  }
0x6b: {  	[tilespmem:s22], [sflag:$0x1] =	stream.indirect.gather [spmem:s2], $0x20, s20, s14, $0xb8;
	[tilespmem:$0x14A00] =	vst v63  }
0x6c: {  	s7 =	rddreg [dreg:$0xf]  }
0x6d: {  	[tilespmem:s23], [sflag:$0x1] =	stream.indirect.gather [spmem:s2], $0x20, s7, s14, $0xb8;
	[tilespmem:$0x14A00] =	vst v63  }
0x6e: {  	s8 =	rddreg [dreg:$0x10]  }
0x6f: {  	[tilespmem:s24], [sflag:$0x1] =	stream.indirect.gather [spmem:s2], $0x20, s8, s14, $0xb8;
	[tilespmem:$0x14A00] =	vst v63  }
0x70: {  	s9 =	rddreg [dreg:$0x11]  }
0x71: {  	[tilespmem:s25], [sflag:$0x1] =	stream.indirect.gather [spmem:s2], $0x20, s9, s14, $0xb8;
	[tilespmem:$0x14A00] =	vst v63  }
0x72: {  	_ = 	snop  }
0x73: {  	[tilespmem:s28], [sflag:$0x1] =	stream.indirect.gather [spmem:s2], $0x20, s26, s14, $0xb8;
	[tilespmem:$0x14A00] =	vst v63  }
0x74: {  	_ =	swait.ge [sflag:s19], $0x1000  }
0x75: {  	[sflag:s19] =	ssyncset.done $0x0  }
0x76: {  	[sflag:s19] =	ssyncadd.s32 $0xFFFFF000  }
0x77: {  	[spmem:s3] =	stream.indirect.scatter.add.f32 [tilespmem:s22], [sflag:$0x2], $0x20, s21, s14, $0xb8;
	[tilespmem:$0x14A00] =	vst v63  }
0x78: {  	_ =	swait.ge [sflag:s19], $0x1000  }
0x79: {  	[sflag:s19] =	ssyncset.done $0x0  }
0x7a: {  	[sflag:s19] =	ssyncadd.s32 $0xFFFFF000  }
0x7b: {  	[spmem:s3] =	stream.indirect.scatter.add.f32 [tilespmem:s23], [sflag:$0x2], $0x20, s29, s14, $0xb8;
	[tilespmem:$0x14A00] =	vst v63  }
0x7c: {  	_ =	swait.ge [sflag:s19], $0x1000  }
0x7d: {  	[sflag:s19] =	ssyncset.done $0x0  }
0x7e: {  	[sflag:s19] =	ssyncadd.s32 $0xFFFFF000  }
0x7f: {  	[spmem:s3] =	stream.indirect.scatter.add.f32 [tilespmem:s24], [sflag:$0x2], $0x20, s30, s14, $0xb8;
	[tilespmem:$0x14A00] =	vst v63  }
0x80: {  	_ =	swait.ge [sflag:s19], $0x1000  }
0x81: {  	[sflag:s19] =	ssyncset.done $0x0  }
0x82: {  	[sflag:s19] =	ssyncadd.s32 $0xFFFFF000  }
0x83: {  	[spmem:s3] =	stream.indirect.scatter.add.f32 [tilespmem:s25], [sflag:$0x2], $0x20, s31, s14, $0xb8;
	[tilespmem:$0x14A00] =	vst v63  }
0x84: {  	p2 =	por $0x0, $0x0;
	_ =	swait.ge [sflag:s19], $0x1000  }
0x85: {  	s6 =	simm.s32 $0xA0;
	s8 =	simm.s32 $0x140;
	[sflag:s19] =	ssyncset.done $0x0  }
.LBB2_6:
0x86: {  	s7 =	simm.s32 @!p2 $0x2;
	[sflag:s19] =	ssyncadd.s32 $0xFFFFF000  }
0x87: {  	[spmem:s3] =	stream.indirect.scatter.add.f32 [tilespmem:s28], [sflag:$0x2], $0x20, s0, s14, $0xb8;
	[tilespmem:$0x14A00] =	vst v63  }
0x88: {  	_ =	swait.ge @!p2 [sflag:s7], $0x5000  }
0x89: {  	[sflag:s7] =	ssyncset.done @!p2 $0x0;
	s1 =	rddreg [dreg:$0x4]  }
0x8a: {  	[sflag:s7] =	ssyncadd.s32 @!p2 $0xFFFFB000;
	s1 =	sadd.s32 s6, s1  }
0x8b: {  	[tilespmem:s12], [sflag:$0x3] =	stream.linear.gather [hbm4b:s1+s4], $0x280, $0x38;
	[tilespmem:$0x14A00] =	vst v63  }
0x8c: {  	_ =	swait.ge [sflag:s11], $0x280  }
0x8d: {  	[sflag:s11] =	ssyncset.done $0x0  }
0x8e: {  	s1 =	sadd.s32 $0xA000, s1;
	[sflag:s11] =	ssyncadd.s32 $0xFFFFFD80  }
0x8f: {  	[tilespmem:s13], [sflag:$0x3] =	stream.linear.gather [hbm4b:s1+s4], $0x280, $0x38;
	[tilespmem:$0x14A00] =	vst v63  }
0x90: {  	_ =	swait.ge [sflag:s11], $0x280  }
0x91: {  	[sflag:s11] =	ssyncset.done $0x0  }
0x92: {  	[sflag:s11] =	ssyncadd.s32 $0xFFFFFD80  }
0x93: {  	[tilespmem:s10], [sflag:$0x1] =	stream.indirect.gather [spmem:s2], $0x20, s12, s14, $0xb8;
	[tilespmem:$0x14A00] =	vst v63  }
0x94: {  	s1 =	rddreg [dreg:$0x7]  }
0x95: {  	[tilespmem:s15], [sflag:$0x1] =	stream.indirect.gather [spmem:s2], $0x20, s1, s14, $0xb8;
	[tilespmem:$0x14A00] =	vst v63  }
0x96: {  	s5 =	rddreg [dreg:$0x8]  }
0x97: {  	[tilespmem:s16], [sflag:$0x1] =	stream.indirect.gather [spmem:s2], $0x20, s5, s14, $0xb8;
	[tilespmem:$0x14A00] =	vst v63  }
0x98: {  	s1 =	rddreg [dreg:$0x9]  }
0x99: {  	[tilespmem:s17], [sflag:$0x1] =	stream.indirect.gather [spmem:s2], $0x20, s1, s14, $0xb8;
	[tilespmem:$0x14A00] =	vst v63  }
0x9a: {  	s5 =	rddreg [dreg:$0xa]  }
0x9b: {  	[tilespmem:s18], [sflag:$0x1] =	stream.indirect.gather [spmem:s2], $0x20, s5, s14, $0xb8;
	[tilespmem:$0x14A00] =	vst v63  }
0x9c: {  	_ =	swait.ge [sflag:s19], $0x1000  }
0x9d: {  	[sflag:s19] =	ssyncset.done $0x0  }
0x9e: {  	[sflag:s19] =	ssyncadd.s32 $0xFFFFF000  }
0x9f: {  	[spmem:s3] =	stream.indirect.scatter.add.f32 [tilespmem:s10], [sflag:$0x2], $0x20, s13, s14, $0xb8;
	[tilespmem:$0x14A00] =	vst v63  }
0xa0: {  	_ =	swait.ge [sflag:s19], $0x1000  }
0xa1: {  	[sflag:s19] =	ssyncset.done $0x0  }
0xa2: {  	s5 =	rddreg [dreg:$0xb];
	[sflag:s19] =	ssyncadd.s32 $0xFFFFF000  }
0xa3: {  	[spmem:s3] =	stream.indirect.scatter.add.f32 [tilespmem:s15], [sflag:$0x2], $0x20, s5, s14, $0xb8;
	[tilespmem:$0x14A00] =	vst v63  }
0xa4: {  	_ =	swait.ge [sflag:s19], $0x1000  }
0xa5: {  	[sflag:s19] =	ssyncset.done $0x0  }
0xa6: {  	s5 =	rddreg [dreg:$0xc];
	[sflag:s19] =	ssyncadd.s32 $0xFFFFF000  }
0xa7: {  	[spmem:s3] =	stream.indirect.scatter.add.f32 [tilespmem:s16], [sflag:$0x2], $0x20, s5, s14, $0xb8;
	[tilespmem:$0x14A00] =	vst v63  }
0xa8: {  	_ =	swait.ge [sflag:s19], $0x1000  }
0xa9: {  	[sflag:s19] =	ssyncset.done $0x0  }
0xaa: {  	s5 =	rddreg [dreg:$0xd];
	[sflag:s19] =	ssyncadd.s32 $0xFFFFF000  }
0xab: {  	[spmem:s3] =	stream.indirect.scatter.add.f32 [tilespmem:s17], [sflag:$0x2], $0x20, s5, s14, $0xb8;
	[tilespmem:$0x14A00] =	vst v63  }
0xac: {  	_ =	swait.ge [sflag:s19], $0x1000  }
0xad: {  	[sflag:s19] =	ssyncset.done $0x0  }
0xae: {  	s5 =	rddreg [dreg:$0xe];
	[sflag:s19] =	ssyncadd.s32 $0xFFFFF000  }
0xaf: {  	[spmem:s3] =	stream.indirect.scatter.add.f32 [tilespmem:s18], [sflag:$0x2], $0x20, s5, s14, $0xb8;
	[tilespmem:$0x14A00] =	vst v63  }
0xb0: {  	_ =	swait.ge @!p2 [sflag:s7], $0x5000  }
0xb1: {  	[sflag:s7] =	ssyncset.done @!p2 $0x0;
	s5 =	rddreg [dreg:$0x6]  }
0xb2: {  	[sflag:s7] =	ssyncadd.s32 @!p2 $0xFFFFB000;
	s1 =	sadd.s32 s6, s5  }
0xb3: {  	[tilespmem:s20], [sflag:$0x3] =	stream.linear.gather [hbm4b:s1+s4], $0x280, $0x38;
	[tilespmem:$0x14A00] =	vst v63  }
0xb4: {  	_ =	swait.ge [sflag:s11], $0x280  }
0xb5: {  	s7 =	rddreg [dreg:$0x5];
	[sflag:s11] =	ssyncset.done $0x0  }
0xb6: {  	[sflag:s11] =	ssyncadd.s32 $0xFFFFFD80;
	s1 =	sadd.s32 s6, s7  }
0xb7: {  	[tilespmem:s21], [sflag:$0x3] =	stream.linear.gather [hbm4b:s1+s4], $0x280, $0x38;
	[tilespmem:$0x14A00] =	vst v63  }
0xb8: {  	_ =	swait.ge [sflag:s11], $0x280  }
0xb9: {  	[sflag:s11] =	ssyncset.done $0x0  }
0xba: {  	[sflag:s11] =	ssyncadd.s32 $0xFFFFFD80  }
0xbb: {  	[tilespmem:s22], [sflag:$0x1] =	stream.indirect.gather [spmem:s2], $0x20, s20, s14, $0xb8;
	[tilespmem:$0x14A00] =	vst v63  }
0xbc: {  	s5 =	rddreg [dreg:$0xf]  }
0xbd: {  	[tilespmem:s23], [sflag:$0x1] =	stream.indirect.gather [spmem:s2], $0x20, s5, s14, $0xb8;
	[tilespmem:$0x14A00] =	vst v63  }
0xbe: {  	s9 =	smov.u32 s8;
	s7 =	rddreg [dreg:$0x10]  }
0xbf: {  	[tilespmem:s24], [sflag:$0x1] =	stream.indirect.gather [spmem:s2], $0x20, s7, s14, $0xb8;
	[tilespmem:$0x14A00] =	vst v63  }
0xc0: {  	s6 =	smov.u32 s9;
	s9 =	rddreg [dreg:$0x11]  }
0xc1: {  	[tilespmem:s25], [sflag:$0x1] =	stream.indirect.gather [spmem:s2], $0x20, s9, s14, $0xb8;
	[tilespmem:$0x14A00] =	vst v63  }
0xc2: {  	_ = 	snop  }
0xc3: {  	[tilespmem:s28], [sflag:$0x1] =	stream.indirect.gather [spmem:s2], $0x20, s26, s14, $0xb8;
	[tilespmem:$0x14A00] =	vst v63  }
0xc4: {  	_ =	swait.ge [sflag:s19], $0x1000  }
0xc5: {  	[sflag:s19] =	ssyncset.done $0x0  }
0xc6: {  	[sflag:s19] =	ssyncadd.s32 $0xFFFFF000  }
0xc7: {  	[spmem:s3] =	stream.indirect.scatter.add.f32 [tilespmem:s22], [sflag:$0x2], $0x20, s21, s14, $0xb8;
	[tilespmem:$0x14A00] =	vst v63  }
0xc8: {  	_ =	swait.ge [sflag:s19], $0x1000  }
0xc9: {  	[sflag:s19] =	ssyncset.done $0x0  }
0xca: {  	[sflag:s19] =	ssyncadd.s32 $0xFFFFF000  }
0xcb: {  	[spmem:s3] =	stream.indirect.scatter.add.f32 [tilespmem:s23], [sflag:$0x2], $0x20, s29, s14, $0xb8;
	[tilespmem:$0x14A00] =	vst v63  }
0xcc: {  	_ =	swait.ge [sflag:s19], $0x1000  }
0xcd: {  	[sflag:s19] =	ssyncset.done $0x0  }
0xce: {  	s8 =	sadd.s32 $0xA0, s8;
	[sflag:s19] =	ssyncadd.s32 $0xFFFFF000  }
0xcf: {  	[spmem:s3] =	stream.indirect.scatter.add.f32 [tilespmem:s24], [sflag:$0x2], $0x20, s30, s14, $0xb8;
	[tilespmem:$0x14A00] =	vst v63  }
0xd0: {  	p1 =	sne.s32 s8, $0x500;
	_ =	swait.ge [sflag:s19], $0x1000  }
.Ltmp2:
0xd1: {  	[sflag:s19] =	ssyncset.done $0x0;
	(pc) =	sbr.rel @p1 .LBB2_6-.Ltmp2, $4  }
0xd2: {  	[sflag:s19] =	ssyncadd.s32 $0xFFFFF000  }
0xd3: {  	[spmem:s3] =	stream.indirect.scatter.add.f32 [tilespmem:s25], [sflag:$0x2], $0x20, s31, s14, $0xb8;
	[tilespmem:$0x14A00] =	vst v63  }
0xd4: {  	_ =	swait.ge [sflag:s19], $0x1000  }
0xd5: {  	p2 =	seq.s32 s6, $0x0;
	[sflag:s19] =	ssyncset.done $0x0  }
0xd6: {  	s1 =	simm.s32 @!p2 $0x2;
	[sflag:s19] =	ssyncadd.s32 $0xFFFFF000  }
0xd7: {  	[spmem:s3] =	stream.indirect.scatter.add.f32 [tilespmem:s28], [sflag:$0x2], $0x20, s0, s14, $0xb8;
	[tilespmem:$0x14A00] =	vst v63  }
0xd8: {  	_ =	swait.ge @!p2 [sflag:s1], $0x5000  }
0xd9: {  	s5 =	rddreg [dreg:$0x4];
	[sflag:s1] =	ssyncset.done @!p2 $0x0  }
0xda: {  	[sflag:s1] =	ssyncadd.s32 @!p2 $0xFFFFB000;
	s5 =	sadd.s32 s6, s5  }
0xdb: {  	[tilespmem:s12], [sflag:$0x3] =	stream.linear.gather [hbm4b:s5+s4], $0x280, $0x38;
	[tilespmem:$0x14A00] =	vst v63  }
0xdc: {  	_ =	swait.ge [sflag:s11], $0x280  }
0xdd: {  	[sflag:s11] =	ssyncset.done $0x0  }
0xde: {  	s5 =	sadd.s32 $0xA000, s5;
	[sflag:s11] =	ssyncadd.s32 $0xFFFFFD80  }
0xdf: {  	[tilespmem:s13], [sflag:$0x3] =	stream.linear.gather [hbm4b:s5+s4], $0x280, $0x38;
	[tilespmem:$0x14A00] =	vst v63  }
0xe0: {  	_ =	swait.ge [sflag:s11], $0x280  }
0xe1: {  	[sflag:s11] =	ssyncset.done $0x0  }
0xe2: {  	[sflag:s11] =	ssyncadd.s32 $0xFFFFFD80  }
0xe3: {  	[tilespmem:s10], [sflag:$0x1] =	stream.indirect.gather [spmem:s2], $0x20, s12, s14, $0xb8;
	[tilespmem:$0x14A00] =	vst v63  }
0xe4: {  	s9 =	rddreg [dreg:$0x7]  }
0xe5: {  	[tilespmem:s15], [sflag:$0x1] =	stream.indirect.gather [spmem:s2], $0x20, s9, s14, $0xb8;
	[tilespmem:$0x14A00] =	vst v63  }
0xe6: {  	s7 =	rddreg [dreg:$0x8]  }
0xe7: {  	[tilespmem:s16], [sflag:$0x1] =	stream.indirect.gather [spmem:s2], $0x20, s7, s14, $0xb8;
	[tilespmem:$0x14A00] =	vst v63  }
0xe8: {  	s8 =	rddreg [dreg:$0x9]  }
0xe9: {  	[tilespmem:s17], [sflag:$0x1] =	stream.indirect.gather [spmem:s2], $0x20, s8, s14, $0xb8;
	[tilespmem:$0x14A00] =	vst v63  }
0xea: {  	s9 =	rddreg [dreg:$0xa]  }
0xeb: {  	[tilespmem:s18], [sflag:$0x1] =	stream.indirect.gather [spmem:s2], $0x20, s9, s14, $0xb8;
	[tilespmem:$0x14A00] =	vst v63  }
0xec: {  	_ =	swait.ge [sflag:s19], $0x1000  }
0xed: {  	[sflag:s19] =	ssyncset.done $0x0  }
0xee: {  	[sflag:s19] =	ssyncadd.s32 $0xFFFFF000  }
0xef: {  	[spmem:s3] =	stream.indirect.scatter.add.f32 [tilespmem:s10], [sflag:$0x2], $0x20, s13, s14, $0xb8;
	[tilespmem:$0x14A00] =	vst v63  }
0xf0: {  	_ =	swait.ge [sflag:s19], $0x1000  }
0xf1: {  	[sflag:s19] =	ssyncset.done $0x0  }
0xf2: {  	s7 =	rddreg [dreg:$0xb];
	[sflag:s19] =	ssyncadd.s32 $0xFFFFF000  }
0xf3: {  	[spmem:s3] =	stream.indirect.scatter.add.f32 [tilespmem:s15], [sflag:$0x2], $0x20, s7, s14, $0xb8;
	[tilespmem:$0x14A00] =	vst v63  }
0xf4: {  	_ =	swait.ge [sflag:s19], $0x1000  }
0xf5: {  	[sflag:s19] =	ssyncset.done $0x0  }
0xf6: {  	s8 =	rddreg [dreg:$0xc];
	[sflag:s19] =	ssyncadd.s32 $0xFFFFF000  }
0xf7: {  	[spmem:s3] =	stream.indirect.scatter.add.f32 [tilespmem:s16], [sflag:$0x2], $0x20, s8, s14, $0xb8;
	[tilespmem:$0x14A00] =	vst v63  }
0xf8: {  	_ =	swait.ge [sflag:s19], $0x1000  }
0xf9: {  	[sflag:s19] =	ssyncset.done $0x0  }
0xfa: {  	s9 =	rddreg [dreg:$0xd];
	[sflag:s19] =	ssyncadd.s32 $0xFFFFF000  }
0xfb: {  	[spmem:s3] =	stream.indirect.scatter.add.f32 [tilespmem:s17], [sflag:$0x2], $0x20, s9, s14, $0xb8;
	[tilespmem:$0x14A00] =	vst v63  }
0xfc: {  	_ =	swait.ge [sflag:s19], $0x1000  }
0xfd: {  	[sflag:s19] =	ssyncset.done $0x0  }
0xfe: {  	s7 =	rddreg [dreg:$0xe];
	[sflag:s19] =	ssyncadd.s32 $0xFFFFF000  }
0xff: {  	[spmem:s3] =	stream.indirect.scatter.add.f32 [tilespmem:s18], [sflag:$0x2], $0x20, s7, s14, $0xb8;
	[tilespmem:$0x14A00] =	vst v63  }
0x100: {  	_ =	swait.ge @!p2 [sflag:s1], $0x5000  }
0x101: {  	s8 =	rddreg [dreg:$0x6];
	[sflag:s1] =	ssyncset.done @!p2 $0x0  }
0x102: {  	[sflag:s1] =	ssyncadd.s32 @!p2 $0xFFFFB000;
	s9 =	sadd.s32 s6, s8  }
0x103: {  	[tilespmem:s20], [sflag:$0x3] =	stream.linear.gather [hbm4b:s9+s4], $0x280, $0x38;
	[tilespmem:$0x14A00] =	vst v63  }
0x104: {  	_ =	swait.ge [sflag:s11], $0x280  }
0x105: {  	s5 =	rddreg [dreg:$0x5];
	[sflag:s11] =	ssyncset.done $0x0  }
0x106: {  	[sflag:s11] =	ssyncadd.s32 $0xFFFFFD80;
	s1 =	sadd.s32 s6, s5  }
0x107: {  	[tilespmem:s21], [sflag:$0x3] =	stream.linear.gather [hbm4b:s1+s4], $0x280, $0x38;
	[tilespmem:$0x14A00] =	vst v63  }
0x108: {  	_ =	swait.ge [sflag:s11], $0x280  }
0x109: {  	[sflag:s11] =	ssyncset.done $0x0  }
0x10a: {  	[sflag:s11] =	ssyncadd.s32 $0xFFFFFD80  }
0x10b: {  	[tilespmem:s22], [sflag:$0x1] =	stream.indirect.gather [spmem:s2], $0x20, s20, s14, $0xb8;
	[tilespmem:$0x14A00] =	vst v63  }
0x10c: {  	s7 =	rddreg [dreg:$0xf]  }
0x10d: {  	[tilespmem:s23], [sflag:$0x1] =	stream.indirect.gather [spmem:s2], $0x20, s7, s14, $0xb8;
	[tilespmem:$0x14A00] =	vst v63  }
0x10e: {  	s8 =	rddreg [dreg:$0x10]  }
0x10f: {  	[tilespmem:s24], [sflag:$0x1] =	stream.indirect.gather [spmem:s2], $0x20, s8, s14, $0xb8;
	[tilespmem:$0x14A00] =	vst v63  }
0x110: {  	s9 =	rddreg [dreg:$0x11]  }
0x111: {  	[tilespmem:s25], [sflag:$0x1] =	stream.indirect.gather [spmem:s2], $0x20, s9, s14, $0xb8;
	[tilespmem:$0x14A00] =	vst v63  }
0x112: {  	_ = 	snop  }
0x113: {  	[tilespmem:s28], [sflag:$0x1] =	stream.indirect.gather [spmem:s2], $0x20, s26, s14, $0xb8;
	[tilespmem:$0x14A00] =	vst v63  }
0x114: {  	_ =	swait.ge [sflag:s19], $0x1000  }
0x115: {  	[sflag:s19] =	ssyncset.done $0x0  }
0x116: {  	[sflag:s19] =	ssyncadd.s32 $0xFFFFF000  }
0x117: {  	[spmem:s3] =	stream.indirect.scatter.add.f32 [tilespmem:s22], [sflag:$0x2], $0x20, s21, s14, $0xb8;
	[tilespmem:$0x14A00] =	vst v63  }
0x118: {  	_ =	swait.ge [sflag:s19], $0x1000  }
0x119: {  	[sflag:s19] =	ssyncset.done $0x0  }
0x11a: {  	[sflag:s19] =	ssyncadd.s32 $0xFFFFF000  }
0x11b: {  	[spmem:s3] =	stream.indirect.scatter.add.f32 [tilespmem:s23], [sflag:$0x2], $0x20, s29, s14, $0xb8;
	[tilespmem:$0x14A00] =	vst v63  }
0x11c: {  	_ =	swait.ge [sflag:s19], $0x1000  }
0x11d: {  	[sflag:s19] =	ssyncset.done $0x0  }
0x11e: {  	[sflag:s19] =	ssyncadd.s32 $0xFFFFF000  }
0x11f: {  	[spmem:s3] =	stream.indirect.scatter.add.f32 [tilespmem:s24], [sflag:$0x2], $0x20, s30, s14, $0xb8;
	[tilespmem:$0x14A00] =	vst v63  }
0x120: {  	_ =	swait.ge [sflag:s19], $0x1000  }
0x121: {  	[sflag:s19] =	ssyncset.done $0x0  }
0x122: {  	[sflag:s19] =	ssyncadd.s32 $0xFFFFF000  }
0x123: {  	[spmem:s3] =	stream.indirect.scatter.add.f32 [tilespmem:s25], [sflag:$0x2], $0x20, s31, s14, $0xb8;
	[tilespmem:$0x14A00] =	vst v63  }
0x124: {  	_ =	swait.ge [sflag:s19], $0x1000  }
0x125: {  	[sflag:s19] =	ssyncset.done $0x0  }
0x126: {  	s5 =	simm.s32 $0x2;
	[sflag:s19] =	ssyncadd.s32 $0xFFFFF000  }
0x127: {  	[spmem:s3] =	stream.indirect.scatter.add.f32 [tilespmem:s28], [sflag:$0x2], $0x20, s0, s14, $0xb8;
	[tilespmem:$0x14A00] =	vst v63  }
0x128: {  	_ =	swait.ge [sflag:s5], $0x5000  }
0x129: {  	[sflag:s5] =	ssyncset.done $0x0  }
0x12a: {  	[sflag:s5] =	ssyncadd.s32 $0xFFFFB000  }
0x12b: {  	_ =	swait.ge [sflag:s5], $0x5000  }
0x12c: {  	[sflag:s5] =	ssyncset.done $0x0  }
0x12d: {  	[sflag:s5] =	ssyncadd.s32 $0xFFFFB000  }
0x12e: {  	[bflag:$0x0] =	sbarrier.arrive $0xFFFF  }
0x12f: {  	s6 =	rddreg [dreg:$0x14]  }
0x130: {  	[tilespmem:s10], [sflag:$0x3] =	stream.linear.gather [spmem:s6], $0x5000, $0x38;
	[tilespmem:$0x14A00] =	vst v63  }
0x131: {  	_ =	swait.ge [sflag:s11], $0x5000  }
0x132: {  	[sflag:s11] =	ssyncset.done $0x0  }
0x133: {  	s7 =	rddreg [dreg:$0x15];
	[sflag:s11] =	ssyncadd.s32 $0xFFFFB000  }
0x134: {  	[hbm4b:s7+s4] =	stream.linear.scatter [tilespmem:s10], [sflag:$0x3], $0x5000, $0x38;
	[tilespmem:$0x14A00] =	vst v63  }
0x135: {  	_ =	swait.ge [sflag:s11], $0x5000  }
0x136: {  	s8 =	rddreg [dreg:$0x17]  }
0x137: {  	s9 =	rddreg [dreg:$0x16];
	s5 =	sadd.s32 $0x1, s8  }
0x138: {  	p1 =	sne.s32 s5, s9  }
.Ltmp3:
0x139: {  	_ = 	snop;
	(pc) =	sbr.rel @p1 .LBB2_1-.Ltmp3, $3  }
0x13a: {  	_ =	sdelay $0x1  }
0x13b: {  	[sflag:s11] =	ssyncset.done $0x0  }
0x13c: {  	[sflag:s11] =	ssyncadd.s32 $0xFFFFB000  }
0x13d: {  	_ =	sfence.sel $0x180000  }
0x13e: {  	[bflag:$0x0] =	sbarrier.arrive $0xFFFF  }
0x13f: {  	_ =	strace $0x9000004D  }
0x140: {  	s0 =	stileid.u32;
	[bflag:$0x2] =	sbarrier.arrive $0xFFFF  }
0x141: {  	p0 =	sne.s32 s0, $0x0;
	s0 =	rddreg [dreg:$0x3]  }
0x142: {  	s0 =	sadd.s32 @!p0 $0x100000, s0  }
0x143: {  	[sflag:s0] =	ssyncadd.tile.s32 @!p0 $0x1;
	_ =	shalt  }
.Lfunc_end2:
_tile_overlayer_lowered:
.L_overlay_start_2:
0x144: {  	(tag) =	ssettag $0x2  }
0x145: {  	s0 =	rddreg [dreg:$0x0];
	s2 =	stileid.u32  }
0x146: {  	s1 =	rddreg [dreg:$0x1];
	p0 =	sne.s32 s2, $0x0  }
0x147: {  	s3 =	rddreg [dreg:$0x2];
	[bflag:$0x3] =	sbarrier.arrive $0xFFFF;
	s2 =	simm.s32 @!p0 $0x1C03  }
0x148: {  	[timem:s3], [sflag:s2] =	dma.local @!p0 [hbm:s0], s1  }
0x149: {  	s0 =	simm.s32 @!p0 $0x3  }
0x14a: {  	_ =	swait.ge @!p0 [sflag:s0], s1  }
0x14b: {  	s1 =	ssub.s32 @!p0 $0x0, s1;
	[sflag:s0] =	ssyncset.done @!p0 $0x0  }
0x14c: {  	[sflag:s0] =	ssyncadd.s32 @!p0 s1  }
0x14d: {  	[bflag:$0x3] =	sbarrier.arrive $0xFFFF  }
0x14e: {  	_ =	shalt  }

// kernel: kernel.19.cloned.1.call-start
scs
__scs_entry_jumppad:
0x0: {  	(pc) =	sbr.rel $0x88, $3  }
0x1: {  	(tag) =	ssettag $0x0;
	lr =	simm.s32 $0x1  }
0x2: {  	[smem:$0x3F96] =	sst lr;
	_ =	strace $0xD0000000  }
0x3: {  	_ = 	snop  }
0x4: {  	_ = 	snop  }
0x5: {  	_ = 	snop  }
0x6: {  	_ = 	snop  }
0x7: {  	_ = 	snop  }
__scs_overlays_trampoline_lowered:
0x8: {  	[smem:$0x3FA5] =	sst s0  }
0x9: {  	[smem:$0x3FA6] =	sst s1  }
0xa: {  	[smem:$0x3FA7] =	sst s2  }
0xb: {  	[smem:$0x3FA8] =	sst s3  }
0xc: {  	[smem:$0x3FA9] =	sst s4  }
0xd: {  	[smem:$0x3FAA] =	sst s5  }
0xe: {  	[smem:$0x3FAB] =	sst s6  }
0xf: {  	[smem:$0x3FAC] =	sst s7  }
0x10: {  	[smem:$0x3FAD] =	sst s8  }
0x11: {  	[smem:$0x3FAE] =	sst s9;
	s0 =	simm.s32 @!p0 $0x0  }
0x12: {  	s1 =	sld [smem:$0x3F94];
	s0 =	simm.s32 @p0 $0x1  }
0x13: {  	[smem:$0x3FAF] =	sst s0;
	s0 =	simm.s32 @!p1 $0x0  }
0x14: {  	s2 =	sld [smem:$0x3F93];
	s0 =	simm.s32 @p1 $0x1  }
0x15: {  	[smem:$0x3FB0] =	sst s0;
	s0 =	simm.s32 @!p2 $0x0  }
0x16: {  	s3 =	sld [smem:$0x3FDB];
	s0 =	simm.s32 @p2 $0x1  }
0x17: {  	s4 =	simm.s32 $0x1BF5;
	[smem:$0x3FB2] =	sst s0  }
0x18: {  	s0 =	sld [smem:$0x3F95];
	_ =	swait.ge [sflag:s4], $0x0  }
0x19: {  	s7 =	sld [smem:$0x3F96]  }
0x1a: {  	s8 =	sadd.s32 $0xFFFFE003, lr  }
0x1b: {  	s9 =	sadd.s32 $0xFFFFFEF7, lr;
	s5 =	simm.s32 $0xFFFFFFFF;
	p2 =	slt.u32 s8, $0xFFFFF086  }
0x1c: {  	p1 =	slt.u32 s9, $0xF7A;
	s5 =	simm.s32 @!p2 $0x0  }
0x1d: {  	s5 =	simm.s32 @p1 $0x1;
	p0 =	seq.s32 s7, s2  }
0x1e: {  	s7 =	smul.u32 @!p0 $0xF7A, s2;
	p2 =	seq.s32 @!p0 s5, $0x0  }
0x1f: {  	s9 =	smul.u32 $0xF7A, s1;
	s8 =	simm.s32 @!p0 $0x1BF5;
	p2 =	por !p2, p0  }
0x20: {  	[sflag:s8] =	ssyncset.s32 @!p0 $0xFFFFF086;
	s6 =	sadd.s32 @!p0 s3, s7;
	s7 =	simm.s32 @!p0 $0x108  }
0x21: {  	s3 =	sadd.s32 s3, s9;
	s6 =	sadd.s32 @!p0 $0x88, s6;
	s7 =	simm.s32 @p2 $0x1082  }
0x22: {  	[simem:s7], [sflag:s8] =	dma.local @!p0 [hbm:s6], $0xF7A  }
0x23: {  	s9 =	sor.u32 $0xD0000000, s2;
	s6 =	simm.s32 $0x108;
	_ =	swait.ge @!p0 [sflag:s8], $0x0  }
0x24: {  	s3 =	sadd.s32 $0x88, s3;
	s6 =	simm.s32 @!p1 $0x1082;
	[sflag:s4] =	ssyncset.s32 $0xFFFFF086  }
0x25: {  	[simem:s6], [sflag:s4] =	dma.local [hbm:s3], $0xF7A  }
0x26: {  	[smem:$0x3F96] =	sst s1;
	(tag) =	ssettag s2;
	_ =	strace s9  }
0x27: {  	s1 =	sld [smem:$0x3FA6]  }
0x28: {  	s2 =	sld [smem:$0x3FA7]  }
0x29: {  	s4 =	sld [smem:$0x3FA9]  }
0x2a: {  	p0 =	seq.s32 s5, $0x0;
	s5 =	sld [smem:$0x3FAA]  }
0x2b: {  	s6 =	sld [smem:$0x3FAB]  }
0x2c: {  	s7 =	sld [smem:$0x3FAC]  }
0x2d: {  	s3 =	simm.s32 $0x108;
	s8 =	sld [smem:$0x3FAD]  }
0x2e: {  	s3 =	simm.s32 @!p0 $0x1082;
	s9 =	sld [smem:$0x3FAE]  }
0x2f: {  	lr =	sadd.s32 s0, s3;
	s0 =	sld [smem:$0x3FA5]  }
0x30: {  	s3 =	sld [smem:$0x3FA8]  }
0x31: {  	[smem:$0x3FB1] =	sst s10  }
0x32: {  	s10 =	sld [smem:$0x3FAF];
	_ =	sdelay $0x3  }
0x33: {  	p0 =	seq.s32 s10, $0x1;
	s10 =	sld [smem:$0x3FB1];
	_ =	sdelay $0x3  }
0x34: {  	[smem:$0x3FB1] =	sst s10  }
0x35: {  	s10 =	sld [smem:$0x3FB0];
	_ =	sdelay $0x3  }
0x36: {  	p1 =	seq.s32 s10, $0x1;
	s10 =	sld [smem:$0x3FB1];
	_ =	sdelay $0x3  }
0x37: {  	[smem:$0x3FB1] =	sst s10  }
0x38: {  	s10 =	sld [smem:$0x3FB2]  }
0x39: {  	_ = 	snop;
	(pc) =	sbr.ind lr, $3  }
0x3a: {  	_ = 	snop  }
0x3b: {  	_ = 	snop  }
0x3c: {  	p2 =	seq.s32 s10, $0x1;
	s10 =	sld [smem:$0x3FB1]  }
0x3d: {  	_ =	shalt  }
0x3e: {  	_ =	shalt  }
0x3f: {  	_ =	shalt  }
0x40: {  	_ =	shalt  }
0x41: {  	_ =	shalt  }
0x42: {  	_ =	shalt  }
0x43: {  	_ =	shalt  }
0x44: {  	_ =	shalt  }
0x45: {  	_ =	shalt  }
0x46: {  	_ =	shalt  }
0x47: {  	_ =	shalt  }
0x48: {  	_ =	shalt  }
0x49: {  	_ =	shalt  }
0x4a: {  	_ =	shalt  }
0x4b: {  	_ =	shalt  }
0x4c: {  	_ =	shalt  }
0x4d: {  	_ =	shalt  }
0x4e: {  	_ =	shalt  }
0x4f: {  	_ =	shalt  }
0x50: {  	_ =	shalt  }
0x51: {  	_ =	shalt  }
0x52: {  	_ =	shalt  }
0x53: {  	_ =	shalt  }
0x54: {  	_ =	shalt  }
0x55: {  	_ =	shalt  }
0x56: {  	_ =	shalt  }
0x57: {  	_ =	shalt  }
0x58: {  	_ =	shalt  }
0x59: {  	_ =	shalt  }
0x5a: {  	_ =	shalt  }
0x5b: {  	_ =	shalt  }
0x5c: {  	_ =	shalt  }
0x5d: {  	_ =	shalt  }
0x5e: {  	_ =	shalt  }
0x5f: {  	_ =	shalt  }
0x60: {  	_ =	shalt  }
0x61: {  	_ =	shalt  }
0x62: {  	_ =	shalt  }
0x63: {  	_ =	shalt  }
0x64: {  	_ =	shalt  }
0x65: {  	_ =	shalt  }
0x66: {  	_ =	shalt  }
0x67: {  	_ =	shalt  }
0x68: {  	_ =	shalt  }
0x69: {  	_ =	shalt  }
0x6a: {  	_ =	shalt  }
0x6b: {  	_ =	shalt  }
0x6c: {  	_ =	shalt  }
0x6d: {  	_ =	shalt  }
0x6e: {  	_ =	shalt  }
0x6f: {  	_ =	shalt  }
0x70: {  	_ =	shalt  }
0x71: {  	_ =	shalt  }
0x72: {  	_ =	shalt  }
0x73: {  	_ =	shalt  }
0x74: {  	_ =	shalt  }
0x75: {  	_ =	shalt  }
0x76: {  	_ =	shalt  }
0x77: {  	_ =	shalt  }
0x78: {  	_ =	shalt  }
0x79: {  	_ =	shalt  }
0x7a: {  	_ =	shalt  }
0x7b: {  	_ =	shalt  }
0x7c: {  	_ =	shalt  }
0x7d: {  	_ =	shalt  }
0x7e: {  	_ =	shalt  }
0x7f: {  	_ =	shalt  }
0x80: {  	_ =	shalt  }
0x81: {  	_ =	shalt  }
0x82: {  	_ =	shalt  }
0x83: {  	_ =	shalt  }
0x84: {  	_ =	shalt  }
0x85: {  	_ =	shalt  }
0x86: {  	_ =	shalt  }
0x87: {  	_ =	shalt  }
.Lfunc_end0:
.L_simem_size_0:
called_computation.3_lowered:
.L_overlay_start_0:
0x88: {  	s2 =	sld [smem:$0x3FD9]  }
0x89: {  	s3 =	sld [smem:$0x3FFE];
	_ =	sdelay $0x1  }
0x8a: {  	s1 =	srdreg.scid  }
0x8b: {  	s0 =	sand.u32 $0x1, s1  }
0x8c: {  	s16 =	sshll.u32 s0, $0xA;
	s2 =	sadd.s32 s3, s2  }
0x8d: {  	s2 =	sadd.s32 s2, s16  }
0x8e: {  	[smem:$0x3FBD] =	sst s2  }
0x8f: {  	_ = 	snop  }
0x90: {  	(tm) =	ssettm $0x1  }
0x91: {  	s17 =	sld [smem:$0x3FFB];
	_ =	sdelay $0x3  }
0x92: {  	_ =	strace s17  }
0x93: {  	s2 =	sld [smem:$0x3FFC];
	_ =	sdelay $0x3  }
0x94: {  	_ =	strace s2  }
0x95: {  	s2 =	sld [smem:$0x3FFD];
	_ =	sdelay $0x3  }
0x96: {  	_ =	strace s2  }
0x97: {  	_ =	strace $0x8FFFFFFF  }
0x98: {  	s18 =	sld [smem:$0x3FDB];
	_ =	sdelay $0x1  }
0x99: {  	s19 =	simm.s32 $_scs_section_size  }
0x9a: {  	s4 =	simm.s32 $_size__tile_overlayer_lowered;
	s5 =	simm.s32 $_tile_overlayer_lowered  }
0x9b: {  	s22 =	simm.s32 $0x1BFF;
	s21 =	sshll.u32 s5, $0x1;
	s2 =	sadd.s32 s19, s18  }
0x9c: {  	s6 =	simm.s32 $0x0;
	s20 =	sshll.u32 s4, $0x1;
	s4 =	sadd.s32 s21, s2  }
0x9d: {  	[timem:s6], [sflag:s22] =	dma.local [hbm:s4], s20  }
0x9e: {  	_ =	swait.ge [sflag:s22], s20  }
0x9f: {  	s3 =	ssub.s32 $0x0, s20;
	[sflag:s22] =	ssyncset.done $0x0  }
0xa0: {  	[sflag:s22] =	ssyncadd.s32 s3;
	_ =	sdelay $0x1  }
0xa1: {  	s23 =	simm.s32 $0x1B8B  }
0xa2: {  	_ =	swait.ge [sflag:s23], $0x1  }
0xa3: {  	[sflag:s23] =	ssyncset.done $0x0  }
0xa4: {  	s25 =	simm.s32 $0x1B8E;
	s24 =	sld [smem:$0x3FFE];
	[sflag:s23] =	ssyncadd.s32 $0xFFFFFFFF  }
0xa5: {  	s26 =	simm.s32 $execute0_lowered;
	[smem:$0x3FD2] =	sst s25  }
0xa6: {  	s4 =	sshll.u32 s26, $0x1;
	_ =	strace $0x8000004F;
	[dreg:$0x1] =	wrdreg $0xFFFFFFFF  }
0xa7: {  	s28 =	simm.s32 $_size_execute0_lowered;
	s2 =	sadd.s32 s2, s4;
	[dreg:$0x0] =	wrdreg $0x0  }
0xa8: {  	s4 =	sshll.u32 s28, $0x1;
	[dreg:$0x2] =	wrdreg s2  }
0xa9: {  	[dreg:$0x3] =	wrdreg s4  }
0xaa: {  	[dreg:$0x4] =	wrdreg $0xC0  }
0xab: {  	_ =	task [dreg:s6], $0x5FFFF  }
0xac: {  	[dreg:$0x1] =	wrdreg $0xFFFFFFFF  }
0xad: {  	[dreg:$0x0] =	wrdreg $0x60  }
0xae: {  	[dreg:$0x2] =	wrdreg s24  }
0xaf: {  	[dreg:$0x3] =	wrdreg $0x50000  }
0xb0: {  	[dreg:$0x4] =	wrdreg $0x0  }
0xb1: {  	[dreg:$0x5] =	wrdreg $0x9  }
0xb2: {  	_ =	task.clear_ibuf [dreg:s6], $0x6FFFF;
	_ =	strace $0x9000004F  }
0xb3: {  	s29 =	simm.s32 $0x9;
	_ =	strace $0x80000051  }
0xb4: {  	_ =	swait.ge [sflag:s29], $0x1  }
0xb5: {  	[sflag:s29] =	ssyncadd.s32 $0xFFFFFFFF  }
0xb6: {  	_ =	strace $0x90000051  }
0xb7: {  	_ =	sfence  }
0xb8: {  	s30 =	sld [smem:$0x0];
	_ =	sdelay $0x2  }
0xb9: {  	s31 =	sshll.u32 s1, $0xD;
	s1 =	sshrl.u32 s1, $0x2  }
0xba: {  	s3 =	sand.u32 $0x4000, s31;
	s1 =	sadd.s32 s1, s30  }
0xbb: {  	s0 =	sor.u32 s3, s0;
	s1 =	sshll.u32 s1, $0x11  }
0xbc: {  	s0 =	sor.u32 s1, s0  }
0xbd: {  	s0 =	sadd.s32 $0x8F2B, s0  }
0xbe: {  	[sflag:s0] =	ssyncadd.remote.s32 $0x1  }
0xbf: {  	_ =	sfence.sel $0xFFFF  }
0xc0: {  	[dreg:$0x0] =	wrdreg $0xFFFFFFFF;
	(pc) =	sbr.abs _section_cstart, $3  }
0xc1: {  	[dreg:$0x1] =	wrdreg $0xFFFFFFFF  }
0xc2: {  	_ =	task.clear_ibuf [dreg:s6], $0x2FFFF;
	_ =	strace $0x9FFFFFFF  }
0xc3: {  	(tm) =	ssettm $0x7FFFFFFF  }
tec
execute0_lowered:
.L_overlay_start_1:
0x0: {  	(tag) =	ssettag $0x1  }
0x1: {  	s0 =	rddreg [dreg:$0x0]  }
0x2: {  	s2 =	rddreg [dreg:$0x1]  }
0x3: {  	s3 =	rddreg [dreg:$0x2];
	s11 =	stileid.u32  }
0x4: {  	s1 =	srdreg.scid;
	s4 =	simm.s32 $0x0;
	s16 =	simm.s32 $0xA080  }
0x5: {  	s17 =	simm.s32 $0xA100;
	s18 =	simm.s32 $0xA180;
	s19 =	simm.s32 $0xA200  }
0x6: {  	s20 =	simm.s32 $0xA300;
	s21 =	simm.s32 $0xA380;
	s28 =	simm.s32 $0x13A00  }
0x7: {  	s29 =	simm.s32 $0xA800;
	s30 =	simm.s32 $0xA880;
	s31 =	simm.s32 $0xA900  }
0x8: {  	s5 =	smul.u32 $0x5000, s11;
	s1 =	sand.u32 $0x1, s1;
	[smem:$0x7FF] =	sst s4  }
0x9: {  	s25 =	smul.u32 $0xA00, s11;
	_ =	strace $0x80000050;
	[dreg:$0x7] =	wrdreg s16  }
0xa: {  	s9 =	sadd.s32 $0x2C00, s0;
	s6 =	smul.u32 $0x50000, s1;
	[dreg:$0x8] =	wrdreg s17  }
0xb: {  	s8 =	ssub.s32 $0x2, s1;
	s23 =	smul.u32 $0x2800, s1;
	[dreg:$0x9] =	wrdreg s18  }
0xc: {  	s11 =	smul.u32 $0x500, s1;
	p0 =	seq.s32 s1, $0x0;
	[dreg:$0xa] =	wrdreg s19  }
0xd: {  	s16 =	simm.s32 $0xCA00;
	s17 =	simm.s32 $0xDA00;
	[dreg:$0xb] =	wrdreg s20  }
0xe: {  	s18 =	simm.s32 $0xEA00;
	[dreg:$0xc] =	wrdreg s21;
	s19 =	simm.s32 $0x1  }
0xf: {  	s20 =	simm.s32 $0xA500;
	s21 =	simm.s32 $0xA780;
	s7 =	sshrl.u32 s5, $0x3  }
0x10: {  	s10 =	sshrl.u32 s8, $0x1;
	s24 =	sadd.s32 s5, s2;
	s26 =	sadd.s32 s5, s3  }
0x11: {  	s12 =	sadd.s32 s25, s9;
	s25 =	simm.s32 $0xA600;
	s7 =	sadd.s32 s7, s0  }
0x12: {  	s6 =	sadd.s32 s5, s6;
	s22 =	ssub.s32 s8, s10;
	[dreg:$0x13] =	wrdreg s24  }
0x13: {  	[dreg:$0x14] =	wrdreg s26;
	s5 =	sadd.s32 s23, s5;
	s10 =	simm.s32 $0xAA00  }
0x14: {  	s23 =	simm.s32 $0xA480;
	s24 =	simm.s32 $0xA580;
	[dreg:$0x10] =	wrdreg s25  }
0x15: {  	s26 =	simm.s32 $0xA680;
	s25 =	simm.s32 $0x12A00;
	s6 =	sshrl.u32 s6, $0x3  }
0x16: {  	s7 =	sadd.s32 $0x16C00, s7;
	s13 =	sadd.s32 $0x50280, s5;
	[dreg:$0xe] =	wrdreg s23  }
0x17: {  	s5 =	sor.u32 $0x280, s5;
	[dreg:$0xf] =	wrdreg s24;
	s23 =	simm.s32 $0x10A00  }
0x18: {  	s24 =	simm.s32 $0x11A00;
	[dreg:$0x11] =	wrdreg s26;
	s26 =	simm.s32 $0xA700  }
0x19: {  	s0 =	sadd.s32 s6, s0;
	[dreg:$0x12] =	wrdreg s7;
	s6 =	smax.u32 s22, $0x1  }
0x1a: {  	s7 =	sshrl.u32 s13, $0x3;
	s22 =	simm.s32 $0xA400;
	[dreg:$0x16] =	wrdreg s6  }
0x1b: {  	s5 =	sshrl.u32 s5, $0x3;
	s0 =	sadd.s32 $0x20C00, s0;
	[dreg:$0xd] =	wrdreg s22  }
0x1c: {  	s13 =	simm.s32 $0xA280;
	s14 =	sadd.s32 s7, s9;
	[dreg:$0x15] =	wrdreg s0  }
0x1d: {  	s15 =	sadd.s32 s5, s9;
	s22 =	simm.s32 $0xFA00;
	[dreg:$0x5] =	wrdreg s14  }
0x1e: {  	s5 =	simm.s32 $0x0;
	s0 =	sadd.s32 s11, s12;
	[dreg:$0x6] =	wrdreg s15  }
0x1f: {  	s11 =	simm.s32 $0x3;
	s12 =	simm.s32 $0xA000;
	s14 =	simm.s32 $0x80  }
0x20: {  	v0 =	vimm.f32 $0.0e+00;
	s15 =	simm.s32 $0xBA00;
	[dreg:$0x4] =	wrdreg s0;
	s0 =	simm.s32 $0xA980  }
.LBB2_1:
0x21: {  	s1 =	rddreg [dreg:$0x12]  }
0x22: {  	[tilespmem:s10], [sflag:$0x3] =	stream.linear.gather [hbm4b:s1+s4], $0x5000, $0x38;
	[tilespmem:$0x14A00] =	vst v63  }
0x23: {  	_ =	swait.ge [sflag:s11], $0x5000  }
0x24: {  	[sflag:s11] =	ssyncset.done $0x0  }
.Ltmp0:
0x25: {  	s9 =	rddreg [dreg:$0x13];
	[sflag:s11] =	ssyncadd.s32 $0xFFFFB000;
	(pc) =	sbr.rel @p0 .LBB2_5-.Ltmp0, $4  }
0x26: {  	[spmem:s9] =	stream.linear.scatter [tilespmem:s10], [sflag:$0x3], $0x5000, $0x38;
	[tilespmem:$0x14A00] =	vst v63  }
0x27: {  	_ =	swait.ge [sflag:s11], $0x5000  }
0x28: {  	[sflag:s11] =	ssyncset.done $0x0  }
0x29: {  	[sflag:s11] =	ssyncadd.s32 $0xFFFFB000  }
0x2a: {  	s6 =	simm.s32 $0x80;
	s7 =	simm.s32 $0x0  }
.LBB2_3:
0x2b: {  	p1 =	sne.s32 s6, $0x13F80;
	[tilespmem:s7+$0xAA00] =	vst v0;
	s8 =	smov.u32 s6;
	s6 =	sadd.s32 $0x80, s6  }
.Ltmp1:
0x2c: {  	[tilespmem:s7+$0xAA10] =	vst v0;
	(pc) =	sbr.rel @p1 .LBB2_3-.Ltmp1, $2  }
0x2d: {  	_ =	sdelay $0x2  }
0x2e: {  	s7 =	sshra.s32 s8, $0x2  }
0x2f: {  	[tilespmem:s7+$0xAA00] =	vst v0  }
0x30: {  	[tilespmem:s7+$0xAA10] =	vst v0  }
.LBB2_5:
0x31: {  	[dreg:$0x17] =	wrdreg s5  }
0x32: {  	s1 =	rddreg [dreg:$0x14]  }
0x33: {  	[spmem:s1] =	stream.linear.scatter [tilespmem:s10], [sflag:$0x3], $0x5000, $0x38;
	[tilespmem:$0x14A00] =	vst v63  }
0x34: {  	_ =	swait.ge [sflag:s11], $0x5000  }
0x35: {  	[sflag:s11] =	ssyncset.done $0x0  }
0x36: {  	p1 =	por $0x1, $0x1;
	[sflag:s11] =	ssyncadd.s32 $0xFFFFB000  }
0x37: {  	s6 =	simm.s32 @!p1 $0x2;
	[bflag:$0x0] =	sbarrier.arrive $0xFFFF  }
0x38: {  	_ =	swait.ge @!p1 [sflag:s6], $0x5000  }
0x39: {  	s7 =	rddreg [dreg:$0x4];
	[sflag:s6] =	ssyncset.done @!p1 $0x0  }
0x3a: {  	[sflag:s6] =	ssyncadd.s32 @!p1 $0xFFFFB000;
	s7 =	sadd.s32 $0x0, s7  }
0x3b: {  	[tilespmem:s12], [sflag:$0x3] =	stream.linear.gather [hbm4b:s7+s4], $0x280, $0x38;
	[tilespmem:$0x14A00] =	vst v63  }
0x3c: {  	_ =	swait.ge [sflag:s11], $0x280  }
0x3d: {  	[sflag:s11] =	ssyncset.done $0x0  }
0x3e: {  	s7 =	sadd.s32 $0xA000, s7;
	[sflag:s11] =	ssyncadd.s32 $0xFFFFFD80  }
0x3f: {  	[tilespmem:s13], [sflag:$0x3] =	stream.linear.gather [hbm4b:s7+s4], $0x280, $0x38;
	[tilespmem:$0x14A00] =	vst v63  }
0x40: {  	_ =	swait.ge [sflag:s11], $0x280  }
0x41: {  	[sflag:s11] =	ssyncset.done $0x0  }
0x42: {  	[sflag:s11] =	ssyncadd.s32 $0xFFFFFD80  }
0x43: {  	[tilespmem:s10], [sflag:$0x1] =	stream.indirect.gather [spmem:s2], $0x20, s12, s14, $0xb8;
	[tilespmem:$0x14A00] =	vst v63  }
0x44: {  	s9 =	rddreg [dreg:$0x7]  }
0x45: {  	[tilespmem:s15], [sflag:$0x1] =	stream.indirect.gather [spmem:s2], $0x20, s9, s14, $0xb8;
	[tilespmem:$0x14A00] =	vst v63  }
0x46: {  	s8 =	rddreg [dreg:$0x8]  }
0x47: {  	[tilespmem:s16], [sflag:$0x1] =	stream.indirect.gather [spmem:s2], $0x20, s8, s14, $0xb8;
	[tilespmem:$0x14A00] =	vst v63  }
0x48: {  	s1 =	rddreg [dreg:$0x9]  }
0x49: {  	[tilespmem:s17], [sflag:$0x1] =	stream.indirect.gather [spmem:s2], $0x20, s1, s14, $0xb8;
	[tilespmem:$0x14A00] =	vst v63  }
0x4a: {  	s5 =	rddreg [dreg:$0xa]  }
0x4b: {  	[tilespmem:s18], [sflag:$0x1] =	stream.indirect.gather [spmem:s2], $0x20, s5, s14, $0xb8;
	[tilespmem:$0x14A00] =	vst v63  }
0x4c: {  	_ =	swait.ge [sflag:s19], $0x1000  }
0x4d: {  	[sflag:s19] =	ssyncset.done $0x0  }
0x4e: {  	[sflag:s19] =	ssyncadd.s32 $0xFFFFF000  }
0x4f: {  	[spmem:s3] =	stream.indirect.scatter.add.f32 [tilespmem:s10], [sflag:$0x2], $0x20, s13, s14, $0xb8;
	[tilespmem:$0x14A00] =	vst v63  }
0x50: {  	_ =	swait.ge [sflag:s19], $0x1000  }
0x51: {  	[sflag:s19] =	ssyncset.done $0x0  }
0x52: {  	s9 =	rddreg [dreg:$0xb];
	[sflag:s19] =	ssyncadd.s32 $0xFFFFF000  }
0x53: {  	[spmem:s3] =	stream.indirect.scatter.add.f32 [tilespmem:s15], [sflag:$0x2], $0x20, s9, s14, $0xb8;
	[tilespmem:$0x14A00] =	vst v63  }
0x54: {  	_ =	swait.ge [sflag:s19], $0x1000  }
0x55: {  	[sflag:s19] =	ssyncset.done $0x0  }
0x56: {  	s1 =	rddreg [dreg:$0xc];
	[sflag:s19] =	ssyncadd.s32 $0xFFFFF000  }
0x57: {  	[spmem:s3] =	stream.indirect.scatter.add.f32 [tilespmem:s16], [sflag:$0x2], $0x20, s1, s14, $0xb8;
	[tilespmem:$0x14A00] =	vst v63  }
0x58: {  	_ =	swait.ge [sflag:s19], $0x1000  }
0x59: {  	[sflag:s19] =	ssyncset.done $0x0  }
0x5a: {  	s5 =	rddreg [dreg:$0xd];
	[sflag:s19] =	ssyncadd.s32 $0xFFFFF000  }
0x5b: {  	[spmem:s3] =	stream.indirect.scatter.add.f32 [tilespmem:s17], [sflag:$0x2], $0x20, s5, s14, $0xb8;
	[tilespmem:$0x14A00] =	vst v63  }
0x5c: {  	_ =	swait.ge [sflag:s19], $0x1000  }
0x5d: {  	[sflag:s19] =	ssyncset.done $0x0  }
0x5e: {  	s8 =	rddreg [dreg:$0xe];
	[sflag:s19] =	ssyncadd.s32 $0xFFFFF000  }
0x5f: {  	[spmem:s3] =	stream.indirect.scatter.add.f32 [tilespmem:s18], [sflag:$0x2], $0x20, s8, s14, $0xb8;
	[tilespmem:$0x14A00] =	vst v63  }
0x60: {  	_ =	swait.ge @!p1 [sflag:s6], $0x5000  }
0x61: {  	s9 =	rddreg [dreg:$0x6];
	[sflag:s6] =	ssyncset.done @!p1 $0x0  }
0x62: {  	[sflag:s6] =	ssyncadd.s32 @!p1 $0xFFFFB000;
	s1 =	sadd.s32 $0x0, s9  }
0x63: {  	[tilespmem:s20], [sflag:$0x3] =	stream.linear.gather [hbm4b:s1+s4], $0x280, $0x38;
	[tilespmem:$0x14A00] =	vst v63  }
0x64: {  	_ =	swait.ge [sflag:s11], $0x280  }
0x65: {  	s5 =	rddreg [dreg:$0x5];
	[sflag:s11] =	ssyncset.done $0x0  }
0x66: {  	[sflag:s11] =	ssyncadd.s32 $0xFFFFFD80;
	s6 =	sadd.s32 $0x0, s5  }
0x67: {  	[tilespmem:s21], [sflag:$0x3] =	stream.linear.gather [hbm4b:s6+s4], $0x280, $0x38;
	[tilespmem:$0x14A00] =	vst v63  }
0x68: {  	_ =	swait.ge [sflag:s11], $0x280  }
0x69: {  	[sflag:s11] =	ssyncset.done $0x0  }
0x6a: {  	[sflag:s11] =	ssyncadd.s32 $0xFFFFFD80  }
0x6b: {  	[tilespmem:s22], [sflag:$0x1] =	stream.indirect.gather [spmem:s2], $0x20, s20, s14, $0xb8;
	[tilespmem:$0x14A00] =	vst v63  }
0x6c: {  	s7 =	rddreg [dreg:$0xf]  }
0x6d: {  	[tilespmem:s23], [sflag:$0x1] =	stream.indirect.gather [spmem:s2], $0x20, s7, s14, $0xb8;
	[tilespmem:$0x14A00] =	vst v63  }
0x6e: {  	s8 =	rddreg [dreg:$0x10]  }
0x6f: {  	[tilespmem:s24], [sflag:$0x1] =	stream.indirect.gather [spmem:s2], $0x20, s8, s14, $0xb8;
	[tilespmem:$0x14A00] =	vst v63  }
0x70: {  	s9 =	rddreg [dreg:$0x11]  }
0x71: {  	[tilespmem:s25], [sflag:$0x1] =	stream.indirect.gather [spmem:s2], $0x20, s9, s14, $0xb8;
	[tilespmem:$0x14A00] =	vst v63  }
0x72: {  	_ = 	snop  }
0x73: {  	[tilespmem:s28], [sflag:$0x1] =	stream.indirect.gather [spmem:s2], $0x20, s26, s14, $0xb8;
	[tilespmem:$0x14A00] =	vst v63  }
0x74: {  	_ =	swait.ge [sflag:s19], $0x1000  }
0x75: {  	[sflag:s19] =	ssyncset.done $0x0  }
0x76: {  	[sflag:s19] =	ssyncadd.s32 $0xFFFFF000  }
0x77: {  	[spmem:s3] =	stream.indirect.scatter.add.f32 [tilespmem:s22], [sflag:$0x2], $0x20, s21, s14, $0xb8;
	[tilespmem:$0x14A00] =	vst v63  }
0x78: {  	_ =	swait.ge [sflag:s19], $0x1000  }
0x79: {  	[sflag:s19] =	ssyncset.done $0x0  }
0x7a: {  	[sflag:s19] =	ssyncadd.s32 $0xFFFFF000  }
0x7b: {  	[spmem:s3] =	stream.indirect.scatter.add.f32 [tilespmem:s23], [sflag:$0x2], $0x20, s29, s14, $0xb8;
	[tilespmem:$0x14A00] =	vst v63  }
0x7c: {  	_ =	swait.ge [sflag:s19], $0x1000  }
0x7d: {  	[sflag:s19] =	ssyncset.done $0x0  }
0x7e: {  	[sflag:s19] =	ssyncadd.s32 $0xFFFFF000  }
0x7f: {  	[spmem:s3] =	stream.indirect.scatter.add.f32 [tilespmem:s24], [sflag:$0x2], $0x20, s30, s14, $0xb8;
	[tilespmem:$0x14A00] =	vst v63  }
0x80: {  	_ =	swait.ge [sflag:s19], $0x1000  }
0x81: {  	[sflag:s19] =	ssyncset.done $0x0  }
0x82: {  	[sflag:s19] =	ssyncadd.s32 $0xFFFFF000  }
0x83: {  	[spmem:s3] =	stream.indirect.scatter.add.f32 [tilespmem:s25], [sflag:$0x2], $0x20, s31, s14, $0xb8;
	[tilespmem:$0x14A00] =	vst v63  }
0x84: {  	p2 =	por $0x0, $0x0;
	_ =	swait.ge [sflag:s19], $0x1000  }
0x85: {  	s6 =	simm.s32 $0xA0;
	s8 =	simm.s32 $0x140;
	[sflag:s19] =	ssyncset.done $0x0  }
.LBB2_6:
0x86: {  	s7 =	simm.s32 @!p2 $0x2;
	[sflag:s19] =	ssyncadd.s32 $0xFFFFF000  }
0x87: {  	[spmem:s3] =	stream.indirect.scatter.add.f32 [tilespmem:s28], [sflag:$0x2], $0x20, s0, s14, $0xb8;
	[tilespmem:$0x14A00] =	vst v63  }
0x88: {  	_ =	swait.ge @!p2 [sflag:s7], $0x5000  }
0x89: {  	[sflag:s7] =	ssyncset.done @!p2 $0x0;
	s1 =	rddreg [dreg:$0x4]  }
0x8a: {  	[sflag:s7] =	ssyncadd.s32 @!p2 $0xFFFFB000;
	s1 =	sadd.s32 s6, s1  }
0x8b: {  	[tilespmem:s12], [sflag:$0x3] =	stream.linear.gather [hbm4b:s1+s4], $0x280, $0x38;
	[tilespmem:$0x14A00] =	vst v63  }
0x8c: {  	_ =	swait.ge [sflag:s11], $0x280  }
0x8d: {  	[sflag:s11] =	ssyncset.done $0x0  }
0x8e: {  	s1 =	sadd.s32 $0xA000, s1;
	[sflag:s11] =	ssyncadd.s32 $0xFFFFFD80  }
0x8f: {  	[tilespmem:s13], [sflag:$0x3] =	stream.linear.gather [hbm4b:s1+s4], $0x280, $0x38;
	[tilespmem:$0x14A00] =	vst v63  }
0x90: {  	_ =	swait.ge [sflag:s11], $0x280  }
0x91: {  	[sflag:s11] =	ssyncset.done $0x0  }
0x92: {  	[sflag:s11] =	ssyncadd.s32 $0xFFFFFD80  }
0x93: {  	[tilespmem:s10], [sflag:$0x1] =	stream.indirect.gather [spmem:s2], $0x20, s12, s14, $0xb8;
	[tilespmem:$0x14A00] =	vst v63  }
0x94: {  	s1 =	rddreg [dreg:$0x7]  }
0x95: {  	[tilespmem:s15], [sflag:$0x1] =	stream.indirect.gather [spmem:s2], $0x20, s1, s14, $0xb8;
	[tilespmem:$0x14A00] =	vst v63  }
0x96: {  	s5 =	rddreg [dreg:$0x8]  }
0x97: {  	[tilespmem:s16], [sflag:$0x1] =	stream.indirect.gather [spmem:s2], $0x20, s5, s14, $0xb8;
	[tilespmem:$0x14A00] =	vst v63  }
0x98: {  	s1 =	rddreg [dreg:$0x9]  }
0x99: {  	[tilespmem:s17], [sflag:$0x1] =	stream.indirect.gather [spmem:s2], $0x20, s1, s14, $0xb8;
	[tilespmem:$0x14A00] =	vst v63  }
0x9a: {  	s5 =	rddreg [dreg:$0xa]  }
0x9b: {  	[tilespmem:s18], [sflag:$0x1] =	stream.indirect.gather [spmem:s2], $0x20, s5, s14, $0xb8;
	[tilespmem:$0x14A00] =	vst v63  }
0x9c: {  	_ =	swait.ge [sflag:s19], $0x1000  }
0x9d: {  	[sflag:s19] =	ssyncset.done $0x0  }
0x9e: {  	[sflag:s19] =	ssyncadd.s32 $0xFFFFF000  }
0x9f: {  	[spmem:s3] =	stream.indirect.scatter.add.f32 [tilespmem:s10], [sflag:$0x2], $0x20, s13, s14, $0xb8;
	[tilespmem:$0x14A00] =	vst v63  }
0xa0: {  	_ =	swait.ge [sflag:s19], $0x1000  }
0xa1: {  	[sflag:s19] =	ssyncset.done $0x0  }
0xa2: {  	s5 =	rddreg [dreg:$0xb];
	[sflag:s19] =	ssyncadd.s32 $0xFFFFF000  }
0xa3: {  	[spmem:s3] =	stream.indirect.scatter.add.f32 [tilespmem:s15], [sflag:$0x2], $0x20, s5, s14, $0xb8;
	[tilespmem:$0x14A00] =	vst v63  }
0xa4: {  	_ =	swait.ge [sflag:s19], $0x1000  }
0xa5: {  	[sflag:s19] =	ssyncset.done $0x0  }
0xa6: {  	s5 =	rddreg [dreg:$0xc];
	[sflag:s19] =	ssyncadd.s32 $0xFFFFF000  }
0xa7: {  	[spmem:s3] =	stream.indirect.scatter.add.f32 [tilespmem:s16], [sflag:$0x2], $0x20, s5, s14, $0xb8;
	[tilespmem:$0x14A00] =	vst v63  }
0xa8: {  	_ =	swait.ge [sflag:s19], $0x1000  }
0xa9: {  	[sflag:s19] =	ssyncset.done $0x0  }
0xaa: {  	s5 =	rddreg [dreg:$0xd];
	[sflag:s19] =	ssyncadd.s32 $0xFFFFF000  }
0xab: {  	[spmem:s3] =	stream.indirect.scatter.add.f32 [tilespmem:s17], [sflag:$0x2], $0x20, s5, s14, $0xb8;
	[tilespmem:$0x14A00] =	vst v63  }
0xac: {  	_ =	swait.ge [sflag:s19], $0x1000  }
0xad: {  	[sflag:s19] =	ssyncset.done $0x0  }
0xae: {  	s5 =	rddreg [dreg:$0xe];
	[sflag:s19] =	ssyncadd.s32 $0xFFFFF000  }
0xaf: {  	[spmem:s3] =	stream.indirect.scatter.add.f32 [tilespmem:s18], [sflag:$0x2], $0x20, s5, s14, $0xb8;
	[tilespmem:$0x14A00] =	vst v63  }
0xb0: {  	_ =	swait.ge @!p2 [sflag:s7], $0x5000  }
0xb1: {  	[sflag:s7] =	ssyncset.done @!p2 $0x0;
	s5 =	rddreg [dreg:$0x6]  }
0xb2: {  	[sflag:s7] =	ssyncadd.s32 @!p2 $0xFFFFB000;
	s1 =	sadd.s32 s6, s5  }
0xb3: {  	[tilespmem:s20], [sflag:$0x3] =	stream.linear.gather [hbm4b:s1+s4], $0x280, $0x38;
	[tilespmem:$0x14A00] =	vst v63  }
0xb4: {  	_ =	swait.ge [sflag:s11], $0x280  }
0xb5: {  	s7 =	rddreg [dreg:$0x5];
	[sflag:s11] =	ssyncset.done $0x0  }
0xb6: {  	[sflag:s11] =	ssyncadd.s32 $0xFFFFFD80;
	s1 =	sadd.s32 s6, s7  }
0xb7: {  	[tilespmem:s21], [sflag:$0x3] =	stream.linear.gather [hbm4b:s1+s4], $0x280, $0x38;
	[tilespmem:$0x14A00] =	vst v63  }
0xb8: {  	_ =	swait.ge [sflag:s11], $0x280  }
0xb9: {  	[sflag:s11] =	ssyncset.done $0x0  }
0xba: {  	[sflag:s11] =	ssyncadd.s32 $0xFFFFFD80  }
0xbb: {  	[tilespmem:s22], [sflag:$0x1] =	stream.indirect.gather [spmem:s2], $0x20, s20, s14, $0xb8;
	[tilespmem:$0x14A00] =	vst v63  }
0xbc: {  	s5 =	rddreg [dreg:$0xf]  }
0xbd: {  	[tilespmem:s23], [sflag:$0x1] =	stream.indirect.gather [spmem:s2], $0x20, s5, s14, $0xb8;
	[tilespmem:$0x14A00] =	vst v63  }
0xbe: {  	s9 =	smov.u32 s8;
	s7 =	rddreg [dreg:$0x10]  }
0xbf: {  	[tilespmem:s24], [sflag:$0x1] =	stream.indirect.gather [spmem:s2], $0x20, s7, s14, $0xb8;
	[tilespmem:$0x14A00] =	vst v63  }
0xc0: {  	s6 =	smov.u32 s9;
	s9 =	rddreg [dreg:$0x11]  }
0xc1: {  	[tilespmem:s25], [sflag:$0x1] =	stream.indirect.gather [spmem:s2], $0x20, s9, s14, $0xb8;
	[tilespmem:$0x14A00] =	vst v63  }
0xc2: {  	_ = 	snop  }
0xc3: {  	[tilespmem:s28], [sflag:$0x1] =	stream.indirect.gather [spmem:s2], $0x20, s26, s14, $0xb8;
	[tilespmem:$0x14A00] =	vst v63  }
0xc4: {  	_ =	swait.ge [sflag:s19], $0x1000  }
0xc5: {  	[sflag:s19] =	ssyncset.done $0x0  }
0xc6: {  	[sflag:s19] =	ssyncadd.s32 $0xFFFFF000  }
0xc7: {  	[spmem:s3] =	stream.indirect.scatter.add.f32 [tilespmem:s22], [sflag:$0x2], $0x20, s21, s14, $0xb8;
	[tilespmem:$0x14A00] =	vst v63  }
0xc8: {  	_ =	swait.ge [sflag:s19], $0x1000  }
0xc9: {  	[sflag:s19] =	ssyncset.done $0x0  }
0xca: {  	[sflag:s19] =	ssyncadd.s32 $0xFFFFF000  }
0xcb: {  	[spmem:s3] =	stream.indirect.scatter.add.f32 [tilespmem:s23], [sflag:$0x2], $0x20, s29, s14, $0xb8;
	[tilespmem:$0x14A00] =	vst v63  }
0xcc: {  	_ =	swait.ge [sflag:s19], $0x1000  }
0xcd: {  	[sflag:s19] =	ssyncset.done $0x0  }
0xce: {  	s8 =	sadd.s32 $0xA0, s8;
	[sflag:s19] =	ssyncadd.s32 $0xFFFFF000  }
0xcf: {  	[spmem:s3] =	stream.indirect.scatter.add.f32 [tilespmem:s24], [sflag:$0x2], $0x20, s30, s14, $0xb8;
	[tilespmem:$0x14A00] =	vst v63  }
0xd0: {  	p1 =	sne.s32 s8, $0x500;
	_ =	swait.ge [sflag:s19], $0x1000  }
.Ltmp2:
0xd1: {  	[sflag:s19] =	ssyncset.done $0x0;
	(pc) =	sbr.rel @p1 .LBB2_6-.Ltmp2, $4  }
0xd2: {  	[sflag:s19] =	ssyncadd.s32 $0xFFFFF000  }
0xd3: {  	[spmem:s3] =	stream.indirect.scatter.add.f32 [tilespmem:s25], [sflag:$0x2], $0x20, s31, s14, $0xb8;
	[tilespmem:$0x14A00] =	vst v63  }
0xd4: {  	_ =	swait.ge [sflag:s19], $0x1000  }
0xd5: {  	p2 =	seq.s32 s6, $0x0;
	[sflag:s19] =	ssyncset.done $0x0  }
0xd6: {  	s1 =	simm.s32 @!p2 $0x2;
	[sflag:s19] =	ssyncadd.s32 $0xFFFFF000  }
0xd7: {  	[spmem:s3] =	stream.indirect.scatter.add.f32 [tilespmem:s28], [sflag:$0x2], $0x20, s0, s14, $0xb8;
	[tilespmem:$0x14A00] =	vst v63  }
0xd8: {  	_ =	swait.ge @!p2 [sflag:s1], $0x5000  }
0xd9: {  	s5 =	rddreg [dreg:$0x4];
	[sflag:s1] =	ssyncset.done @!p2 $0x0  }
0xda: {  	[sflag:s1] =	ssyncadd.s32 @!p2 $0xFFFFB000;
	s5 =	sadd.s32 s6, s5  }
0xdb: {  	[tilespmem:s12], [sflag:$0x3] =	stream.linear.gather [hbm4b:s5+s4], $0x280, $0x38;
	[tilespmem:$0x14A00] =	vst v63  }
0xdc: {  	_ =	swait.ge [sflag:s11], $0x280  }
0xdd: {  	[sflag:s11] =	ssyncset.done $0x0  }
0xde: {  	s5 =	sadd.s32 $0xA000, s5;
	[sflag:s11] =	ssyncadd.s32 $0xFFFFFD80  }
0xdf: {  	[tilespmem:s13], [sflag:$0x3] =	stream.linear.gather [hbm4b:s5+s4], $0x280, $0x38;
	[tilespmem:$0x14A00] =	vst v63  }
0xe0: {  	_ =	swait.ge [sflag:s11], $0x280  }
0xe1: {  	[sflag:s11] =	ssyncset.done $0x0  }
0xe2: {  	[sflag:s11] =	ssyncadd.s32 $0xFFFFFD80  }
0xe3: {  	[tilespmem:s10], [sflag:$0x1] =	stream.indirect.gather [spmem:s2], $0x20, s12, s14, $0xb8;
	[tilespmem:$0x14A00] =	vst v63  }
0xe4: {  	s9 =	rddreg [dreg:$0x7]  }
0xe5: {  	[tilespmem:s15], [sflag:$0x1] =	stream.indirect.gather [spmem:s2], $0x20, s9, s14, $0xb8;
	[tilespmem:$0x14A00] =	vst v63  }
0xe6: {  	s7 =	rddreg [dreg:$0x8]  }
0xe7: {  	[tilespmem:s16], [sflag:$0x1] =	stream.indirect.gather [spmem:s2], $0x20, s7, s14, $0xb8;
	[tilespmem:$0x14A00] =	vst v63  }
0xe8: {  	s8 =	rddreg [dreg:$0x9]  }
0xe9: {  	[tilespmem:s17], [sflag:$0x1] =	stream.indirect.gather [spmem:s2], $0x20, s8, s14, $0xb8;
	[tilespmem:$0x14A00] =	vst v63  }
0xea: {  	s9 =	rddreg [dreg:$0xa]  }
0xeb: {  	[tilespmem:s18], [sflag:$0x1] =	stream.indirect.gather [spmem:s2], $0x20, s9, s14, $0xb8;
	[tilespmem:$0x14A00] =	vst v63  }
0xec: {  	_ =	swait.ge [sflag:s19], $0x1000  }
0xed: {  	[sflag:s19] =	ssyncset.done $0x0  }
0xee: {  	[sflag:s19] =	ssyncadd.s32 $0xFFFFF000  }
0xef: {  	[spmem:s3] =	stream.indirect.scatter.add.f32 [tilespmem:s10], [sflag:$0x2], $0x20, s13, s14, $0xb8;
	[tilespmem:$0x14A00] =	vst v63  }
0xf0: {  	_ =	swait.ge [sflag:s19], $0x1000  }
0xf1: {  	[sflag:s19] =	ssyncset.done $0x0  }
0xf2: {  	s7 =	rddreg [dreg:$0xb];
	[sflag:s19] =	ssyncadd.s32 $0xFFFFF000  }
0xf3: {  	[spmem:s3] =	stream.indirect.scatter.add.f32 [tilespmem:s15], [sflag:$0x2], $0x20, s7, s14, $0xb8;
	[tilespmem:$0x14A00] =	vst v63  }
0xf4: {  	_ =	swait.ge [sflag:s19], $0x1000  }
0xf5: {  	[sflag:s19] =	ssyncset.done $0x0  }
0xf6: {  	s8 =	rddreg [dreg:$0xc];
	[sflag:s19] =	ssyncadd.s32 $0xFFFFF000  }
0xf7: {  	[spmem:s3] =	stream.indirect.scatter.add.f32 [tilespmem:s16], [sflag:$0x2], $0x20, s8, s14, $0xb8;
	[tilespmem:$0x14A00] =	vst v63  }
0xf8: {  	_ =	swait.ge [sflag:s19], $0x1000  }
0xf9: {  	[sflag:s19] =	ssyncset.done $0x0  }
0xfa: {  	s9 =	rddreg [dreg:$0xd];
	[sflag:s19] =	ssyncadd.s32 $0xFFFFF000  }
0xfb: {  	[spmem:s3] =	stream.indirect.scatter.add.f32 [tilespmem:s17], [sflag:$0x2], $0x20, s9, s14, $0xb8;
	[tilespmem:$0x14A00] =	vst v63  }
0xfc: {  	_ =	swait.ge [sflag:s19], $0x1000  }
0xfd: {  	[sflag:s19] =	ssyncset.done $0x0  }
0xfe: {  	s7 =	rddreg [dreg:$0xe];
	[sflag:s19] =	ssyncadd.s32 $0xFFFFF000  }
0xff: {  	[spmem:s3] =	stream.indirect.scatter.add.f32 [tilespmem:s18], [sflag:$0x2], $0x20, s7, s14, $0xb8;
	[tilespmem:$0x14A00] =	vst v63  }
0x100: {  	_ =	swait.ge @!p2 [sflag:s1], $0x5000  }
0x101: {  	s8 =	rddreg [dreg:$0x6];
	[sflag:s1] =	ssyncset.done @!p2 $0x0  }
0x102: {  	[sflag:s1] =	ssyncadd.s32 @!p2 $0xFFFFB000;
	s9 =	sadd.s32 s6, s8  }
0x103: {  	[tilespmem:s20], [sflag:$0x3] =	stream.linear.gather [hbm4b:s9+s4], $0x280, $0x38;
	[tilespmem:$0x14A00] =	vst v63  }
0x104: {  	_ =	swait.ge [sflag:s11], $0x280  }
0x105: {  	s5 =	rddreg [dreg:$0x5];
	[sflag:s11] =	ssyncset.done $0x0  }
0x106: {  	[sflag:s11] =	ssyncadd.s32 $0xFFFFFD80;
	s1 =	sadd.s32 s6, s5  }
0x107: {  	[tilespmem:s21], [sflag:$0x3] =	stream.linear.gather [hbm4b:s1+s4], $0x280, $0x38;
	[tilespmem:$0x14A00] =	vst v63  }
0x108: {  	_ =	swait.ge [sflag:s11], $0x280  }
0x109: {  	[sflag:s11] =	ssyncset.done $0x0  }
0x10a: {  	[sflag:s11] =	ssyncadd.s32 $0xFFFFFD80  }
0x10b: {  	[tilespmem:s22], [sflag:$0x1] =	stream.indirect.gather [spmem:s2], $0x20, s20, s14, $0xb8;
	[tilespmem:$0x14A00] =	vst v63  }
0x10c: {  	s7 =	rddreg [dreg:$0xf]  }
0x10d: {  	[tilespmem:s23], [sflag:$0x1] =	stream.indirect.gather [spmem:s2], $0x20, s7, s14, $0xb8;
	[tilespmem:$0x14A00] =	vst v63  }
0x10e: {  	s8 =	rddreg [dreg:$0x10]  }
0x10f: {  	[tilespmem:s24], [sflag:$0x1] =	stream.indirect.gather [spmem:s2], $0x20, s8, s14, $0xb8;
	[tilespmem:$0x14A00] =	vst v63  }
0x110: {  	s9 =	rddreg [dreg:$0x11]  }
0x111: {  	[tilespmem:s25], [sflag:$0x1] =	stream.indirect.gather [spmem:s2], $0x20, s9, s14, $0xb8;
	[tilespmem:$0x14A00] =	vst v63  }
0x112: {  	_ = 	snop  }
0x113: {  	[tilespmem:s28], [sflag:$0x1] =	stream.indirect.gather [spmem:s2], $0x20, s26, s14, $0xb8;
	[tilespmem:$0x14A00] =	vst v63  }
0x114: {  	_ =	swait.ge [sflag:s19], $0x1000  }
0x115: {  	[sflag:s19] =	ssyncset.done $0x0  }
0x116: {  	[sflag:s19] =	ssyncadd.s32 $0xFFFFF000  }
0x117: {  	[spmem:s3] =	stream.indirect.scatter.add.f32 [tilespmem:s22], [sflag:$0x2], $0x20, s21, s14, $0xb8;
	[tilespmem:$0x14A00] =	vst v63  }
0x118: {  	_ =	swait.ge [sflag:s19], $0x1000  }
0x119: {  	[sflag:s19] =	ssyncset.done $0x0  }
0x11a: {  	[sflag:s19] =	ssyncadd.s32 $0xFFFFF000  }
0x11b: {  	[spmem:s3] =	stream.indirect.scatter.add.f32 [tilespmem:s23], [sflag:$0x2], $0x20, s29, s14, $0xb8;
	[tilespmem:$0x14A00] =	vst v63  }
0x11c: {  	_ =	swait.ge [sflag:s19], $0x1000  }
0x11d: {  	[sflag:s19] =	ssyncset.done $0x0  }
0x11e: {  	[sflag:s19] =	ssyncadd.s32 $0xFFFFF000  }
0x11f: {  	[spmem:s3] =	stream.indirect.scatter.add.f32 [tilespmem:s24], [sflag:$0x2], $0x20, s30, s14, $0xb8;
	[tilespmem:$0x14A00] =	vst v63  }
0x120: {  	_ =	swait.ge [sflag:s19], $0x1000  }
0x121: {  	[sflag:s19] =	ssyncset.done $0x0  }
0x122: {  	[sflag:s19] =	ssyncadd.s32 $0xFFFFF000  }
0x123: {  	[spmem:s3] =	stream.indirect.scatter.add.f32 [tilespmem:s25], [sflag:$0x2], $0x20, s31, s14, $0xb8;
	[tilespmem:$0x14A00] =	vst v63  }
0x124: {  	_ =	swait.ge [sflag:s19], $0x1000  }
0x125: {  	[sflag:s19] =	ssyncset.done $0x0  }
0x126: {  	s5 =	simm.s32 $0x2;
	[sflag:s19] =	ssyncadd.s32 $0xFFFFF000  }
0x127: {  	[spmem:s3] =	stream.indirect.scatter.add.f32 [tilespmem:s28], [sflag:$0x2], $0x20, s0, s14, $0xb8;
	[tilespmem:$0x14A00] =	vst v63  }
0x128: {  	_ =	swait.ge [sflag:s5], $0x5000  }
0x129: {  	[sflag:s5] =	ssyncset.done $0x0  }
0x12a: {  	[sflag:s5] =	ssyncadd.s32 $0xFFFFB000  }
0x12b: {  	_ =	swait.ge [sflag:s5], $0x5000  }
0x12c: {  	[sflag:s5] =	ssyncset.done $0x0  }
0x12d: {  	[sflag:s5] =	ssyncadd.s32 $0xFFFFB000  }
0x12e: {  	[bflag:$0x0] =	sbarrier.arrive $0xFFFF  }
0x12f: {  	s6 =	rddreg [dreg:$0x14]  }
0x130: {  	[tilespmem:s10], [sflag:$0x3] =	stream.linear.gather [spmem:s6], $0x5000, $0x38;
	[tilespmem:$0x14A00] =	vst v63  }
0x131: {  	_ =	swait.ge [sflag:s11], $0x5000  }
0x132: {  	[sflag:s11] =	ssyncset.done $0x0  }
0x133: {  	s7 =	rddreg [dreg:$0x15];
	[sflag:s11] =	ssyncadd.s32 $0xFFFFB000  }
0x134: {  	[hbm4b:s7+s4] =	stream.linear.scatter [tilespmem:s10], [sflag:$0x3], $0x5000, $0x38;
	[tilespmem:$0x14A00] =	vst v63  }
0x135: {  	_ =	swait.ge [sflag:s11], $0x5000  }
0x136: {  	s8 =	rddreg [dreg:$0x17]  }
0x137: {  	s9 =	rddreg [dreg:$0x16];
	s5 =	sadd.s32 $0x1, s8  }
0x138: {  	p1 =	sne.s32 s5, s9  }
.Ltmp3:
0x139: {  	_ = 	snop;
	(pc) =	sbr.rel @p1 .LBB2_1-.Ltmp3, $3  }
0x13a: {  	_ =	sdelay $0x1  }
0x13b: {  	[sflag:s11] =	ssyncset.done $0x0  }
0x13c: {  	[sflag:s11] =	ssyncadd.s32 $0xFFFFB000  }
0x13d: {  	_ =	sfence.sel $0x180000  }
0x13e: {  	[bflag:$0x0] =	sbarrier.arrive $0xFFFF  }
0x13f: {  	_ =	strace $0x90000050  }
0x140: {  	s0 =	stileid.u32;
	[bflag:$0x2] =	sbarrier.arrive $0xFFFF  }
0x141: {  	p0 =	sne.s32 s0, $0x0;
	s0 =	rddreg [dreg:$0x3]  }
0x142: {  	s0 =	sadd.s32 @!p0 $0x100000, s0  }
0x143: {  	[sflag:s0] =	ssyncadd.tile.s32 @!p0 $0x1;
	_ =	shalt  }
.Lfunc_end2:
_tile_overlayer_lowered:
.L_overlay_start_2:
0x144: {  	(tag) =	ssettag $0x2  }
0x145: {  	s0 =	rddreg [dreg:$0x0];
	s2 =	stileid.u32  }
0x146: {  	s1 =	rddreg [dreg:$0x1];
	p0 =	sne.s32 s2, $0x0  }
0x147: {  	s3 =	rddreg [dreg:$0x2];
	[bflag:$0x3] =	sbarrier.arrive $0xFFFF;
	s2 =	simm.s32 @!p0 $0x1C03  }
0x148: {  	[timem:s3], [sflag:s2] =	dma.local @!p0 [hbm:s0], s1  }
0x149: {  	s0 =	simm.s32 @!p0 $0x3  }
0x14a: {  	_ =	swait.ge @!p0 [sflag:s0], s1  }
0x14b: {  	s1 =	ssub.s32 @!p0 $0x0, s1;
	[sflag:s0] =	ssyncset.done @!p0 $0x0  }
0x14c: {  	[sflag:s0] =	ssyncadd.s32 @!p0 s1  }
0x14d: {  	[bflag:$0x3] =	sbarrier.arrive $0xFFFF  }
0x14e: {  	_ =	shalt  }

</sc_bundles>
